<compile_context>
chip_gen: v7x
topology: tpu7x:2x2x1
jax: 0.10.2.dev20260603
libtpu: 0.0.44.dev20260713+nightly
codegen_flags: <defaults>
</compile_context>

<pallas_src>
import numpy as np

import jax
import jax.numpy as jnp
from jax import lax
from jax.experimental import pallas as pl
from jax.experimental.pallas import tpu as pltpu
from jax.experimental.pallas import tpu_sc as plsc

SEQ_LEN = 200
VOCAB = 100000
DIM = 64
BATCH = 4096

NC = 2
NS = 16
LANES = 16
NW = NC * NS
BTILE = BATCH // NW
ST = SEQ_LEN // 8
DT = DIM // 8
GROUPS = DIM // LANES
N_PAIRS = SEQ_LEN // 2

PITCH = BTILE + 1
_TIDX = np.zeros((GROUPS + 1, LANES), np.int32)
_TIDX[:GROUPS] = (np.arange(GROUPS * LANES)
                  .reshape(GROUPS, LANES).astype(np.int32))


NBUF = 4
N_STEPS = SEQ_LEN // NBUF


def _body(idx_hbm, token_hbm, pos_hbm, tidx_hbm, out_hbm,
          idx_v, pos_v, tidx_v,
          rows_0, rows_1, rows_2, rows_3, out_0, out_1, out_2, out_3,
          gsem_0, gsem_1, gsem_2, gsem_3, osem_0, osem_1, osem_2, osem_3):
    c = lax.axis_index("c")
    s_ax = lax.axis_index("s")
    wid = s_ax * NC + c

    rows = [rows_0, rows_1, rows_2, rows_3]
    outs = [out_0, out_1, out_2, out_3]
    gsems = [gsem_0, gsem_1, gsem_2, gsem_3]
    osems = [osem_0, osem_1, osem_2, osem_3]

    pltpu.sync_copy(idx_hbm.at[:, wid, :, :], idx_v)
    pltpu.sync_copy(pos_hbm, pos_v)
    pltpu.sync_copy(tidx_hbm, tidx_v)

    def fire_gather(u, buf, sem):
        pltpu.async_copy(
            token_hbm.at[idx_v.at[u // 8, lax.rem(u, 8), :]], buf, sem)

    def drain(buf, sem):
        pltpu.make_async_copy(token_hbm.at[idx_v.at[0, 0, :]], buf, sem).wait()

    def drain_out(out_t, sem):
        for dt in range(DT):
            pltpu.make_async_copy(out_hbm.at[0, dt, 0],
                                  out_t.at[pl.ds(dt * 8, 8), pl.ds(0, BTILE)],
                                  sem).wait()

    def transpose_add(u, rows_t, out_t):
        pvs = [pos_v[u, pl.ds(g * LANES, LANES)] for g in range(GROUPS)]
        dvecs = [tidx_v[g, :] for g in range(GROUPS)]
        zero = tidx_v[GROUPS, :]

        @plsc.parallel_loop(0, BTILE, unroll=4)
        def _(bb):
            bbv = zero + bb
            for g in range(GROUPS):
                val = rows_t[bb, pl.ds(g * LANES, LANES)] + pvs[g]
                plsc.store_scatter(out_t, [dvecs[g], bbv], val)

    def writeout(u, out_t, sem):
        for dt in range(DT):
            pltpu.async_copy(out_t.at[pl.ds(dt * 8, 8), pl.ds(0, BTILE)],
                             out_hbm.at[u, dt, wid], sem)

    for k in range(NBUF):
        fire_gather(k, rows[k], gsems[k])

    def step(t, carry):
        for k in range(NBUF):
            u = NBUF * t + k
            drain(rows[k], gsems[k])

            @pl.when(t > 0)
            def _():
                drain_out(outs[k], osems[k])
            transpose_add(u, rows[k], outs[k])

            @pl.when(t < N_STEPS - 1)
            def _():
                fire_gather(u + NBUF, rows[k], gsems[k])
            writeout(u, outs[k], osems[k])
        return carry

    lax.fori_loop(0, N_STEPS, step, 0)
    for k in range(NBUF):
        drain_out(outs[k], osems[k])


@jax.jit
def _run(idx4, token_table, position_table, tidx):
    mesh = plsc.VectorSubcoreMesh(
        core_axis_name="c", subcore_axis_name="s",
        num_cores=NC, num_subcores=NS,
    )
    fn = pl.kernel(
        _body,
        out_type=jax.ShapeDtypeStruct((SEQ_LEN, DT, NW, 8, BTILE), jnp.float32),
        mesh=mesh,
        compiler_params=pltpu.CompilerParams(
            use_tc_tiling_on_sc=False, needs_layout_passes=False),
        scratch_types=[
            pltpu.VMEM((ST, 8, BTILE), jnp.int32),
            pltpu.VMEM((SEQ_LEN, DIM), jnp.float32),
            pltpu.VMEM((GROUPS + 1, LANES), jnp.int32),
        ] + [pltpu.VMEM((BTILE, DIM), jnp.float32)] * NBUF
          + [pltpu.VMEM((DIM, PITCH), jnp.float32)] * NBUF
          + [pltpu.SemaphoreType.DMA] * (2 * NBUF),
    )
    return fn(idx4, token_table, position_table, tidx)


def kernel(inputs, token_table, position_table):
    idx = inputs.astype(jnp.int32)
    idx4 = idx.T.reshape(ST, 8, NW, BTILE).transpose(0, 2, 1, 3)
    out5 = _run(idx4, token_table, position_table, jnp.asarray(_TIDX))
    return out5.transpose(2, 4, 0, 1, 3).reshape(BATCH, SEQ_LEN, DIM)

# --- scband reference (transcript-rebuilt; emitter-appended) ---
"""Pipeline reference for scband-positional-embedding-26508538151694 (READ-ONLY COPY).

The authoritative reference and input builder live on the scoring server;
editing this copy changes nothing except your own understanding.
"""

import jax, jax.numpy as jnp
import numpy as np

SEQ_LEN = 200
VOCAB = 100000
DIM = 64
BATCH = 4096

def setup_inputs(seed: int = 0) -> dict:
    key = jax.random.key(seed)
    k1, k2, k3 = jax.random.split(key, 3)
    inputs = jax.random.randint(k1, (BATCH, SEQ_LEN), 0, VOCAB, dtype=jnp.int64 if jax.config.jax_enable_x64 else jnp.int32)
    token_table = jax.random.normal(k2, (VOCAB, DIM), dtype=jnp.float32) * 0.02
    position_table = jax.random.normal(k3, (SEQ_LEN, DIM), dtype=jnp.float32) * 0.02
    return {"inputs": inputs, "token_table": token_table, "position_table": position_table}

def reference(inputs, token_table, position_table):
    length = inputs.shape[-1]
    positions = jnp.arange(0, length)
    embedded_tokens = jnp.take(token_table, inputs, axis=0)
    embedded_positions = jnp.take(position_table, positions, axis=0)
    return embedded_tokens + embedded_positions

if __name__ == "__main__":
    import jax
    _d = setup_inputs()
    print(jax.jit(kernel)(*tuple(_d.values())))

</pallas_src>

<mosaic_0001>
#map = affine_map<(d0, d1) -> (0, 0, 0, 0)>
#map1 = affine_map<(d0, d1) -> (0, 0)>
#map2 = affine_map<(d0, d1) -> (0, 0, 0, 0, 0)>
module attributes {stable_mosaic.version = 14 : i64} {
  func.func @_body(%arg0: i32, %arg1: i32, %arg2: memref<25x32x8x128xi32, #tpu.memory_space<hbm>>, %arg3: memref<100000x64xf32, #tpu.memory_space<hbm>>, %arg4: memref<200x64xf32, #tpu.memory_space<hbm>>, %arg5: memref<5x16xi32, #tpu.memory_space<hbm>>, %arg6: memref<200x8x32x8x128xf32, #tpu.memory_space<hbm>>, %arg7: memref<25x8x128xi32, #tpu.memory_space<vmem>>, %arg8: memref<200x64xf32, #tpu.memory_space<vmem>>, %arg9: memref<5x16xi32, #tpu.memory_space<vmem>>, %arg10: memref<128x64xf32, #tpu.memory_space<vmem>>, %arg11: memref<128x64xf32, #tpu.memory_space<vmem>>, %arg12: memref<128x64xf32, #tpu.memory_space<vmem>>, %arg13: memref<128x64xf32, #tpu.memory_space<vmem>>, %arg14: memref<64x129xf32, #tpu.memory_space<vmem>>, %arg15: memref<64x129xf32, #tpu.memory_space<vmem>>, %arg16: memref<64x129xf32, #tpu.memory_space<vmem>>, %arg17: memref<64x129xf32, #tpu.memory_space<vmem>>, %arg18: memref<!tpu.dma_semaphore, #tpu.memory_space<semaphore_mem>>, %arg19: memref<!tpu.dma_semaphore, #tpu.memory_space<semaphore_mem>>, %arg20: memref<!tpu.dma_semaphore, #tpu.memory_space<semaphore_mem>>, %arg21: memref<!tpu.dma_semaphore, #tpu.memory_space<semaphore_mem>>, %arg22: memref<!tpu.dma_semaphore, #tpu.memory_space<semaphore_mem>>, %arg23: memref<!tpu.dma_semaphore, #tpu.memory_space<semaphore_mem>>, %arg24: memref<!tpu.dma_semaphore, #tpu.memory_space<semaphore_mem>>, %arg25: memref<!tpu.dma_semaphore, #tpu.memory_space<semaphore_mem>>) attributes {dimension_semantics = [#tpu.dimension_semantics<core_parallel>, #tpu.dimension_semantics<subcore_parallel>], iteration_bounds = array<i64: 2, 16>, scalar_prefetch = 0 : i64, scratch_operands = 19 : i64, tpu.core_type = #tpu.core_type<sc_vector_subcore>, window_params = [{transform_indices = #map}, {transform_indices = #map1}, {transform_indices = #map1}, {transform_indices = #map1}, {transform_indices = #map2}]} {
    %mul3A = arith.constant 2 : i32
    %mul3A_0 = arith.muli %arg1, %mul3A : i32
    %add3A = arith.addi %mul3A_0, %arg0 : i32
    "tpu.region"() ({
      %run_scoped3A = tpu.sem_alloc : memref<!tpu.dma_semaphore, #tpu.memory_space<semaphore_mem>>
      %dma_start3A_587 = arith.constant 0 : i32
      %dma_start3A_588 = arith.constant 0 : i32
      %dma_start3A_589 = arith.constant 0 : i32
      %dma_start3A_590 = tpu.memref_slice %arg2[%dma_start3A_587, %add3A, %dma_start3A_588, %dma_start3A_589] : memref<25x32x8x128xi32, #tpu.memory_space<hbm>> -> memref<25x1x8x128xi32, #tpu.memory_space<hbm>>
      %dma_start3A_591 = tpu.memref_squeeze %dma_start3A_590 : memref<25x1x8x128xi32, #tpu.memory_space<hbm>> -> memref<25x8x128xi32, #tpu.memory_space<hbm>>
      %dma_start3A_592 = arith.constant 0 : i32
      %dma_start3A_593 = arith.constant 0 : i32
      %dma_start3A_594 = arith.constant 0 : i32
      %dma_start3A_595 = tpu.memref_slice %arg2[%dma_start3A_592, %add3A, %dma_start3A_593, %dma_start3A_594] : memref<25x32x8x128xi32, #tpu.memory_space<hbm>> -> memref<25x1x8x128xi32, #tpu.memory_space<hbm>>
      %dma_start3A_596 = tpu.memref_squeeze %dma_start3A_595 : memref<25x1x8x128xi32, #tpu.memory_space<hbm>> -> memref<25x8x128xi32, #tpu.memory_space<hbm>>
      tpu.enqueue_dma source(%dma_start3A_596 : memref<25x8x128xi32, #tpu.memory_space<hbm>>) target(%arg7 : memref<25x8x128xi32, #tpu.memory_space<vmem>>) target_semaphore(%run_scoped3A : memref<!tpu.dma_semaphore, #tpu.memory_space<semaphore_mem>>)
      %dma_wait3A_597 = arith.constant 0 : i32
      %dma_wait3A_598 = arith.constant 0 : i32
      %dma_wait3A_599 = arith.constant 0 : i32
      %dma_wait3A_600 = tpu.memref_slice %arg2[%dma_wait3A_597, %add3A, %dma_wait3A_598, %dma_wait3A_599] : memref<25x32x8x128xi32, #tpu.memory_space<hbm>> -> memref<25x1x8x128xi32, #tpu.memory_space<hbm>>
      %dma_wait3A_601 = tpu.memref_squeeze %dma_wait3A_600 : memref<25x1x8x128xi32, #tpu.memory_space<hbm>> -> memref<25x8x128xi32, #tpu.memory_space<hbm>>
      %dma_wait3A_602 = arith.constant 0 : i32
      %dma_wait3A_603 = arith.constant 0 : i32
      %dma_wait3A_604 = arith.constant 0 : i32
      %dma_wait3A_605 = tpu.memref_slice %arg2[%dma_wait3A_602, %add3A, %dma_wait3A_603, %dma_wait3A_604] : memref<25x32x8x128xi32, #tpu.memory_space<hbm>> -> memref<25x1x8x128xi32, #tpu.memory_space<hbm>>
      %dma_wait3A_606 = tpu.memref_squeeze %dma_wait3A_605 : memref<25x1x8x128xi32, #tpu.memory_space<hbm>> -> memref<25x8x128xi32, #tpu.memory_space<hbm>>
      tpu.wait_dma2 semaphore(%run_scoped3A : memref<!tpu.dma_semaphore, #tpu.memory_space<semaphore_mem>>) src(%dma_wait3A_606 : memref<25x8x128xi32, #tpu.memory_space<hbm>>) dst(%arg7 : memref<25x8x128xi32, #tpu.memory_space<vmem>>)
      tpu.yield
    }) : () -> ()
    "tpu.region"() ({
      %run_scoped3A = tpu.sem_alloc : memref<!tpu.dma_semaphore, #tpu.memory_space<semaphore_mem>>
      tpu.enqueue_dma source(%arg4 : memref<200x64xf32, #tpu.memory_space<hbm>>) target(%arg8 : memref<200x64xf32, #tpu.memory_space<vmem>>) target_semaphore(%run_scoped3A : memref<!tpu.dma_semaphore, #tpu.memory_space<semaphore_mem>>)
      tpu.wait_dma2 semaphore(%run_scoped3A : memref<!tpu.dma_semaphore, #tpu.memory_space<semaphore_mem>>) src(%arg4 : memref<200x64xf32, #tpu.memory_space<hbm>>) dst(%arg8 : memref<200x64xf32, #tpu.memory_space<vmem>>)
      tpu.yield
    }) : () -> ()
    "tpu.region"() ({
      %run_scoped3A = tpu.sem_alloc : memref<!tpu.dma_semaphore, #tpu.memory_space<semaphore_mem>>
      tpu.enqueue_dma source(%arg5 : memref<5x16xi32, #tpu.memory_space<hbm>>) target(%arg9 : memref<5x16xi32, #tpu.memory_space<vmem>>) target_semaphore(%run_scoped3A : memref<!tpu.dma_semaphore, #tpu.memory_space<semaphore_mem>>)
      tpu.wait_dma2 semaphore(%run_scoped3A : memref<!tpu.dma_semaphore, #tpu.memory_space<semaphore_mem>>) src(%arg5 : memref<5x16xi32, #tpu.memory_space<hbm>>) dst(%arg9 : memref<5x16xi32, #tpu.memory_space<vmem>>)
      tpu.yield
    }) : () -> ()
    %rem3A = arith.constant 0 : i32
    %rem3A_1 = arith.constant 8 : i32
    %rem3A_2 = arith.remsi %rem3A, %rem3A_1 : i32
    %dma_start3A = arith.constant 0 : i32
    %dma_start3A_3 = arith.constant 0 : i32
    %dma_start3A_4 = tpu.memref_slice %arg7[%dma_start3A, %rem3A_2, %dma_start3A_3] : memref<25x8x128xi32, #tpu.memory_space<vmem>> -> memref<1x1x128xi32, #tpu.memory_space<vmem>>
    %dma_start3A_5 = tpu.memref_squeeze %dma_start3A_4 : memref<1x1x128xi32, #tpu.memory_space<vmem>> -> memref<128xi32, #tpu.memory_space<vmem>>
    %dma_start3A_6 = arith.constant 0 : i32
    %dma_start3A_7 = arith.constant 0 : i32
    %dma_start3A_8 = tpu.memref_slice %arg3[%dma_start3A_6, %dma_start3A_7] : memref<100000x64xf32, #tpu.memory_space<hbm>> -> memref<100000x64xf32, #tpu.memory_space<hbm>>
    tpu.enqueue_indirect_dma source(%dma_start3A_8 : memref<100000x64xf32, #tpu.memory_space<hbm>>) target(%arg10 : memref<128x64xf32, #tpu.memory_space<vmem>>) offsets(%dma_start3A_5 : memref<128xi32, #tpu.memory_space<vmem>>) semaphore(%arg18 : memref<!tpu.dma_semaphore, #tpu.memory_space<semaphore_mem>>)
    %rem3A_9 = arith.constant 1 : i32
    %rem3A_10 = arith.constant 8 : i32
    %rem3A_11 = arith.remsi %rem3A_9, %rem3A_10 : i32
    %dma_start3A_12 = arith.constant 0 : i32
    %dma_start3A_13 = arith.constant 0 : i32
    %dma_start3A_14 = tpu.memref_slice %arg7[%dma_start3A_12, %rem3A_11, %dma_start3A_13] : memref<25x8x128xi32, #tpu.memory_space<vmem>> -> memref<1x1x128xi32, #tpu.memory_space<vmem>>
    %dma_start3A_15 = tpu.memref_squeeze %dma_start3A_14 : memref<1x1x128xi32, #tpu.memory_space<vmem>> -> memref<128xi32, #tpu.memory_space<vmem>>
    %dma_start3A_16 = arith.constant 0 : i32
    %dma_start3A_17 = arith.constant 0 : i32
    %dma_start3A_18 = tpu.memref_slice %arg3[%dma_start3A_16, %dma_start3A_17] : memref<100000x64xf32, #tpu.memory_space<hbm>> -> memref<100000x64xf32, #tpu.memory_space<hbm>>
    tpu.enqueue_indirect_dma source(%dma_start3A_18 : memref<100000x64xf32, #tpu.memory_space<hbm>>) target(%arg11 : memref<128x64xf32, #tpu.memory_space<vmem>>) offsets(%dma_start3A_15 : memref<128xi32, #tpu.memory_space<vmem>>) semaphore(%arg19 : memref<!tpu.dma_semaphore, #tpu.memory_space<semaphore_mem>>)
    %rem3A_19 = arith.constant 2 : i32
    %rem3A_20 = arith.constant 8 : i32
    %rem3A_21 = arith.remsi %rem3A_19, %rem3A_20 : i32
    %dma_start3A_22 = arith.constant 0 : i32
    %dma_start3A_23 = arith.constant 0 : i32
    %dma_start3A_24 = tpu.memref_slice %arg7[%dma_start3A_22, %rem3A_21, %dma_start3A_23] : memref<25x8x128xi32, #tpu.memory_space<vmem>> -> memref<1x1x128xi32, #tpu.memory_space<vmem>>
    %dma_start3A_25 = tpu.memref_squeeze %dma_start3A_24 : memref<1x1x128xi32, #tpu.memory_space<vmem>> -> memref<128xi32, #tpu.memory_space<vmem>>
    %dma_start3A_26 = arith.constant 0 : i32
    %dma_start3A_27 = arith.constant 0 : i32
    %dma_start3A_28 = tpu.memref_slice %arg3[%dma_start3A_26, %dma_start3A_27] : memref<100000x64xf32, #tpu.memory_space<hbm>> -> memref<100000x64xf32, #tpu.memory_space<hbm>>
    tpu.enqueue_indirect_dma source(%dma_start3A_28 : memref<100000x64xf32, #tpu.memory_space<hbm>>) target(%arg12 : memref<128x64xf32, #tpu.memory_space<vmem>>) offsets(%dma_start3A_25 : memref<128xi32, #tpu.memory_space<vmem>>) semaphore(%arg20 : memref<!tpu.dma_semaphore, #tpu.memory_space<semaphore_mem>>)
    %rem3A_29 = arith.constant 3 : i32
    %rem3A_30 = arith.constant 8 : i32
    %rem3A_31 = arith.remsi %rem3A_29, %rem3A_30 : i32
    %dma_start3A_32 = arith.constant 0 : i32
    %dma_start3A_33 = arith.constant 0 : i32
    %dma_start3A_34 = tpu.memref_slice %arg7[%dma_start3A_32, %rem3A_31, %dma_start3A_33] : memref<25x8x128xi32, #tpu.memory_space<vmem>> -> memref<1x1x128xi32, #tpu.memory_space<vmem>>
    %dma_start3A_35 = tpu.memref_squeeze %dma_start3A_34 : memref<1x1x128xi32, #tpu.memory_space<vmem>> -> memref<128xi32, #tpu.memory_space<vmem>>
    %dma_start3A_36 = arith.constant 0 : i32
    %dma_start3A_37 = arith.constant 0 : i32
    %dma_start3A_38 = tpu.memref_slice %arg3[%dma_start3A_36, %dma_start3A_37] : memref<100000x64xf32, #tpu.memory_space<hbm>> -> memref<100000x64xf32, #tpu.memory_space<hbm>>
    tpu.enqueue_indirect_dma source(%dma_start3A_38 : memref<100000x64xf32, #tpu.memory_space<hbm>>) target(%arg13 : memref<128x64xf32, #tpu.memory_space<vmem>>) offsets(%dma_start3A_35 : memref<128xi32, #tpu.memory_space<vmem>>) semaphore(%arg21 : memref<!tpu.dma_semaphore, #tpu.memory_space<semaphore_mem>>)
    %scan3A = arith.constant 0 : i32
    %scan3A_39 = arith.constant 0 : i32
    %scan3A_40 = arith.constant 50 : i32
    %scan3A_41 = arith.addi %scan3A_39, %scan3A_40 : i32
    %scan3A_42 = arith.constant 1 : i32
    scf.for %scan3A_587 = %scan3A_39 to %scan3A_41 step %scan3A_42  : i32 {
      %mul3A_588 = arith.constant 4 : i32
      %mul3A_589 = arith.muli %mul3A_588, %scan3A_587 : i32
      %add3A_590 = arith.constant 0 : i32
      %add3A_591 = arith.addi %mul3A_589, %add3A_590 : i32
      %dma_wait3A_592 = arith.constant 0 : i32
      %dma_wait3A_593 = arith.constant 0 : i32
      %dma_wait3A_594 = arith.constant 0 : i32
      %dma_wait3A_595 = tpu.memref_slice %arg7[%dma_wait3A_592, %dma_wait3A_593, %dma_wait3A_594] : memref<25x8x128xi32, #tpu.memory_space<vmem>> -> memref<1x1x128xi32, #tpu.memory_space<vmem>>
      %dma_wait3A_596 = tpu.memref_squeeze %dma_wait3A_595 : memref<1x1x128xi32, #tpu.memory_space<vmem>> -> memref<128xi32, #tpu.memory_space<vmem>>
      %dma_wait3A_597 = arith.constant 0 : i32
      %dma_wait3A_598 = arith.constant 0 : i32
      %dma_wait3A_599 = tpu.memref_slice %arg3[%dma_wait3A_597, %dma_wait3A_598] : memref<100000x64xf32, #tpu.memory_space<hbm>> -> memref<100000x64xf32, #tpu.memory_space<hbm>>
      tpu.wait_indirect_dma semaphore(%arg18 : memref<!tpu.dma_semaphore, #tpu.memory_space<semaphore_mem>>) src(%dma_wait3A_599 : memref<100000x64xf32, #tpu.memory_space<hbm>>) dst(%arg10 : memref<128x64xf32, #tpu.memory_space<vmem>>)
      %gt3A = arith.constant 0 : i32
      %gt3A_600 = arith.cmpi sgt, %scan3A_587, %gt3A : i32
      %convert_element_type3A = arith.extui %gt3A_600 : i1 to i32
      %cond3A = arith.constant 0 : i32
      %cond3A_601 = arith.cmpi ne, %convert_element_type3A, %cond3A : i32
      scf.if %cond3A_601 {
        %dma_wait3A_1290 = arith.constant 0 : i32
        %dma_wait3A_1291 = arith.constant 0 : i32
        %dma_wait3A_1292 = arith.constant 0 : i32
        %dma_wait3A_1293 = arith.constant 0 : i32
        %dma_wait3A_1294 = arith.constant 0 : i32
        %dma_wait3A_1295 = tpu.memref_slice %arg14[%dma_wait3A_1293, %dma_wait3A_1294] : memref<64x129xf32, #tpu.memory_space<vmem>> -> memref<8x128xf32, #tpu.memory_space<vmem>>
        %dma_wait3A_1296 = arith.constant 0 : i32
        %dma_wait3A_1297 = arith.constant 0 : i32
        %dma_wait3A_1298 = tpu.memref_slice %arg6[%dma_wait3A_1290, %dma_wait3A_1291, %dma_wait3A_1292, %dma_wait3A_1296, %dma_wait3A_1297] : memref<200x8x32x8x128xf32, #tpu.memory_space<hbm>> -> memref<1x1x1x8x128xf32, #tpu.memory_space<hbm>>
        %dma_wait3A_1299 = tpu.memref_squeeze %dma_wait3A_1298 : memref<1x1x1x8x128xf32, #tpu.memory_space<hbm>> -> memref<8x128xf32, #tpu.memory_space<hbm>>
        %dma_wait3A_1300 = arith.constant 0 : i32
        %dma_wait3A_1301 = arith.constant 0 : i32
        %dma_wait3A_1302 = tpu.memref_slice %arg14[%dma_wait3A_1300, %dma_wait3A_1301] : memref<64x129xf32, #tpu.memory_space<vmem>> -> memref<8x128xf32, #tpu.memory_space<vmem>>
        %dma_wait3A_1303 = arith.constant 0 : i32
        %dma_wait3A_1304 = arith.constant 0 : i32
        %dma_wait3A_1305 = tpu.memref_slice %arg6[%dma_wait3A_1290, %dma_wait3A_1291, %dma_wait3A_1292, %dma_wait3A_1303, %dma_wait3A_1304] : memref<200x8x32x8x128xf32, #tpu.memory_space<hbm>> -> memref<1x1x1x8x128xf32, #tpu.memory_space<hbm>>
        %dma_wait3A_1306 = tpu.memref_squeeze %dma_wait3A_1305 : memref<1x1x1x8x128xf32, #tpu.memory_space<hbm>> -> memref<8x128xf32, #tpu.memory_space<hbm>>
        tpu.wait_dma2 semaphore(%arg22 : memref<!tpu.dma_semaphore, #tpu.memory_space<semaphore_mem>>) src(%dma_wait3A_1306 : memref<8x128xf32, #tpu.memory_space<hbm>>) dst(%dma_wait3A_1302 : memref<8x128xf32, #tpu.memory_space<vmem>>)
        %dma_wait3A_1307 = arith.constant 0 : i32
        %dma_wait3A_1308 = arith.constant 1 : i32
        %dma_wait3A_1309 = arith.constant 0 : i32
        %dma_wait3A_1310 = arith.constant 8 : i32
        %dma_wait3A_1311 = arith.constant 0 : i32
        %dma_wait3A_1312 = tpu.memref_slice %arg14[%dma_wait3A_1310, %dma_wait3A_1311] : memref<64x129xf32, #tpu.memory_space<vmem>> -> memref<8x128xf32, #tpu.memory_space<vmem>>
        %dma_wait3A_1313 = arith.constant 0 : i32
        %dma_wait3A_1314 = arith.constant 0 : i32
        %dma_wait3A_1315 = tpu.memref_slice %arg6[%dma_wait3A_1307, %dma_wait3A_1308, %dma_wait3A_1309, %dma_wait3A_1313, %dma_wait3A_1314] : memref<200x8x32x8x128xf32, #tpu.memory_space<hbm>> -> memref<1x1x1x8x128xf32, #tpu.memory_space<hbm>>
        %dma_wait3A_1316 = tpu.memref_squeeze %dma_wait3A_1315 : memref<1x1x1x8x128xf32, #tpu.memory_space<hbm>> -> memref<8x128xf32, #tpu.memory_space<hbm>>
        %dma_wait3A_1317 = arith.constant 8 : i32
        %dma_wait3A_1318 = arith.constant 0 : i32
        %dma_wait3A_1319 = tpu.memref_slice %arg14[%dma_wait3A_1317, %dma_wait3A_1318] : memref<64x129xf32, #tpu.memory_space<vmem>> -> memref<8x128xf32, #tpu.memory_space<vmem>>
        %dma_wait3A_1320 = arith.constant 0 : i32
        %dma_wait3A_1321 = arith.constant 0 : i32
        %dma_wait3A_1322 = tpu.memref_slice %arg6[%dma_wait3A_1307, %dma_wait3A_1308, %dma_wait3A_1309, %dma_wait3A_1320, %dma_wait3A_1321] : memref<200x8x32x8x128xf32, #tpu.memory_space<hbm>> -> memref<1x1x1x8x128xf32, #tpu.memory_space<hbm>>
        %dma_wait3A_1323 = tpu.memref_squeeze %dma_wait3A_1322 : memref<1x1x1x8x128xf32, #tpu.memory_space<hbm>> -> memref<8x128xf32, #tpu.memory_space<hbm>>
        tpu.wait_dma2 semaphore(%arg22 : memref<!tpu.dma_semaphore, #tpu.memory_space<semaphore_mem>>) src(%dma_wait3A_1323 : memref<8x128xf32, #tpu.memory_space<hbm>>) dst(%dma_wait3A_1319 : memref<8x128xf32, #tpu.memory_space<vmem>>)
        %dma_wait3A_1324 = arith.constant 0 : i32
        %dma_wait3A_1325 = arith.constant 2 : i32
        %dma_wait3A_1326 = arith.constant 0 : i32
        %dma_wait3A_1327 = arith.constant 16 : i32
        %dma_wait3A_1328 = arith.constant 0 : i32
        %dma_wait3A_1329 = tpu.memref_slice %arg14[%dma_wait3A_1327, %dma_wait3A_1328] : memref<64x129xf32, #tpu.memory_space<vmem>> -> memref<8x128xf32, #tpu.memory_space<vmem>>
        %dma_wait3A_1330 = arith.constant 0 : i32
        %dma_wait3A_1331 = arith.constant 0 : i32
        %dma_wait3A_1332 = tpu.memref_slice %arg6[%dma_wait3A_1324, %dma_wait3A_1325, %dma_wait3A_1326, %dma_wait3A_1330, %dma_wait3A_1331] : memref<200x8x32x8x128xf32, #tpu.memory_space<hbm>> -> memref<1x1x1x8x128xf32, #tpu.memory_space<hbm>>
        %dma_wait3A_1333 = tpu.memref_squeeze %dma_wait3A_1332 : memref<1x1x1x8x128xf32, #tpu.memory_space<hbm>> -> memref<8x128xf32, #tpu.memory_space<hbm>>
        %dma_wait3A_1334 = arith.constant 16 : i32
        %dma_wait3A_1335 = arith.constant 0 : i32
        %dma_wait3A_1336 = tpu.memref_slice %arg14[%dma_wait3A_1334, %dma_wait3A_1335] : memref<64x129xf32, #tpu.memory_space<vmem>> -> memref<8x128xf32, #tpu.memory_space<vmem>>
        %dma_wait3A_1337 = arith.constant 0 : i32
        %dma_wait3A_1338 = arith.constant 0 : i32
        %dma_wait3A_1339 = tpu.memref_slice %arg6[%dma_wait3A_1324, %dma_wait3A_1325, %dma_wait3A_1326, %dma_wait3A_1337, %dma_wait3A_1338] : memref<200x8x32x8x128xf32, #tpu.memory_space<hbm>> -> memref<1x1x1x8x128xf32, #tpu.memory_space<hbm>>
        %dma_wait3A_1340 = tpu.memref_squeeze %dma_wait3A_1339 : memref<1x1x1x8x128xf32, #tpu.memory_space<hbm>> -> memref<8x128xf32, #tpu.memory_space<hbm>>
        tpu.wait_dma2 semaphore(%arg22 : memref<!tpu.dma_semaphore, #tpu.memory_space<semaphore_mem>>) src(%dma_wait3A_1340 : memref<8x128xf32, #tpu.memory_space<hbm>>) dst(%dma_wait3A_1336 : memref<8x128xf32, #tpu.memory_space<vmem>>)
        %dma_wait3A_1341 = arith.constant 0 : i32
        %dma_wait3A_1342 = arith.constant 3 : i32
        %dma_wait3A_1343 = arith.constant 0 : i32
        %dma_wait3A_1344 = arith.constant 24 : i32
        %dma_wait3A_1345 = arith.constant 0 : i32
        %dma_wait3A_1346 = tpu.memref_slice %arg14[%dma_wait3A_1344, %dma_wait3A_1345] : memref<64x129xf32, #tpu.memory_space<vmem>> -> memref<8x128xf32, #tpu.memory_space<vmem>>
        %dma_wait3A_1347 = arith.constant 0 : i32
        %dma_wait3A_1348 = arith.constant 0 : i32
        %dma_wait3A_1349 = tpu.memref_slice %arg6[%dma_wait3A_1341, %dma_wait3A_1342, %dma_wait3A_1343, %dma_wait3A_1347, %dma_wait3A_1348] : memref<200x8x32x8x128xf32, #tpu.memory_space<hbm>> -> memref<1x1x1x8x128xf32, #tpu.memory_space<hbm>>
        %dma_wait3A_1350 = tpu.memref_squeeze %dma_wait3A_1349 : memref<1x1x1x8x128xf32, #tpu.memory_space<hbm>> -> memref<8x128xf32, #tpu.memory_space<hbm>>
        %dma_wait3A_1351 = arith.constant 24 : i32
        %dma_wait3A_1352 = arith.constant 0 : i32
        %dma_wait3A_1353 = tpu.memref_slice %arg14[%dma_wait3A_1351, %dma_wait3A_1352] : memref<64x129xf32, #tpu.memory_space<vmem>> -> memref<8x128xf32, #tpu.memory_space<vmem>>
        %dma_wait3A_1354 = arith.constant 0 : i32
        %dma_wait3A_1355 = arith.constant 0 : i32
        %dma_wait3A_1356 = tpu.memref_slice %arg6[%dma_wait3A_1341, %dma_wait3A_1342, %dma_wait3A_1343, %dma_wait3A_1354, %dma_wait3A_1355] : memref<200x8x32x8x128xf32, #tpu.memory_space<hbm>> -> memref<1x1x1x8x128xf32, #tpu.memory_space<hbm>>
        %dma_wait3A_1357 = tpu.memref_squeeze %dma_wait3A_1356 : memref<1x1x1x8x128xf32, #tpu.memory_space<hbm>> -> memref<8x128xf32, #tpu.memory_space<hbm>>
        tpu.wait_dma2 semaphore(%arg22 : memref<!tpu.dma_semaphore, #tpu.memory_space<semaphore_mem>>) src(%dma_wait3A_1357 : memref<8x128xf32, #tpu.memory_space<hbm>>) dst(%dma_wait3A_1353 : memref<8x128xf32, #tpu.memory_space<vmem>>)
        %dma_wait3A_1358 = arith.constant 0 : i32
        %dma_wait3A_1359 = arith.constant 4 : i32
        %dma_wait3A_1360 = arith.constant 0 : i32
        %dma_wait3A_1361 = arith.constant 32 : i32
        %dma_wait3A_1362 = arith.constant 0 : i32
        %dma_wait3A_1363 = tpu.memref_slice %arg14[%dma_wait3A_1361, %dma_wait3A_1362] : memref<64x129xf32, #tpu.memory_space<vmem>> -> memref<8x128xf32, #tpu.memory_space<vmem>>
        %dma_wait3A_1364 = arith.constant 0 : i32
        %dma_wait3A_1365 = arith.constant 0 : i32
        %dma_wait3A_1366 = tpu.memref_slice %arg6[%dma_wait3A_1358, %dma_wait3A_1359, %dma_wait3A_1360, %dma_wait3A_1364, %dma_wait3A_1365] : memref<200x8x32x8x128xf32, #tpu.memory_space<hbm>> -> memref<1x1x1x8x128xf32, #tpu.memory_space<hbm>>
        %dma_wait3A_1367 = tpu.memref_squeeze %dma_wait3A_1366 : memref<1x1x1x8x128xf32, #tpu.memory_space<hbm>> -> memref<8x128xf32, #tpu.memory_space<hbm>>
        %dma_wait3A_1368 = arith.constant 32 : i32
        %dma_wait3A_1369 = arith.constant 0 : i32
        %dma_wait3A_1370 = tpu.memref_slice %arg14[%dma_wait3A_1368, %dma_wait3A_1369] : memref<64x129xf32, #tpu.memory_space<vmem>> -> memref<8x128xf32, #tpu.memory_space<vmem>>
        %dma_wait3A_1371 = arith.constant 0 : i32
        %dma_wait3A_1372 = arith.constant 0 : i32
        %dma_wait3A_1373 = tpu.memref_slice %arg6[%dma_wait3A_1358, %dma_wait3A_1359, %dma_wait3A_1360, %dma_wait3A_1371, %dma_wait3A_1372] : memref<200x8x32x8x128xf32, #tpu.memory_space<hbm>> -> memref<1x1x1x8x128xf32, #tpu.memory_space<hbm>>
        %dma_wait3A_1374 = tpu.memref_squeeze %dma_wait3A_1373 : memref<1x1x1x8x128xf32, #tpu.memory_space<hbm>> -> memref<8x128xf32, #tpu.memory_space<hbm>>
        tpu.wait_dma2 semaphore(%arg22 : memref<!tpu.dma_semaphore, #tpu.memory_space<semaphore_mem>>) src(%dma_wait3A_1374 : memref<8x128xf32, #tpu.memory_space<hbm>>) dst(%dma_wait3A_1370 : memref<8x128xf32, #tpu.memory_space<vmem>>)
        %dma_wait3A_1375 = arith.constant 0 : i32
        %dma_wait3A_1376 = arith.constant 5 : i32
        %dma_wait3A_1377 = arith.constant 0 : i32
        %dma_wait3A_1378 = arith.constant 40 : i32
        %dma_wait3A_1379 = arith.constant 0 : i32
        %dma_wait3A_1380 = tpu.memref_slice %arg14[%dma_wait3A_1378, %dma_wait3A_1379] : memref<64x129xf32, #tpu.memory_space<vmem>> -> memref<8x128xf32, #tpu.memory_space<vmem>>
        %dma_wait3A_1381 = arith.constant 0 : i32
        %dma_wait3A_1382 = arith.constant 0 : i32
        %dma_wait3A_1383 = tpu.memref_slice %arg6[%dma_wait3A_1375, %dma_wait3A_1376, %dma_wait3A_1377, %dma_wait3A_1381, %dma_wait3A_1382] : memref<200x8x32x8x128xf32, #tpu.memory_space<hbm>> -> memref<1x1x1x8x128xf32, #tpu.memory_space<hbm>>
        %dma_wait3A_1384 = tpu.memref_squeeze %dma_wait3A_1383 : memref<1x1x1x8x128xf32, #tpu.memory_space<hbm>> -> memref<8x128xf32, #tpu.memory_space<hbm>>
        %dma_wait3A_1385 = arith.constant 40 : i32
        %dma_wait3A_1386 = arith.constant 0 : i32
        %dma_wait3A_1387 = tpu.memref_slice %arg14[%dma_wait3A_1385, %dma_wait3A_1386] : memref<64x129xf32, #tpu.memory_space<vmem>> -> memref<8x128xf32, #tpu.memory_space<vmem>>
        %dma_wait3A_1388 = arith.constant 0 : i32
        %dma_wait3A_1389 = arith.constant 0 : i32
        %dma_wait3A_1390 = tpu.memref_slice %arg6[%dma_wait3A_1375, %dma_wait3A_1376, %dma_wait3A_1377, %dma_wait3A_1388, %dma_wait3A_1389] : memref<200x8x32x8x128xf32, #tpu.memory_space<hbm>> -> memref<1x1x1x8x128xf32, #tpu.memory_space<hbm>>
        %dma_wait3A_1391 = tpu.memref_squeeze %dma_wait3A_1390 : memref<1x1x1x8x128xf32, #tpu.memory_space<hbm>> -> memref<8x128xf32, #tpu.memory_space<hbm>>
        tpu.wait_dma2 semaphore(%arg22 : memref<!tpu.dma_semaphore, #tpu.memory_space<semaphore_mem>>) src(%dma_wait3A_1391 : memref<8x128xf32, #tpu.memory_space<hbm>>) dst(%dma_wait3A_1387 : memref<8x128xf32, #tpu.memory_space<vmem>>)
        %dma_wait3A_1392 = arith.constant 0 : i32
        %dma_wait3A_1393 = arith.constant 6 : i32
        %dma_wait3A_1394 = arith.constant 0 : i32
        %dma_wait3A_1395 = arith.constant 48 : i32
        %dma_wait3A_1396 = arith.constant 0 : i32
        %dma_wait3A_1397 = tpu.memref_slice %arg14[%dma_wait3A_1395, %dma_wait3A_1396] : memref<64x129xf32, #tpu.memory_space<vmem>> -> memref<8x128xf32, #tpu.memory_space<vmem>>
        %dma_wait3A_1398 = arith.constant 0 : i32
        %dma_wait3A_1399 = arith.constant 0 : i32
        %dma_wait3A_1400 = tpu.memref_slice %arg6[%dma_wait3A_1392, %dma_wait3A_1393, %dma_wait3A_1394, %dma_wait3A_1398, %dma_wait3A_1399] : memref<200x8x32x8x128xf32, #tpu.memory_space<hbm>> -> memref<1x1x1x8x128xf32, #tpu.memory_space<hbm>>
        %dma_wait3A_1401 = tpu.memref_squeeze %dma_wait3A_1400 : memref<1x1x1x8x128xf32, #tpu.memory_space<hbm>> -> memref<8x128xf32, #tpu.memory_space<hbm>>
        %dma_wait3A_1402 = arith.constant 48 : i32
        %dma_wait3A_1403 = arith.constant 0 : i32
        %dma_wait3A_1404 = tpu.memref_slice %arg14[%dma_wait3A_1402, %dma_wait3A_1403] : memref<64x129xf32, #tpu.memory_space<vmem>> -> memref<8x128xf32, #tpu.memory_space<vmem>>
        %dma_wait3A_1405 = arith.constant 0 : i32
        %dma_wait3A_1406 = arith.constant 0 : i32
        %dma_wait3A_1407 = tpu.memref_slice %arg6[%dma_wait3A_1392, %dma_wait3A_1393, %dma_wait3A_1394, %dma_wait3A_1405, %dma_wait3A_1406] : memref<200x8x32x8x128xf32, #tpu.memory_space<hbm>> -> memref<1x1x1x8x128xf32, #tpu.memory_space<hbm>>
        %dma_wait3A_1408 = tpu.memref_squeeze %dma_wait3A_1407 : memref<1x1x1x8x128xf32, #tpu.memory_space<hbm>> -> memref<8x128xf32, #tpu.memory_space<hbm>>
        tpu.wait_dma2 semaphore(%arg22 : memref<!tpu.dma_semaphore, #tpu.memory_space<semaphore_mem>>) src(%dma_wait3A_1408 : memref<8x128xf32, #tpu.memory_space<hbm>>) dst(%dma_wait3A_1404 : memref<8x128xf32, #tpu.memory_space<vmem>>)
        %dma_wait3A_1409 = arith.constant 0 : i32
        %dma_wait3A_1410 = arith.constant 7 : i32
        %dma_wait3A_1411 = arith.constant 0 : i32
        %dma_wait3A_1412 = arith.constant 56 : i32
        %dma_wait3A_1413 = arith.constant 0 : i32
        %dma_wait3A_1414 = tpu.memref_slice %arg14[%dma_wait3A_1412, %dma_wait3A_1413] : memref<64x129xf32, #tpu.memory_space<vmem>> -> memref<8x128xf32, #tpu.memory_space<vmem>>
        %dma_wait3A_1415 = arith.constant 0 : i32
        %dma_wait3A_1416 = arith.constant 0 : i32
        %dma_wait3A_1417 = tpu.memref_slice %arg6[%dma_wait3A_1409, %dma_wait3A_1410, %dma_wait3A_1411, %dma_wait3A_1415, %dma_wait3A_1416] : memref<200x8x32x8x128xf32, #tpu.memory_space<hbm>> -> memref<1x1x1x8x128xf32, #tpu.memory_space<hbm>>
        %dma_wait3A_1418 = tpu.memref_squeeze %dma_wait3A_1417 : memref<1x1x1x8x128xf32, #tpu.memory_space<hbm>> -> memref<8x128xf32, #tpu.memory_space<hbm>>
        %dma_wait3A_1419 = arith.constant 56 : i32
        %dma_wait3A_1420 = arith.constant 0 : i32
        %dma_wait3A_1421 = tpu.memref_slice %arg14[%dma_wait3A_1419, %dma_wait3A_1420] : memref<64x129xf32, #tpu.memory_space<vmem>> -> memref<8x128xf32, #tpu.memory_space<vmem>>
        %dma_wait3A_1422 = arith.constant 0 : i32
        %dma_wait3A_1423 = arith.constant 0 : i32
        %dma_wait3A_1424 = tpu.memref_slice %arg6[%dma_wait3A_1409, %dma_wait3A_1410, %dma_wait3A_1411, %dma_wait3A_1422, %dma_wait3A_1423] : memref<200x8x32x8x128xf32, #tpu.memory_space<hbm>> -> memref<1x1x1x8x128xf32, #tpu.memory_space<hbm>>
        %dma_wait3A_1425 = tpu.memref_squeeze %dma_wait3A_1424 : memref<1x1x1x8x128xf32, #tpu.memory_space<hbm>> -> memref<8x128xf32, #tpu.memory_space<hbm>>
        tpu.wait_dma2 semaphore(%arg22 : memref<!tpu.dma_semaphore, #tpu.memory_space<semaphore_mem>>) src(%dma_wait3A_1425 : memref<8x128xf32, #tpu.memory_space<hbm>>) dst(%dma_wait3A_1421 : memref<8x128xf32, #tpu.memory_space<vmem>>)
      } else {
      }
      %get3A = arith.index_cast %add3A_591 : i32 to index
      %get3A_602 = arith.constant 0 : index
      %get3A_603 = tpu.vector_load %arg8[%get3A, %get3A_602] {strides = array<i32>} : memref<200x64xf32, #tpu.memory_space<vmem>>, vector<16xf32>,
      %get3A_604 = arith.index_cast %add3A_591 : i32 to index
      %get3A_605 = arith.constant 16 : index
      %get3A_606 = tpu.vector_load %arg8[%get3A_604, %get3A_605] {strides = array<i32>} : memref<200x64xf32, #tpu.memory_space<vmem>>, vector<16xf32>,
      %get3A_607 = arith.index_cast %add3A_591 : i32 to index
      %get3A_608 = arith.constant 32 : index
      %get3A_609 = tpu.vector_load %arg8[%get3A_607, %get3A_608] {strides = array<i32>} : memref<200x64xf32, #tpu.memory_space<vmem>>, vector<16xf32>,
      %get3A_610 = arith.index_cast %add3A_591 : i32 to index
      %get3A_611 = arith.constant 48 : index
      %get3A_612 = tpu.vector_load %arg8[%get3A_610, %get3A_611] {strides = array<i32>} : memref<200x64xf32, #tpu.memory_space<vmem>>, vector<16xf32>,
      %get3A_613 = arith.constant 0 : i32
      %get3A_614 = arith.index_cast %get3A_613 : i32 to index
      %get3A_615 = arith.constant 0 : index
      %get3A_616 = tpu.vector_load %arg9[%get3A_614, %get3A_615] {strides = array<i32>} : memref<5x16xi32, #tpu.memory_space<vmem>>, vector<16xi32>,
      %get3A_617 = arith.constant 1 : i32
      %get3A_618 = arith.index_cast %get3A_617 : i32 to index
      %get3A_619 = arith.constant 0 : index
      %get3A_620 = tpu.vector_load %arg9[%get3A_618, %get3A_619] {strides = array<i32>} : memref<5x16xi32, #tpu.memory_space<vmem>>, vector<16xi32>,
      %get3A_621 = arith.constant 2 : i32
      %get3A_622 = arith.index_cast %get3A_621 : i32 to index
      %get3A_623 = arith.constant 0 : index
      %get3A_624 = tpu.vector_load %arg9[%get3A_622, %get3A_623] {strides = array<i32>} : memref<5x16xi32, #tpu.memory_space<vmem>>, vector<16xi32>,
      %get3A_625 = arith.constant 3 : i32
      %get3A_626 = arith.index_cast %get3A_625 : i32 to index
      %get3A_627 = arith.constant 0 : index
      %get3A_628 = tpu.vector_load %arg9[%get3A_626, %get3A_627] {strides = array<i32>} : memref<5x16xi32, #tpu.memory_space<vmem>>, vector<16xi32>,
      %get3A_629 = arith.constant 4 : i32
      %get3A_630 = arith.index_cast %get3A_629 : i32 to index
      %get3A_631 = arith.constant 0 : index
      %get3A_632 = tpu.vector_load %arg9[%get3A_630, %get3A_631] {strides = array<i32>} : memref<5x16xi32, #tpu.memory_space<vmem>>, vector<16xi32>,
      %parallel_loop3A = arith.constant 0 : i32
      %parallel_loop3A_633 = arith.constant 128 : i32
      %parallel_loop3A_634 = arith.constant 1 : i32
      scf.for %parallel_loop3A_1290 = %parallel_loop3A to %parallel_loop3A_633 step %parallel_loop3A_634  : i32 {
        %parallel_loop3A_1291 = vector.broadcast %parallel_loop3A_1290 : i32 to vector<16xi32>
        %parallel_loop3A_1292 = arith.addi %get3A_632, %parallel_loop3A_1291 : vector<16xi32>
        %parallel_loop3A_1293 = arith.index_cast %parallel_loop3A_1290 : i32 to index
        %parallel_loop3A_1294 = arith.constant 0 : index
        %parallel_loop3A_1295 = tpu.vector_load %arg10[%parallel_loop3A_1293, %parallel_loop3A_1294] {strides = array<i32>} : memref<128x64xf32, #tpu.memory_space<vmem>>, vector<16xf32>,
        %parallel_loop3A_1296 = arith.addf %parallel_loop3A_1295, %get3A_603 : vector<16xf32>
        tpu.vector_store_idx %arg14[%get3A_616, %parallel_loop3A_1292], %parallel_loop3A_1296 : memref<64x129xf32, #tpu.memory_space<vmem>>[vector<16xi32>, vector<16xi32>], vector<16xf32>,
        %parallel_loop3A_1297 = arith.index_cast %parallel_loop3A_1290 : i32 to index
        %parallel_loop3A_1298 = arith.constant 16 : index
        %parallel_loop3A_1299 = tpu.vector_load %arg10[%parallel_loop3A_1297, %parallel_loop3A_1298] {strides = array<i32>} : memref<128x64xf32, #tpu.memory_space<vmem>>, vector<16xf32>,
        %parallel_loop3A_1300 = arith.addf %parallel_loop3A_1299, %get3A_606 : vector<16xf32>
        tpu.vector_store_idx %arg14[%get3A_620, %parallel_loop3A_1292], %parallel_loop3A_1300 : memref<64x129xf32, #tpu.memory_space<vmem>>[vector<16xi32>, vector<16xi32>], vector<16xf32>,
        %parallel_loop3A_1301 = arith.index_cast %parallel_loop3A_1290 : i32 to index
        %parallel_loop3A_1302 = arith.constant 32 : index
        %parallel_loop3A_1303 = tpu.vector_load %arg10[%parallel_loop3A_1301, %parallel_loop3A_1302] {strides = array<i32>} : memref<128x64xf32, #tpu.memory_space<vmem>>, vector<16xf32>,
        %parallel_loop3A_1304 = arith.addf %parallel_loop3A_1303, %get3A_609 : vector<16xf32>
        tpu.vector_store_idx %arg14[%get3A_624, %parallel_loop3A_1292], %parallel_loop3A_1304 : memref<64x129xf32, #tpu.memory_space<vmem>>[vector<16xi32>, vector<16xi32>], vector<16xf32>,
        %parallel_loop3A_1305 = arith.index_cast %parallel_loop3A_1290 : i32 to index
        %parallel_loop3A_1306 = arith.constant 48 : index
        %parallel_loop3A_1307 = tpu.vector_load %arg10[%parallel_loop3A_1305, %parallel_loop3A_1306] {strides = array<i32>} : memref<128x64xf32, #tpu.memory_space<vmem>>, vector<16xf32>,
        %parallel_loop3A_1308 = arith.addf %parallel_loop3A_1307, %get3A_612 : vector<16xf32>
        tpu.vector_store_idx %arg14[%get3A_628, %parallel_loop3A_1292], %parallel_loop3A_1308 : memref<64x129xf32, #tpu.memory_space<vmem>>[vector<16xi32>, vector<16xi32>], vector<16xf32>,
      } {sc.loop_unroll_factor = 4 : i64, sc.parallel_access}
      %lt3A = arith.constant 49 : i32
      %lt3A_635 = arith.cmpi slt, %scan3A_587, %lt3A : i32
      %convert_element_type3A_636 = arith.extui %lt3A_635 : i1 to i32
      %cond3A_637 = arith.constant 0 : i32
      %cond3A_638 = arith.cmpi ne, %convert_element_type3A_636, %cond3A_637 : i32
      scf.if %cond3A_638 {
        %add3A_1290 = arith.constant 4 : i32
        %add3A_1291 = arith.addi %add3A_591, %add3A_1290 : i32
        %jit3A = arith.constant 8 : i32
        %div3A = arith.divsi %add3A_1291, %jit3A : i32
        %sign3A = arith.constant 0 : i32
        %sign3A_1292 = arith.cmpi sgt, %add3A_1291, %sign3A : i32
        %sign3A_1293 = arith.extui %sign3A_1292 : i1 to i32
        %sign3A_1294 = arith.constant 0 : i32
        %sign3A_1295 = arith.cmpi slt, %add3A_1291, %sign3A_1294 : i32
        %sign3A_1296 = arith.extui %sign3A_1295 : i1 to i32
        %sign3A_1297 = arith.subi %sign3A_1293, %sign3A_1296 : i32
        %sign3A_1298 = arith.constant 0 : i32
        %sign3A_1299 = arith.cmpi sgt, %jit3A, %sign3A_1298 : i32
        %sign3A_1300 = arith.extui %sign3A_1299 : i1 to i32
        %sign3A_1301 = arith.constant 0 : i32
        %sign3A_1302 = arith.cmpi slt, %jit3A, %sign3A_1301 : i32
        %sign3A_1303 = arith.extui %sign3A_1302 : i1 to i32
        %sign3A_1304 = arith.subi %sign3A_1300, %sign3A_1303 : i32
        %ne3A = arith.cmpi ne, %sign3A_1297, %sign3A_1304 : i32
        %rem3A_1305 = arith.remsi %add3A_1291, %jit3A : i32
        %ne3A_1306 = arith.constant 0 : i32
        %ne3A_1307 = arith.cmpi ne, %rem3A_1305, %ne3A_1306 : i32
        %and3A = arith.andi %ne3A, %ne3A_1307 : i1
        %sub3A = arith.constant 1 : i32
        %sub3A_1308 = arith.subi %div3A, %sub3A : i32
        %select_n3A = arith.select %and3A, %sub3A_1308, %div3A : i32
        %rem3A_1309 = arith.constant 8 : i32
        %rem3A_1310 = arith.remsi %add3A_1291, %rem3A_1309 : i32
        %dma_start3A_1311 = arith.constant 0 : i32
        %dma_start3A_1312 = tpu.memref_slice %arg7[%select_n3A, %rem3A_1310, %dma_start3A_1311] : memref<25x8x128xi32, #tpu.memory_space<vmem>> -> memref<1x1x128xi32, #tpu.memory_space<vmem>>
        %dma_start3A_1313 = tpu.memref_squeeze %dma_start3A_1312 : memref<1x1x128xi32, #tpu.memory_space<vmem>> -> memref<128xi32, #tpu.memory_space<vmem>>
        %dma_start3A_1314 = arith.constant 0 : i32
        %dma_start3A_1315 = arith.constant 0 : i32
        %dma_start3A_1316 = tpu.memref_slice %arg3[%dma_start3A_1314, %dma_start3A_1315] : memref<100000x64xf32, #tpu.memory_space<hbm>> -> memref<100000x64xf32, #tpu.memory_space<hbm>>
        tpu.enqueue_indirect_dma source(%dma_start3A_1316 : memref<100000x64xf32, #tpu.memory_space<hbm>>) target(%arg10 : memref<128x64xf32, #tpu.memory_space<vmem>>) offsets(%dma_start3A_1313 : memref<128xi32, #tpu.memory_space<vmem>>) semaphore(%arg18 : memref<!tpu.dma_semaphore, #tpu.memory_space<semaphore_mem>>)
      } else {
      }
      %dma_start3A_639 = arith.constant 0 : i32
      %dma_start3A_640 = arith.constant 0 : i32
      %dma_start3A_641 = arith.constant 0 : i32
      %dma_start3A_642 = tpu.memref_slice %arg14[%dma_start3A_640, %dma_start3A_641] : memref<64x129xf32, #tpu.memory_space<vmem>> -> memref<8x128xf32, #tpu.memory_space<vmem>>
      %dma_start3A_643 = arith.constant 0 : i32
      %dma_start3A_644 = arith.constant 0 : i32
      %dma_start3A_645 = tpu.memref_slice %arg6[%add3A_591, %dma_start3A_639, %add3A, %dma_start3A_643, %dma_start3A_644] : memref<200x8x32x8x128xf32, #tpu.memory_space<hbm>> -> memref<1x1x1x8x128xf32, #tpu.memory_space<hbm>>
      %dma_start3A_646 = tpu.memref_squeeze %dma_start3A_645 : memref<1x1x1x8x128xf32, #tpu.memory_space<hbm>> -> memref<8x128xf32, #tpu.memory_space<hbm>>
      %dma_start3A_647 = arith.constant 0 : i32
      %dma_start3A_648 = arith.constant 0 : i32
      %dma_start3A_649 = tpu.memref_slice %arg6[%add3A_591, %dma_start3A_639, %add3A, %dma_start3A_647, %dma_start3A_648] : memref<200x8x32x8x128xf32, #tpu.memory_space<hbm>> -> memref<1x1x1x8x128xf32, #tpu.memory_space<hbm>>
      %dma_start3A_650 = tpu.memref_squeeze %dma_start3A_649 : memref<1x1x1x8x128xf32, #tpu.memory_space<hbm>> -> memref<8x128xf32, #tpu.memory_space<hbm>>
      %dma_start3A_651 = arith.constant 0 : i32
      %dma_start3A_652 = arith.constant 0 : i32
      %dma_start3A_653 = tpu.memref_slice %arg14[%dma_start3A_651, %dma_start3A_652] : memref<64x129xf32, #tpu.memory_space<vmem>> -> memref<8x128xf32, #tpu.memory_space<vmem>>
      tpu.enqueue_dma source(%dma_start3A_653 : memref<8x128xf32, #tpu.memory_space<vmem>>) target(%dma_start3A_650 : memref<8x128xf32, #tpu.memory_space<hbm>>) target_semaphore(%arg22 : memref<!tpu.dma_semaphore, #tpu.memory_space<semaphore_mem>>)
      %dma_start3A_654 = arith.constant 1 : i32
      %dma_start3A_655 = arith.constant 8 : i32
      %dma_start3A_656 = arith.constant 0 : i32
      %dma_start3A_657 = tpu.memref_slice %arg14[%dma_start3A_655, %dma_start3A_656] : memref<64x129xf32, #tpu.memory_space<vmem>> -> memref<8x128xf32, #tpu.memory_space<vmem>>
      %dma_start3A_658 = arith.constant 0 : i32
      %dma_start3A_659 = arith.constant 0 : i32
      %dma_start3A_660 = tpu.memref_slice %arg6[%add3A_591, %dma_start3A_654, %add3A, %dma_start3A_658, %dma_start3A_659] : memref<200x8x32x8x128xf32, #tpu.memory_space<hbm>> -> memref<1x1x1x8x128xf32, #tpu.memory_space<hbm>>
      %dma_start3A_661 = tpu.memref_squeeze %dma_start3A_660 : memref<1x1x1x8x128xf32, #tpu.memory_space<hbm>> -> memref<8x128xf32, #tpu.memory_space<hbm>>
      %dma_start3A_662 = arith.constant 0 : i32
      %dma_start3A_663 = arith.constant 0 : i32
      %dma_start3A_664 = tpu.memref_slice %arg6[%add3A_591, %dma_start3A_654, %add3A, %dma_start3A_662, %dma_start3A_663] : memref<200x8x32x8x128xf32, #tpu.memory_space<hbm>> -> memref<1x1x1x8x128xf32, #tpu.memory_space<hbm>>
      %dma_start3A_665 = tpu.memref_squeeze %dma_start3A_664 : memref<1x1x1x8x128xf32, #tpu.memory_space<hbm>> -> memref<8x128xf32, #tpu.memory_space<hbm>>
      %dma_start3A_666 = arith.constant 8 : i32
      %dma_start3A_667 = arith.constant 0 : i32
      %dma_start3A_668 = tpu.memref_slice %arg14[%dma_start3A_666, %dma_start3A_667] : memref<64x129xf32, #tpu.memory_space<vmem>> -> memref<8x128xf32, #tpu.memory_space<vmem>>
      tpu.enqueue_dma source(%dma_start3A_668 : memref<8x128xf32, #tpu.memory_space<vmem>>) target(%dma_start3A_665 : memref<8x128xf32, #tpu.memory_space<hbm>>) target_semaphore(%arg22 : memref<!tpu.dma_semaphore, #tpu.memory_space<semaphore_mem>>)
      %dma_start3A_669 = arith.constant 2 : i32
      %dma_start3A_670 = arith.constant 16 : i32
      %dma_start3A_671 = arith.constant 0 : i32
      %dma_start3A_672 = tpu.memref_slice %arg14[%dma_start3A_670, %dma_start3A_671] : memref<64x129xf32, #tpu.memory_space<vmem>> -> memref<8x128xf32, #tpu.memory_space<vmem>>
      %dma_start3A_673 = arith.constant 0 : i32
      %dma_start3A_674 = arith.constant 0 : i32
      %dma_start3A_675 = tpu.memref_slice %arg6[%add3A_591, %dma_start3A_669, %add3A, %dma_start3A_673, %dma_start3A_674] : memref<200x8x32x8x128xf32, #tpu.memory_space<hbm>> -> memref<1x1x1x8x128xf32, #tpu.memory_space<hbm>>
      %dma_start3A_676 = tpu.memref_squeeze %dma_start3A_675 : memref<1x1x1x8x128xf32, #tpu.memory_space<hbm>> -> memref<8x128xf32, #tpu.memory_space<hbm>>
      %dma_start3A_677 = arith.constant 0 : i32
      %dma_start3A_678 = arith.constant 0 : i32
      %dma_start3A_679 = tpu.memref_slice %arg6[%add3A_591, %dma_start3A_669, %add3A, %dma_start3A_677, %dma_start3A_678] : memref<200x8x32x8x128xf32, #tpu.memory_space<hbm>> -> memref<1x1x1x8x128xf32, #tpu.memory_space<hbm>>
      %dma_start3A_680 = tpu.memref_squeeze %dma_start3A_679 : memref<1x1x1x8x128xf32, #tpu.memory_space<hbm>> -> memref<8x128xf32, #tpu.memory_space<hbm>>
      %dma_start3A_681 = arith.constant 16 : i32
      %dma_start3A_682 = arith.constant 0 : i32
      %dma_start3A_683 = tpu.memref_slice %arg14[%dma_start3A_681, %dma_start3A_682] : memref<64x129xf32, #tpu.memory_space<vmem>> -> memref<8x128xf32, #tpu.memory_space<vmem>>
      tpu.enqueue_dma source(%dma_start3A_683 : memref<8x128xf32, #tpu.memory_space<vmem>>) target(%dma_start3A_680 : memref<8x128xf32, #tpu.memory_space<hbm>>) target_semaphore(%arg22 : memref<!tpu.dma_semaphore, #tpu.memory_space<semaphore_mem>>)
      %dma_start3A_684 = arith.constant 3 : i32
      %dma_start3A_685 = arith.constant 24 : i32
      %dma_start3A_686 = arith.constant 0 : i32
      %dma_start3A_687 = tpu.memref_slice %arg14[%dma_start3A_685, %dma_start3A_686] : memref<64x129xf32, #tpu.memory_space<vmem>> -> memref<8x128xf32, #tpu.memory_space<vmem>>
      %dma_start3A_688 = arith.constant 0 : i32
      %dma_start3A_689 = arith.constant 0 : i32
      %dma_start3A_690 = tpu.memref_slice %arg6[%add3A_591, %dma_start3A_684, %add3A, %dma_start3A_688, %dma_start3A_689] : memref<200x8x32x8x128xf32, #tpu.memory_space<hbm>> -> memref<1x1x1x8x128xf32, #tpu.memory_space<hbm>>
      %dma_start3A_691 = tpu.memref_squeeze %dma_start3A_690 : memref<1x1x1x8x128xf32, #tpu.memory_space<hbm>> -> memref<8x128xf32, #tpu.memory_space<hbm>>
      %dma_start3A_692 = arith.constant 0 : i32
      %dma_start3A_693 = arith.constant 0 : i32
      %dma_start3A_694 = tpu.memref_slice %arg6[%add3A_591, %dma_start3A_684, %add3A, %dma_start3A_692, %dma_start3A_693] : memref<200x8x32x8x128xf32, #tpu.memory_space<hbm>> -> memref<1x1x1x8x128xf32, #tpu.memory_space<hbm>>
      %dma_start3A_695 = tpu.memref_squeeze %dma_start3A_694 : memref<1x1x1x8x128xf32, #tpu.memory_space<hbm>> -> memref<8x128xf32, #tpu.memory_space<hbm>>
      %dma_start3A_696 = arith.constant 24 : i32
      %dma_start3A_697 = arith.constant 0 : i32
      %dma_start3A_698 = tpu.memref_slice %arg14[%dma_start3A_696, %dma_start3A_697] : memref<64x129xf32, #tpu.memory_space<vmem>> -> memref<8x128xf32, #tpu.memory_space<vmem>>
      tpu.enqueue_dma source(%dma_start3A_698 : memref<8x128xf32, #tpu.memory_space<vmem>>) target(%dma_start3A_695 : memref<8x128xf32, #tpu.memory_space<hbm>>) target_semaphore(%arg22 : memref<!tpu.dma_semaphore, #tpu.memory_space<semaphore_mem>>)
      %dma_start3A_699 = arith.constant 4 : i32
      %dma_start3A_700 = arith.constant 32 : i32
      %dma_start3A_701 = arith.constant 0 : i32
      %dma_start3A_702 = tpu.memref_slice %arg14[%dma_start3A_700, %dma_start3A_701] : memref<64x129xf32, #tpu.memory_space<vmem>> -> memref<8x128xf32, #tpu.memory_space<vmem>>
      %dma_start3A_703 = arith.constant 0 : i32
      %dma_start3A_704 = arith.constant 0 : i32
      %dma_start3A_705 = tpu.memref_slice %arg6[%add3A_591, %dma_start3A_699, %add3A, %dma_start3A_703, %dma_start3A_704] : memref<200x8x32x8x128xf32, #tpu.memory_space<hbm>> -> memref<1x1x1x8x128xf32, #tpu.memory_space<hbm>>
      %dma_start3A_706 = tpu.memref_squeeze %dma_start3A_705 : memref<1x1x1x8x128xf32, #tpu.memory_space<hbm>> -> memref<8x128xf32, #tpu.memory_space<hbm>>
      %dma_start3A_707 = arith.constant 0 : i32
      %dma_start3A_708 = arith.constant 0 : i32
      %dma_start3A_709 = tpu.memref_slice %arg6[%add3A_591, %dma_start3A_699, %add3A, %dma_start3A_707, %dma_start3A_708] : memref<200x8x32x8x128xf32, #tpu.memory_space<hbm>> -> memref<1x1x1x8x128xf32, #tpu.memory_space<hbm>>
      %dma_start3A_710 = tpu.memref_squeeze %dma_start3A_709 : memref<1x1x1x8x128xf32, #tpu.memory_space<hbm>> -> memref<8x128xf32, #tpu.memory_space<hbm>>
      %dma_start3A_711 = arith.constant 32 : i32
      %dma_start3A_712 = arith.constant 0 : i32
      %dma_start3A_713 = tpu.memref_slice %arg14[%dma_start3A_711, %dma_start3A_712] : memref<64x129xf32, #tpu.memory_space<vmem>> -> memref<8x128xf32, #tpu.memory_space<vmem>>
      tpu.enqueue_dma source(%dma_start3A_713 : memref<8x128xf32, #tpu.memory_space<vmem>>) target(%dma_start3A_710 : memref<8x128xf32, #tpu.memory_space<hbm>>) target_semaphore(%arg22 : memref<!tpu.dma_semaphore, #tpu.memory_space<semaphore_mem>>)
      %dma_start3A_714 = arith.constant 5 : i32
      %dma_start3A_715 = arith.constant 40 : i32
      %dma_start3A_716 = arith.constant 0 : i32
      %dma_start3A_717 = tpu.memref_slice %arg14[%dma_start3A_715, %dma_start3A_716] : memref<64x129xf32, #tpu.memory_space<vmem>> -> memref<8x128xf32, #tpu.memory_space<vmem>>
      %dma_start3A_718 = arith.constant 0 : i32
      %dma_start3A_719 = arith.constant 0 : i32
      %dma_start3A_720 = tpu.memref_slice %arg6[%add3A_591, %dma_start3A_714, %add3A, %dma_start3A_718, %dma_start3A_719] : memref<200x8x32x8x128xf32, #tpu.memory_space<hbm>> -> memref<1x1x1x8x128xf32, #tpu.memory_space<hbm>>
      %dma_start3A_721 = tpu.memref_squeeze %dma_start3A_720 : memref<1x1x1x8x128xf32, #tpu.memory_space<hbm>> -> memref<8x128xf32, #tpu.memory_space<hbm>>
      %dma_start3A_722 = arith.constant 0 : i32
      %dma_start3A_723 = arith.constant 0 : i32
      %dma_start3A_724 = tpu.memref_slice %arg6[%add3A_591, %dma_start3A_714, %add3A, %dma_start3A_722, %dma_start3A_723] : memref<200x8x32x8x128xf32, #tpu.memory_space<hbm>> -> memref<1x1x1x8x128xf32, #tpu.memory_space<hbm>>
      %dma_start3A_725 = tpu.memref_squeeze %dma_start3A_724 : memref<1x1x1x8x128xf32, #tpu.memory_space<hbm>> -> memref<8x128xf32, #tpu.memory_space<hbm>>
      %dma_start3A_726 = arith.constant 40 : i32
      %dma_start3A_727 = arith.constant 0 : i32
      %dma_start3A_728 = tpu.memref_slice %arg14[%dma_start3A_726, %dma_start3A_727] : memref<64x129xf32, #tpu.memory_space<vmem>> -> memref<8x128xf32, #tpu.memory_space<vmem>>
      tpu.enqueue_dma source(%dma_start3A_728 : memref<8x128xf32, #tpu.memory_space<vmem>>) target(%dma_start3A_725 : memref<8x128xf32, #tpu.memory_space<hbm>>) target_semaphore(%arg22 : memref<!tpu.dma_semaphore, #tpu.memory_space<semaphore_mem>>)
      %dma_start3A_729 = arith.constant 6 : i32
      %dma_start3A_730 = arith.constant 48 : i32
      %dma_start3A_731 = arith.constant 0 : i32
      %dma_start3A_732 = tpu.memref_slice %arg14[%dma_start3A_730, %dma_start3A_731] : memref<64x129xf32, #tpu.memory_space<vmem>> -> memref<8x128xf32, #tpu.memory_space<vmem>>
      %dma_start3A_733 = arith.constant 0 : i32
      %dma_start3A_734 = arith.constant 0 : i32
      %dma_start3A_735 = tpu.memref_slice %arg6[%add3A_591, %dma_start3A_729, %add3A, %dma_start3A_733, %dma_start3A_734] : memref<200x8x32x8x128xf32, #tpu.memory_space<hbm>> -> memref<1x1x1x8x128xf32, #tpu.memory_space<hbm>>
      %dma_start3A_736 = tpu.memref_squeeze %dma_start3A_735 : memref<1x1x1x8x128xf32, #tpu.memory_space<hbm>> -> memref<8x128xf32, #tpu.memory_space<hbm>>
      %dma_start3A_737 = arith.constant 0 : i32
      %dma_start3A_738 = arith.constant 0 : i32
      %dma_start3A_739 = tpu.memref_slice %arg6[%add3A_591, %dma_start3A_729, %add3A, %dma_start3A_737, %dma_start3A_738] : memref<200x8x32x8x128xf32, #tpu.memory_space<hbm>> -> memref<1x1x1x8x128xf32, #tpu.memory_space<hbm>>
      %dma_start3A_740 = tpu.memref_squeeze %dma_start3A_739 : memref<1x1x1x8x128xf32, #tpu.memory_space<hbm>> -> memref<8x128xf32, #tpu.memory_space<hbm>>
      %dma_start3A_741 = arith.constant 48 : i32
      %dma_start3A_742 = arith.constant 0 : i32
      %dma_start3A_743 = tpu.memref_slice %arg14[%dma_start3A_741, %dma_start3A_742] : memref<64x129xf32, #tpu.memory_space<vmem>> -> memref<8x128xf32, #tpu.memory_space<vmem>>
      tpu.enqueue_dma source(%dma_start3A_743 : memref<8x128xf32, #tpu.memory_space<vmem>>) target(%dma_start3A_740 : memref<8x128xf32, #tpu.memory_space<hbm>>) target_semaphore(%arg22 : memref<!tpu.dma_semaphore, #tpu.memory_space<semaphore_mem>>)
      %dma_start3A_744 = arith.constant 7 : i32
      %dma_start3A_745 = arith.constant 56 : i32
      %dma_start3A_746 = arith.constant 0 : i32
      %dma_start3A_747 = tpu.memref_slice %arg14[%dma_start3A_745, %dma_start3A_746] : memref<64x129xf32, #tpu.memory_space<vmem>> -> memref<8x128xf32, #tpu.memory_space<vmem>>
      %dma_start3A_748 = arith.constant 0 : i32
      %dma_start3A_749 = arith.constant 0 : i32
      %dma_start3A_750 = tpu.memref_slice %arg6[%add3A_591, %dma_start3A_744, %add3A, %dma_start3A_748, %dma_start3A_749] : memref<200x8x32x8x128xf32, #tpu.memory_space<hbm>> -> memref<1x1x1x8x128xf32, #tpu.memory_space<hbm>>
      %dma_start3A_751 = tpu.memref_squeeze %dma_start3A_750 : memref<1x1x1x8x128xf32, #tpu.memory_space<hbm>> -> memref<8x128xf32, #tpu.memory_space<hbm>>
      %dma_start3A_752 = arith.constant 0 : i32
      %dma_start3A_753 = arith.constant 0 : i32
      %dma_start3A_754 = tpu.memref_slice %arg6[%add3A_591, %dma_start3A_744, %add3A, %dma_start3A_752, %dma_start3A_753] : memref<200x8x32x8x128xf32, #tpu.memory_space<hbm>> -> memref<1x1x1x8x128xf32, #tpu.memory_space<hbm>>
      %dma_start3A_755 = tpu.memref_squeeze %dma_start3A_754 : memref<1x1x1x8x128xf32, #tpu.memory_space<hbm>> -> memref<8x128xf32, #tpu.memory_space<hbm>>
      %dma_start3A_756 = arith.constant 56 : i32
      %dma_start3A_757 = arith.constant 0 : i32
      %dma_start3A_758 = tpu.memref_slice %arg14[%dma_start3A_756, %dma_start3A_757] : memref<64x129xf32, #tpu.memory_space<vmem>> -> memref<8x128xf32, #tpu.memory_space<vmem>>
      tpu.enqueue_dma source(%dma_start3A_758 : memref<8x128xf32, #tpu.memory_space<vmem>>) target(%dma_start3A_755 : memref<8x128xf32, #tpu.memory_space<hbm>>) target_semaphore(%arg22 : memref<!tpu.dma_semaphore, #tpu.memory_space<semaphore_mem>>)
      %mul3A_759 = arith.constant 4 : i32
      %mul3A_760 = arith.muli %mul3A_759, %scan3A_587 : i32
      %add3A_761 = arith.constant 1 : i32
      %add3A_762 = arith.addi %mul3A_760, %add3A_761 : i32
      %dma_wait3A_763 = arith.constant 0 : i32
      %dma_wait3A_764 = arith.constant 0 : i32
      %dma_wait3A_765 = arith.constant 0 : i32
      %dma_wait3A_766 = tpu.memref_slice %arg7[%dma_wait3A_763, %dma_wait3A_764, %dma_wait3A_765] : memref<25x8x128xi32, #tpu.memory_space<vmem>> -> memref<1x1x128xi32, #tpu.memory_space<vmem>>
      %dma_wait3A_767 = tpu.memref_squeeze %dma_wait3A_766 : memref<1x1x128xi32, #tpu.memory_space<vmem>> -> memref<128xi32, #tpu.memory_space<vmem>>
      %dma_wait3A_768 = arith.constant 0 : i32
      %dma_wait3A_769 = arith.constant 0 : i32
      %dma_wait3A_770 = tpu.memref_slice %arg3[%dma_wait3A_768, %dma_wait3A_769] : memref<100000x64xf32, #tpu.memory_space<hbm>> -> memref<100000x64xf32, #tpu.memory_space<hbm>>
      tpu.wait_indirect_dma semaphore(%arg19 : memref<!tpu.dma_semaphore, #tpu.memory_space<semaphore_mem>>) src(%dma_wait3A_770 : memref<100000x64xf32, #tpu.memory_space<hbm>>) dst(%arg11 : memref<128x64xf32, #tpu.memory_space<vmem>>)
      %gt3A_771 = arith.constant 0 : i32
      %gt3A_772 = arith.cmpi sgt, %scan3A_587, %gt3A_771 : i32
      %convert_element_type3A_773 = arith.extui %gt3A_772 : i1 to i32
      %cond3A_774 = arith.constant 0 : i32
      %cond3A_775 = arith.cmpi ne, %convert_element_type3A_773, %cond3A_774 : i32
      scf.if %cond3A_775 {
        %dma_wait3A_1290 = arith.constant 0 : i32
        %dma_wait3A_1291 = arith.constant 0 : i32
        %dma_wait3A_1292 = arith.constant 0 : i32
        %dma_wait3A_1293 = arith.constant 0 : i32
        %dma_wait3A_1294 = arith.constant 0 : i32
        %dma_wait3A_1295 = tpu.memref_slice %arg15[%dma_wait3A_1293, %dma_wait3A_1294] : memref<64x129xf32, #tpu.memory_space<vmem>> -> memref<8x128xf32, #tpu.memory_space<vmem>>
        %dma_wait3A_1296 = arith.constant 0 : i32
        %dma_wait3A_1297 = arith.constant 0 : i32
        %dma_wait3A_1298 = tpu.memref_slice %arg6[%dma_wait3A_1290, %dma_wait3A_1291, %dma_wait3A_1292, %dma_wait3A_1296, %dma_wait3A_1297] : memref<200x8x32x8x128xf32, #tpu.memory_space<hbm>> -> memref<1x1x1x8x128xf32, #tpu.memory_space<hbm>>
        %dma_wait3A_1299 = tpu.memref_squeeze %dma_wait3A_1298 : memref<1x1x1x8x128xf32, #tpu.memory_space<hbm>> -> memref<8x128xf32, #tpu.memory_space<hbm>>
        %dma_wait3A_1300 = arith.constant 0 : i32
        %dma_wait3A_1301 = arith.constant 0 : i32
        %dma_wait3A_1302 = tpu.memref_slice %arg15[%dma_wait3A_1300, %dma_wait3A_1301] : memref<64x129xf32, #tpu.memory_space<vmem>> -> memref<8x128xf32, #tpu.memory_space<vmem>>
        %dma_wait3A_1303 = arith.constant 0 : i32
        %dma_wait3A_1304 = arith.constant 0 : i32
        %dma_wait3A_1305 = tpu.memref_slice %arg6[%dma_wait3A_1290, %dma_wait3A_1291, %dma_wait3A_1292, %dma_wait3A_1303, %dma_wait3A_1304] : memref<200x8x32x8x128xf32, #tpu.memory_space<hbm>> -> memref<1x1x1x8x128xf32, #tpu.memory_space<hbm>>
        %dma_wait3A_1306 = tpu.memref_squeeze %dma_wait3A_1305 : memref<1x1x1x8x128xf32, #tpu.memory_space<hbm>> -> memref<8x128xf32, #tpu.memory_space<hbm>>
        tpu.wait_dma2 semaphore(%arg23 : memref<!tpu.dma_semaphore, #tpu.memory_space<semaphore_mem>>) src(%dma_wait3A_1306 : memref<8x128xf32, #tpu.memory_space<hbm>>) dst(%dma_wait3A_1302 : memref<8x128xf32, #tpu.memory_space<vmem>>)
        %dma_wait3A_1307 = arith.constant 0 : i32
        %dma_wait3A_1308 = arith.constant 1 : i32
        %dma_wait3A_1309 = arith.constant 0 : i32
        %dma_wait3A_1310 = arith.constant 8 : i32
        %dma_wait3A_1311 = arith.constant 0 : i32
        %dma_wait3A_1312 = tpu.memref_slice %arg15[%dma_wait3A_1310, %dma_wait3A_1311] : memref<64x129xf32, #tpu.memory_space<vmem>> -> memref<8x128xf32, #tpu.memory_space<vmem>>
        %dma_wait3A_1313 = arith.constant 0 : i32
        %dma_wait3A_1314 = arith.constant 0 : i32
        %dma_wait3A_1315 = tpu.memref_slice %arg6[%dma_wait3A_1307, %dma_wait3A_1308, %dma_wait3A_1309, %dma_wait3A_1313, %dma_wait3A_1314] : memref<200x8x32x8x128xf32, #tpu.memory_space<hbm>> -> memref<1x1x1x8x128xf32, #tpu.memory_space<hbm>>
        %dma_wait3A_1316 = tpu.memref_squeeze %dma_wait3A_1315 : memref<1x1x1x8x128xf32, #tpu.memory_space<hbm>> -> memref<8x128xf32, #tpu.memory_space<hbm>>
        %dma_wait3A_1317 = arith.constant 8 : i32
        %dma_wait3A_1318 = arith.constant 0 : i32
        %dma_wait3A_1319 = tpu.memref_slice %arg15[%dma_wait3A_1317, %dma_wait3A_1318] : memref<64x129xf32, #tpu.memory_space<vmem>> -> memref<8x128xf32, #tpu.memory_space<vmem>>
        %dma_wait3A_1320 = arith.constant 0 : i32
        %dma_wait3A_1321 = arith.constant 0 : i32
        %dma_wait3A_1322 = tpu.memref_slice %arg6[%dma_wait3A_1307, %dma_wait3A_1308, %dma_wait3A_1309, %dma_wait3A_1320, %dma_wait3A_1321] : memref<200x8x32x8x128xf32, #tpu.memory_space<hbm>> -> memref<1x1x1x8x128xf32, #tpu.memory_space<hbm>>
        %dma_wait3A_1323 = tpu.memref_squeeze %dma_wait3A_1322 : memref<1x1x1x8x128xf32, #tpu.memory_space<hbm>> -> memref<8x128xf32, #tpu.memory_space<hbm>>
        tpu.wait_dma2 semaphore(%arg23 : memref<!tpu.dma_semaphore, #tpu.memory_space<semaphore_mem>>) src(%dma_wait3A_1323 : memref<8x128xf32, #tpu.memory_space<hbm>>) dst(%dma_wait3A_1319 : memref<8x128xf32, #tpu.memory_space<vmem>>)
        %dma_wait3A_1324 = arith.constant 0 : i32
        %dma_wait3A_1325 = arith.constant 2 : i32
        %dma_wait3A_1326 = arith.constant 0 : i32
        %dma_wait3A_1327 = arith.constant 16 : i32
        %dma_wait3A_1328 = arith.constant 0 : i32
        %dma_wait3A_1329 = tpu.memref_slice %arg15[%dma_wait3A_1327, %dma_wait3A_1328] : memref<64x129xf32, #tpu.memory_space<vmem>> -> memref<8x128xf32, #tpu.memory_space<vmem>>
        %dma_wait3A_1330 = arith.constant 0 : i32
        %dma_wait3A_1331 = arith.constant 0 : i32
        %dma_wait3A_1332 = tpu.memref_slice %arg6[%dma_wait3A_1324, %dma_wait3A_1325, %dma_wait3A_1326, %dma_wait3A_1330, %dma_wait3A_1331] : memref<200x8x32x8x128xf32, #tpu.memory_space<hbm>> -> memref<1x1x1x8x128xf32, #tpu.memory_space<hbm>>
        %dma_wait3A_1333 = tpu.memref_squeeze %dma_wait3A_1332 : memref<1x1x1x8x128xf32, #tpu.memory_space<hbm>> -> memref<8x128xf32, #tpu.memory_space<hbm>>
        %dma_wait3A_1334 = arith.constant 16 : i32
        %dma_wait3A_1335 = arith.constant 0 : i32
        %dma_wait3A_1336 = tpu.memref_slice %arg15[%dma_wait3A_1334, %dma_wait3A_1335] : memref<64x129xf32, #tpu.memory_space<vmem>> -> memref<8x128xf32, #tpu.memory_space<vmem>>
        %dma_wait3A_1337 = arith.constant 0 : i32
        %dma_wait3A_1338 = arith.constant 0 : i32
        %dma_wait3A_1339 = tpu.memref_slice %arg6[%dma_wait3A_1324, %dma_wait3A_1325, %dma_wait3A_1326, %dma_wait3A_1337, %dma_wait3A_1338] : memref<200x8x32x8x128xf32, #tpu.memory_space<hbm>> -> memref<1x1x1x8x128xf32, #tpu.memory_space<hbm>>
        %dma_wait3A_1340 = tpu.memref_squeeze %dma_wait3A_1339 : memref<1x1x1x8x128xf32, #tpu.memory_space<hbm>> -> memref<8x128xf32, #tpu.memory_space<hbm>>
        tpu.wait_dma2 semaphore(%arg23 : memref<!tpu.dma_semaphore, #tpu.memory_space<semaphore_mem>>) src(%dma_wait3A_1340 : memref<8x128xf32, #tpu.memory_space<hbm>>) dst(%dma_wait3A_1336 : memref<8x128xf32, #tpu.memory_space<vmem>>)
        %dma_wait3A_1341 = arith.constant 0 : i32
        %dma_wait3A_1342 = arith.constant 3 : i32
        %dma_wait3A_1343 = arith.constant 0 : i32
        %dma_wait3A_1344 = arith.constant 24 : i32
        %dma_wait3A_1345 = arith.constant 0 : i32
        %dma_wait3A_1346 = tpu.memref_slice %arg15[%dma_wait3A_1344, %dma_wait3A_1345] : memref<64x129xf32, #tpu.memory_space<vmem>> -> memref<8x128xf32, #tpu.memory_space<vmem>>
        %dma_wait3A_1347 = arith.constant 0 : i32
        %dma_wait3A_1348 = arith.constant 0 : i32
        %dma_wait3A_1349 = tpu.memref_slice %arg6[%dma_wait3A_1341, %dma_wait3A_1342, %dma_wait3A_1343, %dma_wait3A_1347, %dma_wait3A_1348] : memref<200x8x32x8x128xf32, #tpu.memory_space<hbm>> -> memref<1x1x1x8x128xf32, #tpu.memory_space<hbm>>
        %dma_wait3A_1350 = tpu.memref_squeeze %dma_wait3A_1349 : memref<1x1x1x8x128xf32, #tpu.memory_space<hbm>> -> memref<8x128xf32, #tpu.memory_space<hbm>>
        %dma_wait3A_1351 = arith.constant 24 : i32
        %dma_wait3A_1352 = arith.constant 0 : i32
        %dma_wait3A_1353 = tpu.memref_slice %arg15[%dma_wait3A_1351, %dma_wait3A_1352] : memref<64x129xf32, #tpu.memory_space<vmem>> -> memref<8x128xf32, #tpu.memory_space<vmem>>
        %dma_wait3A_1354 = arith.constant 0 : i32
        %dma_wait3A_1355 = arith.constant 0 : i32
        %dma_wait3A_1356 = tpu.memref_slice %arg6[%dma_wait3A_1341, %dma_wait3A_1342, %dma_wait3A_1343, %dma_wait3A_1354, %dma_wait3A_1355] : memref<200x8x32x8x128xf32, #tpu.memory_space<hbm>> -> memref<1x1x1x8x128xf32, #tpu.memory_space<hbm>>
        %dma_wait3A_1357 = tpu.memref_squeeze %dma_wait3A_1356 : memref<1x1x1x8x128xf32, #tpu.memory_space<hbm>> -> memref<8x128xf32, #tpu.memory_space<hbm>>
        tpu.wait_dma2 semaphore(%arg23 : memref<!tpu.dma_semaphore, #tpu.memory_space<semaphore_mem>>) src(%dma_wait3A_1357 : memref<8x128xf32, #tpu.memory_space<hbm>>) dst(%dma_wait3A_1353 : memref<8x128xf32, #tpu.memory_space<vmem>>)
        %dma_wait3A_1358 = arith.constant 0 : i32
        %dma_wait3A_1359 = arith.constant 4 : i32
        %dma_wait3A_1360 = arith.constant 0 : i32
        %dma_wait3A_1361 = arith.constant 32 : i32
        %dma_wait3A_1362 = arith.constant 0 : i32
        %dma_wait3A_1363 = tpu.memref_slice %arg15[%dma_wait3A_1361, %dma_wait3A_1362] : memref<64x129xf32, #tpu.memory_space<vmem>> -> memref<8x128xf32, #tpu.memory_space<vmem>>
        %dma_wait3A_1364 = arith.constant 0 : i32
        %dma_wait3A_1365 = arith.constant 0 : i32
        %dma_wait3A_1366 = tpu.memref_slice %arg6[%dma_wait3A_1358, %dma_wait3A_1359, %dma_wait3A_1360, %dma_wait3A_1364, %dma_wait3A_1365] : memref<200x8x32x8x128xf32, #tpu.memory_space<hbm>> -> memref<1x1x1x8x128xf32, #tpu.memory_space<hbm>>
        %dma_wait3A_1367 = tpu.memref_squeeze %dma_wait3A_1366 : memref<1x1x1x8x128xf32, #tpu.memory_space<hbm>> -> memref<8x128xf32, #tpu.memory_space<hbm>>
        %dma_wait3A_1368 = arith.constant 32 : i32
        %dma_wait3A_1369 = arith.constant 0 : i32
        %dma_wait3A_1370 = tpu.memref_slice %arg15[%dma_wait3A_1368, %dma_wait3A_1369] : memref<64x129xf32, #tpu.memory_space<vmem>> -> memref<8x128xf32, #tpu.memory_space<vmem>>
        %dma_wait3A_1371 = arith.constant 0 : i32
        %dma_wait3A_1372 = arith.constant 0 : i32
        %dma_wait3A_1373 = tpu.memref_slice %arg6[%dma_wait3A_1358, %dma_wait3A_1359, %dma_wait3A_1360, %dma_wait3A_1371, %dma_wait3A_1372] : memref<200x8x32x8x128xf32, #tpu.memory_space<hbm>> -> memref<1x1x1x8x128xf32, #tpu.memory_space<hbm>>
        %dma_wait3A_1374 = tpu.memref_squeeze %dma_wait3A_1373 : memref<1x1x1x8x128xf32, #tpu.memory_space<hbm>> -> memref<8x128xf32, #tpu.memory_space<hbm>>
        tpu.wait_dma2 semaphore(%arg23 : memref<!tpu.dma_semaphore, #tpu.memory_space<semaphore_mem>>) src(%dma_wait3A_1374 : memref<8x128xf32, #tpu.memory_space<hbm>>) dst(%dma_wait3A_1370 : memref<8x128xf32, #tpu.memory_space<vmem>>)
        %dma_wait3A_1375 = arith.constant 0 : i32
        %dma_wait3A_1376 = arith.constant 5 : i32
        %dma_wait3A_1377 = arith.constant 0 : i32
        %dma_wait3A_1378 = arith.constant 40 : i32
        %dma_wait3A_1379 = arith.constant 0 : i32
        %dma_wait3A_1380 = tpu.memref_slice %arg15[%dma_wait3A_1378, %dma_wait3A_1379] : memref<64x129xf32, #tpu.memory_space<vmem>> -> memref<8x128xf32, #tpu.memory_space<vmem>>
        %dma_wait3A_1381 = arith.constant 0 : i32
        %dma_wait3A_1382 = arith.constant 0 : i32
        %dma_wait3A_1383 = tpu.memref_slice %arg6[%dma_wait3A_1375, %dma_wait3A_1376, %dma_wait3A_1377, %dma_wait3A_1381, %dma_wait3A_1382] : memref<200x8x32x8x128xf32, #tpu.memory_space<hbm>> -> memref<1x1x1x8x128xf32, #tpu.memory_space<hbm>>
        %dma_wait3A_1384 = tpu.memref_squeeze %dma_wait3A_1383 : memref<1x1x1x8x128xf32, #tpu.memory_space<hbm>> -> memref<8x128xf32, #tpu.memory_space<hbm>>
        %dma_wait3A_1385 = arith.constant 40 : i32
        %dma_wait3A_1386 = arith.constant 0 : i32
        %dma_wait3A_1387 = tpu.memref_slice %arg15[%dma_wait3A_1385, %dma_wait3A_1386] : memref<64x129xf32, #tpu.memory_space<vmem>> -> memref<8x128xf32, #tpu.memory_space<vmem>>
        %dma_wait3A_1388 = arith.constant 0 : i32
        %dma_wait3A_1389 = arith.constant 0 : i32
        %dma_wait3A_1390 = tpu.memref_slice %arg6[%dma_wait3A_1375, %dma_wait3A_1376, %dma_wait3A_1377, %dma_wait3A_1388, %dma_wait3A_1389] : memref<200x8x32x8x128xf32, #tpu.memory_space<hbm>> -> memref<1x1x1x8x128xf32, #tpu.memory_space<hbm>>
        %dma_wait3A_1391 = tpu.memref_squeeze %dma_wait3A_1390 : memref<1x1x1x8x128xf32, #tpu.memory_space<hbm>> -> memref<8x128xf32, #tpu.memory_space<hbm>>
        tpu.wait_dma2 semaphore(%arg23 : memref<!tpu.dma_semaphore, #tpu.memory_space<semaphore_mem>>) src(%dma_wait3A_1391 : memref<8x128xf32, #tpu.memory_space<hbm>>) dst(%dma_wait3A_1387 : memref<8x128xf32, #tpu.memory_space<vmem>>)
        %dma_wait3A_1392 = arith.constant 0 : i32
        %dma_wait3A_1393 = arith.constant 6 : i32
        %dma_wait3A_1394 = arith.constant 0 : i32
        %dma_wait3A_1395 = arith.constant 48 : i32
        %dma_wait3A_1396 = arith.constant 0 : i32
        %dma_wait3A_1397 = tpu.memref_slice %arg15[%dma_wait3A_1395, %dma_wait3A_1396] : memref<64x129xf32, #tpu.memory_space<vmem>> -> memref<8x128xf32, #tpu.memory_space<vmem>>
        %dma_wait3A_1398 = arith.constant 0 : i32
        %dma_wait3A_1399 = arith.constant 0 : i32
        %dma_wait3A_1400 = tpu.memref_slice %arg6[%dma_wait3A_1392, %dma_wait3A_1393, %dma_wait3A_1394, %dma_wait3A_1398, %dma_wait3A_1399] : memref<200x8x32x8x128xf32, #tpu.memory_space<hbm>> -> memref<1x1x1x8x128xf32, #tpu.memory_space<hbm>>
        %dma_wait3A_1401 = tpu.memref_squeeze %dma_wait3A_1400 : memref<1x1x1x8x128xf32, #tpu.memory_space<hbm>> -> memref<8x128xf32, #tpu.memory_space<hbm>>
        %dma_wait3A_1402 = arith.constant 48 : i32
        %dma_wait3A_1403 = arith.constant 0 : i32
        %dma_wait3A_1404 = tpu.memref_slice %arg15[%dma_wait3A_1402, %dma_wait3A_1403] : memref<64x129xf32, #tpu.memory_space<vmem>> -> memref<8x128xf32, #tpu.memory_space<vmem>>
        %dma_wait3A_1405 = arith.constant 0 : i32
        %dma_wait3A_1406 = arith.constant 0 : i32
        %dma_wait3A_1407 = tpu.memref_slice %arg6[%dma_wait3A_1392, %dma_wait3A_1393, %dma_wait3A_1394, %dma_wait3A_1405, %dma_wait3A_1406] : memref<200x8x32x8x128xf32, #tpu.memory_space<hbm>> -> memref<1x1x1x8x128xf32, #tpu.memory_space<hbm>>
        %dma_wait3A_1408 = tpu.memref_squeeze %dma_wait3A_1407 : memref<1x1x1x8x128xf32, #tpu.memory_space<hbm>> -> memref<8x128xf32, #tpu.memory_space<hbm>>
        tpu.wait_dma2 semaphore(%arg23 : memref<!tpu.dma_semaphore, #tpu.memory_space<semaphore_mem>>) src(%dma_wait3A_1408 : memref<8x128xf32, #tpu.memory_space<hbm>>) dst(%dma_wait3A_1404 : memref<8x128xf32, #tpu.memory_space<vmem>>)
        %dma_wait3A_1409 = arith.constant 0 : i32
        %dma_wait3A_1410 = arith.constant 7 : i32
        %dma_wait3A_1411 = arith.constant 0 : i32
        %dma_wait3A_1412 = arith.constant 56 : i32
        %dma_wait3A_1413 = arith.constant 0 : i32
        %dma_wait3A_1414 = tpu.memref_slice %arg15[%dma_wait3A_1412, %dma_wait3A_1413] : memref<64x129xf32, #tpu.memory_space<vmem>> -> memref<8x128xf32, #tpu.memory_space<vmem>>
        %dma_wait3A_1415 = arith.constant 0 : i32
        %dma_wait3A_1416 = arith.constant 0 : i32
        %dma_wait3A_1417 = tpu.memref_slice %arg6[%dma_wait3A_1409, %dma_wait3A_1410, %dma_wait3A_1411, %dma_wait3A_1415, %dma_wait3A_1416] : memref<200x8x32x8x128xf32, #tpu.memory_space<hbm>> -> memref<1x1x1x8x128xf32, #tpu.memory_space<hbm>>
        %dma_wait3A_1418 = tpu.memref_squeeze %dma_wait3A_1417 : memref<1x1x1x8x128xf32, #tpu.memory_space<hbm>> -> memref<8x128xf32, #tpu.memory_space<hbm>>
        %dma_wait3A_1419 = arith.constant 56 : i32
        %dma_wait3A_1420 = arith.constant 0 : i32
        %dma_wait3A_1421 = tpu.memref_slice %arg15[%dma_wait3A_1419, %dma_wait3A_1420] : memref<64x129xf32, #tpu.memory_space<vmem>> -> memref<8x128xf32, #tpu.memory_space<vmem>>
        %dma_wait3A_1422 = arith.constant 0 : i32
        %dma_wait3A_1423 = arith.constant 0 : i32
        %dma_wait3A_1424 = tpu.memref_slice %arg6[%dma_wait3A_1409, %dma_wait3A_1410, %dma_wait3A_1411, %dma_wait3A_1422, %dma_wait3A_1423] : memref<200x8x32x8x128xf32, #tpu.memory_space<hbm>> -> memref<1x1x1x8x128xf32, #tpu.memory_space<hbm>>
        %dma_wait3A_1425 = tpu.memref_squeeze %dma_wait3A_1424 : memref<1x1x1x8x128xf32, #tpu.memory_space<hbm>> -> memref<8x128xf32, #tpu.memory_space<hbm>>
        tpu.wait_dma2 semaphore(%arg23 : memref<!tpu.dma_semaphore, #tpu.memory_space<semaphore_mem>>) src(%dma_wait3A_1425 : memref<8x128xf32, #tpu.memory_space<hbm>>) dst(%dma_wait3A_1421 : memref<8x128xf32, #tpu.memory_space<vmem>>)
      } else {
      }
      %get3A_776 = arith.index_cast %add3A_762 : i32 to index
      %get3A_777 = arith.constant 0 : index
      %get3A_778 = tpu.vector_load %arg8[%get3A_776, %get3A_777] {strides = array<i32>} : memref<200x64xf32, #tpu.memory_space<vmem>>, vector<16xf32>,
      %get3A_779 = arith.index_cast %add3A_762 : i32 to index
      %get3A_780 = arith.constant 16 : index
      %get3A_781 = tpu.vector_load %arg8[%get3A_779, %get3A_780] {strides = array<i32>} : memref<200x64xf32, #tpu.memory_space<vmem>>, vector<16xf32>,
      %get3A_782 = arith.index_cast %add3A_762 : i32 to index
      %get3A_783 = arith.constant 32 : index
      %get3A_784 = tpu.vector_load %arg8[%get3A_782, %get3A_783] {strides = array<i32>} : memref<200x64xf32, #tpu.memory_space<vmem>>, vector<16xf32>,
      %get3A_785 = arith.index_cast %add3A_762 : i32 to index
      %get3A_786 = arith.constant 48 : index
      %get3A_787 = tpu.vector_load %arg8[%get3A_785, %get3A_786] {strides = array<i32>} : memref<200x64xf32, #tpu.memory_space<vmem>>, vector<16xf32>,
      %get3A_788 = arith.constant 0 : i32
      %get3A_789 = arith.index_cast %get3A_788 : i32 to index
      %get3A_790 = arith.constant 0 : index
      %get3A_791 = tpu.vector_load %arg9[%get3A_789, %get3A_790] {strides = array<i32>} : memref<5x16xi32, #tpu.memory_space<vmem>>, vector<16xi32>,
      %get3A_792 = arith.constant 1 : i32
      %get3A_793 = arith.index_cast %get3A_792 : i32 to index
      %get3A_794 = arith.constant 0 : index
      %get3A_795 = tpu.vector_load %arg9[%get3A_793, %get3A_794] {strides = array<i32>} : memref<5x16xi32, #tpu.memory_space<vmem>>, vector<16xi32>,
      %get3A_796 = arith.constant 2 : i32
      %get3A_797 = arith.index_cast %get3A_796 : i32 to index
      %get3A_798 = arith.constant 0 : index
      %get3A_799 = tpu.vector_load %arg9[%get3A_797, %get3A_798] {strides = array<i32>} : memref<5x16xi32, #tpu.memory_space<vmem>>, vector<16xi32>,
      %get3A_800 = arith.constant 3 : i32
      %get3A_801 = arith.index_cast %get3A_800 : i32 to index
      %get3A_802 = arith.constant 0 : index
      %get3A_803 = tpu.vector_load %arg9[%get3A_801, %get3A_802] {strides = array<i32>} : memref<5x16xi32, #tpu.memory_space<vmem>>, vector<16xi32>,
      %get3A_804 = arith.constant 4 : i32
      %get3A_805 = arith.index_cast %get3A_804 : i32 to index
      %get3A_806 = arith.constant 0 : index
      %get3A_807 = tpu.vector_load %arg9[%get3A_805, %get3A_806] {strides = array<i32>} : memref<5x16xi32, #tpu.memory_space<vmem>>, vector<16xi32>,
      %parallel_loop3A_808 = arith.constant 0 : i32
      %parallel_loop3A_809 = arith.constant 128 : i32
      %parallel_loop3A_810 = arith.constant 1 : i32
      scf.for %parallel_loop3A_1290 = %parallel_loop3A_808 to %parallel_loop3A_809 step %parallel_loop3A_810  : i32 {
        %parallel_loop3A_1291 = vector.broadcast %parallel_loop3A_1290 : i32 to vector<16xi32>
        %parallel_loop3A_1292 = arith.addi %get3A_807, %parallel_loop3A_1291 : vector<16xi32>
        %parallel_loop3A_1293 = arith.index_cast %parallel_loop3A_1290 : i32 to index
        %parallel_loop3A_1294 = arith.constant 0 : index
        %parallel_loop3A_1295 = tpu.vector_load %arg11[%parallel_loop3A_1293, %parallel_loop3A_1294] {strides = array<i32>} : memref<128x64xf32, #tpu.memory_space<vmem>>, vector<16xf32>,
        %parallel_loop3A_1296 = arith.addf %parallel_loop3A_1295, %get3A_778 : vector<16xf32>
        tpu.vector_store_idx %arg15[%get3A_791, %parallel_loop3A_1292], %parallel_loop3A_1296 : memref<64x129xf32, #tpu.memory_space<vmem>>[vector<16xi32>, vector<16xi32>], vector<16xf32>,
        %parallel_loop3A_1297 = arith.index_cast %parallel_loop3A_1290 : i32 to index
        %parallel_loop3A_1298 = arith.constant 16 : index
        %parallel_loop3A_1299 = tpu.vector_load %arg11[%parallel_loop3A_1297, %parallel_loop3A_1298] {strides = array<i32>} : memref<128x64xf32, #tpu.memory_space<vmem>>, vector<16xf32>,
        %parallel_loop3A_1300 = arith.addf %parallel_loop3A_1299, %get3A_781 : vector<16xf32>
        tpu.vector_store_idx %arg15[%get3A_795, %parallel_loop3A_1292], %parallel_loop3A_1300 : memref<64x129xf32, #tpu.memory_space<vmem>>[vector<16xi32>, vector<16xi32>], vector<16xf32>,
        %parallel_loop3A_1301 = arith.index_cast %parallel_loop3A_1290 : i32 to index
        %parallel_loop3A_1302 = arith.constant 32 : index
        %parallel_loop3A_1303 = tpu.vector_load %arg11[%parallel_loop3A_1301, %parallel_loop3A_1302] {strides = array<i32>} : memref<128x64xf32, #tpu.memory_space<vmem>>, vector<16xf32>,
        %parallel_loop3A_1304 = arith.addf %parallel_loop3A_1303, %get3A_784 : vector<16xf32>
        tpu.vector_store_idx %arg15[%get3A_799, %parallel_loop3A_1292], %parallel_loop3A_1304 : memref<64x129xf32, #tpu.memory_space<vmem>>[vector<16xi32>, vector<16xi32>], vector<16xf32>,
        %parallel_loop3A_1305 = arith.index_cast %parallel_loop3A_1290 : i32 to index
        %parallel_loop3A_1306 = arith.constant 48 : index
        %parallel_loop3A_1307 = tpu.vector_load %arg11[%parallel_loop3A_1305, %parallel_loop3A_1306] {strides = array<i32>} : memref<128x64xf32, #tpu.memory_space<vmem>>, vector<16xf32>,
        %parallel_loop3A_1308 = arith.addf %parallel_loop3A_1307, %get3A_787 : vector<16xf32>
        tpu.vector_store_idx %arg15[%get3A_803, %parallel_loop3A_1292], %parallel_loop3A_1308 : memref<64x129xf32, #tpu.memory_space<vmem>>[vector<16xi32>, vector<16xi32>], vector<16xf32>,
      } {sc.loop_unroll_factor = 4 : i64, sc.parallel_access}
      %lt3A_811 = arith.constant 49 : i32
      %lt3A_812 = arith.cmpi slt, %scan3A_587, %lt3A_811 : i32
      %convert_element_type3A_813 = arith.extui %lt3A_812 : i1 to i32
      %cond3A_814 = arith.constant 0 : i32
      %cond3A_815 = arith.cmpi ne, %convert_element_type3A_813, %cond3A_814 : i32
      scf.if %cond3A_815 {
        %add3A_1290 = arith.constant 4 : i32
        %add3A_1291 = arith.addi %add3A_762, %add3A_1290 : i32
        %jit3A = arith.constant 8 : i32
        %div3A = arith.divsi %add3A_1291, %jit3A : i32
        %sign3A = arith.constant 0 : i32
        %sign3A_1292 = arith.cmpi sgt, %add3A_1291, %sign3A : i32
        %sign3A_1293 = arith.extui %sign3A_1292 : i1 to i32
        %sign3A_1294 = arith.constant 0 : i32
        %sign3A_1295 = arith.cmpi slt, %add3A_1291, %sign3A_1294 : i32
        %sign3A_1296 = arith.extui %sign3A_1295 : i1 to i32
        %sign3A_1297 = arith.subi %sign3A_1293, %sign3A_1296 : i32
        %sign3A_1298 = arith.constant 0 : i32
        %sign3A_1299 = arith.cmpi sgt, %jit3A, %sign3A_1298 : i32
        %sign3A_1300 = arith.extui %sign3A_1299 : i1 to i32
        %sign3A_1301 = arith.constant 0 : i32
        %sign3A_1302 = arith.cmpi slt, %jit3A, %sign3A_1301 : i32
        %sign3A_1303 = arith.extui %sign3A_1302 : i1 to i32
        %sign3A_1304 = arith.subi %sign3A_1300, %sign3A_1303 : i32
        %ne3A = arith.cmpi ne, %sign3A_1297, %sign3A_1304 : i32
        %rem3A_1305 = arith.remsi %add3A_1291, %jit3A : i32
        %ne3A_1306 = arith.constant 0 : i32
        %ne3A_1307 = arith.cmpi ne, %rem3A_1305, %ne3A_1306 : i32
        %and3A = arith.andi %ne3A, %ne3A_1307 : i1
        %sub3A = arith.constant 1 : i32
        %sub3A_1308 = arith.subi %div3A, %sub3A : i32
        %select_n3A = arith.select %and3A, %sub3A_1308, %div3A : i32
        %rem3A_1309 = arith.constant 8 : i32
        %rem3A_1310 = arith.remsi %add3A_1291, %rem3A_1309 : i32
        %dma_start3A_1311 = arith.constant 0 : i32
        %dma_start3A_1312 = tpu.memref_slice %arg7[%select_n3A, %rem3A_1310, %dma_start3A_1311] : memref<25x8x128xi32, #tpu.memory_space<vmem>> -> memref<1x1x128xi32, #tpu.memory_space<vmem>>
        %dma_start3A_1313 = tpu.memref_squeeze %dma_start3A_1312 : memref<1x1x128xi32, #tpu.memory_space<vmem>> -> memref<128xi32, #tpu.memory_space<vmem>>
        %dma_start3A_1314 = arith.constant 0 : i32
        %dma_start3A_1315 = arith.constant 0 : i32
        %dma_start3A_1316 = tpu.memref_slice %arg3[%dma_start3A_1314, %dma_start3A_1315] : memref<100000x64xf32, #tpu.memory_space<hbm>> -> memref<100000x64xf32, #tpu.memory_space<hbm>>
        tpu.enqueue_indirect_dma source(%dma_start3A_1316 : memref<100000x64xf32, #tpu.memory_space<hbm>>) target(%arg11 : memref<128x64xf32, #tpu.memory_space<vmem>>) offsets(%dma_start3A_1313 : memref<128xi32, #tpu.memory_space<vmem>>) semaphore(%arg19 : memref<!tpu.dma_semaphore, #tpu.memory_space<semaphore_mem>>)
      } else {
      }
      %dma_start3A_816 = arith.constant 0 : i32
      %dma_start3A_817 = arith.constant 0 : i32
      %dma_start3A_818 = arith.constant 0 : i32
      %dma_start3A_819 = tpu.memref_slice %arg15[%dma_start3A_817, %dma_start3A_818] : memref<64x129xf32, #tpu.memory_space<vmem>> -> memref<8x128xf32, #tpu.memory_space<vmem>>
      %dma_start3A_820 = arith.constant 0 : i32
      %dma_start3A_821 = arith.constant 0 : i32
      %dma_start3A_822 = tpu.memref_slice %arg6[%add3A_762, %dma_start3A_816, %add3A, %dma_start3A_820, %dma_start3A_821] : memref<200x8x32x8x128xf32, #tpu.memory_space<hbm>> -> memref<1x1x1x8x128xf32, #tpu.memory_space<hbm>>
      %dma_start3A_823 = tpu.memref_squeeze %dma_start3A_822 : memref<1x1x1x8x128xf32, #tpu.memory_space<hbm>> -> memref<8x128xf32, #tpu.memory_space<hbm>>
      %dma_start3A_824 = arith.constant 0 : i32
      %dma_start3A_825 = arith.constant 0 : i32
      %dma_start3A_826 = tpu.memref_slice %arg6[%add3A_762, %dma_start3A_816, %add3A, %dma_start3A_824, %dma_start3A_825] : memref<200x8x32x8x128xf32, #tpu.memory_space<hbm>> -> memref<1x1x1x8x128xf32, #tpu.memory_space<hbm>>
      %dma_start3A_827 = tpu.memref_squeeze %dma_start3A_826 : memref<1x1x1x8x128xf32, #tpu.memory_space<hbm>> -> memref<8x128xf32, #tpu.memory_space<hbm>>
      %dma_start3A_828 = arith.constant 0 : i32
      %dma_start3A_829 = arith.constant 0 : i32
      %dma_start3A_830 = tpu.memref_slice %arg15[%dma_start3A_828, %dma_start3A_829] : memref<64x129xf32, #tpu.memory_space<vmem>> -> memref<8x128xf32, #tpu.memory_space<vmem>>
      tpu.enqueue_dma source(%dma_start3A_830 : memref<8x128xf32, #tpu.memory_space<vmem>>) target(%dma_start3A_827 : memref<8x128xf32, #tpu.memory_space<hbm>>) target_semaphore(%arg23 : memref<!tpu.dma_semaphore, #tpu.memory_space<semaphore_mem>>)
      %dma_start3A_831 = arith.constant 1 : i32
      %dma_start3A_832 = arith.constant 8 : i32
      %dma_start3A_833 = arith.constant 0 : i32
      %dma_start3A_834 = tpu.memref_slice %arg15[%dma_start3A_832, %dma_start3A_833] : memref<64x129xf32, #tpu.memory_space<vmem>> -> memref<8x128xf32, #tpu.memory_space<vmem>>
      %dma_start3A_835 = arith.constant 0 : i32
      %dma_start3A_836 = arith.constant 0 : i32
      %dma_start3A_837 = tpu.memref_slice %arg6[%add3A_762, %dma_start3A_831, %add3A, %dma_start3A_835, %dma_start3A_836] : memref<200x8x32x8x128xf32, #tpu.memory_space<hbm>> -> memref<1x1x1x8x128xf32, #tpu.memory_space<hbm>>
      %dma_start3A_838 = tpu.memref_squeeze %dma_start3A_837 : memref<1x1x1x8x128xf32, #tpu.memory_space<hbm>> -> memref<8x128xf32, #tpu.memory_space<hbm>>
      %dma_start3A_839 = arith.constant 0 : i32
      %dma_start3A_840 = arith.constant 0 : i32
      %dma_start3A_841 = tpu.memref_slice %arg6[%add3A_762, %dma_start3A_831, %add3A, %dma_start3A_839, %dma_start3A_840] : memref<200x8x32x8x128xf32, #tpu.memory_space<hbm>> -> memref<1x1x1x8x128xf32, #tpu.memory_space<hbm>>
      %dma_start3A_842 = tpu.memref_squeeze %dma_start3A_841 : memref<1x1x1x8x128xf32, #tpu.memory_space<hbm>> -> memref<8x128xf32, #tpu.memory_space<hbm>>
      %dma_start3A_843 = arith.constant 8 : i32
      %dma_start3A_844 = arith.constant 0 : i32
      %dma_start3A_845 = tpu.memref_slice %arg15[%dma_start3A_843, %dma_start3A_844] : memref<64x129xf32, #tpu.memory_space<vmem>> -> memref<8x128xf32, #tpu.memory_space<vmem>>
      tpu.enqueue_dma source(%dma_start3A_845 : memref<8x128xf32, #tpu.memory_space<vmem>>) target(%dma_start3A_842 : memref<8x128xf32, #tpu.memory_space<hbm>>) target_semaphore(%arg23 : memref<!tpu.dma_semaphore, #tpu.memory_space<semaphore_mem>>)
      %dma_start3A_846 = arith.constant 2 : i32
      %dma_start3A_847 = arith.constant 16 : i32
      %dma_start3A_848 = arith.constant 0 : i32
      %dma_start3A_849 = tpu.memref_slice %arg15[%dma_start3A_847, %dma_start3A_848] : memref<64x129xf32, #tpu.memory_space<vmem>> -> memref<8x128xf32, #tpu.memory_space<vmem>>
      %dma_start3A_850 = arith.constant 0 : i32
      %dma_start3A_851 = arith.constant 0 : i32
      %dma_start3A_852 = tpu.memref_slice %arg6[%add3A_762, %dma_start3A_846, %add3A, %dma_start3A_850, %dma_start3A_851] : memref<200x8x32x8x128xf32, #tpu.memory_space<hbm>> -> memref<1x1x1x8x128xf32, #tpu.memory_space<hbm>>
      %dma_start3A_853 = tpu.memref_squeeze %dma_start3A_852 : memref<1x1x1x8x128xf32, #tpu.memory_space<hbm>> -> memref<8x128xf32, #tpu.memory_space<hbm>>
      %dma_start3A_854 = arith.constant 0 : i32
      %dma_start3A_855 = arith.constant 0 : i32
      %dma_start3A_856 = tpu.memref_slice %arg6[%add3A_762, %dma_start3A_846, %add3A, %dma_start3A_854, %dma_start3A_855] : memref<200x8x32x8x128xf32, #tpu.memory_space<hbm>> -> memref<1x1x1x8x128xf32, #tpu.memory_space<hbm>>
      %dma_start3A_857 = tpu.memref_squeeze %dma_start3A_856 : memref<1x1x1x8x128xf32, #tpu.memory_space<hbm>> -> memref<8x128xf32, #tpu.memory_space<hbm>>
      %dma_start3A_858 = arith.constant 16 : i32
      %dma_start3A_859 = arith.constant 0 : i32
      %dma_start3A_860 = tpu.memref_slice %arg15[%dma_start3A_858, %dma_start3A_859] : memref<64x129xf32, #tpu.memory_space<vmem>> -> memref<8x128xf32, #tpu.memory_space<vmem>>
      tpu.enqueue_dma source(%dma_start3A_860 : memref<8x128xf32, #tpu.memory_space<vmem>>) target(%dma_start3A_857 : memref<8x128xf32, #tpu.memory_space<hbm>>) target_semaphore(%arg23 : memref<!tpu.dma_semaphore, #tpu.memory_space<semaphore_mem>>)
      %dma_start3A_861 = arith.constant 3 : i32
      %dma_start3A_862 = arith.constant 24 : i32
      %dma_start3A_863 = arith.constant 0 : i32
      %dma_start3A_864 = tpu.memref_slice %arg15[%dma_start3A_862, %dma_start3A_863] : memref<64x129xf32, #tpu.memory_space<vmem>> -> memref<8x128xf32, #tpu.memory_space<vmem>>
      %dma_start3A_865 = arith.constant 0 : i32
      %dma_start3A_866 = arith.constant 0 : i32
      %dma_start3A_867 = tpu.memref_slice %arg6[%add3A_762, %dma_start3A_861, %add3A, %dma_start3A_865, %dma_start3A_866] : memref<200x8x32x8x128xf32, #tpu.memory_space<hbm>> -> memref<1x1x1x8x128xf32, #tpu.memory_space<hbm>>
      %dma_start3A_868 = tpu.memref_squeeze %dma_start3A_867 : memref<1x1x1x8x128xf32, #tpu.memory_space<hbm>> -> memref<8x128xf32, #tpu.memory_space<hbm>>
      %dma_start3A_869 = arith.constant 0 : i32
      %dma_start3A_870 = arith.constant 0 : i32
      %dma_start3A_871 = tpu.memref_slice %arg6[%add3A_762, %dma_start3A_861, %add3A, %dma_start3A_869, %dma_start3A_870] : memref<200x8x32x8x128xf32, #tpu.memory_space<hbm>> -> memref<1x1x1x8x128xf32, #tpu.memory_space<hbm>>
      %dma_start3A_872 = tpu.memref_squeeze %dma_start3A_871 : memref<1x1x1x8x128xf32, #tpu.memory_space<hbm>> -> memref<8x128xf32, #tpu.memory_space<hbm>>
      %dma_start3A_873 = arith.constant 24 : i32
      %dma_start3A_874 = arith.constant 0 : i32
      %dma_start3A_875 = tpu.memref_slice %arg15[%dma_start3A_873, %dma_start3A_874] : memref<64x129xf32, #tpu.memory_space<vmem>> -> memref<8x128xf32, #tpu.memory_space<vmem>>
      tpu.enqueue_dma source(%dma_start3A_875 : memref<8x128xf32, #tpu.memory_space<vmem>>) target(%dma_start3A_872 : memref<8x128xf32, #tpu.memory_space<hbm>>) target_semaphore(%arg23 : memref<!tpu.dma_semaphore, #tpu.memory_space<semaphore_mem>>)
      %dma_start3A_876 = arith.constant 4 : i32
      %dma_start3A_877 = arith.constant 32 : i32
      %dma_start3A_878 = arith.constant 0 : i32
      %dma_start3A_879 = tpu.memref_slice %arg15[%dma_start3A_877, %dma_start3A_878] : memref<64x129xf32, #tpu.memory_space<vmem>> -> memref<8x128xf32, #tpu.memory_space<vmem>>
      %dma_start3A_880 = arith.constant 0 : i32
      %dma_start3A_881 = arith.constant 0 : i32
      %dma_start3A_882 = tpu.memref_slice %arg6[%add3A_762, %dma_start3A_876, %add3A, %dma_start3A_880, %dma_start3A_881] : memref<200x8x32x8x128xf32, #tpu.memory_space<hbm>> -> memref<1x1x1x8x128xf32, #tpu.memory_space<hbm>>
      %dma_start3A_883 = tpu.memref_squeeze %dma_start3A_882 : memref<1x1x1x8x128xf32, #tpu.memory_space<hbm>> -> memref<8x128xf32, #tpu.memory_space<hbm>>
      %dma_start3A_884 = arith.constant 0 : i32
      %dma_start3A_885 = arith.constant 0 : i32
      %dma_start3A_886 = tpu.memref_slice %arg6[%add3A_762, %dma_start3A_876, %add3A, %dma_start3A_884, %dma_start3A_885] : memref<200x8x32x8x128xf32, #tpu.memory_space<hbm>> -> memref<1x1x1x8x128xf32, #tpu.memory_space<hbm>>
      %dma_start3A_887 = tpu.memref_squeeze %dma_start3A_886 : memref<1x1x1x8x128xf32, #tpu.memory_space<hbm>> -> memref<8x128xf32, #tpu.memory_space<hbm>>
      %dma_start3A_888 = arith.constant 32 : i32
      %dma_start3A_889 = arith.constant 0 : i32
      %dma_start3A_890 = tpu.memref_slice %arg15[%dma_start3A_888, %dma_start3A_889] : memref<64x129xf32, #tpu.memory_space<vmem>> -> memref<8x128xf32, #tpu.memory_space<vmem>>
      tpu.enqueue_dma source(%dma_start3A_890 : memref<8x128xf32, #tpu.memory_space<vmem>>) target(%dma_start3A_887 : memref<8x128xf32, #tpu.memory_space<hbm>>) target_semaphore(%arg23 : memref<!tpu.dma_semaphore, #tpu.memory_space<semaphore_mem>>)
      %dma_start3A_891 = arith.constant 5 : i32
      %dma_start3A_892 = arith.constant 40 : i32
      %dma_start3A_893 = arith.constant 0 : i32
      %dma_start3A_894 = tpu.memref_slice %arg15[%dma_start3A_892, %dma_start3A_893] : memref<64x129xf32, #tpu.memory_space<vmem>> -> memref<8x128xf32, #tpu.memory_space<vmem>>
      %dma_start3A_895 = arith.constant 0 : i32
      %dma_start3A_896 = arith.constant 0 : i32
      %dma_start3A_897 = tpu.memref_slice %arg6[%add3A_762, %dma_start3A_891, %add3A, %dma_start3A_895, %dma_start3A_896] : memref<200x8x32x8x128xf32, #tpu.memory_space<hbm>> -> memref<1x1x1x8x128xf32, #tpu.memory_space<hbm>>
      %dma_start3A_898 = tpu.memref_squeeze %dma_start3A_897 : memref<1x1x1x8x128xf32, #tpu.memory_space<hbm>> -> memref<8x128xf32, #tpu.memory_space<hbm>>
      %dma_start3A_899 = arith.constant 0 : i32
      %dma_start3A_900 = arith.constant 0 : i32
      %dma_start3A_901 = tpu.memref_slice %arg6[%add3A_762, %dma_start3A_891, %add3A, %dma_start3A_899, %dma_start3A_900] : memref<200x8x32x8x128xf32, #tpu.memory_space<hbm>> -> memref<1x1x1x8x128xf32, #tpu.memory_space<hbm>>
      %dma_start3A_902 = tpu.memref_squeeze %dma_start3A_901 : memref<1x1x1x8x128xf32, #tpu.memory_space<hbm>> -> memref<8x128xf32, #tpu.memory_space<hbm>>
      %dma_start3A_903 = arith.constant 40 : i32
      %dma_start3A_904 = arith.constant 0 : i32
      %dma_start3A_905 = tpu.memref_slice %arg15[%dma_start3A_903, %dma_start3A_904] : memref<64x129xf32, #tpu.memory_space<vmem>> -> memref<8x128xf32, #tpu.memory_space<vmem>>
      tpu.enqueue_dma source(%dma_start3A_905 : memref<8x128xf32, #tpu.memory_space<vmem>>) target(%dma_start3A_902 : memref<8x128xf32, #tpu.memory_space<hbm>>) target_semaphore(%arg23 : memref<!tpu.dma_semaphore, #tpu.memory_space<semaphore_mem>>)
      %dma_start3A_906 = arith.constant 6 : i32
      %dma_start3A_907 = arith.constant 48 : i32
      %dma_start3A_908 = arith.constant 0 : i32
      %dma_start3A_909 = tpu.memref_slice %arg15[%dma_start3A_907, %dma_start3A_908] : memref<64x129xf32, #tpu.memory_space<vmem>> -> memref<8x128xf32, #tpu.memory_space<vmem>>
      %dma_start3A_910 = arith.constant 0 : i32
      %dma_start3A_911 = arith.constant 0 : i32
      %dma_start3A_912 = tpu.memref_slice %arg6[%add3A_762, %dma_start3A_906, %add3A, %dma_start3A_910, %dma_start3A_911] : memref<200x8x32x8x128xf32, #tpu.memory_space<hbm>> -> memref<1x1x1x8x128xf32, #tpu.memory_space<hbm>>
      %dma_start3A_913 = tpu.memref_squeeze %dma_start3A_912 : memref<1x1x1x8x128xf32, #tpu.memory_space<hbm>> -> memref<8x128xf32, #tpu.memory_space<hbm>>
      %dma_start3A_914 = arith.constant 0 : i32
      %dma_start3A_915 = arith.constant 0 : i32
      %dma_start3A_916 = tpu.memref_slice %arg6[%add3A_762, %dma_start3A_906, %add3A, %dma_start3A_914, %dma_start3A_915] : memref<200x8x32x8x128xf32, #tpu.memory_space<hbm>> -> memref<1x1x1x8x128xf32, #tpu.memory_space<hbm>>
      %dma_start3A_917 = tpu.memref_squeeze %dma_start3A_916 : memref<1x1x1x8x128xf32, #tpu.memory_space<hbm>> -> memref<8x128xf32, #tpu.memory_space<hbm>>
      %dma_start3A_918 = arith.constant 48 : i32
      %dma_start3A_919 = arith.constant 0 : i32
      %dma_start3A_920 = tpu.memref_slice %arg15[%dma_start3A_918, %dma_start3A_919] : memref<64x129xf32, #tpu.memory_space<vmem>> -> memref<8x128xf32, #tpu.memory_space<vmem>>
      tpu.enqueue_dma source(%dma_start3A_920 : memref<8x128xf32, #tpu.memory_space<vmem>>) target(%dma_start3A_917 : memref<8x128xf32, #tpu.memory_space<hbm>>) target_semaphore(%arg23 : memref<!tpu.dma_semaphore, #tpu.memory_space<semaphore_mem>>)
      %dma_start3A_921 = arith.constant 7 : i32
      %dma_start3A_922 = arith.constant 56 : i32
      %dma_start3A_923 = arith.constant 0 : i32
      %dma_start3A_924 = tpu.memref_slice %arg15[%dma_start3A_922, %dma_start3A_923] : memref<64x129xf32, #tpu.memory_space<vmem>> -> memref<8x128xf32, #tpu.memory_space<vmem>>
      %dma_start3A_925 = arith.constant 0 : i32
      %dma_start3A_926 = arith.constant 0 : i32
      %dma_start3A_927 = tpu.memref_slice %arg6[%add3A_762, %dma_start3A_921, %add3A, %dma_start3A_925, %dma_start3A_926] : memref<200x8x32x8x128xf32, #tpu.memory_space<hbm>> -> memref<1x1x1x8x128xf32, #tpu.memory_space<hbm>>
      %dma_start3A_928 = tpu.memref_squeeze %dma_start3A_927 : memref<1x1x1x8x128xf32, #tpu.memory_space<hbm>> -> memref<8x128xf32, #tpu.memory_space<hbm>>
      %dma_start3A_929 = arith.constant 0 : i32
      %dma_start3A_930 = arith.constant 0 : i32
      %dma_start3A_931 = tpu.memref_slice %arg6[%add3A_762, %dma_start3A_921, %add3A, %dma_start3A_929, %dma_start3A_930] : memref<200x8x32x8x128xf32, #tpu.memory_space<hbm>> -> memref<1x1x1x8x128xf32, #tpu.memory_space<hbm>>
      %dma_start3A_932 = tpu.memref_squeeze %dma_start3A_931 : memref<1x1x1x8x128xf32, #tpu.memory_space<hbm>> -> memref<8x128xf32, #tpu.memory_space<hbm>>
      %dma_start3A_933 = arith.constant 56 : i32
      %dma_start3A_934 = arith.constant 0 : i32
      %dma_start3A_935 = tpu.memref_slice %arg15[%dma_start3A_933, %dma_start3A_934] : memref<64x129xf32, #tpu.memory_space<vmem>> -> memref<8x128xf32, #tpu.memory_space<vmem>>
      tpu.enqueue_dma source(%dma_start3A_935 : memref<8x128xf32, #tpu.memory_space<vmem>>) target(%dma_start3A_932 : memref<8x128xf32, #tpu.memory_space<hbm>>) target_semaphore(%arg23 : memref<!tpu.dma_semaphore, #tpu.memory_space<semaphore_mem>>)
      %mul3A_936 = arith.constant 4 : i32
      %mul3A_937 = arith.muli %mul3A_936, %scan3A_587 : i32
      %add3A_938 = arith.constant 2 : i32
      %add3A_939 = arith.addi %mul3A_937, %add3A_938 : i32
      %dma_wait3A_940 = arith.constant 0 : i32
      %dma_wait3A_941 = arith.constant 0 : i32
      %dma_wait3A_942 = arith.constant 0 : i32
      %dma_wait3A_943 = tpu.memref_slice %arg7[%dma_wait3A_940, %dma_wait3A_941, %dma_wait3A_942] : memref<25x8x128xi32, #tpu.memory_space<vmem>> -> memref<1x1x128xi32, #tpu.memory_space<vmem>>
      %dma_wait3A_944 = tpu.memref_squeeze %dma_wait3A_943 : memref<1x1x128xi32, #tpu.memory_space<vmem>> -> memref<128xi32, #tpu.memory_space<vmem>>
      %dma_wait3A_945 = arith.constant 0 : i32
      %dma_wait3A_946 = arith.constant 0 : i32
      %dma_wait3A_947 = tpu.memref_slice %arg3[%dma_wait3A_945, %dma_wait3A_946] : memref<100000x64xf32, #tpu.memory_space<hbm>> -> memref<100000x64xf32, #tpu.memory_space<hbm>>
      tpu.wait_indirect_dma semaphore(%arg20 : memref<!tpu.dma_semaphore, #tpu.memory_space<semaphore_mem>>) src(%dma_wait3A_947 : memref<100000x64xf32, #tpu.memory_space<hbm>>) dst(%arg12 : memref<128x64xf32, #tpu.memory_space<vmem>>)
      %gt3A_948 = arith.constant 0 : i32
      %gt3A_949 = arith.cmpi sgt, %scan3A_587, %gt3A_948 : i32
      %convert_element_type3A_950 = arith.extui %gt3A_949 : i1 to i32
      %cond3A_951 = arith.constant 0 : i32
      %cond3A_952 = arith.cmpi ne, %convert_element_type3A_950, %cond3A_951 : i32
      scf.if %cond3A_952 {
        %dma_wait3A_1290 = arith.constant 0 : i32
        %dma_wait3A_1291 = arith.constant 0 : i32
        %dma_wait3A_1292 = arith.constant 0 : i32
        %dma_wait3A_1293 = arith.constant 0 : i32
        %dma_wait3A_1294 = arith.constant 0 : i32
        %dma_wait3A_1295 = tpu.memref_slice %arg16[%dma_wait3A_1293, %dma_wait3A_1294] : memref<64x129xf32, #tpu.memory_space<vmem>> -> memref<8x128xf32, #tpu.memory_space<vmem>>
        %dma_wait3A_1296 = arith.constant 0 : i32
        %dma_wait3A_1297 = arith.constant 0 : i32
        %dma_wait3A_1298 = tpu.memref_slice %arg6[%dma_wait3A_1290, %dma_wait3A_1291, %dma_wait3A_1292, %dma_wait3A_1296, %dma_wait3A_1297] : memref<200x8x32x8x128xf32, #tpu.memory_space<hbm>> -> memref<1x1x1x8x128xf32, #tpu.memory_space<hbm>>
        %dma_wait3A_1299 = tpu.memref_squeeze %dma_wait3A_1298 : memref<1x1x1x8x128xf32, #tpu.memory_space<hbm>> -> memref<8x128xf32, #tpu.memory_space<hbm>>
        %dma_wait3A_1300 = arith.constant 0 : i32
        %dma_wait3A_1301 = arith.constant 0 : i32
        %dma_wait3A_1302 = tpu.memref_slice %arg16[%dma_wait3A_1300, %dma_wait3A_1301] : memref<64x129xf32, #tpu.memory_space<vmem>> -> memref<8x128xf32, #tpu.memory_space<vmem>>
        %dma_wait3A_1303 = arith.constant 0 : i32
        %dma_wait3A_1304 = arith.constant 0 : i32
        %dma_wait3A_1305 = tpu.memref_slice %arg6[%dma_wait3A_1290, %dma_wait3A_1291, %dma_wait3A_1292, %dma_wait3A_1303, %dma_wait3A_1304] : memref<200x8x32x8x128xf32, #tpu.memory_space<hbm>> -> memref<1x1x1x8x128xf32, #tpu.memory_space<hbm>>
        %dma_wait3A_1306 = tpu.memref_squeeze %dma_wait3A_1305 : memref<1x1x1x8x128xf32, #tpu.memory_space<hbm>> -> memref<8x128xf32, #tpu.memory_space<hbm>>
        tpu.wait_dma2 semaphore(%arg24 : memref<!tpu.dma_semaphore, #tpu.memory_space<semaphore_mem>>) src(%dma_wait3A_1306 : memref<8x128xf32, #tpu.memory_space<hbm>>) dst(%dma_wait3A_1302 : memref<8x128xf32, #tpu.memory_space<vmem>>)
        %dma_wait3A_1307 = arith.constant 0 : i32
        %dma_wait3A_1308 = arith.constant 1 : i32
        %dma_wait3A_1309 = arith.constant 0 : i32
        %dma_wait3A_1310 = arith.constant 8 : i32
        %dma_wait3A_1311 = arith.constant 0 : i32
        %dma_wait3A_1312 = tpu.memref_slice %arg16[%dma_wait3A_1310, %dma_wait3A_1311] : memref<64x129xf32, #tpu.memory_space<vmem>> -> memref<8x128xf32, #tpu.memory_space<vmem>>
        %dma_wait3A_1313 = arith.constant 0 : i32
        %dma_wait3A_1314 = arith.constant 0 : i32
        %dma_wait3A_1315 = tpu.memref_slice %arg6[%dma_wait3A_1307, %dma_wait3A_1308, %dma_wait3A_1309, %dma_wait3A_1313, %dma_wait3A_1314] : memref<200x8x32x8x128xf32, #tpu.memory_space<hbm>> -> memref<1x1x1x8x128xf32, #tpu.memory_space<hbm>>
        %dma_wait3A_1316 = tpu.memref_squeeze %dma_wait3A_1315 : memref<1x1x1x8x128xf32, #tpu.memory_space<hbm>> -> memref<8x128xf32, #tpu.memory_space<hbm>>
        %dma_wait3A_1317 = arith.constant 8 : i32
        %dma_wait3A_1318 = arith.constant 0 : i32
        %dma_wait3A_1319 = tpu.memref_slice %arg16[%dma_wait3A_1317, %dma_wait3A_1318] : memref<64x129xf32, #tpu.memory_space<vmem>> -> memref<8x128xf32, #tpu.memory_space<vmem>>
        %dma_wait3A_1320 = arith.constant 0 : i32
        %dma_wait3A_1321 = arith.constant 0 : i32
        %dma_wait3A_1322 = tpu.memref_slice %arg6[%dma_wait3A_1307, %dma_wait3A_1308, %dma_wait3A_1309, %dma_wait3A_1320, %dma_wait3A_1321] : memref<200x8x32x8x128xf32, #tpu.memory_space<hbm>> -> memref<1x1x1x8x128xf32, #tpu.memory_space<hbm>>
        %dma_wait3A_1323 = tpu.memref_squeeze %dma_wait3A_1322 : memref<1x1x1x8x128xf32, #tpu.memory_space<hbm>> -> memref<8x128xf32, #tpu.memory_space<hbm>>
        tpu.wait_dma2 semaphore(%arg24 : memref<!tpu.dma_semaphore, #tpu.memory_space<semaphore_mem>>) src(%dma_wait3A_1323 : memref<8x128xf32, #tpu.memory_space<hbm>>) dst(%dma_wait3A_1319 : memref<8x128xf32, #tpu.memory_space<vmem>>)
        %dma_wait3A_1324 = arith.constant 0 : i32
        %dma_wait3A_1325 = arith.constant 2 : i32
        %dma_wait3A_1326 = arith.constant 0 : i32
        %dma_wait3A_1327 = arith.constant 16 : i32
        %dma_wait3A_1328 = arith.constant 0 : i32
        %dma_wait3A_1329 = tpu.memref_slice %arg16[%dma_wait3A_1327, %dma_wait3A_1328] : memref<64x129xf32, #tpu.memory_space<vmem>> -> memref<8x128xf32, #tpu.memory_space<vmem>>
        %dma_wait3A_1330 = arith.constant 0 : i32
        %dma_wait3A_1331 = arith.constant 0 : i32
        %dma_wait3A_1332 = tpu.memref_slice %arg6[%dma_wait3A_1324, %dma_wait3A_1325, %dma_wait3A_1326, %dma_wait3A_1330, %dma_wait3A_1331] : memref<200x8x32x8x128xf32, #tpu.memory_space<hbm>> -> memref<1x1x1x8x128xf32, #tpu.memory_space<hbm>>
        %dma_wait3A_1333 = tpu.memref_squeeze %dma_wait3A_1332 : memref<1x1x1x8x128xf32, #tpu.memory_space<hbm>> -> memref<8x128xf32, #tpu.memory_space<hbm>>
        %dma_wait3A_1334 = arith.constant 16 : i32
        %dma_wait3A_1335 = arith.constant 0 : i32
        %dma_wait3A_1336 = tpu.memref_slice %arg16[%dma_wait3A_1334, %dma_wait3A_1335] : memref<64x129xf32, #tpu.memory_space<vmem>> -> memref<8x128xf32, #tpu.memory_space<vmem>>
        %dma_wait3A_1337 = arith.constant 0 : i32
        %dma_wait3A_1338 = arith.constant 0 : i32
        %dma_wait3A_1339 = tpu.memref_slice %arg6[%dma_wait3A_1324, %dma_wait3A_1325, %dma_wait3A_1326, %dma_wait3A_1337, %dma_wait3A_1338] : memref<200x8x32x8x128xf32, #tpu.memory_space<hbm>> -> memref<1x1x1x8x128xf32, #tpu.memory_space<hbm>>
        %dma_wait3A_1340 = tpu.memref_squeeze %dma_wait3A_1339 : memref<1x1x1x8x128xf32, #tpu.memory_space<hbm>> -> memref<8x128xf32, #tpu.memory_space<hbm>>
        tpu.wait_dma2 semaphore(%arg24 : memref<!tpu.dma_semaphore, #tpu.memory_space<semaphore_mem>>) src(%dma_wait3A_1340 : memref<8x128xf32, #tpu.memory_space<hbm>>) dst(%dma_wait3A_1336 : memref<8x128xf32, #tpu.memory_space<vmem>>)
        %dma_wait3A_1341 = arith.constant 0 : i32
        %dma_wait3A_1342 = arith.constant 3 : i32
        %dma_wait3A_1343 = arith.constant 0 : i32
        %dma_wait3A_1344 = arith.constant 24 : i32
        %dma_wait3A_1345 = arith.constant 0 : i32
        %dma_wait3A_1346 = tpu.memref_slice %arg16[%dma_wait3A_1344, %dma_wait3A_1345] : memref<64x129xf32, #tpu.memory_space<vmem>> -> memref<8x128xf32, #tpu.memory_space<vmem>>
        %dma_wait3A_1347 = arith.constant 0 : i32
        %dma_wait3A_1348 = arith.constant 0 : i32
        %dma_wait3A_1349 = tpu.memref_slice %arg6[%dma_wait3A_1341, %dma_wait3A_1342, %dma_wait3A_1343, %dma_wait3A_1347, %dma_wait3A_1348] : memref<200x8x32x8x128xf32, #tpu.memory_space<hbm>> -> memref<1x1x1x8x128xf32, #tpu.memory_space<hbm>>
        %dma_wait3A_1350 = tpu.memref_squeeze %dma_wait3A_1349 : memref<1x1x1x8x128xf32, #tpu.memory_space<hbm>> -> memref<8x128xf32, #tpu.memory_space<hbm>>
        %dma_wait3A_1351 = arith.constant 24 : i32
        %dma_wait3A_1352 = arith.constant 0 : i32
        %dma_wait3A_1353 = tpu.memref_slice %arg16[%dma_wait3A_1351, %dma_wait3A_1352] : memref<64x129xf32, #tpu.memory_space<vmem>> -> memref<8x128xf32, #tpu.memory_space<vmem>>
        %dma_wait3A_1354 = arith.constant 0 : i32
        %dma_wait3A_1355 = arith.constant 0 : i32
        %dma_wait3A_1356 = tpu.memref_slice %arg6[%dma_wait3A_1341, %dma_wait3A_1342, %dma_wait3A_1343, %dma_wait3A_1354, %dma_wait3A_1355] : memref<200x8x32x8x128xf32, #tpu.memory_space<hbm>> -> memref<1x1x1x8x128xf32, #tpu.memory_space<hbm>>
        %dma_wait3A_1357 = tpu.memref_squeeze %dma_wait3A_1356 : memref<1x1x1x8x128xf32, #tpu.memory_space<hbm>> -> memref<8x128xf32, #tpu.memory_space<hbm>>
        tpu.wait_dma2 semaphore(%arg24 : memref<!tpu.dma_semaphore, #tpu.memory_space<semaphore_mem>>) src(%dma_wait3A_1357 : memref<8x128xf32, #tpu.memory_space<hbm>>) dst(%dma_wait3A_1353 : memref<8x128xf32, #tpu.memory_space<vmem>>)
        %dma_wait3A_1358 = arith.constant 0 : i32
        %dma_wait3A_1359 = arith.constant 4 : i32
        %dma_wait3A_1360 = arith.constant 0 : i32
        %dma_wait3A_1361 = arith.constant 32 : i32
        %dma_wait3A_1362 = arith.constant 0 : i32
        %dma_wait3A_1363 = tpu.memref_slice %arg16[%dma_wait3A_1361, %dma_wait3A_1362] : memref<64x129xf32, #tpu.memory_space<vmem>> -> memref<8x128xf32, #tpu.memory_space<vmem>>
        %dma_wait3A_1364 = arith.constant 0 : i32
        %dma_wait3A_1365 = arith.constant 0 : i32
        %dma_wait3A_1366 = tpu.memref_slice %arg6[%dma_wait3A_1358, %dma_wait3A_1359, %dma_wait3A_1360, %dma_wait3A_1364, %dma_wait3A_1365] : memref<200x8x32x8x128xf32, #tpu.memory_space<hbm>> -> memref<1x1x1x8x128xf32, #tpu.memory_space<hbm>>
        %dma_wait3A_1367 = tpu.memref_squeeze %dma_wait3A_1366 : memref<1x1x1x8x128xf32, #tpu.memory_space<hbm>> -> memref<8x128xf32, #tpu.memory_space<hbm>>
        %dma_wait3A_1368 = arith.constant 32 : i32
        %dma_wait3A_1369 = arith.constant 0 : i32
        %dma_wait3A_1370 = tpu.memref_slice %arg16[%dma_wait3A_1368, %dma_wait3A_1369] : memref<64x129xf32, #tpu.memory_space<vmem>> -> memref<8x128xf32, #tpu.memory_space<vmem>>
        %dma_wait3A_1371 = arith.constant 0 : i32
        %dma_wait3A_1372 = arith.constant 0 : i32
        %dma_wait3A_1373 = tpu.memref_slice %arg6[%dma_wait3A_1358, %dma_wait3A_1359, %dma_wait3A_1360, %dma_wait3A_1371, %dma_wait3A_1372] : memref<200x8x32x8x128xf32, #tpu.memory_space<hbm>> -> memref<1x1x1x8x128xf32, #tpu.memory_space<hbm>>
        %dma_wait3A_1374 = tpu.memref_squeeze %dma_wait3A_1373 : memref<1x1x1x8x128xf32, #tpu.memory_space<hbm>> -> memref<8x128xf32, #tpu.memory_space<hbm>>
        tpu.wait_dma2 semaphore(%arg24 : memref<!tpu.dma_semaphore, #tpu.memory_space<semaphore_mem>>) src(%dma_wait3A_1374 : memref<8x128xf32, #tpu.memory_space<hbm>>) dst(%dma_wait3A_1370 : memref<8x128xf32, #tpu.memory_space<vmem>>)
        %dma_wait3A_1375 = arith.constant 0 : i32
        %dma_wait3A_1376 = arith.constant 5 : i32
        %dma_wait3A_1377 = arith.constant 0 : i32
        %dma_wait3A_1378 = arith.constant 40 : i32
        %dma_wait3A_1379 = arith.constant 0 : i32
        %dma_wait3A_1380 = tpu.memref_slice %arg16[%dma_wait3A_1378, %dma_wait3A_1379] : memref<64x129xf32, #tpu.memory_space<vmem>> -> memref<8x128xf32, #tpu.memory_space<vmem>>
        %dma_wait3A_1381 = arith.constant 0 : i32
        %dma_wait3A_1382 = arith.constant 0 : i32
        %dma_wait3A_1383 = tpu.memref_slice %arg6[%dma_wait3A_1375, %dma_wait3A_1376, %dma_wait3A_1377, %dma_wait3A_1381, %dma_wait3A_1382] : memref<200x8x32x8x128xf32, #tpu.memory_space<hbm>> -> memref<1x1x1x8x128xf32, #tpu.memory_space<hbm>>
        %dma_wait3A_1384 = tpu.memref_squeeze %dma_wait3A_1383 : memref<1x1x1x8x128xf32, #tpu.memory_space<hbm>> -> memref<8x128xf32, #tpu.memory_space<hbm>>
        %dma_wait3A_1385 = arith.constant 40 : i32
        %dma_wait3A_1386 = arith.constant 0 : i32
        %dma_wait3A_1387 = tpu.memref_slice %arg16[%dma_wait3A_1385, %dma_wait3A_1386] : memref<64x129xf32, #tpu.memory_space<vmem>> -> memref<8x128xf32, #tpu.memory_space<vmem>>
        %dma_wait3A_1388 = arith.constant 0 : i32
        %dma_wait3A_1389 = arith.constant 0 : i32
        %dma_wait3A_1390 = tpu.memref_slice %arg6[%dma_wait3A_1375, %dma_wait3A_1376, %dma_wait3A_1377, %dma_wait3A_1388, %dma_wait3A_1389] : memref<200x8x32x8x128xf32, #tpu.memory_space<hbm>> -> memref<1x1x1x8x128xf32, #tpu.memory_space<hbm>>
        %dma_wait3A_1391 = tpu.memref_squeeze %dma_wait3A_1390 : memref<1x1x1x8x128xf32, #tpu.memory_space<hbm>> -> memref<8x128xf32, #tpu.memory_space<hbm>>
        tpu.wait_dma2 semaphore(%arg24 : memref<!tpu.dma_semaphore, #tpu.memory_space<semaphore_mem>>) src(%dma_wait3A_1391 : memref<8x128xf32, #tpu.memory_space<hbm>>) dst(%dma_wait3A_1387 : memref<8x128xf32, #tpu.memory_space<vmem>>)
        %dma_wait3A_1392 = arith.constant 0 : i32
        %dma_wait3A_1393 = arith.constant 6 : i32
        %dma_wait3A_1394 = arith.constant 0 : i32
        %dma_wait3A_1395 = arith.constant 48 : i32
        %dma_wait3A_1396 = arith.constant 0 : i32
        %dma_wait3A_1397 = tpu.memref_slice %arg16[%dma_wait3A_1395, %dma_wait3A_1396] : memref<64x129xf32, #tpu.memory_space<vmem>> -> memref<8x128xf32, #tpu.memory_space<vmem>>
        %dma_wait3A_1398 = arith.constant 0 : i32
        %dma_wait3A_1399 = arith.constant 0 : i32
        %dma_wait3A_1400 = tpu.memref_slice %arg6[%dma_wait3A_1392, %dma_wait3A_1393, %dma_wait3A_1394, %dma_wait3A_1398, %dma_wait3A_1399] : memref<200x8x32x8x128xf32, #tpu.memory_space<hbm>> -> memref<1x1x1x8x128xf32, #tpu.memory_space<hbm>>
        %dma_wait3A_1401 = tpu.memref_squeeze %dma_wait3A_1400 : memref<1x1x1x8x128xf32, #tpu.memory_space<hbm>> -> memref<8x128xf32, #tpu.memory_space<hbm>>
        %dma_wait3A_1402 = arith.constant 48 : i32
        %dma_wait3A_1403 = arith.constant 0 : i32
        %dma_wait3A_1404 = tpu.memref_slice %arg16[%dma_wait3A_1402, %dma_wait3A_1403] : memref<64x129xf32, #tpu.memory_space<vmem>> -> memref<8x128xf32, #tpu.memory_space<vmem>>
        %dma_wait3A_1405 = arith.constant 0 : i32
        %dma_wait3A_1406 = arith.constant 0 : i32
        %dma_wait3A_1407 = tpu.memref_slice %arg6[%dma_wait3A_1392, %dma_wait3A_1393, %dma_wait3A_1394, %dma_wait3A_1405, %dma_wait3A_1406] : memref<200x8x32x8x128xf32, #tpu.memory_space<hbm>> -> memref<1x1x1x8x128xf32, #tpu.memory_space<hbm>>
        %dma_wait3A_1408 = tpu.memref_squeeze %dma_wait3A_1407 : memref<1x1x1x8x128xf32, #tpu.memory_space<hbm>> -> memref<8x128xf32, #tpu.memory_space<hbm>>
        tpu.wait_dma2 semaphore(%arg24 : memref<!tpu.dma_semaphore, #tpu.memory_space<semaphore_mem>>) src(%dma_wait3A_1408 : memref<8x128xf32, #tpu.memory_space<hbm>>) dst(%dma_wait3A_1404 : memref<8x128xf32, #tpu.memory_space<vmem>>)
        %dma_wait3A_1409 = arith.constant 0 : i32
        %dma_wait3A_1410 = arith.constant 7 : i32
        %dma_wait3A_1411 = arith.constant 0 : i32
        %dma_wait3A_1412 = arith.constant 56 : i32
        %dma_wait3A_1413 = arith.constant 0 : i32
        %dma_wait3A_1414 = tpu.memref_slice %arg16[%dma_wait3A_1412, %dma_wait3A_1413] : memref<64x129xf32, #tpu.memory_space<vmem>> -> memref<8x128xf32, #tpu.memory_space<vmem>>
        %dma_wait3A_1415 = arith.constant 0 : i32
        %dma_wait3A_1416 = arith.constant 0 : i32
        %dma_wait3A_1417 = tpu.memref_slice %arg6[%dma_wait3A_1409, %dma_wait3A_1410, %dma_wait3A_1411, %dma_wait3A_1415, %dma_wait3A_1416] : memref<200x8x32x8x128xf32, #tpu.memory_space<hbm>> -> memref<1x1x1x8x128xf32, #tpu.memory_space<hbm>>
        %dma_wait3A_1418 = tpu.memref_squeeze %dma_wait3A_1417 : memref<1x1x1x8x128xf32, #tpu.memory_space<hbm>> -> memref<8x128xf32, #tpu.memory_space<hbm>>
        %dma_wait3A_1419 = arith.constant 56 : i32
        %dma_wait3A_1420 = arith.constant 0 : i32
        %dma_wait3A_1421 = tpu.memref_slice %arg16[%dma_wait3A_1419, %dma_wait3A_1420] : memref<64x129xf32, #tpu.memory_space<vmem>> -> memref<8x128xf32, #tpu.memory_space<vmem>>
        %dma_wait3A_1422 = arith.constant 0 : i32
        %dma_wait3A_1423 = arith.constant 0 : i32
        %dma_wait3A_1424 = tpu.memref_slice %arg6[%dma_wait3A_1409, %dma_wait3A_1410, %dma_wait3A_1411, %dma_wait3A_1422, %dma_wait3A_1423] : memref<200x8x32x8x128xf32, #tpu.memory_space<hbm>> -> memref<1x1x1x8x128xf32, #tpu.memory_space<hbm>>
        %dma_wait3A_1425 = tpu.memref_squeeze %dma_wait3A_1424 : memref<1x1x1x8x128xf32, #tpu.memory_space<hbm>> -> memref<8x128xf32, #tpu.memory_space<hbm>>
        tpu.wait_dma2 semaphore(%arg24 : memref<!tpu.dma_semaphore, #tpu.memory_space<semaphore_mem>>) src(%dma_wait3A_1425 : memref<8x128xf32, #tpu.memory_space<hbm>>) dst(%dma_wait3A_1421 : memref<8x128xf32, #tpu.memory_space<vmem>>)
      } else {
      }
      %get3A_953 = arith.index_cast %add3A_939 : i32 to index
      %get3A_954 = arith.constant 0 : index
      %get3A_955 = tpu.vector_load %arg8[%get3A_953, %get3A_954] {strides = array<i32>} : memref<200x64xf32, #tpu.memory_space<vmem>>, vector<16xf32>,
      %get3A_956 = arith.index_cast %add3A_939 : i32 to index
      %get3A_957 = arith.constant 16 : index
      %get3A_958 = tpu.vector_load %arg8[%get3A_956, %get3A_957] {strides = array<i32>} : memref<200x64xf32, #tpu.memory_space<vmem>>, vector<16xf32>,
      %get3A_959 = arith.index_cast %add3A_939 : i32 to index
      %get3A_960 = arith.constant 32 : index
      %get3A_961 = tpu.vector_load %arg8[%get3A_959, %get3A_960] {strides = array<i32>} : memref<200x64xf32, #tpu.memory_space<vmem>>, vector<16xf32>,
      %get3A_962 = arith.index_cast %add3A_939 : i32 to index
      %get3A_963 = arith.constant 48 : index
      %get3A_964 = tpu.vector_load %arg8[%get3A_962, %get3A_963] {strides = array<i32>} : memref<200x64xf32, #tpu.memory_space<vmem>>, vector<16xf32>,
      %get3A_965 = arith.constant 0 : i32
      %get3A_966 = arith.index_cast %get3A_965 : i32 to index
      %get3A_967 = arith.constant 0 : index
      %get3A_968 = tpu.vector_load %arg9[%get3A_966, %get3A_967] {strides = array<i32>} : memref<5x16xi32, #tpu.memory_space<vmem>>, vector<16xi32>,
      %get3A_969 = arith.constant 1 : i32
      %get3A_970 = arith.index_cast %get3A_969 : i32 to index
      %get3A_971 = arith.constant 0 : index
      %get3A_972 = tpu.vector_load %arg9[%get3A_970, %get3A_971] {strides = array<i32>} : memref<5x16xi32, #tpu.memory_space<vmem>>, vector<16xi32>,
      %get3A_973 = arith.constant 2 : i32
      %get3A_974 = arith.index_cast %get3A_973 : i32 to index
      %get3A_975 = arith.constant 0 : index
      %get3A_976 = tpu.vector_load %arg9[%get3A_974, %get3A_975] {strides = array<i32>} : memref<5x16xi32, #tpu.memory_space<vmem>>, vector<16xi32>,
      %get3A_977 = arith.constant 3 : i32
      %get3A_978 = arith.index_cast %get3A_977 : i32 to index
      %get3A_979 = arith.constant 0 : index
      %get3A_980 = tpu.vector_load %arg9[%get3A_978, %get3A_979] {strides = array<i32>} : memref<5x16xi32, #tpu.memory_space<vmem>>, vector<16xi32>,
      %get3A_981 = arith.constant 4 : i32
      %get3A_982 = arith.index_cast %get3A_981 : i32 to index
      %get3A_983 = arith.constant 0 : index
      %get3A_984 = tpu.vector_load %arg9[%get3A_982, %get3A_983] {strides = array<i32>} : memref<5x16xi32, #tpu.memory_space<vmem>>, vector<16xi32>,
      %parallel_loop3A_985 = arith.constant 0 : i32
      %parallel_loop3A_986 = arith.constant 128 : i32
      %parallel_loop3A_987 = arith.constant 1 : i32
      scf.for %parallel_loop3A_1290 = %parallel_loop3A_985 to %parallel_loop3A_986 step %parallel_loop3A_987  : i32 {
        %parallel_loop3A_1291 = vector.broadcast %parallel_loop3A_1290 : i32 to vector<16xi32>
        %parallel_loop3A_1292 = arith.addi %get3A_984, %parallel_loop3A_1291 : vector<16xi32>
        %parallel_loop3A_1293 = arith.index_cast %parallel_loop3A_1290 : i32 to index
        %parallel_loop3A_1294 = arith.constant 0 : index
        %parallel_loop3A_1295 = tpu.vector_load %arg12[%parallel_loop3A_1293, %parallel_loop3A_1294] {strides = array<i32>} : memref<128x64xf32, #tpu.memory_space<vmem>>, vector<16xf32>,
        %parallel_loop3A_1296 = arith.addf %parallel_loop3A_1295, %get3A_955 : vector<16xf32>
        tpu.vector_store_idx %arg16[%get3A_968, %parallel_loop3A_1292], %parallel_loop3A_1296 : memref<64x129xf32, #tpu.memory_space<vmem>>[vector<16xi32>, vector<16xi32>], vector<16xf32>,
        %parallel_loop3A_1297 = arith.index_cast %parallel_loop3A_1290 : i32 to index
        %parallel_loop3A_1298 = arith.constant 16 : index
        %parallel_loop3A_1299 = tpu.vector_load %arg12[%parallel_loop3A_1297, %parallel_loop3A_1298] {strides = array<i32>} : memref<128x64xf32, #tpu.memory_space<vmem>>, vector<16xf32>,
        %parallel_loop3A_1300 = arith.addf %parallel_loop3A_1299, %get3A_958 : vector<16xf32>
        tpu.vector_store_idx %arg16[%get3A_972, %parallel_loop3A_1292], %parallel_loop3A_1300 : memref<64x129xf32, #tpu.memory_space<vmem>>[vector<16xi32>, vector<16xi32>], vector<16xf32>,
        %parallel_loop3A_1301 = arith.index_cast %parallel_loop3A_1290 : i32 to index
        %parallel_loop3A_1302 = arith.constant 32 : index
        %parallel_loop3A_1303 = tpu.vector_load %arg12[%parallel_loop3A_1301, %parallel_loop3A_1302] {strides = array<i32>} : memref<128x64xf32, #tpu.memory_space<vmem>>, vector<16xf32>,
        %parallel_loop3A_1304 = arith.addf %parallel_loop3A_1303, %get3A_961 : vector<16xf32>
        tpu.vector_store_idx %arg16[%get3A_976, %parallel_loop3A_1292], %parallel_loop3A_1304 : memref<64x129xf32, #tpu.memory_space<vmem>>[vector<16xi32>, vector<16xi32>], vector<16xf32>,
        %parallel_loop3A_1305 = arith.index_cast %parallel_loop3A_1290 : i32 to index
        %parallel_loop3A_1306 = arith.constant 48 : index
        %parallel_loop3A_1307 = tpu.vector_load %arg12[%parallel_loop3A_1305, %parallel_loop3A_1306] {strides = array<i32>} : memref<128x64xf32, #tpu.memory_space<vmem>>, vector<16xf32>,
        %parallel_loop3A_1308 = arith.addf %parallel_loop3A_1307, %get3A_964 : vector<16xf32>
        tpu.vector_store_idx %arg16[%get3A_980, %parallel_loop3A_1292], %parallel_loop3A_1308 : memref<64x129xf32, #tpu.memory_space<vmem>>[vector<16xi32>, vector<16xi32>], vector<16xf32>,
      } {sc.loop_unroll_factor = 4 : i64, sc.parallel_access}
      %lt3A_988 = arith.constant 49 : i32
      %lt3A_989 = arith.cmpi slt, %scan3A_587, %lt3A_988 : i32
      %convert_element_type3A_990 = arith.extui %lt3A_989 : i1 to i32
      %cond3A_991 = arith.constant 0 : i32
      %cond3A_992 = arith.cmpi ne, %convert_element_type3A_990, %cond3A_991 : i32
      scf.if %cond3A_992 {
        %add3A_1290 = arith.constant 4 : i32
        %add3A_1291 = arith.addi %add3A_939, %add3A_1290 : i32
        %jit3A = arith.constant 8 : i32
        %div3A = arith.divsi %add3A_1291, %jit3A : i32
        %sign3A = arith.constant 0 : i32
        %sign3A_1292 = arith.cmpi sgt, %add3A_1291, %sign3A : i32
        %sign3A_1293 = arith.extui %sign3A_1292 : i1 to i32
        %sign3A_1294 = arith.constant 0 : i32
        %sign3A_1295 = arith.cmpi slt, %add3A_1291, %sign3A_1294 : i32
        %sign3A_1296 = arith.extui %sign3A_1295 : i1 to i32
        %sign3A_1297 = arith.subi %sign3A_1293, %sign3A_1296 : i32
        %sign3A_1298 = arith.constant 0 : i32
        %sign3A_1299 = arith.cmpi sgt, %jit3A, %sign3A_1298 : i32
        %sign3A_1300 = arith.extui %sign3A_1299 : i1 to i32
        %sign3A_1301 = arith.constant 0 : i32
        %sign3A_1302 = arith.cmpi slt, %jit3A, %sign3A_1301 : i32
        %sign3A_1303 = arith.extui %sign3A_1302 : i1 to i32
        %sign3A_1304 = arith.subi %sign3A_1300, %sign3A_1303 : i32
        %ne3A = arith.cmpi ne, %sign3A_1297, %sign3A_1304 : i32
        %rem3A_1305 = arith.remsi %add3A_1291, %jit3A : i32
        %ne3A_1306 = arith.constant 0 : i32
        %ne3A_1307 = arith.cmpi ne, %rem3A_1305, %ne3A_1306 : i32
        %and3A = arith.andi %ne3A, %ne3A_1307 : i1
        %sub3A = arith.constant 1 : i32
        %sub3A_1308 = arith.subi %div3A, %sub3A : i32
        %select_n3A = arith.select %and3A, %sub3A_1308, %div3A : i32
        %rem3A_1309 = arith.constant 8 : i32
        %rem3A_1310 = arith.remsi %add3A_1291, %rem3A_1309 : i32
        %dma_start3A_1311 = arith.constant 0 : i32
        %dma_start3A_1312 = tpu.memref_slice %arg7[%select_n3A, %rem3A_1310, %dma_start3A_1311] : memref<25x8x128xi32, #tpu.memory_space<vmem>> -> memref<1x1x128xi32, #tpu.memory_space<vmem>>
        %dma_start3A_1313 = tpu.memref_squeeze %dma_start3A_1312 : memref<1x1x128xi32, #tpu.memory_space<vmem>> -> memref<128xi32, #tpu.memory_space<vmem>>
        %dma_start3A_1314 = arith.constant 0 : i32
        %dma_start3A_1315 = arith.constant 0 : i32
        %dma_start3A_1316 = tpu.memref_slice %arg3[%dma_start3A_1314, %dma_start3A_1315] : memref<100000x64xf32, #tpu.memory_space<hbm>> -> memref<100000x64xf32, #tpu.memory_space<hbm>>
        tpu.enqueue_indirect_dma source(%dma_start3A_1316 : memref<100000x64xf32, #tpu.memory_space<hbm>>) target(%arg12 : memref<128x64xf32, #tpu.memory_space<vmem>>) offsets(%dma_start3A_1313 : memref<128xi32, #tpu.memory_space<vmem>>) semaphore(%arg20 : memref<!tpu.dma_semaphore, #tpu.memory_space<semaphore_mem>>)
      } else {
      }
      %dma_start3A_993 = arith.constant 0 : i32
      %dma_start3A_994 = arith.constant 0 : i32
      %dma_start3A_995 = arith.constant 0 : i32
      %dma_start3A_996 = tpu.memref_slice %arg16[%dma_start3A_994, %dma_start3A_995] : memref<64x129xf32, #tpu.memory_space<vmem>> -> memref<8x128xf32, #tpu.memory_space<vmem>>
      %dma_start3A_997 = arith.constant 0 : i32
      %dma_start3A_998 = arith.constant 0 : i32
      %dma_start3A_999 = tpu.memref_slice %arg6[%add3A_939, %dma_start3A_993, %add3A, %dma_start3A_997, %dma_start3A_998] : memref<200x8x32x8x128xf32, #tpu.memory_space<hbm>> -> memref<1x1x1x8x128xf32, #tpu.memory_space<hbm>>
      %dma_start3A_1000 = tpu.memref_squeeze %dma_start3A_999 : memref<1x1x1x8x128xf32, #tpu.memory_space<hbm>> -> memref<8x128xf32, #tpu.memory_space<hbm>>
      %dma_start3A_1001 = arith.constant 0 : i32
      %dma_start3A_1002 = arith.constant 0 : i32
      %dma_start3A_1003 = tpu.memref_slice %arg6[%add3A_939, %dma_start3A_993, %add3A, %dma_start3A_1001, %dma_start3A_1002] : memref<200x8x32x8x128xf32, #tpu.memory_space<hbm>> -> memref<1x1x1x8x128xf32, #tpu.memory_space<hbm>>
      %dma_start3A_1004 = tpu.memref_squeeze %dma_start3A_1003 : memref<1x1x1x8x128xf32, #tpu.memory_space<hbm>> -> memref<8x128xf32, #tpu.memory_space<hbm>>
      %dma_start3A_1005 = arith.constant 0 : i32
      %dma_start3A_1006 = arith.constant 0 : i32
      %dma_start3A_1007 = tpu.memref_slice %arg16[%dma_start3A_1005, %dma_start3A_1006] : memref<64x129xf32, #tpu.memory_space<vmem>> -> memref<8x128xf32, #tpu.memory_space<vmem>>
      tpu.enqueue_dma source(%dma_start3A_1007 : memref<8x128xf32, #tpu.memory_space<vmem>>) target(%dma_start3A_1004 : memref<8x128xf32, #tpu.memory_space<hbm>>) target_semaphore(%arg24 : memref<!tpu.dma_semaphore, #tpu.memory_space<semaphore_mem>>)
      %dma_start3A_1008 = arith.constant 1 : i32
      %dma_start3A_1009 = arith.constant 8 : i32
      %dma_start3A_1010 = arith.constant 0 : i32
      %dma_start3A_1011 = tpu.memref_slice %arg16[%dma_start3A_1009, %dma_start3A_1010] : memref<64x129xf32, #tpu.memory_space<vmem>> -> memref<8x128xf32, #tpu.memory_space<vmem>>
      %dma_start3A_1012 = arith.constant 0 : i32
      %dma_start3A_1013 = arith.constant 0 : i32
      %dma_start3A_1014 = tpu.memref_slice %arg6[%add3A_939, %dma_start3A_1008, %add3A, %dma_start3A_1012, %dma_start3A_1013] : memref<200x8x32x8x128xf32, #tpu.memory_space<hbm>> -> memref<1x1x1x8x128xf32, #tpu.memory_space<hbm>>
      %dma_start3A_1015 = tpu.memref_squeeze %dma_start3A_1014 : memref<1x1x1x8x128xf32, #tpu.memory_space<hbm>> -> memref<8x128xf32, #tpu.memory_space<hbm>>
      %dma_start3A_1016 = arith.constant 0 : i32
      %dma_start3A_1017 = arith.constant 0 : i32
      %dma_start3A_1018 = tpu.memref_slice %arg6[%add3A_939, %dma_start3A_1008, %add3A, %dma_start3A_1016, %dma_start3A_1017] : memref<200x8x32x8x128xf32, #tpu.memory_space<hbm>> -> memref<1x1x1x8x128xf32, #tpu.memory_space<hbm>>
      %dma_start3A_1019 = tpu.memref_squeeze %dma_start3A_1018 : memref<1x1x1x8x128xf32, #tpu.memory_space<hbm>> -> memref<8x128xf32, #tpu.memory_space<hbm>>
      %dma_start3A_1020 = arith.constant 8 : i32
      %dma_start3A_1021 = arith.constant 0 : i32
      %dma_start3A_1022 = tpu.memref_slice %arg16[%dma_start3A_1020, %dma_start3A_1021] : memref<64x129xf32, #tpu.memory_space<vmem>> -> memref<8x128xf32, #tpu.memory_space<vmem>>
      tpu.enqueue_dma source(%dma_start3A_1022 : memref<8x128xf32, #tpu.memory_space<vmem>>) target(%dma_start3A_1019 : memref<8x128xf32, #tpu.memory_space<hbm>>) target_semaphore(%arg24 : memref<!tpu.dma_semaphore, #tpu.memory_space<semaphore_mem>>)
      %dma_start3A_1023 = arith.constant 2 : i32
      %dma_start3A_1024 = arith.constant 16 : i32
      %dma_start3A_1025 = arith.constant 0 : i32
      %dma_start3A_1026 = tpu.memref_slice %arg16[%dma_start3A_1024, %dma_start3A_1025] : memref<64x129xf32, #tpu.memory_space<vmem>> -> memref<8x128xf32, #tpu.memory_space<vmem>>
      %dma_start3A_1027 = arith.constant 0 : i32
      %dma_start3A_1028 = arith.constant 0 : i32
      %dma_start3A_1029 = tpu.memref_slice %arg6[%add3A_939, %dma_start3A_1023, %add3A, %dma_start3A_1027, %dma_start3A_1028] : memref<200x8x32x8x128xf32, #tpu.memory_space<hbm>> -> memref<1x1x1x8x128xf32, #tpu.memory_space<hbm>>
      %dma_start3A_1030 = tpu.memref_squeeze %dma_start3A_1029 : memref<1x1x1x8x128xf32, #tpu.memory_space<hbm>> -> memref<8x128xf32, #tpu.memory_space<hbm>>
      %dma_start3A_1031 = arith.constant 0 : i32
      %dma_start3A_1032 = arith.constant 0 : i32
      %dma_start3A_1033 = tpu.memref_slice %arg6[%add3A_939, %dma_start3A_1023, %add3A, %dma_start3A_1031, %dma_start3A_1032] : memref<200x8x32x8x128xf32, #tpu.memory_space<hbm>> -> memref<1x1x1x8x128xf32, #tpu.memory_space<hbm>>
      %dma_start3A_1034 = tpu.memref_squeeze %dma_start3A_1033 : memref<1x1x1x8x128xf32, #tpu.memory_space<hbm>> -> memref<8x128xf32, #tpu.memory_space<hbm>>
      %dma_start3A_1035 = arith.constant 16 : i32
      %dma_start3A_1036 = arith.constant 0 : i32
      %dma_start3A_1037 = tpu.memref_slice %arg16[%dma_start3A_1035, %dma_start3A_1036] : memref<64x129xf32, #tpu.memory_space<vmem>> -> memref<8x128xf32, #tpu.memory_space<vmem>>
      tpu.enqueue_dma source(%dma_start3A_1037 : memref<8x128xf32, #tpu.memory_space<vmem>>) target(%dma_start3A_1034 : memref<8x128xf32, #tpu.memory_space<hbm>>) target_semaphore(%arg24 : memref<!tpu.dma_semaphore, #tpu.memory_space<semaphore_mem>>)
      %dma_start3A_1038 = arith.constant 3 : i32
      %dma_start3A_1039 = arith.constant 24 : i32
      %dma_start3A_1040 = arith.constant 0 : i32
      %dma_start3A_1041 = tpu.memref_slice %arg16[%dma_start3A_1039, %dma_start3A_1040] : memref<64x129xf32, #tpu.memory_space<vmem>> -> memref<8x128xf32, #tpu.memory_space<vmem>>
      %dma_start3A_1042 = arith.constant 0 : i32
      %dma_start3A_1043 = arith.constant 0 : i32
      %dma_start3A_1044 = tpu.memref_slice %arg6[%add3A_939, %dma_start3A_1038, %add3A, %dma_start3A_1042, %dma_start3A_1043] : memref<200x8x32x8x128xf32, #tpu.memory_space<hbm>> -> memref<1x1x1x8x128xf32, #tpu.memory_space<hbm>>
      %dma_start3A_1045 = tpu.memref_squeeze %dma_start3A_1044 : memref<1x1x1x8x128xf32, #tpu.memory_space<hbm>> -> memref<8x128xf32, #tpu.memory_space<hbm>>
      %dma_start3A_1046 = arith.constant 0 : i32
      %dma_start3A_1047 = arith.constant 0 : i32
      %dma_start3A_1048 = tpu.memref_slice %arg6[%add3A_939, %dma_start3A_1038, %add3A, %dma_start3A_1046, %dma_start3A_1047] : memref<200x8x32x8x128xf32, #tpu.memory_space<hbm>> -> memref<1x1x1x8x128xf32, #tpu.memory_space<hbm>>
      %dma_start3A_1049 = tpu.memref_squeeze %dma_start3A_1048 : memref<1x1x1x8x128xf32, #tpu.memory_space<hbm>> -> memref<8x128xf32, #tpu.memory_space<hbm>>
      %dma_start3A_1050 = arith.constant 24 : i32
      %dma_start3A_1051 = arith.constant 0 : i32
      %dma_start3A_1052 = tpu.memref_slice %arg16[%dma_start3A_1050, %dma_start3A_1051] : memref<64x129xf32, #tpu.memory_space<vmem>> -> memref<8x128xf32, #tpu.memory_space<vmem>>
      tpu.enqueue_dma source(%dma_start3A_1052 : memref<8x128xf32, #tpu.memory_space<vmem>>) target(%dma_start3A_1049 : memref<8x128xf32, #tpu.memory_space<hbm>>) target_semaphore(%arg24 : memref<!tpu.dma_semaphore, #tpu.memory_space<semaphore_mem>>)
      %dma_start3A_1053 = arith.constant 4 : i32
      %dma_start3A_1054 = arith.constant 32 : i32
      %dma_start3A_1055 = arith.constant 0 : i32
      %dma_start3A_1056 = tpu.memref_slice %arg16[%dma_start3A_1054, %dma_start3A_1055] : memref<64x129xf32, #tpu.memory_space<vmem>> -> memref<8x128xf32, #tpu.memory_space<vmem>>
      %dma_start3A_1057 = arith.constant 0 : i32
      %dma_start3A_1058 = arith.constant 0 : i32
      %dma_start3A_1059 = tpu.memref_slice %arg6[%add3A_939, %dma_start3A_1053, %add3A, %dma_start3A_1057, %dma_start3A_1058] : memref<200x8x32x8x128xf32, #tpu.memory_space<hbm>> -> memref<1x1x1x8x128xf32, #tpu.memory_space<hbm>>
      %dma_start3A_1060 = tpu.memref_squeeze %dma_start3A_1059 : memref<1x1x1x8x128xf32, #tpu.memory_space<hbm>> -> memref<8x128xf32, #tpu.memory_space<hbm>>
      %dma_start3A_1061 = arith.constant 0 : i32
      %dma_start3A_1062 = arith.constant 0 : i32
      %dma_start3A_1063 = tpu.memref_slice %arg6[%add3A_939, %dma_start3A_1053, %add3A, %dma_start3A_1061, %dma_start3A_1062] : memref<200x8x32x8x128xf32, #tpu.memory_space<hbm>> -> memref<1x1x1x8x128xf32, #tpu.memory_space<hbm>>
      %dma_start3A_1064 = tpu.memref_squeeze %dma_start3A_1063 : memref<1x1x1x8x128xf32, #tpu.memory_space<hbm>> -> memref<8x128xf32, #tpu.memory_space<hbm>>
      %dma_start3A_1065 = arith.constant 32 : i32
      %dma_start3A_1066 = arith.constant 0 : i32
      %dma_start3A_1067 = tpu.memref_slice %arg16[%dma_start3A_1065, %dma_start3A_1066] : memref<64x129xf32, #tpu.memory_space<vmem>> -> memref<8x128xf32, #tpu.memory_space<vmem>>
      tpu.enqueue_dma source(%dma_start3A_1067 : memref<8x128xf32, #tpu.memory_space<vmem>>) target(%dma_start3A_1064 : memref<8x128xf32, #tpu.memory_space<hbm>>) target_semaphore(%arg24 : memref<!tpu.dma_semaphore, #tpu.memory_space<semaphore_mem>>)
      %dma_start3A_1068 = arith.constant 5 : i32
      %dma_start3A_1069 = arith.constant 40 : i32
      %dma_start3A_1070 = arith.constant 0 : i32
      %dma_start3A_1071 = tpu.memref_slice %arg16[%dma_start3A_1069, %dma_start3A_1070] : memref<64x129xf32, #tpu.memory_space<vmem>> -> memref<8x128xf32, #tpu.memory_space<vmem>>
      %dma_start3A_1072 = arith.constant 0 : i32
      %dma_start3A_1073 = arith.constant 0 : i32
      %dma_start3A_1074 = tpu.memref_slice %arg6[%add3A_939, %dma_start3A_1068, %add3A, %dma_start3A_1072, %dma_start3A_1073] : memref<200x8x32x8x128xf32, #tpu.memory_space<hbm>> -> memref<1x1x1x8x128xf32, #tpu.memory_space<hbm>>
      %dma_start3A_1075 = tpu.memref_squeeze %dma_start3A_1074 : memref<1x1x1x8x128xf32, #tpu.memory_space<hbm>> -> memref<8x128xf32, #tpu.memory_space<hbm>>
      %dma_start3A_1076 = arith.constant 0 : i32
      %dma_start3A_1077 = arith.constant 0 : i32
      %dma_start3A_1078 = tpu.memref_slice %arg6[%add3A_939, %dma_start3A_1068, %add3A, %dma_start3A_1076, %dma_start3A_1077] : memref<200x8x32x8x128xf32, #tpu.memory_space<hbm>> -> memref<1x1x1x8x128xf32, #tpu.memory_space<hbm>>
      %dma_start3A_1079 = tpu.memref_squeeze %dma_start3A_1078 : memref<1x1x1x8x128xf32, #tpu.memory_space<hbm>> -> memref<8x128xf32, #tpu.memory_space<hbm>>
      %dma_start3A_1080 = arith.constant 40 : i32
      %dma_start3A_1081 = arith.constant 0 : i32
      %dma_start3A_1082 = tpu.memref_slice %arg16[%dma_start3A_1080, %dma_start3A_1081] : memref<64x129xf32, #tpu.memory_space<vmem>> -> memref<8x128xf32, #tpu.memory_space<vmem>>
      tpu.enqueue_dma source(%dma_start3A_1082 : memref<8x128xf32, #tpu.memory_space<vmem>>) target(%dma_start3A_1079 : memref<8x128xf32, #tpu.memory_space<hbm>>) target_semaphore(%arg24 : memref<!tpu.dma_semaphore, #tpu.memory_space<semaphore_mem>>)
      %dma_start3A_1083 = arith.constant 6 : i32
      %dma_start3A_1084 = arith.constant 48 : i32
      %dma_start3A_1085 = arith.constant 0 : i32
      %dma_start3A_1086 = tpu.memref_slice %arg16[%dma_start3A_1084, %dma_start3A_1085] : memref<64x129xf32, #tpu.memory_space<vmem>> -> memref<8x128xf32, #tpu.memory_space<vmem>>
      %dma_start3A_1087 = arith.constant 0 : i32
      %dma_start3A_1088 = arith.constant 0 : i32
      %dma_start3A_1089 = tpu.memref_slice %arg6[%add3A_939, %dma_start3A_1083, %add3A, %dma_start3A_1087, %dma_start3A_1088] : memref<200x8x32x8x128xf32, #tpu.memory_space<hbm>> -> memref<1x1x1x8x128xf32, #tpu.memory_space<hbm>>
      %dma_start3A_1090 = tpu.memref_squeeze %dma_start3A_1089 : memref<1x1x1x8x128xf32, #tpu.memory_space<hbm>> -> memref<8x128xf32, #tpu.memory_space<hbm>>
      %dma_start3A_1091 = arith.constant 0 : i32
      %dma_start3A_1092 = arith.constant 0 : i32
      %dma_start3A_1093 = tpu.memref_slice %arg6[%add3A_939, %dma_start3A_1083, %add3A, %dma_start3A_1091, %dma_start3A_1092] : memref<200x8x32x8x128xf32, #tpu.memory_space<hbm>> -> memref<1x1x1x8x128xf32, #tpu.memory_space<hbm>>
      %dma_start3A_1094 = tpu.memref_squeeze %dma_start3A_1093 : memref<1x1x1x8x128xf32, #tpu.memory_space<hbm>> -> memref<8x128xf32, #tpu.memory_space<hbm>>
      %dma_start3A_1095 = arith.constant 48 : i32
      %dma_start3A_1096 = arith.constant 0 : i32
      %dma_start3A_1097 = tpu.memref_slice %arg16[%dma_start3A_1095, %dma_start3A_1096] : memref<64x129xf32, #tpu.memory_space<vmem>> -> memref<8x128xf32, #tpu.memory_space<vmem>>
      tpu.enqueue_dma source(%dma_start3A_1097 : memref<8x128xf32, #tpu.memory_space<vmem>>) target(%dma_start3A_1094 : memref<8x128xf32, #tpu.memory_space<hbm>>) target_semaphore(%arg24 : memref<!tpu.dma_semaphore, #tpu.memory_space<semaphore_mem>>)
      %dma_start3A_1098 = arith.constant 7 : i32
      %dma_start3A_1099 = arith.constant 56 : i32
      %dma_start3A_1100 = arith.constant 0 : i32
      %dma_start3A_1101 = tpu.memref_slice %arg16[%dma_start3A_1099, %dma_start3A_1100] : memref<64x129xf32, #tpu.memory_space<vmem>> -> memref<8x128xf32, #tpu.memory_space<vmem>>
      %dma_start3A_1102 = arith.constant 0 : i32
      %dma_start3A_1103 = arith.constant 0 : i32
      %dma_start3A_1104 = tpu.memref_slice %arg6[%add3A_939, %dma_start3A_1098, %add3A, %dma_start3A_1102, %dma_start3A_1103] : memref<200x8x32x8x128xf32, #tpu.memory_space<hbm>> -> memref<1x1x1x8x128xf32, #tpu.memory_space<hbm>>
      %dma_start3A_1105 = tpu.memref_squeeze %dma_start3A_1104 : memref<1x1x1x8x128xf32, #tpu.memory_space<hbm>> -> memref<8x128xf32, #tpu.memory_space<hbm>>
      %dma_start3A_1106 = arith.constant 0 : i32
      %dma_start3A_1107 = arith.constant 0 : i32
      %dma_start3A_1108 = tpu.memref_slice %arg6[%add3A_939, %dma_start3A_1098, %add3A, %dma_start3A_1106, %dma_start3A_1107] : memref<200x8x32x8x128xf32, #tpu.memory_space<hbm>> -> memref<1x1x1x8x128xf32, #tpu.memory_space<hbm>>
      %dma_start3A_1109 = tpu.memref_squeeze %dma_start3A_1108 : memref<1x1x1x8x128xf32, #tpu.memory_space<hbm>> -> memref<8x128xf32, #tpu.memory_space<hbm>>
      %dma_start3A_1110 = arith.constant 56 : i32
      %dma_start3A_1111 = arith.constant 0 : i32
      %dma_start3A_1112 = tpu.memref_slice %arg16[%dma_start3A_1110, %dma_start3A_1111] : memref<64x129xf32, #tpu.memory_space<vmem>> -> memref<8x128xf32, #tpu.memory_space<vmem>>
      tpu.enqueue_dma source(%dma_start3A_1112 : memref<8x128xf32, #tpu.memory_space<vmem>>) target(%dma_start3A_1109 : memref<8x128xf32, #tpu.memory_space<hbm>>) target_semaphore(%arg24 : memref<!tpu.dma_semaphore, #tpu.memory_space<semaphore_mem>>)
      %mul3A_1113 = arith.constant 4 : i32
      %mul3A_1114 = arith.muli %mul3A_1113, %scan3A_587 : i32
      %add3A_1115 = arith.constant 3 : i32
      %add3A_1116 = arith.addi %mul3A_1114, %add3A_1115 : i32
      %dma_wait3A_1117 = arith.constant 0 : i32
      %dma_wait3A_1118 = arith.constant 0 : i32
      %dma_wait3A_1119 = arith.constant 0 : i32
      %dma_wait3A_1120 = tpu.memref_slice %arg7[%dma_wait3A_1117, %dma_wait3A_1118, %dma_wait3A_1119] : memref<25x8x128xi32, #tpu.memory_space<vmem>> -> memref<1x1x128xi32, #tpu.memory_space<vmem>>
      %dma_wait3A_1121 = tpu.memref_squeeze %dma_wait3A_1120 : memref<1x1x128xi32, #tpu.memory_space<vmem>> -> memref<128xi32, #tpu.memory_space<vmem>>
      %dma_wait3A_1122 = arith.constant 0 : i32
      %dma_wait3A_1123 = arith.constant 0 : i32
      %dma_wait3A_1124 = tpu.memref_slice %arg3[%dma_wait3A_1122, %dma_wait3A_1123] : memref<100000x64xf32, #tpu.memory_space<hbm>> -> memref<100000x64xf32, #tpu.memory_space<hbm>>
      tpu.wait_indirect_dma semaphore(%arg21 : memref<!tpu.dma_semaphore, #tpu.memory_space<semaphore_mem>>) src(%dma_wait3A_1124 : memref<100000x64xf32, #tpu.memory_space<hbm>>) dst(%arg13 : memref<128x64xf32, #tpu.memory_space<vmem>>)
      %gt3A_1125 = arith.constant 0 : i32
      %gt3A_1126 = arith.cmpi sgt, %scan3A_587, %gt3A_1125 : i32
      %convert_element_type3A_1127 = arith.extui %gt3A_1126 : i1 to i32
      %cond3A_1128 = arith.constant 0 : i32
      %cond3A_1129 = arith.cmpi ne, %convert_element_type3A_1127, %cond3A_1128 : i32
      scf.if %cond3A_1129 {
        %dma_wait3A_1290 = arith.constant 0 : i32
        %dma_wait3A_1291 = arith.constant 0 : i32
        %dma_wait3A_1292 = arith.constant 0 : i32
        %dma_wait3A_1293 = arith.constant 0 : i32
        %dma_wait3A_1294 = arith.constant 0 : i32
        %dma_wait3A_1295 = tpu.memref_slice %arg17[%dma_wait3A_1293, %dma_wait3A_1294] : memref<64x129xf32, #tpu.memory_space<vmem>> -> memref<8x128xf32, #tpu.memory_space<vmem>>
        %dma_wait3A_1296 = arith.constant 0 : i32
        %dma_wait3A_1297 = arith.constant 0 : i32
        %dma_wait3A_1298 = tpu.memref_slice %arg6[%dma_wait3A_1290, %dma_wait3A_1291, %dma_wait3A_1292, %dma_wait3A_1296, %dma_wait3A_1297] : memref<200x8x32x8x128xf32, #tpu.memory_space<hbm>> -> memref<1x1x1x8x128xf32, #tpu.memory_space<hbm>>
        %dma_wait3A_1299 = tpu.memref_squeeze %dma_wait3A_1298 : memref<1x1x1x8x128xf32, #tpu.memory_space<hbm>> -> memref<8x128xf32, #tpu.memory_space<hbm>>
        %dma_wait3A_1300 = arith.constant 0 : i32
        %dma_wait3A_1301 = arith.constant 0 : i32
        %dma_wait3A_1302 = tpu.memref_slice %arg17[%dma_wait3A_1300, %dma_wait3A_1301] : memref<64x129xf32, #tpu.memory_space<vmem>> -> memref<8x128xf32, #tpu.memory_space<vmem>>
        %dma_wait3A_1303 = arith.constant 0 : i32
        %dma_wait3A_1304 = arith.constant 0 : i32
        %dma_wait3A_1305 = tpu.memref_slice %arg6[%dma_wait3A_1290, %dma_wait3A_1291, %dma_wait3A_1292, %dma_wait3A_1303, %dma_wait3A_1304] : memref<200x8x32x8x128xf32, #tpu.memory_space<hbm>> -> memref<1x1x1x8x128xf32, #tpu.memory_space<hbm>>
        %dma_wait3A_1306 = tpu.memref_squeeze %dma_wait3A_1305 : memref<1x1x1x8x128xf32, #tpu.memory_space<hbm>> -> memref<8x128xf32, #tpu.memory_space<hbm>>
        tpu.wait_dma2 semaphore(%arg25 : memref<!tpu.dma_semaphore, #tpu.memory_space<semaphore_mem>>) src(%dma_wait3A_1306 : memref<8x128xf32, #tpu.memory_space<hbm>>) dst(%dma_wait3A_1302 : memref<8x128xf32, #tpu.memory_space<vmem>>)
        %dma_wait3A_1307 = arith.constant 0 : i32
        %dma_wait3A_1308 = arith.constant 1 : i32
        %dma_wait3A_1309 = arith.constant 0 : i32
        %dma_wait3A_1310 = arith.constant 8 : i32
        %dma_wait3A_1311 = arith.constant 0 : i32
        %dma_wait3A_1312 = tpu.memref_slice %arg17[%dma_wait3A_1310, %dma_wait3A_1311] : memref<64x129xf32, #tpu.memory_space<vmem>> -> memref<8x128xf32, #tpu.memory_space<vmem>>
        %dma_wait3A_1313 = arith.constant 0 : i32
        %dma_wait3A_1314 = arith.constant 0 : i32
        %dma_wait3A_1315 = tpu.memref_slice %arg6[%dma_wait3A_1307, %dma_wait3A_1308, %dma_wait3A_1309, %dma_wait3A_1313, %dma_wait3A_1314] : memref<200x8x32x8x128xf32, #tpu.memory_space<hbm>> -> memref<1x1x1x8x128xf32, #tpu.memory_space<hbm>>
        %dma_wait3A_1316 = tpu.memref_squeeze %dma_wait3A_1315 : memref<1x1x1x8x128xf32, #tpu.memory_space<hbm>> -> memref<8x128xf32, #tpu.memory_space<hbm>>
        %dma_wait3A_1317 = arith.constant 8 : i32
        %dma_wait3A_1318 = arith.constant 0 : i32
        %dma_wait3A_1319 = tpu.memref_slice %arg17[%dma_wait3A_1317, %dma_wait3A_1318] : memref<64x129xf32, #tpu.memory_space<vmem>> -> memref<8x128xf32, #tpu.memory_space<vmem>>
        %dma_wait3A_1320 = arith.constant 0 : i32
        %dma_wait3A_1321 = arith.constant 0 : i32
        %dma_wait3A_1322 = tpu.memref_slice %arg6[%dma_wait3A_1307, %dma_wait3A_1308, %dma_wait3A_1309, %dma_wait3A_1320, %dma_wait3A_1321] : memref<200x8x32x8x128xf32, #tpu.memory_space<hbm>> -> memref<1x1x1x8x128xf32, #tpu.memory_space<hbm>>
        %dma_wait3A_1323 = tpu.memref_squeeze %dma_wait3A_1322 : memref<1x1x1x8x128xf32, #tpu.memory_space<hbm>> -> memref<8x128xf32, #tpu.memory_space<hbm>>
        tpu.wait_dma2 semaphore(%arg25 : memref<!tpu.dma_semaphore, #tpu.memory_space<semaphore_mem>>) src(%dma_wait3A_1323 : memref<8x128xf32, #tpu.memory_space<hbm>>) dst(%dma_wait3A_1319 : memref<8x128xf32, #tpu.memory_space<vmem>>)
        %dma_wait3A_1324 = arith.constant 0 : i32
        %dma_wait3A_1325 = arith.constant 2 : i32
        %dma_wait3A_1326 = arith.constant 0 : i32
        %dma_wait3A_1327 = arith.constant 16 : i32
        %dma_wait3A_1328 = arith.constant 0 : i32
        %dma_wait3A_1329 = tpu.memref_slice %arg17[%dma_wait3A_1327, %dma_wait3A_1328] : memref<64x129xf32, #tpu.memory_space<vmem>> -> memref<8x128xf32, #tpu.memory_space<vmem>>
        %dma_wait3A_1330 = arith.constant 0 : i32
        %dma_wait3A_1331 = arith.constant 0 : i32
        %dma_wait3A_1332 = tpu.memref_slice %arg6[%dma_wait3A_1324, %dma_wait3A_1325, %dma_wait3A_1326, %dma_wait3A_1330, %dma_wait3A_1331] : memref<200x8x32x8x128xf32, #tpu.memory_space<hbm>> -> memref<1x1x1x8x128xf32, #tpu.memory_space<hbm>>
        %dma_wait3A_1333 = tpu.memref_squeeze %dma_wait3A_1332 : memref<1x1x1x8x128xf32, #tpu.memory_space<hbm>> -> memref<8x128xf32, #tpu.memory_space<hbm>>
        %dma_wait3A_1334 = arith.constant 16 : i32
        %dma_wait3A_1335 = arith.constant 0 : i32
        %dma_wait3A_1336 = tpu.memref_slice %arg17[%dma_wait3A_1334, %dma_wait3A_1335] : memref<64x129xf32, #tpu.memory_space<vmem>> -> memref<8x128xf32, #tpu.memory_space<vmem>>
        %dma_wait3A_1337 = arith.constant 0 : i32
        %dma_wait3A_1338 = arith.constant 0 : i32
        %dma_wait3A_1339 = tpu.memref_slice %arg6[%dma_wait3A_1324, %dma_wait3A_1325, %dma_wait3A_1326, %dma_wait3A_1337, %dma_wait3A_1338] : memref<200x8x32x8x128xf32, #tpu.memory_space<hbm>> -> memref<1x1x1x8x128xf32, #tpu.memory_space<hbm>>
        %dma_wait3A_1340 = tpu.memref_squeeze %dma_wait3A_1339 : memref<1x1x1x8x128xf32, #tpu.memory_space<hbm>> -> memref<8x128xf32, #tpu.memory_space<hbm>>
        tpu.wait_dma2 semaphore(%arg25 : memref<!tpu.dma_semaphore, #tpu.memory_space<semaphore_mem>>) src(%dma_wait3A_1340 : memref<8x128xf32, #tpu.memory_space<hbm>>) dst(%dma_wait3A_1336 : memref<8x128xf32, #tpu.memory_space<vmem>>)
        %dma_wait3A_1341 = arith.constant 0 : i32
        %dma_wait3A_1342 = arith.constant 3 : i32
        %dma_wait3A_1343 = arith.constant 0 : i32
        %dma_wait3A_1344 = arith.constant 24 : i32
        %dma_wait3A_1345 = arith.constant 0 : i32
        %dma_wait3A_1346 = tpu.memref_slice %arg17[%dma_wait3A_1344, %dma_wait3A_1345] : memref<64x129xf32, #tpu.memory_space<vmem>> -> memref<8x128xf32, #tpu.memory_space<vmem>>
        %dma_wait3A_1347 = arith.constant 0 : i32
        %dma_wait3A_1348 = arith.constant 0 : i32
        %dma_wait3A_1349 = tpu.memref_slice %arg6[%dma_wait3A_1341, %dma_wait3A_1342, %dma_wait3A_1343, %dma_wait3A_1347, %dma_wait3A_1348] : memref<200x8x32x8x128xf32, #tpu.memory_space<hbm>> -> memref<1x1x1x8x128xf32, #tpu.memory_space<hbm>>
        %dma_wait3A_1350 = tpu.memref_squeeze %dma_wait3A_1349 : memref<1x1x1x8x128xf32, #tpu.memory_space<hbm>> -> memref<8x128xf32, #tpu.memory_space<hbm>>
        %dma_wait3A_1351 = arith.constant 24 : i32
        %dma_wait3A_1352 = arith.constant 0 : i32
        %dma_wait3A_1353 = tpu.memref_slice %arg17[%dma_wait3A_1351, %dma_wait3A_1352] : memref<64x129xf32, #tpu.memory_space<vmem>> -> memref<8x128xf32, #tpu.memory_space<vmem>>
        %dma_wait3A_1354 = arith.constant 0 : i32
        %dma_wait3A_1355 = arith.constant 0 : i32
        %dma_wait3A_1356 = tpu.memref_slice %arg6[%dma_wait3A_1341, %dma_wait3A_1342, %dma_wait3A_1343, %dma_wait3A_1354, %dma_wait3A_1355] : memref<200x8x32x8x128xf32, #tpu.memory_space<hbm>> -> memref<1x1x1x8x128xf32, #tpu.memory_space<hbm>>
        %dma_wait3A_1357 = tpu.memref_squeeze %dma_wait3A_1356 : memref<1x1x1x8x128xf32, #tpu.memory_space<hbm>> -> memref<8x128xf32, #tpu.memory_space<hbm>>
        tpu.wait_dma2 semaphore(%arg25 : memref<!tpu.dma_semaphore, #tpu.memory_space<semaphore_mem>>) src(%dma_wait3A_1357 : memref<8x128xf32, #tpu.memory_space<hbm>>) dst(%dma_wait3A_1353 : memref<8x128xf32, #tpu.memory_space<vmem>>)
        %dma_wait3A_1358 = arith.constant 0 : i32
        %dma_wait3A_1359 = arith.constant 4 : i32
        %dma_wait3A_1360 = arith.constant 0 : i32
        %dma_wait3A_1361 = arith.constant 32 : i32
        %dma_wait3A_1362 = arith.constant 0 : i32
        %dma_wait3A_1363 = tpu.memref_slice %arg17[%dma_wait3A_1361, %dma_wait3A_1362] : memref<64x129xf32, #tpu.memory_space<vmem>> -> memref<8x128xf32, #tpu.memory_space<vmem>>
        %dma_wait3A_1364 = arith.constant 0 : i32
        %dma_wait3A_1365 = arith.constant 0 : i32
        %dma_wait3A_1366 = tpu.memref_slice %arg6[%dma_wait3A_1358, %dma_wait3A_1359, %dma_wait3A_1360, %dma_wait3A_1364, %dma_wait3A_1365] : memref<200x8x32x8x128xf32, #tpu.memory_space<hbm>> -> memref<1x1x1x8x128xf32, #tpu.memory_space<hbm>>
        %dma_wait3A_1367 = tpu.memref_squeeze %dma_wait3A_1366 : memref<1x1x1x8x128xf32, #tpu.memory_space<hbm>> -> memref<8x128xf32, #tpu.memory_space<hbm>>
        %dma_wait3A_1368 = arith.constant 32 : i32
        %dma_wait3A_1369 = arith.constant 0 : i32
        %dma_wait3A_1370 = tpu.memref_slice %arg17[%dma_wait3A_1368, %dma_wait3A_1369] : memref<64x129xf32, #tpu.memory_space<vmem>> -> memref<8x128xf32, #tpu.memory_space<vmem>>
        %dma_wait3A_1371 = arith.constant 0 : i32
        %dma_wait3A_1372 = arith.constant 0 : i32
        %dma_wait3A_1373 = tpu.memref_slice %arg6[%dma_wait3A_1358, %dma_wait3A_1359, %dma_wait3A_1360, %dma_wait3A_1371, %dma_wait3A_1372] : memref<200x8x32x8x128xf32, #tpu.memory_space<hbm>> -> memref<1x1x1x8x128xf32, #tpu.memory_space<hbm>>
        %dma_wait3A_1374 = tpu.memref_squeeze %dma_wait3A_1373 : memref<1x1x1x8x128xf32, #tpu.memory_space<hbm>> -> memref<8x128xf32, #tpu.memory_space<hbm>>
        tpu.wait_dma2 semaphore(%arg25 : memref<!tpu.dma_semaphore, #tpu.memory_space<semaphore_mem>>) src(%dma_wait3A_1374 : memref<8x128xf32, #tpu.memory_space<hbm>>) dst(%dma_wait3A_1370 : memref<8x128xf32, #tpu.memory_space<vmem>>)
        %dma_wait3A_1375 = arith.constant 0 : i32
        %dma_wait3A_1376 = arith.constant 5 : i32
        %dma_wait3A_1377 = arith.constant 0 : i32
        %dma_wait3A_1378 = arith.constant 40 : i32
        %dma_wait3A_1379 = arith.constant 0 : i32
        %dma_wait3A_1380 = tpu.memref_slice %arg17[%dma_wait3A_1378, %dma_wait3A_1379] : memref<64x129xf32, #tpu.memory_space<vmem>> -> memref<8x128xf32, #tpu.memory_space<vmem>>
        %dma_wait3A_1381 = arith.constant 0 : i32
        %dma_wait3A_1382 = arith.constant 0 : i32
        %dma_wait3A_1383 = tpu.memref_slice %arg6[%dma_wait3A_1375, %dma_wait3A_1376, %dma_wait3A_1377, %dma_wait3A_1381, %dma_wait3A_1382] : memref<200x8x32x8x128xf32, #tpu.memory_space<hbm>> -> memref<1x1x1x8x128xf32, #tpu.memory_space<hbm>>
        %dma_wait3A_1384 = tpu.memref_squeeze %dma_wait3A_1383 : memref<1x1x1x8x128xf32, #tpu.memory_space<hbm>> -> memref<8x128xf32, #tpu.memory_space<hbm>>
        %dma_wait3A_1385 = arith.constant 40 : i32
        %dma_wait3A_1386 = arith.constant 0 : i32
        %dma_wait3A_1387 = tpu.memref_slice %arg17[%dma_wait3A_1385, %dma_wait3A_1386] : memref<64x129xf32, #tpu.memory_space<vmem>> -> memref<8x128xf32, #tpu.memory_space<vmem>>
        %dma_wait3A_1388 = arith.constant 0 : i32
        %dma_wait3A_1389 = arith.constant 0 : i32
        %dma_wait3A_1390 = tpu.memref_slice %arg6[%dma_wait3A_1375, %dma_wait3A_1376, %dma_wait3A_1377, %dma_wait3A_1388, %dma_wait3A_1389] : memref<200x8x32x8x128xf32, #tpu.memory_space<hbm>> -> memref<1x1x1x8x128xf32, #tpu.memory_space<hbm>>
        %dma_wait3A_1391 = tpu.memref_squeeze %dma_wait3A_1390 : memref<1x1x1x8x128xf32, #tpu.memory_space<hbm>> -> memref<8x128xf32, #tpu.memory_space<hbm>>
        tpu.wait_dma2 semaphore(%arg25 : memref<!tpu.dma_semaphore, #tpu.memory_space<semaphore_mem>>) src(%dma_wait3A_1391 : memref<8x128xf32, #tpu.memory_space<hbm>>) dst(%dma_wait3A_1387 : memref<8x128xf32, #tpu.memory_space<vmem>>)
        %dma_wait3A_1392 = arith.constant 0 : i32
        %dma_wait3A_1393 = arith.constant 6 : i32
        %dma_wait3A_1394 = arith.constant 0 : i32
        %dma_wait3A_1395 = arith.constant 48 : i32
        %dma_wait3A_1396 = arith.constant 0 : i32
        %dma_wait3A_1397 = tpu.memref_slice %arg17[%dma_wait3A_1395, %dma_wait3A_1396] : memref<64x129xf32, #tpu.memory_space<vmem>> -> memref<8x128xf32, #tpu.memory_space<vmem>>
        %dma_wait3A_1398 = arith.constant 0 : i32
        %dma_wait3A_1399 = arith.constant 0 : i32
        %dma_wait3A_1400 = tpu.memref_slice %arg6[%dma_wait3A_1392, %dma_wait3A_1393, %dma_wait3A_1394, %dma_wait3A_1398, %dma_wait3A_1399] : memref<200x8x32x8x128xf32, #tpu.memory_space<hbm>> -> memref<1x1x1x8x128xf32, #tpu.memory_space<hbm>>
        %dma_wait3A_1401 = tpu.memref_squeeze %dma_wait3A_1400 : memref<1x1x1x8x128xf32, #tpu.memory_space<hbm>> -> memref<8x128xf32, #tpu.memory_space<hbm>>
        %dma_wait3A_1402 = arith.constant 48 : i32
        %dma_wait3A_1403 = arith.constant 0 : i32
        %dma_wait3A_1404 = tpu.memref_slice %arg17[%dma_wait3A_1402, %dma_wait3A_1403] : memref<64x129xf32, #tpu.memory_space<vmem>> -> memref<8x128xf32, #tpu.memory_space<vmem>>
        %dma_wait3A_1405 = arith.constant 0 : i32
        %dma_wait3A_1406 = arith.constant 0 : i32
        %dma_wait3A_1407 = tpu.memref_slice %arg6[%dma_wait3A_1392, %dma_wait3A_1393, %dma_wait3A_1394, %dma_wait3A_1405, %dma_wait3A_1406] : memref<200x8x32x8x128xf32, #tpu.memory_space<hbm>> -> memref<1x1x1x8x128xf32, #tpu.memory_space<hbm>>
        %dma_wait3A_1408 = tpu.memref_squeeze %dma_wait3A_1407 : memref<1x1x1x8x128xf32, #tpu.memory_space<hbm>> -> memref<8x128xf32, #tpu.memory_space<hbm>>
        tpu.wait_dma2 semaphore(%arg25 : memref<!tpu.dma_semaphore, #tpu.memory_space<semaphore_mem>>) src(%dma_wait3A_1408 : memref<8x128xf32, #tpu.memory_space<hbm>>) dst(%dma_wait3A_1404 : memref<8x128xf32, #tpu.memory_space<vmem>>)
        %dma_wait3A_1409 = arith.constant 0 : i32
        %dma_wait3A_1410 = arith.constant 7 : i32
        %dma_wait3A_1411 = arith.constant 0 : i32
        %dma_wait3A_1412 = arith.constant 56 : i32
        %dma_wait3A_1413 = arith.constant 0 : i32
        %dma_wait3A_1414 = tpu.memref_slice %arg17[%dma_wait3A_1412, %dma_wait3A_1413] : memref<64x129xf32, #tpu.memory_space<vmem>> -> memref<8x128xf32, #tpu.memory_space<vmem>>
        %dma_wait3A_1415 = arith.constant 0 : i32
        %dma_wait3A_1416 = arith.constant 0 : i32
        %dma_wait3A_1417 = tpu.memref_slice %arg6[%dma_wait3A_1409, %dma_wait3A_1410, %dma_wait3A_1411, %dma_wait3A_1415, %dma_wait3A_1416] : memref<200x8x32x8x128xf32, #tpu.memory_space<hbm>> -> memref<1x1x1x8x128xf32, #tpu.memory_space<hbm>>
        %dma_wait3A_1418 = tpu.memref_squeeze %dma_wait3A_1417 : memref<1x1x1x8x128xf32, #tpu.memory_space<hbm>> -> memref<8x128xf32, #tpu.memory_space<hbm>>
        %dma_wait3A_1419 = arith.constant 56 : i32
        %dma_wait3A_1420 = arith.constant 0 : i32
        %dma_wait3A_1421 = tpu.memref_slice %arg17[%dma_wait3A_1419, %dma_wait3A_1420] : memref<64x129xf32, #tpu.memory_space<vmem>> -> memref<8x128xf32, #tpu.memory_space<vmem>>
        %dma_wait3A_1422 = arith.constant 0 : i32
        %dma_wait3A_1423 = arith.constant 0 : i32
        %dma_wait3A_1424 = tpu.memref_slice %arg6[%dma_wait3A_1409, %dma_wait3A_1410, %dma_wait3A_1411, %dma_wait3A_1422, %dma_wait3A_1423] : memref<200x8x32x8x128xf32, #tpu.memory_space<hbm>> -> memref<1x1x1x8x128xf32, #tpu.memory_space<hbm>>
        %dma_wait3A_1425 = tpu.memref_squeeze %dma_wait3A_1424 : memref<1x1x1x8x128xf32, #tpu.memory_space<hbm>> -> memref<8x128xf32, #tpu.memory_space<hbm>>
        tpu.wait_dma2 semaphore(%arg25 : memref<!tpu.dma_semaphore, #tpu.memory_space<semaphore_mem>>) src(%dma_wait3A_1425 : memref<8x128xf32, #tpu.memory_space<hbm>>) dst(%dma_wait3A_1421 : memref<8x128xf32, #tpu.memory_space<vmem>>)
      } else {
      }
      %get3A_1130 = arith.index_cast %add3A_1116 : i32 to index
      %get3A_1131 = arith.constant 0 : index
      %get3A_1132 = tpu.vector_load %arg8[%get3A_1130, %get3A_1131] {strides = array<i32>} : memref<200x64xf32, #tpu.memory_space<vmem>>, vector<16xf32>,
      %get3A_1133 = arith.index_cast %add3A_1116 : i32 to index
      %get3A_1134 = arith.constant 16 : index
      %get3A_1135 = tpu.vector_load %arg8[%get3A_1133, %get3A_1134] {strides = array<i32>} : memref<200x64xf32, #tpu.memory_space<vmem>>, vector<16xf32>,
      %get3A_1136 = arith.index_cast %add3A_1116 : i32 to index
      %get3A_1137 = arith.constant 32 : index
      %get3A_1138 = tpu.vector_load %arg8[%get3A_1136, %get3A_1137] {strides = array<i32>} : memref<200x64xf32, #tpu.memory_space<vmem>>, vector<16xf32>,
      %get3A_1139 = arith.index_cast %add3A_1116 : i32 to index
      %get3A_1140 = arith.constant 48 : index
      %get3A_1141 = tpu.vector_load %arg8[%get3A_1139, %get3A_1140] {strides = array<i32>} : memref<200x64xf32, #tpu.memory_space<vmem>>, vector<16xf32>,
      %get3A_1142 = arith.constant 0 : i32
      %get3A_1143 = arith.index_cast %get3A_1142 : i32 to index
      %get3A_1144 = arith.constant 0 : index
      %get3A_1145 = tpu.vector_load %arg9[%get3A_1143, %get3A_1144] {strides = array<i32>} : memref<5x16xi32, #tpu.memory_space<vmem>>, vector<16xi32>,
      %get3A_1146 = arith.constant 1 : i32
      %get3A_1147 = arith.index_cast %get3A_1146 : i32 to index
      %get3A_1148 = arith.constant 0 : index
      %get3A_1149 = tpu.vector_load %arg9[%get3A_1147, %get3A_1148] {strides = array<i32>} : memref<5x16xi32, #tpu.memory_space<vmem>>, vector<16xi32>,
      %get3A_1150 = arith.constant 2 : i32
      %get3A_1151 = arith.index_cast %get3A_1150 : i32 to index
      %get3A_1152 = arith.constant 0 : index
      %get3A_1153 = tpu.vector_load %arg9[%get3A_1151, %get3A_1152] {strides = array<i32>} : memref<5x16xi32, #tpu.memory_space<vmem>>, vector<16xi32>,
      %get3A_1154 = arith.constant 3 : i32
      %get3A_1155 = arith.index_cast %get3A_1154 : i32 to index
      %get3A_1156 = arith.constant 0 : index
      %get3A_1157 = tpu.vector_load %arg9[%get3A_1155, %get3A_1156] {strides = array<i32>} : memref<5x16xi32, #tpu.memory_space<vmem>>, vector<16xi32>,
      %get3A_1158 = arith.constant 4 : i32
      %get3A_1159 = arith.index_cast %get3A_1158 : i32 to index
      %get3A_1160 = arith.constant 0 : index
      %get3A_1161 = tpu.vector_load %arg9[%get3A_1159, %get3A_1160] {strides = array<i32>} : memref<5x16xi32, #tpu.memory_space<vmem>>, vector<16xi32>,
      %parallel_loop3A_1162 = arith.constant 0 : i32
      %parallel_loop3A_1163 = arith.constant 128 : i32
      %parallel_loop3A_1164 = arith.constant 1 : i32
      scf.for %parallel_loop3A_1290 = %parallel_loop3A_1162 to %parallel_loop3A_1163 step %parallel_loop3A_1164  : i32 {
        %parallel_loop3A_1291 = vector.broadcast %parallel_loop3A_1290 : i32 to vector<16xi32>
        %parallel_loop3A_1292 = arith.addi %get3A_1161, %parallel_loop3A_1291 : vector<16xi32>
        %parallel_loop3A_1293 = arith.index_cast %parallel_loop3A_1290 : i32 to index
        %parallel_loop3A_1294 = arith.constant 0 : index
        %parallel_loop3A_1295 = tpu.vector_load %arg13[%parallel_loop3A_1293, %parallel_loop3A_1294] {strides = array<i32>} : memref<128x64xf32, #tpu.memory_space<vmem>>, vector<16xf32>,
        %parallel_loop3A_1296 = arith.addf %parallel_loop3A_1295, %get3A_1132 : vector<16xf32>
        tpu.vector_store_idx %arg17[%get3A_1145, %parallel_loop3A_1292], %parallel_loop3A_1296 : memref<64x129xf32, #tpu.memory_space<vmem>>[vector<16xi32>, vector<16xi32>], vector<16xf32>,
        %parallel_loop3A_1297 = arith.index_cast %parallel_loop3A_1290 : i32 to index
        %parallel_loop3A_1298 = arith.constant 16 : index
        %parallel_loop3A_1299 = tpu.vector_load %arg13[%parallel_loop3A_1297, %parallel_loop3A_1298] {strides = array<i32>} : memref<128x64xf32, #tpu.memory_space<vmem>>, vector<16xf32>,
        %parallel_loop3A_1300 = arith.addf %parallel_loop3A_1299, %get3A_1135 : vector<16xf32>
        tpu.vector_store_idx %arg17[%get3A_1149, %parallel_loop3A_1292], %parallel_loop3A_1300 : memref<64x129xf32, #tpu.memory_space<vmem>>[vector<16xi32>, vector<16xi32>], vector<16xf32>,
        %parallel_loop3A_1301 = arith.index_cast %parallel_loop3A_1290 : i32 to index
        %parallel_loop3A_1302 = arith.constant 32 : index
        %parallel_loop3A_1303 = tpu.vector_load %arg13[%parallel_loop3A_1301, %parallel_loop3A_1302] {strides = array<i32>} : memref<128x64xf32, #tpu.memory_space<vmem>>, vector<16xf32>,
        %parallel_loop3A_1304 = arith.addf %parallel_loop3A_1303, %get3A_1138 : vector<16xf32>
        tpu.vector_store_idx %arg17[%get3A_1153, %parallel_loop3A_1292], %parallel_loop3A_1304 : memref<64x129xf32, #tpu.memory_space<vmem>>[vector<16xi32>, vector<16xi32>], vector<16xf32>,
        %parallel_loop3A_1305 = arith.index_cast %parallel_loop3A_1290 : i32 to index
        %parallel_loop3A_1306 = arith.constant 48 : index
        %parallel_loop3A_1307 = tpu.vector_load %arg13[%parallel_loop3A_1305, %parallel_loop3A_1306] {strides = array<i32>} : memref<128x64xf32, #tpu.memory_space<vmem>>, vector<16xf32>,
        %parallel_loop3A_1308 = arith.addf %parallel_loop3A_1307, %get3A_1141 : vector<16xf32>
        tpu.vector_store_idx %arg17[%get3A_1157, %parallel_loop3A_1292], %parallel_loop3A_1308 : memref<64x129xf32, #tpu.memory_space<vmem>>[vector<16xi32>, vector<16xi32>], vector<16xf32>,
      } {sc.loop_unroll_factor = 4 : i64, sc.parallel_access}
      %lt3A_1165 = arith.constant 49 : i32
      %lt3A_1166 = arith.cmpi slt, %scan3A_587, %lt3A_1165 : i32
      %convert_element_type3A_1167 = arith.extui %lt3A_1166 : i1 to i32
      %cond3A_1168 = arith.constant 0 : i32
      %cond3A_1169 = arith.cmpi ne, %convert_element_type3A_1167, %cond3A_1168 : i32
      scf.if %cond3A_1169 {
        %add3A_1290 = arith.constant 4 : i32
        %add3A_1291 = arith.addi %add3A_1116, %add3A_1290 : i32
        %jit3A = arith.constant 8 : i32
        %div3A = arith.divsi %add3A_1291, %jit3A : i32
        %sign3A = arith.constant 0 : i32
        %sign3A_1292 = arith.cmpi sgt, %add3A_1291, %sign3A : i32
        %sign3A_1293 = arith.extui %sign3A_1292 : i1 to i32
        %sign3A_1294 = arith.constant 0 : i32
        %sign3A_1295 = arith.cmpi slt, %add3A_1291, %sign3A_1294 : i32
        %sign3A_1296 = arith.extui %sign3A_1295 : i1 to i32
        %sign3A_1297 = arith.subi %sign3A_1293, %sign3A_1296 : i32
        %sign3A_1298 = arith.constant 0 : i32
        %sign3A_1299 = arith.cmpi sgt, %jit3A, %sign3A_1298 : i32
        %sign3A_1300 = arith.extui %sign3A_1299 : i1 to i32
        %sign3A_1301 = arith.constant 0 : i32
        %sign3A_1302 = arith.cmpi slt, %jit3A, %sign3A_1301 : i32
        %sign3A_1303 = arith.extui %sign3A_1302 : i1 to i32
        %sign3A_1304 = arith.subi %sign3A_1300, %sign3A_1303 : i32
        %ne3A = arith.cmpi ne, %sign3A_1297, %sign3A_1304 : i32
        %rem3A_1305 = arith.remsi %add3A_1291, %jit3A : i32
        %ne3A_1306 = arith.constant 0 : i32
        %ne3A_1307 = arith.cmpi ne, %rem3A_1305, %ne3A_1306 : i32
        %and3A = arith.andi %ne3A, %ne3A_1307 : i1
        %sub3A = arith.constant 1 : i32
        %sub3A_1308 = arith.subi %div3A, %sub3A : i32
        %select_n3A = arith.select %and3A, %sub3A_1308, %div3A : i32
        %rem3A_1309 = arith.constant 8 : i32
        %rem3A_1310 = arith.remsi %add3A_1291, %rem3A_1309 : i32
        %dma_start3A_1311 = arith.constant 0 : i32
        %dma_start3A_1312 = tpu.memref_slice %arg7[%select_n3A, %rem3A_1310, %dma_start3A_1311] : memref<25x8x128xi32, #tpu.memory_space<vmem>> -> memref<1x1x128xi32, #tpu.memory_space<vmem>>
        %dma_start3A_1313 = tpu.memref_squeeze %dma_start3A_1312 : memref<1x1x128xi32, #tpu.memory_space<vmem>> -> memref<128xi32, #tpu.memory_space<vmem>>
        %dma_start3A_1314 = arith.constant 0 : i32
        %dma_start3A_1315 = arith.constant 0 : i32
        %dma_start3A_1316 = tpu.memref_slice %arg3[%dma_start3A_1314, %dma_start3A_1315] : memref<100000x64xf32, #tpu.memory_space<hbm>> -> memref<100000x64xf32, #tpu.memory_space<hbm>>
        tpu.enqueue_indirect_dma source(%dma_start3A_1316 : memref<100000x64xf32, #tpu.memory_space<hbm>>) target(%arg13 : memref<128x64xf32, #tpu.memory_space<vmem>>) offsets(%dma_start3A_1313 : memref<128xi32, #tpu.memory_space<vmem>>) semaphore(%arg21 : memref<!tpu.dma_semaphore, #tpu.memory_space<semaphore_mem>>)
      } else {
      }
      %dma_start3A_1170 = arith.constant 0 : i32
      %dma_start3A_1171 = arith.constant 0 : i32
      %dma_start3A_1172 = arith.constant 0 : i32
      %dma_start3A_1173 = tpu.memref_slice %arg17[%dma_start3A_1171, %dma_start3A_1172] : memref<64x129xf32, #tpu.memory_space<vmem>> -> memref<8x128xf32, #tpu.memory_space<vmem>>
      %dma_start3A_1174 = arith.constant 0 : i32
      %dma_start3A_1175 = arith.constant 0 : i32
      %dma_start3A_1176 = tpu.memref_slice %arg6[%add3A_1116, %dma_start3A_1170, %add3A, %dma_start3A_1174, %dma_start3A_1175] : memref<200x8x32x8x128xf32, #tpu.memory_space<hbm>> -> memref<1x1x1x8x128xf32, #tpu.memory_space<hbm>>
      %dma_start3A_1177 = tpu.memref_squeeze %dma_start3A_1176 : memref<1x1x1x8x128xf32, #tpu.memory_space<hbm>> -> memref<8x128xf32, #tpu.memory_space<hbm>>
      %dma_start3A_1178 = arith.constant 0 : i32
      %dma_start3A_1179 = arith.constant 0 : i32
      %dma_start3A_1180 = tpu.memref_slice %arg6[%add3A_1116, %dma_start3A_1170, %add3A, %dma_start3A_1178, %dma_start3A_1179] : memref<200x8x32x8x128xf32, #tpu.memory_space<hbm>> -> memref<1x1x1x8x128xf32, #tpu.memory_space<hbm>>
      %dma_start3A_1181 = tpu.memref_squeeze %dma_start3A_1180 : memref<1x1x1x8x128xf32, #tpu.memory_space<hbm>> -> memref<8x128xf32, #tpu.memory_space<hbm>>
      %dma_start3A_1182 = arith.constant 0 : i32
      %dma_start3A_1183 = arith.constant 0 : i32
      %dma_start3A_1184 = tpu.memref_slice %arg17[%dma_start3A_1182, %dma_start3A_1183] : memref<64x129xf32, #tpu.memory_space<vmem>> -> memref<8x128xf32, #tpu.memory_space<vmem>>
      tpu.enqueue_dma source(%dma_start3A_1184 : memref<8x128xf32, #tpu.memory_space<vmem>>) target(%dma_start3A_1181 : memref<8x128xf32, #tpu.memory_space<hbm>>) target_semaphore(%arg25 : memref<!tpu.dma_semaphore, #tpu.memory_space<semaphore_mem>>)
      %dma_start3A_1185 = arith.constant 1 : i32
      %dma_start3A_1186 = arith.constant 8 : i32
      %dma_start3A_1187 = arith.constant 0 : i32
      %dma_start3A_1188 = tpu.memref_slice %arg17[%dma_start3A_1186, %dma_start3A_1187] : memref<64x129xf32, #tpu.memory_space<vmem>> -> memref<8x128xf32, #tpu.memory_space<vmem>>
      %dma_start3A_1189 = arith.constant 0 : i32
      %dma_start3A_1190 = arith.constant 0 : i32
      %dma_start3A_1191 = tpu.memref_slice %arg6[%add3A_1116, %dma_start3A_1185, %add3A, %dma_start3A_1189, %dma_start3A_1190] : memref<200x8x32x8x128xf32, #tpu.memory_space<hbm>> -> memref<1x1x1x8x128xf32, #tpu.memory_space<hbm>>
      %dma_start3A_1192 = tpu.memref_squeeze %dma_start3A_1191 : memref<1x1x1x8x128xf32, #tpu.memory_space<hbm>> -> memref<8x128xf32, #tpu.memory_space<hbm>>
      %dma_start3A_1193 = arith.constant 0 : i32
      %dma_start3A_1194 = arith.constant 0 : i32
      %dma_start3A_1195 = tpu.memref_slice %arg6[%add3A_1116, %dma_start3A_1185, %add3A, %dma_start3A_1193, %dma_start3A_1194] : memref<200x8x32x8x128xf32, #tpu.memory_space<hbm>> -> memref<1x1x1x8x128xf32, #tpu.memory_space<hbm>>
      %dma_start3A_1196 = tpu.memref_squeeze %dma_start3A_1195 : memref<1x1x1x8x128xf32, #tpu.memory_space<hbm>> -> memref<8x128xf32, #tpu.memory_space<hbm>>
      %dma_start3A_1197 = arith.constant 8 : i32
      %dma_start3A_1198 = arith.constant 0 : i32
      %dma_start3A_1199 = tpu.memref_slice %arg17[%dma_start3A_1197, %dma_start3A_1198] : memref<64x129xf32, #tpu.memory_space<vmem>> -> memref<8x128xf32, #tpu.memory_space<vmem>>
      tpu.enqueue_dma source(%dma_start3A_1199 : memref<8x128xf32, #tpu.memory_space<vmem>>) target(%dma_start3A_1196 : memref<8x128xf32, #tpu.memory_space<hbm>>) target_semaphore(%arg25 : memref<!tpu.dma_semaphore, #tpu.memory_space<semaphore_mem>>)
      %dma_start3A_1200 = arith.constant 2 : i32
      %dma_start3A_1201 = arith.constant 16 : i32
      %dma_start3A_1202 = arith.constant 0 : i32
      %dma_start3A_1203 = tpu.memref_slice %arg17[%dma_start3A_1201, %dma_start3A_1202] : memref<64x129xf32, #tpu.memory_space<vmem>> -> memref<8x128xf32, #tpu.memory_space<vmem>>
      %dma_start3A_1204 = arith.constant 0 : i32
      %dma_start3A_1205 = arith.constant 0 : i32
      %dma_start3A_1206 = tpu.memref_slice %arg6[%add3A_1116, %dma_start3A_1200, %add3A, %dma_start3A_1204, %dma_start3A_1205] : memref<200x8x32x8x128xf32, #tpu.memory_space<hbm>> -> memref<1x1x1x8x128xf32, #tpu.memory_space<hbm>>
      %dma_start3A_1207 = tpu.memref_squeeze %dma_start3A_1206 : memref<1x1x1x8x128xf32, #tpu.memory_space<hbm>> -> memref<8x128xf32, #tpu.memory_space<hbm>>
      %dma_start3A_1208 = arith.constant 0 : i32
      %dma_start3A_1209 = arith.constant 0 : i32
      %dma_start3A_1210 = tpu.memref_slice %arg6[%add3A_1116, %dma_start3A_1200, %add3A, %dma_start3A_1208, %dma_start3A_1209] : memref<200x8x32x8x128xf32, #tpu.memory_space<hbm>> -> memref<1x1x1x8x128xf32, #tpu.memory_space<hbm>>
      %dma_start3A_1211 = tpu.memref_squeeze %dma_start3A_1210 : memref<1x1x1x8x128xf32, #tpu.memory_space<hbm>> -> memref<8x128xf32, #tpu.memory_space<hbm>>
      %dma_start3A_1212 = arith.constant 16 : i32
      %dma_start3A_1213 = arith.constant 0 : i32
      %dma_start3A_1214 = tpu.memref_slice %arg17[%dma_start3A_1212, %dma_start3A_1213] : memref<64x129xf32, #tpu.memory_space<vmem>> -> memref<8x128xf32, #tpu.memory_space<vmem>>
      tpu.enqueue_dma source(%dma_start3A_1214 : memref<8x128xf32, #tpu.memory_space<vmem>>) target(%dma_start3A_1211 : memref<8x128xf32, #tpu.memory_space<hbm>>) target_semaphore(%arg25 : memref<!tpu.dma_semaphore, #tpu.memory_space<semaphore_mem>>)
      %dma_start3A_1215 = arith.constant 3 : i32
      %dma_start3A_1216 = arith.constant 24 : i32
      %dma_start3A_1217 = arith.constant 0 : i32
      %dma_start3A_1218 = tpu.memref_slice %arg17[%dma_start3A_1216, %dma_start3A_1217] : memref<64x129xf32, #tpu.memory_space<vmem>> -> memref<8x128xf32, #tpu.memory_space<vmem>>
      %dma_start3A_1219 = arith.constant 0 : i32
      %dma_start3A_1220 = arith.constant 0 : i32
      %dma_start3A_1221 = tpu.memref_slice %arg6[%add3A_1116, %dma_start3A_1215, %add3A, %dma_start3A_1219, %dma_start3A_1220] : memref<200x8x32x8x128xf32, #tpu.memory_space<hbm>> -> memref<1x1x1x8x128xf32, #tpu.memory_space<hbm>>
      %dma_start3A_1222 = tpu.memref_squeeze %dma_start3A_1221 : memref<1x1x1x8x128xf32, #tpu.memory_space<hbm>> -> memref<8x128xf32, #tpu.memory_space<hbm>>
      %dma_start3A_1223 = arith.constant 0 : i32
      %dma_start3A_1224 = arith.constant 0 : i32
      %dma_start3A_1225 = tpu.memref_slice %arg6[%add3A_1116, %dma_start3A_1215, %add3A, %dma_start3A_1223, %dma_start3A_1224] : memref<200x8x32x8x128xf32, #tpu.memory_space<hbm>> -> memref<1x1x1x8x128xf32, #tpu.memory_space<hbm>>
      %dma_start3A_1226 = tpu.memref_squeeze %dma_start3A_1225 : memref<1x1x1x8x128xf32, #tpu.memory_space<hbm>> -> memref<8x128xf32, #tpu.memory_space<hbm>>
      %dma_start3A_1227 = arith.constant 24 : i32
      %dma_start3A_1228 = arith.constant 0 : i32
      %dma_start3A_1229 = tpu.memref_slice %arg17[%dma_start3A_1227, %dma_start3A_1228] : memref<64x129xf32, #tpu.memory_space<vmem>> -> memref<8x128xf32, #tpu.memory_space<vmem>>
      tpu.enqueue_dma source(%dma_start3A_1229 : memref<8x128xf32, #tpu.memory_space<vmem>>) target(%dma_start3A_1226 : memref<8x128xf32, #tpu.memory_space<hbm>>) target_semaphore(%arg25 : memref<!tpu.dma_semaphore, #tpu.memory_space<semaphore_mem>>)
      %dma_start3A_1230 = arith.constant 4 : i32
      %dma_start3A_1231 = arith.constant 32 : i32
      %dma_start3A_1232 = arith.constant 0 : i32
      %dma_start3A_1233 = tpu.memref_slice %arg17[%dma_start3A_1231, %dma_start3A_1232] : memref<64x129xf32, #tpu.memory_space<vmem>> -> memref<8x128xf32, #tpu.memory_space<vmem>>
      %dma_start3A_1234 = arith.constant 0 : i32
      %dma_start3A_1235 = arith.constant 0 : i32
      %dma_start3A_1236 = tpu.memref_slice %arg6[%add3A_1116, %dma_start3A_1230, %add3A, %dma_start3A_1234, %dma_start3A_1235] : memref<200x8x32x8x128xf32, #tpu.memory_space<hbm>> -> memref<1x1x1x8x128xf32, #tpu.memory_space<hbm>>
      %dma_start3A_1237 = tpu.memref_squeeze %dma_start3A_1236 : memref<1x1x1x8x128xf32, #tpu.memory_space<hbm>> -> memref<8x128xf32, #tpu.memory_space<hbm>>
      %dma_start3A_1238 = arith.constant 0 : i32
      %dma_start3A_1239 = arith.constant 0 : i32
      %dma_start3A_1240 = tpu.memref_slice %arg6[%add3A_1116, %dma_start3A_1230, %add3A, %dma_start3A_1238, %dma_start3A_1239] : memref<200x8x32x8x128xf32, #tpu.memory_space<hbm>> -> memref<1x1x1x8x128xf32, #tpu.memory_space<hbm>>
      %dma_start3A_1241 = tpu.memref_squeeze %dma_start3A_1240 : memref<1x1x1x8x128xf32, #tpu.memory_space<hbm>> -> memref<8x128xf32, #tpu.memory_space<hbm>>
      %dma_start3A_1242 = arith.constant 32 : i32
      %dma_start3A_1243 = arith.constant 0 : i32
      %dma_start3A_1244 = tpu.memref_slice %arg17[%dma_start3A_1242, %dma_start3A_1243] : memref<64x129xf32, #tpu.memory_space<vmem>> -> memref<8x128xf32, #tpu.memory_space<vmem>>
      tpu.enqueue_dma source(%dma_start3A_1244 : memref<8x128xf32, #tpu.memory_space<vmem>>) target(%dma_start3A_1241 : memref<8x128xf32, #tpu.memory_space<hbm>>) target_semaphore(%arg25 : memref<!tpu.dma_semaphore, #tpu.memory_space<semaphore_mem>>)
      %dma_start3A_1245 = arith.constant 5 : i32
      %dma_start3A_1246 = arith.constant 40 : i32
      %dma_start3A_1247 = arith.constant 0 : i32
      %dma_start3A_1248 = tpu.memref_slice %arg17[%dma_start3A_1246, %dma_start3A_1247] : memref<64x129xf32, #tpu.memory_space<vmem>> -> memref<8x128xf32, #tpu.memory_space<vmem>>
      %dma_start3A_1249 = arith.constant 0 : i32
      %dma_start3A_1250 = arith.constant 0 : i32
      %dma_start3A_1251 = tpu.memref_slice %arg6[%add3A_1116, %dma_start3A_1245, %add3A, %dma_start3A_1249, %dma_start3A_1250] : memref<200x8x32x8x128xf32, #tpu.memory_space<hbm>> -> memref<1x1x1x8x128xf32, #tpu.memory_space<hbm>>
      %dma_start3A_1252 = tpu.memref_squeeze %dma_start3A_1251 : memref<1x1x1x8x128xf32, #tpu.memory_space<hbm>> -> memref<8x128xf32, #tpu.memory_space<hbm>>
      %dma_start3A_1253 = arith.constant 0 : i32
      %dma_start3A_1254 = arith.constant 0 : i32
      %dma_start3A_1255 = tpu.memref_slice %arg6[%add3A_1116, %dma_start3A_1245, %add3A, %dma_start3A_1253, %dma_start3A_1254] : memref<200x8x32x8x128xf32, #tpu.memory_space<hbm>> -> memref<1x1x1x8x128xf32, #tpu.memory_space<hbm>>
      %dma_start3A_1256 = tpu.memref_squeeze %dma_start3A_1255 : memref<1x1x1x8x128xf32, #tpu.memory_space<hbm>> -> memref<8x128xf32, #tpu.memory_space<hbm>>
      %dma_start3A_1257 = arith.constant 40 : i32
      %dma_start3A_1258 = arith.constant 0 : i32
      %dma_start3A_1259 = tpu.memref_slice %arg17[%dma_start3A_1257, %dma_start3A_1258] : memref<64x129xf32, #tpu.memory_space<vmem>> -> memref<8x128xf32, #tpu.memory_space<vmem>>
      tpu.enqueue_dma source(%dma_start3A_1259 : memref<8x128xf32, #tpu.memory_space<vmem>>) target(%dma_start3A_1256 : memref<8x128xf32, #tpu.memory_space<hbm>>) target_semaphore(%arg25 : memref<!tpu.dma_semaphore, #tpu.memory_space<semaphore_mem>>)
      %dma_start3A_1260 = arith.constant 6 : i32
      %dma_start3A_1261 = arith.constant 48 : i32
      %dma_start3A_1262 = arith.constant 0 : i32
      %dma_start3A_1263 = tpu.memref_slice %arg17[%dma_start3A_1261, %dma_start3A_1262] : memref<64x129xf32, #tpu.memory_space<vmem>> -> memref<8x128xf32, #tpu.memory_space<vmem>>
      %dma_start3A_1264 = arith.constant 0 : i32
      %dma_start3A_1265 = arith.constant 0 : i32
      %dma_start3A_1266 = tpu.memref_slice %arg6[%add3A_1116, %dma_start3A_1260, %add3A, %dma_start3A_1264, %dma_start3A_1265] : memref<200x8x32x8x128xf32, #tpu.memory_space<hbm>> -> memref<1x1x1x8x128xf32, #tpu.memory_space<hbm>>
      %dma_start3A_1267 = tpu.memref_squeeze %dma_start3A_1266 : memref<1x1x1x8x128xf32, #tpu.memory_space<hbm>> -> memref<8x128xf32, #tpu.memory_space<hbm>>
      %dma_start3A_1268 = arith.constant 0 : i32
      %dma_start3A_1269 = arith.constant 0 : i32
      %dma_start3A_1270 = tpu.memref_slice %arg6[%add3A_1116, %dma_start3A_1260, %add3A, %dma_start3A_1268, %dma_start3A_1269] : memref<200x8x32x8x128xf32, #tpu.memory_space<hbm>> -> memref<1x1x1x8x128xf32, #tpu.memory_space<hbm>>
      %dma_start3A_1271 = tpu.memref_squeeze %dma_start3A_1270 : memref<1x1x1x8x128xf32, #tpu.memory_space<hbm>> -> memref<8x128xf32, #tpu.memory_space<hbm>>
      %dma_start3A_1272 = arith.constant 48 : i32
      %dma_start3A_1273 = arith.constant 0 : i32
      %dma_start3A_1274 = tpu.memref_slice %arg17[%dma_start3A_1272, %dma_start3A_1273] : memref<64x129xf32, #tpu.memory_space<vmem>> -> memref<8x128xf32, #tpu.memory_space<vmem>>
      tpu.enqueue_dma source(%dma_start3A_1274 : memref<8x128xf32, #tpu.memory_space<vmem>>) target(%dma_start3A_1271 : memref<8x128xf32, #tpu.memory_space<hbm>>) target_semaphore(%arg25 : memref<!tpu.dma_semaphore, #tpu.memory_space<semaphore_mem>>)
      %dma_start3A_1275 = arith.constant 7 : i32
      %dma_start3A_1276 = arith.constant 56 : i32
      %dma_start3A_1277 = arith.constant 0 : i32
      %dma_start3A_1278 = tpu.memref_slice %arg17[%dma_start3A_1276, %dma_start3A_1277] : memref<64x129xf32, #tpu.memory_space<vmem>> -> memref<8x128xf32, #tpu.memory_space<vmem>>
      %dma_start3A_1279 = arith.constant 0 : i32
      %dma_start3A_1280 = arith.constant 0 : i32
      %dma_start3A_1281 = tpu.memref_slice %arg6[%add3A_1116, %dma_start3A_1275, %add3A, %dma_start3A_1279, %dma_start3A_1280] : memref<200x8x32x8x128xf32, #tpu.memory_space<hbm>> -> memref<1x1x1x8x128xf32, #tpu.memory_space<hbm>>
      %dma_start3A_1282 = tpu.memref_squeeze %dma_start3A_1281 : memref<1x1x1x8x128xf32, #tpu.memory_space<hbm>> -> memref<8x128xf32, #tpu.memory_space<hbm>>
      %dma_start3A_1283 = arith.constant 0 : i32
      %dma_start3A_1284 = arith.constant 0 : i32
      %dma_start3A_1285 = tpu.memref_slice %arg6[%add3A_1116, %dma_start3A_1275, %add3A, %dma_start3A_1283, %dma_start3A_1284] : memref<200x8x32x8x128xf32, #tpu.memory_space<hbm>> -> memref<1x1x1x8x128xf32, #tpu.memory_space<hbm>>
      %dma_start3A_1286 = tpu.memref_squeeze %dma_start3A_1285 : memref<1x1x1x8x128xf32, #tpu.memory_space<hbm>> -> memref<8x128xf32, #tpu.memory_space<hbm>>
      %dma_start3A_1287 = arith.constant 56 : i32
      %dma_start3A_1288 = arith.constant 0 : i32
      %dma_start3A_1289 = tpu.memref_slice %arg17[%dma_start3A_1287, %dma_start3A_1288] : memref<64x129xf32, #tpu.memory_space<vmem>> -> memref<8x128xf32, #tpu.memory_space<vmem>>
      tpu.enqueue_dma source(%dma_start3A_1289 : memref<8x128xf32, #tpu.memory_space<vmem>>) target(%dma_start3A_1286 : memref<8x128xf32, #tpu.memory_space<hbm>>) target_semaphore(%arg25 : memref<!tpu.dma_semaphore, #tpu.memory_space<semaphore_mem>>)
    }
    %scan3A_43 = arith.constant 50 : i32
    %dma_wait3A = arith.constant 0 : i32
    %dma_wait3A_44 = arith.constant 0 : i32
    %dma_wait3A_45 = arith.constant 0 : i32
    %dma_wait3A_46 = arith.constant 0 : i32
    %dma_wait3A_47 = arith.constant 0 : i32
    %dma_wait3A_48 = tpu.memref_slice %arg14[%dma_wait3A_46, %dma_wait3A_47] : memref<64x129xf32, #tpu.memory_space<vmem>> -> memref<8x128xf32, #tpu.memory_space<vmem>>
    %dma_wait3A_49 = arith.constant 0 : i32
    %dma_wait3A_50 = arith.constant 0 : i32
    %dma_wait3A_51 = tpu.memref_slice %arg6[%dma_wait3A, %dma_wait3A_44, %dma_wait3A_45, %dma_wait3A_49, %dma_wait3A_50] : memref<200x8x32x8x128xf32, #tpu.memory_space<hbm>> -> memref<1x1x1x8x128xf32, #tpu.memory_space<hbm>>
    %dma_wait3A_52 = tpu.memref_squeeze %dma_wait3A_51 : memref<1x1x1x8x128xf32, #tpu.memory_space<hbm>> -> memref<8x128xf32, #tpu.memory_space<hbm>>
    %dma_wait3A_53 = arith.constant 0 : i32
    %dma_wait3A_54 = arith.constant 0 : i32
    %dma_wait3A_55 = tpu.memref_slice %arg14[%dma_wait3A_53, %dma_wait3A_54] : memref<64x129xf32, #tpu.memory_space<vmem>> -> memref<8x128xf32, #tpu.memory_space<vmem>>
    %dma_wait3A_56 = arith.constant 0 : i32
    %dma_wait3A_57 = arith.constant 0 : i32
    %dma_wait3A_58 = tpu.memref_slice %arg6[%dma_wait3A, %dma_wait3A_44, %dma_wait3A_45, %dma_wait3A_56, %dma_wait3A_57] : memref<200x8x32x8x128xf32, #tpu.memory_space<hbm>> -> memref<1x1x1x8x128xf32, #tpu.memory_space<hbm>>
    %dma_wait3A_59 = tpu.memref_squeeze %dma_wait3A_58 : memref<1x1x1x8x128xf32, #tpu.memory_space<hbm>> -> memref<8x128xf32, #tpu.memory_space<hbm>>
    tpu.wait_dma2 semaphore(%arg22 : memref<!tpu.dma_semaphore, #tpu.memory_space<semaphore_mem>>) src(%dma_wait3A_59 : memref<8x128xf32, #tpu.memory_space<hbm>>) dst(%dma_wait3A_55 : memref<8x128xf32, #tpu.memory_space<vmem>>)
    %dma_wait3A_60 = arith.constant 0 : i32
    %dma_wait3A_61 = arith.constant 1 : i32
    %dma_wait3A_62 = arith.constant 0 : i32
    %dma_wait3A_63 = arith.constant 8 : i32
    %dma_wait3A_64 = arith.constant 0 : i32
    %dma_wait3A_65 = tpu.memref_slice %arg14[%dma_wait3A_63, %dma_wait3A_64] : memref<64x129xf32, #tpu.memory_space<vmem>> -> memref<8x128xf32, #tpu.memory_space<vmem>>
    %dma_wait3A_66 = arith.constant 0 : i32
    %dma_wait3A_67 = arith.constant 0 : i32
    %dma_wait3A_68 = tpu.memref_slice %arg6[%dma_wait3A_60, %dma_wait3A_61, %dma_wait3A_62, %dma_wait3A_66, %dma_wait3A_67] : memref<200x8x32x8x128xf32, #tpu.memory_space<hbm>> -> memref<1x1x1x8x128xf32, #tpu.memory_space<hbm>>
    %dma_wait3A_69 = tpu.memref_squeeze %dma_wait3A_68 : memref<1x1x1x8x128xf32, #tpu.memory_space<hbm>> -> memref<8x128xf32, #tpu.memory_space<hbm>>
    %dma_wait3A_70 = arith.constant 8 : i32
    %dma_wait3A_71 = arith.constant 0 : i32
    %dma_wait3A_72 = tpu.memref_slice %arg14[%dma_wait3A_70, %dma_wait3A_71] : memref<64x129xf32, #tpu.memory_space<vmem>> -> memref<8x128xf32, #tpu.memory_space<vmem>>
    %dma_wait3A_73 = arith.constant 0 : i32
    %dma_wait3A_74 = arith.constant 0 : i32
    %dma_wait3A_75 = tpu.memref_slice %arg6[%dma_wait3A_60, %dma_wait3A_61, %dma_wait3A_62, %dma_wait3A_73, %dma_wait3A_74] : memref<200x8x32x8x128xf32, #tpu.memory_space<hbm>> -> memref<1x1x1x8x128xf32, #tpu.memory_space<hbm>>
    %dma_wait3A_76 = tpu.memref_squeeze %dma_wait3A_75 : memref<1x1x1x8x128xf32, #tpu.memory_space<hbm>> -> memref<8x128xf32, #tpu.memory_space<hbm>>
    tpu.wait_dma2 semaphore(%arg22 : memref<!tpu.dma_semaphore, #tpu.memory_space<semaphore_mem>>) src(%dma_wait3A_76 : memref<8x128xf32, #tpu.memory_space<hbm>>) dst(%dma_wait3A_72 : memref<8x128xf32, #tpu.memory_space<vmem>>)
    %dma_wait3A_77 = arith.constant 0 : i32
    %dma_wait3A_78 = arith.constant 2 : i32
    %dma_wait3A_79 = arith.constant 0 : i32
    %dma_wait3A_80 = arith.constant 16 : i32
    %dma_wait3A_81 = arith.constant 0 : i32
    %dma_wait3A_82 = tpu.memref_slice %arg14[%dma_wait3A_80, %dma_wait3A_81] : memref<64x129xf32, #tpu.memory_space<vmem>> -> memref<8x128xf32, #tpu.memory_space<vmem>>
    %dma_wait3A_83 = arith.constant 0 : i32
    %dma_wait3A_84 = arith.constant 0 : i32
    %dma_wait3A_85 = tpu.memref_slice %arg6[%dma_wait3A_77, %dma_wait3A_78, %dma_wait3A_79, %dma_wait3A_83, %dma_wait3A_84] : memref<200x8x32x8x128xf32, #tpu.memory_space<hbm>> -> memref<1x1x1x8x128xf32, #tpu.memory_space<hbm>>
    %dma_wait3A_86 = tpu.memref_squeeze %dma_wait3A_85 : memref<1x1x1x8x128xf32, #tpu.memory_space<hbm>> -> memref<8x128xf32, #tpu.memory_space<hbm>>
    %dma_wait3A_87 = arith.constant 16 : i32
    %dma_wait3A_88 = arith.constant 0 : i32
    %dma_wait3A_89 = tpu.memref_slice %arg14[%dma_wait3A_87, %dma_wait3A_88] : memref<64x129xf32, #tpu.memory_space<vmem>> -> memref<8x128xf32, #tpu.memory_space<vmem>>
    %dma_wait3A_90 = arith.constant 0 : i32
    %dma_wait3A_91 = arith.constant 0 : i32
    %dma_wait3A_92 = tpu.memref_slice %arg6[%dma_wait3A_77, %dma_wait3A_78, %dma_wait3A_79, %dma_wait3A_90, %dma_wait3A_91] : memref<200x8x32x8x128xf32, #tpu.memory_space<hbm>> -> memref<1x1x1x8x128xf32, #tpu.memory_space<hbm>>
    %dma_wait3A_93 = tpu.memref_squeeze %dma_wait3A_92 : memref<1x1x1x8x128xf32, #tpu.memory_space<hbm>> -> memref<8x128xf32, #tpu.memory_space<hbm>>
    tpu.wait_dma2 semaphore(%arg22 : memref<!tpu.dma_semaphore, #tpu.memory_space<semaphore_mem>>) src(%dma_wait3A_93 : memref<8x128xf32, #tpu.memory_space<hbm>>) dst(%dma_wait3A_89 : memref<8x128xf32, #tpu.memory_space<vmem>>)
    %dma_wait3A_94 = arith.constant 0 : i32
    %dma_wait3A_95 = arith.constant 3 : i32
    %dma_wait3A_96 = arith.constant 0 : i32
    %dma_wait3A_97 = arith.constant 24 : i32
    %dma_wait3A_98 = arith.constant 0 : i32
    %dma_wait3A_99 = tpu.memref_slice %arg14[%dma_wait3A_97, %dma_wait3A_98] : memref<64x129xf32, #tpu.memory_space<vmem>> -> memref<8x128xf32, #tpu.memory_space<vmem>>
    %dma_wait3A_100 = arith.constant 0 : i32
    %dma_wait3A_101 = arith.constant 0 : i32
    %dma_wait3A_102 = tpu.memref_slice %arg6[%dma_wait3A_94, %dma_wait3A_95, %dma_wait3A_96, %dma_wait3A_100, %dma_wait3A_101] : memref<200x8x32x8x128xf32, #tpu.memory_space<hbm>> -> memref<1x1x1x8x128xf32, #tpu.memory_space<hbm>>
    %dma_wait3A_103 = tpu.memref_squeeze %dma_wait3A_102 : memref<1x1x1x8x128xf32, #tpu.memory_space<hbm>> -> memref<8x128xf32, #tpu.memory_space<hbm>>
    %dma_wait3A_104 = arith.constant 24 : i32
    %dma_wait3A_105 = arith.constant 0 : i32
    %dma_wait3A_106 = tpu.memref_slice %arg14[%dma_wait3A_104, %dma_wait3A_105] : memref<64x129xf32, #tpu.memory_space<vmem>> -> memref<8x128xf32, #tpu.memory_space<vmem>>
    %dma_wait3A_107 = arith.constant 0 : i32
    %dma_wait3A_108 = arith.constant 0 : i32
    %dma_wait3A_109 = tpu.memref_slice %arg6[%dma_wait3A_94, %dma_wait3A_95, %dma_wait3A_96, %dma_wait3A_107, %dma_wait3A_108] : memref<200x8x32x8x128xf32, #tpu.memory_space<hbm>> -> memref<1x1x1x8x128xf32, #tpu.memory_space<hbm>>
    %dma_wait3A_110 = tpu.memref_squeeze %dma_wait3A_109 : memref<1x1x1x8x128xf32, #tpu.memory_space<hbm>> -> memref<8x128xf32, #tpu.memory_space<hbm>>
    tpu.wait_dma2 semaphore(%arg22 : memref<!tpu.dma_semaphore, #tpu.memory_space<semaphore_mem>>) src(%dma_wait3A_110 : memref<8x128xf32, #tpu.memory_space<hbm>>) dst(%dma_wait3A_106 : memref<8x128xf32, #tpu.memory_space<vmem>>)
    %dma_wait3A_111 = arith.constant 0 : i32
    %dma_wait3A_112 = arith.constant 4 : i32
    %dma_wait3A_113 = arith.constant 0 : i32
    %dma_wait3A_114 = arith.constant 32 : i32
    %dma_wait3A_115 = arith.constant 0 : i32
    %dma_wait3A_116 = tpu.memref_slice %arg14[%dma_wait3A_114, %dma_wait3A_115] : memref<64x129xf32, #tpu.memory_space<vmem>> -> memref<8x128xf32, #tpu.memory_space<vmem>>
    %dma_wait3A_117 = arith.constant 0 : i32
    %dma_wait3A_118 = arith.constant 0 : i32
    %dma_wait3A_119 = tpu.memref_slice %arg6[%dma_wait3A_111, %dma_wait3A_112, %dma_wait3A_113, %dma_wait3A_117, %dma_wait3A_118] : memref<200x8x32x8x128xf32, #tpu.memory_space<hbm>> -> memref<1x1x1x8x128xf32, #tpu.memory_space<hbm>>
    %dma_wait3A_120 = tpu.memref_squeeze %dma_wait3A_119 : memref<1x1x1x8x128xf32, #tpu.memory_space<hbm>> -> memref<8x128xf32, #tpu.memory_space<hbm>>
    %dma_wait3A_121 = arith.constant 32 : i32
    %dma_wait3A_122 = arith.constant 0 : i32
    %dma_wait3A_123 = tpu.memref_slice %arg14[%dma_wait3A_121, %dma_wait3A_122] : memref<64x129xf32, #tpu.memory_space<vmem>> -> memref<8x128xf32, #tpu.memory_space<vmem>>
    %dma_wait3A_124 = arith.constant 0 : i32
    %dma_wait3A_125 = arith.constant 0 : i32
    %dma_wait3A_126 = tpu.memref_slice %arg6[%dma_wait3A_111, %dma_wait3A_112, %dma_wait3A_113, %dma_wait3A_124, %dma_wait3A_125] : memref<200x8x32x8x128xf32, #tpu.memory_space<hbm>> -> memref<1x1x1x8x128xf32, #tpu.memory_space<hbm>>
    %dma_wait3A_127 = tpu.memref_squeeze %dma_wait3A_126 : memref<1x1x1x8x128xf32, #tpu.memory_space<hbm>> -> memref<8x128xf32, #tpu.memory_space<hbm>>
    tpu.wait_dma2 semaphore(%arg22 : memref<!tpu.dma_semaphore, #tpu.memory_space<semaphore_mem>>) src(%dma_wait3A_127 : memref<8x128xf32, #tpu.memory_space<hbm>>) dst(%dma_wait3A_123 : memref<8x128xf32, #tpu.memory_space<vmem>>)
    %dma_wait3A_128 = arith.constant 0 : i32
    %dma_wait3A_129 = arith.constant 5 : i32
    %dma_wait3A_130 = arith.constant 0 : i32
    %dma_wait3A_131 = arith.constant 40 : i32
    %dma_wait3A_132 = arith.constant 0 : i32
    %dma_wait3A_133 = tpu.memref_slice %arg14[%dma_wait3A_131, %dma_wait3A_132] : memref<64x129xf32, #tpu.memory_space<vmem>> -> memref<8x128xf32, #tpu.memory_space<vmem>>
    %dma_wait3A_134 = arith.constant 0 : i32
    %dma_wait3A_135 = arith.constant 0 : i32
    %dma_wait3A_136 = tpu.memref_slice %arg6[%dma_wait3A_128, %dma_wait3A_129, %dma_wait3A_130, %dma_wait3A_134, %dma_wait3A_135] : memref<200x8x32x8x128xf32, #tpu.memory_space<hbm>> -> memref<1x1x1x8x128xf32, #tpu.memory_space<hbm>>
    %dma_wait3A_137 = tpu.memref_squeeze %dma_wait3A_136 : memref<1x1x1x8x128xf32, #tpu.memory_space<hbm>> -> memref<8x128xf32, #tpu.memory_space<hbm>>
    %dma_wait3A_138 = arith.constant 40 : i32
    %dma_wait3A_139 = arith.constant 0 : i32
    %dma_wait3A_140 = tpu.memref_slice %arg14[%dma_wait3A_138, %dma_wait3A_139] : memref<64x129xf32, #tpu.memory_space<vmem>> -> memref<8x128xf32, #tpu.memory_space<vmem>>
    %dma_wait3A_141 = arith.constant 0 : i32
    %dma_wait3A_142 = arith.constant 0 : i32
    %dma_wait3A_143 = tpu.memref_slice %arg6[%dma_wait3A_128, %dma_wait3A_129, %dma_wait3A_130, %dma_wait3A_141, %dma_wait3A_142] : memref<200x8x32x8x128xf32, #tpu.memory_space<hbm>> -> memref<1x1x1x8x128xf32, #tpu.memory_space<hbm>>
    %dma_wait3A_144 = tpu.memref_squeeze %dma_wait3A_143 : memref<1x1x1x8x128xf32, #tpu.memory_space<hbm>> -> memref<8x128xf32, #tpu.memory_space<hbm>>
    tpu.wait_dma2 semaphore(%arg22 : memref<!tpu.dma_semaphore, #tpu.memory_space<semaphore_mem>>) src(%dma_wait3A_144 : memref<8x128xf32, #tpu.memory_space<hbm>>) dst(%dma_wait3A_140 : memref<8x128xf32, #tpu.memory_space<vmem>>)
    %dma_wait3A_145 = arith.constant 0 : i32
    %dma_wait3A_146 = arith.constant 6 : i32
    %dma_wait3A_147 = arith.constant 0 : i32
    %dma_wait3A_148 = arith.constant 48 : i32
    %dma_wait3A_149 = arith.constant 0 : i32
    %dma_wait3A_150 = tpu.memref_slice %arg14[%dma_wait3A_148, %dma_wait3A_149] : memref<64x129xf32, #tpu.memory_space<vmem>> -> memref<8x128xf32, #tpu.memory_space<vmem>>
    %dma_wait3A_151 = arith.constant 0 : i32
    %dma_wait3A_152 = arith.constant 0 : i32
    %dma_wait3A_153 = tpu.memref_slice %arg6[%dma_wait3A_145, %dma_wait3A_146, %dma_wait3A_147, %dma_wait3A_151, %dma_wait3A_152] : memref<200x8x32x8x128xf32, #tpu.memory_space<hbm>> -> memref<1x1x1x8x128xf32, #tpu.memory_space<hbm>>
    %dma_wait3A_154 = tpu.memref_squeeze %dma_wait3A_153 : memref<1x1x1x8x128xf32, #tpu.memory_space<hbm>> -> memref<8x128xf32, #tpu.memory_space<hbm>>
    %dma_wait3A_155 = arith.constant 48 : i32
    %dma_wait3A_156 = arith.constant 0 : i32
    %dma_wait3A_157 = tpu.memref_slice %arg14[%dma_wait3A_155, %dma_wait3A_156] : memref<64x129xf32, #tpu.memory_space<vmem>> -> memref<8x128xf32, #tpu.memory_space<vmem>>
    %dma_wait3A_158 = arith.constant 0 : i32
    %dma_wait3A_159 = arith.constant 0 : i32
    %dma_wait3A_160 = tpu.memref_slice %arg6[%dma_wait3A_145, %dma_wait3A_146, %dma_wait3A_147, %dma_wait3A_158, %dma_wait3A_159] : memref<200x8x32x8x128xf32, #tpu.memory_space<hbm>> -> memref<1x1x1x8x128xf32, #tpu.memory_space<hbm>>
    %dma_wait3A_161 = tpu.memref_squeeze %dma_wait3A_160 : memref<1x1x1x8x128xf32, #tpu.memory_space<hbm>> -> memref<8x128xf32, #tpu.memory_space<hbm>>
    tpu.wait_dma2 semaphore(%arg22 : memref<!tpu.dma_semaphore, #tpu.memory_space<semaphore_mem>>) src(%dma_wait3A_161 : memref<8x128xf32, #tpu.memory_space<hbm>>) dst(%dma_wait3A_157 : memref<8x128xf32, #tpu.memory_space<vmem>>)
    %dma_wait3A_162 = arith.constant 0 : i32
    %dma_wait3A_163 = arith.constant 7 : i32
    %dma_wait3A_164 = arith.constant 0 : i32
    %dma_wait3A_165 = arith.constant 56 : i32
    %dma_wait3A_166 = arith.constant 0 : i32
    %dma_wait3A_167 = tpu.memref_slice %arg14[%dma_wait3A_165, %dma_wait3A_166] : memref<64x129xf32, #tpu.memory_space<vmem>> -> memref<8x128xf32, #tpu.memory_space<vmem>>
    %dma_wait3A_168 = arith.constant 0 : i32
    %dma_wait3A_169 = arith.constant 0 : i32
    %dma_wait3A_170 = tpu.memref_slice %arg6[%dma_wait3A_162, %dma_wait3A_163, %dma_wait3A_164, %dma_wait3A_168, %dma_wait3A_169] : memref<200x8x32x8x128xf32, #tpu.memory_space<hbm>> -> memref<1x1x1x8x128xf32, #tpu.memory_space<hbm>>
    %dma_wait3A_171 = tpu.memref_squeeze %dma_wait3A_170 : memref<1x1x1x8x128xf32, #tpu.memory_space<hbm>> -> memref<8x128xf32, #tpu.memory_space<hbm>>
    %dma_wait3A_172 = arith.constant 56 : i32
    %dma_wait3A_173 = arith.constant 0 : i32
    %dma_wait3A_174 = tpu.memref_slice %arg14[%dma_wait3A_172, %dma_wait3A_173] : memref<64x129xf32, #tpu.memory_space<vmem>> -> memref<8x128xf32, #tpu.memory_space<vmem>>
    %dma_wait3A_175 = arith.constant 0 : i32
    %dma_wait3A_176 = arith.constant 0 : i32
    %dma_wait3A_177 = tpu.memref_slice %arg6[%dma_wait3A_162, %dma_wait3A_163, %dma_wait3A_164, %dma_wait3A_175, %dma_wait3A_176] : memref<200x8x32x8x128xf32, #tpu.memory_space<hbm>> -> memref<1x1x1x8x128xf32, #tpu.memory_space<hbm>>
    %dma_wait3A_178 = tpu.memref_squeeze %dma_wait3A_177 : memref<1x1x1x8x128xf32, #tpu.memory_space<hbm>> -> memref<8x128xf32, #tpu.memory_space<hbm>>
    tpu.wait_dma2 semaphore(%arg22 : memref<!tpu.dma_semaphore, #tpu.memory_space<semaphore_mem>>) src(%dma_wait3A_178 : memref<8x128xf32, #tpu.memory_space<hbm>>) dst(%dma_wait3A_174 : memref<8x128xf32, #tpu.memory_space<vmem>>)
    %dma_wait3A_179 = arith.constant 0 : i32
    %dma_wait3A_180 = arith.constant 0 : i32
    %dma_wait3A_181 = arith.constant 0 : i32
    %dma_wait3A_182 = arith.constant 0 : i32
    %dma_wait3A_183 = arith.constant 0 : i32
    %dma_wait3A_184 = tpu.memref_slice %arg15[%dma_wait3A_182, %dma_wait3A_183] : memref<64x129xf32, #tpu.memory_space<vmem>> -> memref<8x128xf32, #tpu.memory_space<vmem>>
    %dma_wait3A_185 = arith.constant 0 : i32
    %dma_wait3A_186 = arith.constant 0 : i32
    %dma_wait3A_187 = tpu.memref_slice %arg6[%dma_wait3A_179, %dma_wait3A_180, %dma_wait3A_181, %dma_wait3A_185, %dma_wait3A_186] : memref<200x8x32x8x128xf32, #tpu.memory_space<hbm>> -> memref<1x1x1x8x128xf32, #tpu.memory_space<hbm>>
    %dma_wait3A_188 = tpu.memref_squeeze %dma_wait3A_187 : memref<1x1x1x8x128xf32, #tpu.memory_space<hbm>> -> memref<8x128xf32, #tpu.memory_space<hbm>>
    %dma_wait3A_189 = arith.constant 0 : i32
    %dma_wait3A_190 = arith.constant 0 : i32
    %dma_wait3A_191 = tpu.memref_slice %arg15[%dma_wait3A_189, %dma_wait3A_190] : memref<64x129xf32, #tpu.memory_space<vmem>> -> memref<8x128xf32, #tpu.memory_space<vmem>>
    %dma_wait3A_192 = arith.constant 0 : i32
    %dma_wait3A_193 = arith.constant 0 : i32
    %dma_wait3A_194 = tpu.memref_slice %arg6[%dma_wait3A_179, %dma_wait3A_180, %dma_wait3A_181, %dma_wait3A_192, %dma_wait3A_193] : memref<200x8x32x8x128xf32, #tpu.memory_space<hbm>> -> memref<1x1x1x8x128xf32, #tpu.memory_space<hbm>>
    %dma_wait3A_195 = tpu.memref_squeeze %dma_wait3A_194 : memref<1x1x1x8x128xf32, #tpu.memory_space<hbm>> -> memref<8x128xf32, #tpu.memory_space<hbm>>
    tpu.wait_dma2 semaphore(%arg23 : memref<!tpu.dma_semaphore, #tpu.memory_space<semaphore_mem>>) src(%dma_wait3A_195 : memref<8x128xf32, #tpu.memory_space<hbm>>) dst(%dma_wait3A_191 : memref<8x128xf32, #tpu.memory_space<vmem>>)
    %dma_wait3A_196 = arith.constant 0 : i32
    %dma_wait3A_197 = arith.constant 1 : i32
    %dma_wait3A_198 = arith.constant 0 : i32
    %dma_wait3A_199 = arith.constant 8 : i32
    %dma_wait3A_200 = arith.constant 0 : i32
    %dma_wait3A_201 = tpu.memref_slice %arg15[%dma_wait3A_199, %dma_wait3A_200] : memref<64x129xf32, #tpu.memory_space<vmem>> -> memref<8x128xf32, #tpu.memory_space<vmem>>
    %dma_wait3A_202 = arith.constant 0 : i32
    %dma_wait3A_203 = arith.constant 0 : i32
    %dma_wait3A_204 = tpu.memref_slice %arg6[%dma_wait3A_196, %dma_wait3A_197, %dma_wait3A_198, %dma_wait3A_202, %dma_wait3A_203] : memref<200x8x32x8x128xf32, #tpu.memory_space<hbm>> -> memref<1x1x1x8x128xf32, #tpu.memory_space<hbm>>
    %dma_wait3A_205 = tpu.memref_squeeze %dma_wait3A_204 : memref<1x1x1x8x128xf32, #tpu.memory_space<hbm>> -> memref<8x128xf32, #tpu.memory_space<hbm>>
    %dma_wait3A_206 = arith.constant 8 : i32
    %dma_wait3A_207 = arith.constant 0 : i32
    %dma_wait3A_208 = tpu.memref_slice %arg15[%dma_wait3A_206, %dma_wait3A_207] : memref<64x129xf32, #tpu.memory_space<vmem>> -> memref<8x128xf32, #tpu.memory_space<vmem>>
    %dma_wait3A_209 = arith.constant 0 : i32
    %dma_wait3A_210 = arith.constant 0 : i32
    %dma_wait3A_211 = tpu.memref_slice %arg6[%dma_wait3A_196, %dma_wait3A_197, %dma_wait3A_198, %dma_wait3A_209, %dma_wait3A_210] : memref<200x8x32x8x128xf32, #tpu.memory_space<hbm>> -> memref<1x1x1x8x128xf32, #tpu.memory_space<hbm>>
    %dma_wait3A_212 = tpu.memref_squeeze %dma_wait3A_211 : memref<1x1x1x8x128xf32, #tpu.memory_space<hbm>> -> memref<8x128xf32, #tpu.memory_space<hbm>>
    tpu.wait_dma2 semaphore(%arg23 : memref<!tpu.dma_semaphore, #tpu.memory_space<semaphore_mem>>) src(%dma_wait3A_212 : memref<8x128xf32, #tpu.memory_space<hbm>>) dst(%dma_wait3A_208 : memref<8x128xf32, #tpu.memory_space<vmem>>)
    %dma_wait3A_213 = arith.constant 0 : i32
    %dma_wait3A_214 = arith.constant 2 : i32
    %dma_wait3A_215 = arith.constant 0 : i32
    %dma_wait3A_216 = arith.constant 16 : i32
    %dma_wait3A_217 = arith.constant 0 : i32
    %dma_wait3A_218 = tpu.memref_slice %arg15[%dma_wait3A_216, %dma_wait3A_217] : memref<64x129xf32, #tpu.memory_space<vmem>> -> memref<8x128xf32, #tpu.memory_space<vmem>>
    %dma_wait3A_219 = arith.constant 0 : i32
    %dma_wait3A_220 = arith.constant 0 : i32
    %dma_wait3A_221 = tpu.memref_slice %arg6[%dma_wait3A_213, %dma_wait3A_214, %dma_wait3A_215, %dma_wait3A_219, %dma_wait3A_220] : memref<200x8x32x8x128xf32, #tpu.memory_space<hbm>> -> memref<1x1x1x8x128xf32, #tpu.memory_space<hbm>>
    %dma_wait3A_222 = tpu.memref_squeeze %dma_wait3A_221 : memref<1x1x1x8x128xf32, #tpu.memory_space<hbm>> -> memref<8x128xf32, #tpu.memory_space<hbm>>
    %dma_wait3A_223 = arith.constant 16 : i32
    %dma_wait3A_224 = arith.constant 0 : i32
    %dma_wait3A_225 = tpu.memref_slice %arg15[%dma_wait3A_223, %dma_wait3A_224] : memref<64x129xf32, #tpu.memory_space<vmem>> -> memref<8x128xf32, #tpu.memory_space<vmem>>
    %dma_wait3A_226 = arith.constant 0 : i32
    %dma_wait3A_227 = arith.constant 0 : i32
    %dma_wait3A_228 = tpu.memref_slice %arg6[%dma_wait3A_213, %dma_wait3A_214, %dma_wait3A_215, %dma_wait3A_226, %dma_wait3A_227] : memref<200x8x32x8x128xf32, #tpu.memory_space<hbm>> -> memref<1x1x1x8x128xf32, #tpu.memory_space<hbm>>
    %dma_wait3A_229 = tpu.memref_squeeze %dma_wait3A_228 : memref<1x1x1x8x128xf32, #tpu.memory_space<hbm>> -> memref<8x128xf32, #tpu.memory_space<hbm>>
    tpu.wait_dma2 semaphore(%arg23 : memref<!tpu.dma_semaphore, #tpu.memory_space<semaphore_mem>>) src(%dma_wait3A_229 : memref<8x128xf32, #tpu.memory_space<hbm>>) dst(%dma_wait3A_225 : memref<8x128xf32, #tpu.memory_space<vmem>>)
    %dma_wait3A_230 = arith.constant 0 : i32
    %dma_wait3A_231 = arith.constant 3 : i32
    %dma_wait3A_232 = arith.constant 0 : i32
    %dma_wait3A_233 = arith.constant 24 : i32
    %dma_wait3A_234 = arith.constant 0 : i32
    %dma_wait3A_235 = tpu.memref_slice %arg15[%dma_wait3A_233, %dma_wait3A_234] : memref<64x129xf32, #tpu.memory_space<vmem>> -> memref<8x128xf32, #tpu.memory_space<vmem>>
    %dma_wait3A_236 = arith.constant 0 : i32
    %dma_wait3A_237 = arith.constant 0 : i32
    %dma_wait3A_238 = tpu.memref_slice %arg6[%dma_wait3A_230, %dma_wait3A_231, %dma_wait3A_232, %dma_wait3A_236, %dma_wait3A_237] : memref<200x8x32x8x128xf32, #tpu.memory_space<hbm>> -> memref<1x1x1x8x128xf32, #tpu.memory_space<hbm>>
    %dma_wait3A_239 = tpu.memref_squeeze %dma_wait3A_238 : memref<1x1x1x8x128xf32, #tpu.memory_space<hbm>> -> memref<8x128xf32, #tpu.memory_space<hbm>>
    %dma_wait3A_240 = arith.constant 24 : i32
    %dma_wait3A_241 = arith.constant 0 : i32
    %dma_wait3A_242 = tpu.memref_slice %arg15[%dma_wait3A_240, %dma_wait3A_241] : memref<64x129xf32, #tpu.memory_space<vmem>> -> memref<8x128xf32, #tpu.memory_space<vmem>>
    %dma_wait3A_243 = arith.constant 0 : i32
    %dma_wait3A_244 = arith.constant 0 : i32
    %dma_wait3A_245 = tpu.memref_slice %arg6[%dma_wait3A_230, %dma_wait3A_231, %dma_wait3A_232, %dma_wait3A_243, %dma_wait3A_244] : memref<200x8x32x8x128xf32, #tpu.memory_space<hbm>> -> memref<1x1x1x8x128xf32, #tpu.memory_space<hbm>>
    %dma_wait3A_246 = tpu.memref_squeeze %dma_wait3A_245 : memref<1x1x1x8x128xf32, #tpu.memory_space<hbm>> -> memref<8x128xf32, #tpu.memory_space<hbm>>
    tpu.wait_dma2 semaphore(%arg23 : memref<!tpu.dma_semaphore, #tpu.memory_space<semaphore_mem>>) src(%dma_wait3A_246 : memref<8x128xf32, #tpu.memory_space<hbm>>) dst(%dma_wait3A_242 : memref<8x128xf32, #tpu.memory_space<vmem>>)
    %dma_wait3A_247 = arith.constant 0 : i32
    %dma_wait3A_248 = arith.constant 4 : i32
    %dma_wait3A_249 = arith.constant 0 : i32
    %dma_wait3A_250 = arith.constant 32 : i32
    %dma_wait3A_251 = arith.constant 0 : i32
    %dma_wait3A_252 = tpu.memref_slice %arg15[%dma_wait3A_250, %dma_wait3A_251] : memref<64x129xf32, #tpu.memory_space<vmem>> -> memref<8x128xf32, #tpu.memory_space<vmem>>
    %dma_wait3A_253 = arith.constant 0 : i32
    %dma_wait3A_254 = arith.constant 0 : i32
    %dma_wait3A_255 = tpu.memref_slice %arg6[%dma_wait3A_247, %dma_wait3A_248, %dma_wait3A_249, %dma_wait3A_253, %dma_wait3A_254] : memref<200x8x32x8x128xf32, #tpu.memory_space<hbm>> -> memref<1x1x1x8x128xf32, #tpu.memory_space<hbm>>
    %dma_wait3A_256 = tpu.memref_squeeze %dma_wait3A_255 : memref<1x1x1x8x128xf32, #tpu.memory_space<hbm>> -> memref<8x128xf32, #tpu.memory_space<hbm>>
    %dma_wait3A_257 = arith.constant 32 : i32
    %dma_wait3A_258 = arith.constant 0 : i32
    %dma_wait3A_259 = tpu.memref_slice %arg15[%dma_wait3A_257, %dma_wait3A_258] : memref<64x129xf32, #tpu.memory_space<vmem>> -> memref<8x128xf32, #tpu.memory_space<vmem>>
    %dma_wait3A_260 = arith.constant 0 : i32
    %dma_wait3A_261 = arith.constant 0 : i32
    %dma_wait3A_262 = tpu.memref_slice %arg6[%dma_wait3A_247, %dma_wait3A_248, %dma_wait3A_249, %dma_wait3A_260, %dma_wait3A_261] : memref<200x8x32x8x128xf32, #tpu.memory_space<hbm>> -> memref<1x1x1x8x128xf32, #tpu.memory_space<hbm>>
    %dma_wait3A_263 = tpu.memref_squeeze %dma_wait3A_262 : memref<1x1x1x8x128xf32, #tpu.memory_space<hbm>> -> memref<8x128xf32, #tpu.memory_space<hbm>>
    tpu.wait_dma2 semaphore(%arg23 : memref<!tpu.dma_semaphore, #tpu.memory_space<semaphore_mem>>) src(%dma_wait3A_263 : memref<8x128xf32, #tpu.memory_space<hbm>>) dst(%dma_wait3A_259 : memref<8x128xf32, #tpu.memory_space<vmem>>)
    %dma_wait3A_264 = arith.constant 0 : i32
    %dma_wait3A_265 = arith.constant 5 : i32
    %dma_wait3A_266 = arith.constant 0 : i32
    %dma_wait3A_267 = arith.constant 40 : i32
    %dma_wait3A_268 = arith.constant 0 : i32
    %dma_wait3A_269 = tpu.memref_slice %arg15[%dma_wait3A_267, %dma_wait3A_268] : memref<64x129xf32, #tpu.memory_space<vmem>> -> memref<8x128xf32, #tpu.memory_space<vmem>>
    %dma_wait3A_270 = arith.constant 0 : i32
    %dma_wait3A_271 = arith.constant 0 : i32
    %dma_wait3A_272 = tpu.memref_slice %arg6[%dma_wait3A_264, %dma_wait3A_265, %dma_wait3A_266, %dma_wait3A_270, %dma_wait3A_271] : memref<200x8x32x8x128xf32, #tpu.memory_space<hbm>> -> memref<1x1x1x8x128xf32, #tpu.memory_space<hbm>>
    %dma_wait3A_273 = tpu.memref_squeeze %dma_wait3A_272 : memref<1x1x1x8x128xf32, #tpu.memory_space<hbm>> -> memref<8x128xf32, #tpu.memory_space<hbm>>
    %dma_wait3A_274 = arith.constant 40 : i32
    %dma_wait3A_275 = arith.constant 0 : i32
    %dma_wait3A_276 = tpu.memref_slice %arg15[%dma_wait3A_274, %dma_wait3A_275] : memref<64x129xf32, #tpu.memory_space<vmem>> -> memref<8x128xf32, #tpu.memory_space<vmem>>
    %dma_wait3A_277 = arith.constant 0 : i32
    %dma_wait3A_278 = arith.constant 0 : i32
    %dma_wait3A_279 = tpu.memref_slice %arg6[%dma_wait3A_264, %dma_wait3A_265, %dma_wait3A_266, %dma_wait3A_277, %dma_wait3A_278] : memref<200x8x32x8x128xf32, #tpu.memory_space<hbm>> -> memref<1x1x1x8x128xf32, #tpu.memory_space<hbm>>
    %dma_wait3A_280 = tpu.memref_squeeze %dma_wait3A_279 : memref<1x1x1x8x128xf32, #tpu.memory_space<hbm>> -> memref<8x128xf32, #tpu.memory_space<hbm>>
    tpu.wait_dma2 semaphore(%arg23 : memref<!tpu.dma_semaphore, #tpu.memory_space<semaphore_mem>>) src(%dma_wait3A_280 : memref<8x128xf32, #tpu.memory_space<hbm>>) dst(%dma_wait3A_276 : memref<8x128xf32, #tpu.memory_space<vmem>>)
    %dma_wait3A_281 = arith.constant 0 : i32
    %dma_wait3A_282 = arith.constant 6 : i32
    %dma_wait3A_283 = arith.constant 0 : i32
    %dma_wait3A_284 = arith.constant 48 : i32
    %dma_wait3A_285 = arith.constant 0 : i32
    %dma_wait3A_286 = tpu.memref_slice %arg15[%dma_wait3A_284, %dma_wait3A_285] : memref<64x129xf32, #tpu.memory_space<vmem>> -> memref<8x128xf32, #tpu.memory_space<vmem>>
    %dma_wait3A_287 = arith.constant 0 : i32
    %dma_wait3A_288 = arith.constant 0 : i32
    %dma_wait3A_289 = tpu.memref_slice %arg6[%dma_wait3A_281, %dma_wait3A_282, %dma_wait3A_283, %dma_wait3A_287, %dma_wait3A_288] : memref<200x8x32x8x128xf32, #tpu.memory_space<hbm>> -> memref<1x1x1x8x128xf32, #tpu.memory_space<hbm>>
    %dma_wait3A_290 = tpu.memref_squeeze %dma_wait3A_289 : memref<1x1x1x8x128xf32, #tpu.memory_space<hbm>> -> memref<8x128xf32, #tpu.memory_space<hbm>>
    %dma_wait3A_291 = arith.constant 48 : i32
    %dma_wait3A_292 = arith.constant 0 : i32
    %dma_wait3A_293 = tpu.memref_slice %arg15[%dma_wait3A_291, %dma_wait3A_292] : memref<64x129xf32, #tpu.memory_space<vmem>> -> memref<8x128xf32, #tpu.memory_space<vmem>>
    %dma_wait3A_294 = arith.constant 0 : i32
    %dma_wait3A_295 = arith.constant 0 : i32
    %dma_wait3A_296 = tpu.memref_slice %arg6[%dma_wait3A_281, %dma_wait3A_282, %dma_wait3A_283, %dma_wait3A_294, %dma_wait3A_295] : memref<200x8x32x8x128xf32, #tpu.memory_space<hbm>> -> memref<1x1x1x8x128xf32, #tpu.memory_space<hbm>>
    %dma_wait3A_297 = tpu.memref_squeeze %dma_wait3A_296 : memref<1x1x1x8x128xf32, #tpu.memory_space<hbm>> -> memref<8x128xf32, #tpu.memory_space<hbm>>
    tpu.wait_dma2 semaphore(%arg23 : memref<!tpu.dma_semaphore, #tpu.memory_space<semaphore_mem>>) src(%dma_wait3A_297 : memref<8x128xf32, #tpu.memory_space<hbm>>) dst(%dma_wait3A_293 : memref<8x128xf32, #tpu.memory_space<vmem>>)
    %dma_wait3A_298 = arith.constant 0 : i32
    %dma_wait3A_299 = arith.constant 7 : i32
    %dma_wait3A_300 = arith.constant 0 : i32
    %dma_wait3A_301 = arith.constant 56 : i32
    %dma_wait3A_302 = arith.constant 0 : i32
    %dma_wait3A_303 = tpu.memref_slice %arg15[%dma_wait3A_301, %dma_wait3A_302] : memref<64x129xf32, #tpu.memory_space<vmem>> -> memref<8x128xf32, #tpu.memory_space<vmem>>
    %dma_wait3A_304 = arith.constant 0 : i32
    %dma_wait3A_305 = arith.constant 0 : i32
    %dma_wait3A_306 = tpu.memref_slice %arg6[%dma_wait3A_298, %dma_wait3A_299, %dma_wait3A_300, %dma_wait3A_304, %dma_wait3A_305] : memref<200x8x32x8x128xf32, #tpu.memory_space<hbm>> -> memref<1x1x1x8x128xf32, #tpu.memory_space<hbm>>
    %dma_wait3A_307 = tpu.memref_squeeze %dma_wait3A_306 : memref<1x1x1x8x128xf32, #tpu.memory_space<hbm>> -> memref<8x128xf32, #tpu.memory_space<hbm>>
    %dma_wait3A_308 = arith.constant 56 : i32
    %dma_wait3A_309 = arith.constant 0 : i32
    %dma_wait3A_310 = tpu.memref_slice %arg15[%dma_wait3A_308, %dma_wait3A_309] : memref<64x129xf32, #tpu.memory_space<vmem>> -> memref<8x128xf32, #tpu.memory_space<vmem>>
    %dma_wait3A_311 = arith.constant 0 : i32
    %dma_wait3A_312 = arith.constant 0 : i32
    %dma_wait3A_313 = tpu.memref_slice %arg6[%dma_wait3A_298, %dma_wait3A_299, %dma_wait3A_300, %dma_wait3A_311, %dma_wait3A_312] : memref<200x8x32x8x128xf32, #tpu.memory_space<hbm>> -> memref<1x1x1x8x128xf32, #tpu.memory_space<hbm>>
    %dma_wait3A_314 = tpu.memref_squeeze %dma_wait3A_313 : memref<1x1x1x8x128xf32, #tpu.memory_space<hbm>> -> memref<8x128xf32, #tpu.memory_space<hbm>>
    tpu.wait_dma2 semaphore(%arg23 : memref<!tpu.dma_semaphore, #tpu.memory_space<semaphore_mem>>) src(%dma_wait3A_314 : memref<8x128xf32, #tpu.memory_space<hbm>>) dst(%dma_wait3A_310 : memref<8x128xf32, #tpu.memory_space<vmem>>)
    %dma_wait3A_315 = arith.constant 0 : i32
    %dma_wait3A_316 = arith.constant 0 : i32
    %dma_wait3A_317 = arith.constant 0 : i32
    %dma_wait3A_318 = arith.constant 0 : i32
    %dma_wait3A_319 = arith.constant 0 : i32
    %dma_wait3A_320 = tpu.memref_slice %arg16[%dma_wait3A_318, %dma_wait3A_319] : memref<64x129xf32, #tpu.memory_space<vmem>> -> memref<8x128xf32, #tpu.memory_space<vmem>>
    %dma_wait3A_321 = arith.constant 0 : i32
    %dma_wait3A_322 = arith.constant 0 : i32
    %dma_wait3A_323 = tpu.memref_slice %arg6[%dma_wait3A_315, %dma_wait3A_316, %dma_wait3A_317, %dma_wait3A_321, %dma_wait3A_322] : memref<200x8x32x8x128xf32, #tpu.memory_space<hbm>> -> memref<1x1x1x8x128xf32, #tpu.memory_space<hbm>>
    %dma_wait3A_324 = tpu.memref_squeeze %dma_wait3A_323 : memref<1x1x1x8x128xf32, #tpu.memory_space<hbm>> -> memref<8x128xf32, #tpu.memory_space<hbm>>
    %dma_wait3A_325 = arith.constant 0 : i32
    %dma_wait3A_326 = arith.constant 0 : i32
    %dma_wait3A_327 = tpu.memref_slice %arg16[%dma_wait3A_325, %dma_wait3A_326] : memref<64x129xf32, #tpu.memory_space<vmem>> -> memref<8x128xf32, #tpu.memory_space<vmem>>
    %dma_wait3A_328 = arith.constant 0 : i32
    %dma_wait3A_329 = arith.constant 0 : i32
    %dma_wait3A_330 = tpu.memref_slice %arg6[%dma_wait3A_315, %dma_wait3A_316, %dma_wait3A_317, %dma_wait3A_328, %dma_wait3A_329] : memref<200x8x32x8x128xf32, #tpu.memory_space<hbm>> -> memref<1x1x1x8x128xf32, #tpu.memory_space<hbm>>
    %dma_wait3A_331 = tpu.memref_squeeze %dma_wait3A_330 : memref<1x1x1x8x128xf32, #tpu.memory_space<hbm>> -> memref<8x128xf32, #tpu.memory_space<hbm>>
    tpu.wait_dma2 semaphore(%arg24 : memref<!tpu.dma_semaphore, #tpu.memory_space<semaphore_mem>>) src(%dma_wait3A_331 : memref<8x128xf32, #tpu.memory_space<hbm>>) dst(%dma_wait3A_327 : memref<8x128xf32, #tpu.memory_space<vmem>>)
    %dma_wait3A_332 = arith.constant 0 : i32
    %dma_wait3A_333 = arith.constant 1 : i32
    %dma_wait3A_334 = arith.constant 0 : i32
    %dma_wait3A_335 = arith.constant 8 : i32
    %dma_wait3A_336 = arith.constant 0 : i32
    %dma_wait3A_337 = tpu.memref_slice %arg16[%dma_wait3A_335, %dma_wait3A_336] : memref<64x129xf32, #tpu.memory_space<vmem>> -> memref<8x128xf32, #tpu.memory_space<vmem>>
    %dma_wait3A_338 = arith.constant 0 : i32
    %dma_wait3A_339 = arith.constant 0 : i32
    %dma_wait3A_340 = tpu.memref_slice %arg6[%dma_wait3A_332, %dma_wait3A_333, %dma_wait3A_334, %dma_wait3A_338, %dma_wait3A_339] : memref<200x8x32x8x128xf32, #tpu.memory_space<hbm>> -> memref<1x1x1x8x128xf32, #tpu.memory_space<hbm>>
    %dma_wait3A_341 = tpu.memref_squeeze %dma_wait3A_340 : memref<1x1x1x8x128xf32, #tpu.memory_space<hbm>> -> memref<8x128xf32, #tpu.memory_space<hbm>>
    %dma_wait3A_342 = arith.constant 8 : i32
    %dma_wait3A_343 = arith.constant 0 : i32
    %dma_wait3A_344 = tpu.memref_slice %arg16[%dma_wait3A_342, %dma_wait3A_343] : memref<64x129xf32, #tpu.memory_space<vmem>> -> memref<8x128xf32, #tpu.memory_space<vmem>>
    %dma_wait3A_345 = arith.constant 0 : i32
    %dma_wait3A_346 = arith.constant 0 : i32
    %dma_wait3A_347 = tpu.memref_slice %arg6[%dma_wait3A_332, %dma_wait3A_333, %dma_wait3A_334, %dma_wait3A_345, %dma_wait3A_346] : memref<200x8x32x8x128xf32, #tpu.memory_space<hbm>> -> memref<1x1x1x8x128xf32, #tpu.memory_space<hbm>>
    %dma_wait3A_348 = tpu.memref_squeeze %dma_wait3A_347 : memref<1x1x1x8x128xf32, #tpu.memory_space<hbm>> -> memref<8x128xf32, #tpu.memory_space<hbm>>
    tpu.wait_dma2 semaphore(%arg24 : memref<!tpu.dma_semaphore, #tpu.memory_space<semaphore_mem>>) src(%dma_wait3A_348 : memref<8x128xf32, #tpu.memory_space<hbm>>) dst(%dma_wait3A_344 : memref<8x128xf32, #tpu.memory_space<vmem>>)
    %dma_wait3A_349 = arith.constant 0 : i32
    %dma_wait3A_350 = arith.constant 2 : i32
    %dma_wait3A_351 = arith.constant 0 : i32
    %dma_wait3A_352 = arith.constant 16 : i32
    %dma_wait3A_353 = arith.constant 0 : i32
    %dma_wait3A_354 = tpu.memref_slice %arg16[%dma_wait3A_352, %dma_wait3A_353] : memref<64x129xf32, #tpu.memory_space<vmem>> -> memref<8x128xf32, #tpu.memory_space<vmem>>
    %dma_wait3A_355 = arith.constant 0 : i32
    %dma_wait3A_356 = arith.constant 0 : i32
    %dma_wait3A_357 = tpu.memref_slice %arg6[%dma_wait3A_349, %dma_wait3A_350, %dma_wait3A_351, %dma_wait3A_355, %dma_wait3A_356] : memref<200x8x32x8x128xf32, #tpu.memory_space<hbm>> -> memref<1x1x1x8x128xf32, #tpu.memory_space<hbm>>
    %dma_wait3A_358 = tpu.memref_squeeze %dma_wait3A_357 : memref<1x1x1x8x128xf32, #tpu.memory_space<hbm>> -> memref<8x128xf32, #tpu.memory_space<hbm>>
    %dma_wait3A_359 = arith.constant 16 : i32
    %dma_wait3A_360 = arith.constant 0 : i32
    %dma_wait3A_361 = tpu.memref_slice %arg16[%dma_wait3A_359, %dma_wait3A_360] : memref<64x129xf32, #tpu.memory_space<vmem>> -> memref<8x128xf32, #tpu.memory_space<vmem>>
    %dma_wait3A_362 = arith.constant 0 : i32
    %dma_wait3A_363 = arith.constant 0 : i32
    %dma_wait3A_364 = tpu.memref_slice %arg6[%dma_wait3A_349, %dma_wait3A_350, %dma_wait3A_351, %dma_wait3A_362, %dma_wait3A_363] : memref<200x8x32x8x128xf32, #tpu.memory_space<hbm>> -> memref<1x1x1x8x128xf32, #tpu.memory_space<hbm>>
    %dma_wait3A_365 = tpu.memref_squeeze %dma_wait3A_364 : memref<1x1x1x8x128xf32, #tpu.memory_space<hbm>> -> memref<8x128xf32, #tpu.memory_space<hbm>>
    tpu.wait_dma2 semaphore(%arg24 : memref<!tpu.dma_semaphore, #tpu.memory_space<semaphore_mem>>) src(%dma_wait3A_365 : memref<8x128xf32, #tpu.memory_space<hbm>>) dst(%dma_wait3A_361 : memref<8x128xf32, #tpu.memory_space<vmem>>)
    %dma_wait3A_366 = arith.constant 0 : i32
    %dma_wait3A_367 = arith.constant 3 : i32
    %dma_wait3A_368 = arith.constant 0 : i32
    %dma_wait3A_369 = arith.constant 24 : i32
    %dma_wait3A_370 = arith.constant 0 : i32
    %dma_wait3A_371 = tpu.memref_slice %arg16[%dma_wait3A_369, %dma_wait3A_370] : memref<64x129xf32, #tpu.memory_space<vmem>> -> memref<8x128xf32, #tpu.memory_space<vmem>>
    %dma_wait3A_372 = arith.constant 0 : i32
    %dma_wait3A_373 = arith.constant 0 : i32
    %dma_wait3A_374 = tpu.memref_slice %arg6[%dma_wait3A_366, %dma_wait3A_367, %dma_wait3A_368, %dma_wait3A_372, %dma_wait3A_373] : memref<200x8x32x8x128xf32, #tpu.memory_space<hbm>> -> memref<1x1x1x8x128xf32, #tpu.memory_space<hbm>>
    %dma_wait3A_375 = tpu.memref_squeeze %dma_wait3A_374 : memref<1x1x1x8x128xf32, #tpu.memory_space<hbm>> -> memref<8x128xf32, #tpu.memory_space<hbm>>
    %dma_wait3A_376 = arith.constant 24 : i32
    %dma_wait3A_377 = arith.constant 0 : i32
    %dma_wait3A_378 = tpu.memref_slice %arg16[%dma_wait3A_376, %dma_wait3A_377] : memref<64x129xf32, #tpu.memory_space<vmem>> -> memref<8x128xf32, #tpu.memory_space<vmem>>
    %dma_wait3A_379 = arith.constant 0 : i32
    %dma_wait3A_380 = arith.constant 0 : i32
    %dma_wait3A_381 = tpu.memref_slice %arg6[%dma_wait3A_366, %dma_wait3A_367, %dma_wait3A_368, %dma_wait3A_379, %dma_wait3A_380] : memref<200x8x32x8x128xf32, #tpu.memory_space<hbm>> -> memref<1x1x1x8x128xf32, #tpu.memory_space<hbm>>
    %dma_wait3A_382 = tpu.memref_squeeze %dma_wait3A_381 : memref<1x1x1x8x128xf32, #tpu.memory_space<hbm>> -> memref<8x128xf32, #tpu.memory_space<hbm>>
    tpu.wait_dma2 semaphore(%arg24 : memref<!tpu.dma_semaphore, #tpu.memory_space<semaphore_mem>>) src(%dma_wait3A_382 : memref<8x128xf32, #tpu.memory_space<hbm>>) dst(%dma_wait3A_378 : memref<8x128xf32, #tpu.memory_space<vmem>>)
    %dma_wait3A_383 = arith.constant 0 : i32
    %dma_wait3A_384 = arith.constant 4 : i32
    %dma_wait3A_385 = arith.constant 0 : i32
    %dma_wait3A_386 = arith.constant 32 : i32
    %dma_wait3A_387 = arith.constant 0 : i32
    %dma_wait3A_388 = tpu.memref_slice %arg16[%dma_wait3A_386, %dma_wait3A_387] : memref<64x129xf32, #tpu.memory_space<vmem>> -> memref<8x128xf32, #tpu.memory_space<vmem>>
    %dma_wait3A_389 = arith.constant 0 : i32
    %dma_wait3A_390 = arith.constant 0 : i32
    %dma_wait3A_391 = tpu.memref_slice %arg6[%dma_wait3A_383, %dma_wait3A_384, %dma_wait3A_385, %dma_wait3A_389, %dma_wait3A_390] : memref<200x8x32x8x128xf32, #tpu.memory_space<hbm>> -> memref<1x1x1x8x128xf32, #tpu.memory_space<hbm>>
    %dma_wait3A_392 = tpu.memref_squeeze %dma_wait3A_391 : memref<1x1x1x8x128xf32, #tpu.memory_space<hbm>> -> memref<8x128xf32, #tpu.memory_space<hbm>>
    %dma_wait3A_393 = arith.constant 32 : i32
    %dma_wait3A_394 = arith.constant 0 : i32
    %dma_wait3A_395 = tpu.memref_slice %arg16[%dma_wait3A_393, %dma_wait3A_394] : memref<64x129xf32, #tpu.memory_space<vmem>> -> memref<8x128xf32, #tpu.memory_space<vmem>>
    %dma_wait3A_396 = arith.constant 0 : i32
    %dma_wait3A_397 = arith.constant 0 : i32
    %dma_wait3A_398 = tpu.memref_slice %arg6[%dma_wait3A_383, %dma_wait3A_384, %dma_wait3A_385, %dma_wait3A_396, %dma_wait3A_397] : memref<200x8x32x8x128xf32, #tpu.memory_space<hbm>> -> memref<1x1x1x8x128xf32, #tpu.memory_space<hbm>>
    %dma_wait3A_399 = tpu.memref_squeeze %dma_wait3A_398 : memref<1x1x1x8x128xf32, #tpu.memory_space<hbm>> -> memref<8x128xf32, #tpu.memory_space<hbm>>
    tpu.wait_dma2 semaphore(%arg24 : memref<!tpu.dma_semaphore, #tpu.memory_space<semaphore_mem>>) src(%dma_wait3A_399 : memref<8x128xf32, #tpu.memory_space<hbm>>) dst(%dma_wait3A_395 : memref<8x128xf32, #tpu.memory_space<vmem>>)
    %dma_wait3A_400 = arith.constant 0 : i32
    %dma_wait3A_401 = arith.constant 5 : i32
    %dma_wait3A_402 = arith.constant 0 : i32
    %dma_wait3A_403 = arith.constant 40 : i32
    %dma_wait3A_404 = arith.constant 0 : i32
    %dma_wait3A_405 = tpu.memref_slice %arg16[%dma_wait3A_403, %dma_wait3A_404] : memref<64x129xf32, #tpu.memory_space<vmem>> -> memref<8x128xf32, #tpu.memory_space<vmem>>
    %dma_wait3A_406 = arith.constant 0 : i32
    %dma_wait3A_407 = arith.constant 0 : i32
    %dma_wait3A_408 = tpu.memref_slice %arg6[%dma_wait3A_400, %dma_wait3A_401, %dma_wait3A_402, %dma_wait3A_406, %dma_wait3A_407] : memref<200x8x32x8x128xf32, #tpu.memory_space<hbm>> -> memref<1x1x1x8x128xf32, #tpu.memory_space<hbm>>
    %dma_wait3A_409 = tpu.memref_squeeze %dma_wait3A_408 : memref<1x1x1x8x128xf32, #tpu.memory_space<hbm>> -> memref<8x128xf32, #tpu.memory_space<hbm>>
    %dma_wait3A_410 = arith.constant 40 : i32
    %dma_wait3A_411 = arith.constant 0 : i32
    %dma_wait3A_412 = tpu.memref_slice %arg16[%dma_wait3A_410, %dma_wait3A_411] : memref<64x129xf32, #tpu.memory_space<vmem>> -> memref<8x128xf32, #tpu.memory_space<vmem>>
    %dma_wait3A_413 = arith.constant 0 : i32
    %dma_wait3A_414 = arith.constant 0 : i32
    %dma_wait3A_415 = tpu.memref_slice %arg6[%dma_wait3A_400, %dma_wait3A_401, %dma_wait3A_402, %dma_wait3A_413, %dma_wait3A_414] : memref<200x8x32x8x128xf32, #tpu.memory_space<hbm>> -> memref<1x1x1x8x128xf32, #tpu.memory_space<hbm>>
    %dma_wait3A_416 = tpu.memref_squeeze %dma_wait3A_415 : memref<1x1x1x8x128xf32, #tpu.memory_space<hbm>> -> memref<8x128xf32, #tpu.memory_space<hbm>>
    tpu.wait_dma2 semaphore(%arg24 : memref<!tpu.dma_semaphore, #tpu.memory_space<semaphore_mem>>) src(%dma_wait3A_416 : memref<8x128xf32, #tpu.memory_space<hbm>>) dst(%dma_wait3A_412 : memref<8x128xf32, #tpu.memory_space<vmem>>)
    %dma_wait3A_417 = arith.constant 0 : i32
    %dma_wait3A_418 = arith.constant 6 : i32
    %dma_wait3A_419 = arith.constant 0 : i32
    %dma_wait3A_420 = arith.constant 48 : i32
    %dma_wait3A_421 = arith.constant 0 : i32
    %dma_wait3A_422 = tpu.memref_slice %arg16[%dma_wait3A_420, %dma_wait3A_421] : memref<64x129xf32, #tpu.memory_space<vmem>> -> memref<8x128xf32, #tpu.memory_space<vmem>>
    %dma_wait3A_423 = arith.constant 0 : i32
    %dma_wait3A_424 = arith.constant 0 : i32
    %dma_wait3A_425 = tpu.memref_slice %arg6[%dma_wait3A_417, %dma_wait3A_418, %dma_wait3A_419, %dma_wait3A_423, %dma_wait3A_424] : memref<200x8x32x8x128xf32, #tpu.memory_space<hbm>> -> memref<1x1x1x8x128xf32, #tpu.memory_space<hbm>>
    %dma_wait3A_426 = tpu.memref_squeeze %dma_wait3A_425 : memref<1x1x1x8x128xf32, #tpu.memory_space<hbm>> -> memref<8x128xf32, #tpu.memory_space<hbm>>
    %dma_wait3A_427 = arith.constant 48 : i32
    %dma_wait3A_428 = arith.constant 0 : i32
    %dma_wait3A_429 = tpu.memref_slice %arg16[%dma_wait3A_427, %dma_wait3A_428] : memref<64x129xf32, #tpu.memory_space<vmem>> -> memref<8x128xf32, #tpu.memory_space<vmem>>
    %dma_wait3A_430 = arith.constant 0 : i32
    %dma_wait3A_431 = arith.constant 0 : i32
    %dma_wait3A_432 = tpu.memref_slice %arg6[%dma_wait3A_417, %dma_wait3A_418, %dma_wait3A_419, %dma_wait3A_430, %dma_wait3A_431] : memref<200x8x32x8x128xf32, #tpu.memory_space<hbm>> -> memref<1x1x1x8x128xf32, #tpu.memory_space<hbm>>
    %dma_wait3A_433 = tpu.memref_squeeze %dma_wait3A_432 : memref<1x1x1x8x128xf32, #tpu.memory_space<hbm>> -> memref<8x128xf32, #tpu.memory_space<hbm>>
    tpu.wait_dma2 semaphore(%arg24 : memref<!tpu.dma_semaphore, #tpu.memory_space<semaphore_mem>>) src(%dma_wait3A_433 : memref<8x128xf32, #tpu.memory_space<hbm>>) dst(%dma_wait3A_429 : memref<8x128xf32, #tpu.memory_space<vmem>>)
    %dma_wait3A_434 = arith.constant 0 : i32
    %dma_wait3A_435 = arith.constant 7 : i32
    %dma_wait3A_436 = arith.constant 0 : i32
    %dma_wait3A_437 = arith.constant 56 : i32
    %dma_wait3A_438 = arith.constant 0 : i32
    %dma_wait3A_439 = tpu.memref_slice %arg16[%dma_wait3A_437, %dma_wait3A_438] : memref<64x129xf32, #tpu.memory_space<vmem>> -> memref<8x128xf32, #tpu.memory_space<vmem>>
    %dma_wait3A_440 = arith.constant 0 : i32
    %dma_wait3A_441 = arith.constant 0 : i32
    %dma_wait3A_442 = tpu.memref_slice %arg6[%dma_wait3A_434, %dma_wait3A_435, %dma_wait3A_436, %dma_wait3A_440, %dma_wait3A_441] : memref<200x8x32x8x128xf32, #tpu.memory_space<hbm>> -> memref<1x1x1x8x128xf32, #tpu.memory_space<hbm>>
    %dma_wait3A_443 = tpu.memref_squeeze %dma_wait3A_442 : memref<1x1x1x8x128xf32, #tpu.memory_space<hbm>> -> memref<8x128xf32, #tpu.memory_space<hbm>>
    %dma_wait3A_444 = arith.constant 56 : i32
    %dma_wait3A_445 = arith.constant 0 : i32
    %dma_wait3A_446 = tpu.memref_slice %arg16[%dma_wait3A_444, %dma_wait3A_445] : memref<64x129xf32, #tpu.memory_space<vmem>> -> memref<8x128xf32, #tpu.memory_space<vmem>>
    %dma_wait3A_447 = arith.constant 0 : i32
    %dma_wait3A_448 = arith.constant 0 : i32
    %dma_wait3A_449 = tpu.memref_slice %arg6[%dma_wait3A_434, %dma_wait3A_435, %dma_wait3A_436, %dma_wait3A_447, %dma_wait3A_448] : memref<200x8x32x8x128xf32, #tpu.memory_space<hbm>> -> memref<1x1x1x8x128xf32, #tpu.memory_space<hbm>>
    %dma_wait3A_450 = tpu.memref_squeeze %dma_wait3A_449 : memref<1x1x1x8x128xf32, #tpu.memory_space<hbm>> -> memref<8x128xf32, #tpu.memory_space<hbm>>
    tpu.wait_dma2 semaphore(%arg24 : memref<!tpu.dma_semaphore, #tpu.memory_space<semaphore_mem>>) src(%dma_wait3A_450 : memref<8x128xf32, #tpu.memory_space<hbm>>) dst(%dma_wait3A_446 : memref<8x128xf32, #tpu.memory_space<vmem>>)
    %dma_wait3A_451 = arith.constant 0 : i32
    %dma_wait3A_452 = arith.constant 0 : i32
    %dma_wait3A_453 = arith.constant 0 : i32
    %dma_wait3A_454 = arith.constant 0 : i32
    %dma_wait3A_455 = arith.constant 0 : i32
    %dma_wait3A_456 = tpu.memref_slice %arg17[%dma_wait3A_454, %dma_wait3A_455] : memref<64x129xf32, #tpu.memory_space<vmem>> -> memref<8x128xf32, #tpu.memory_space<vmem>>
    %dma_wait3A_457 = arith.constant 0 : i32
    %dma_wait3A_458 = arith.constant 0 : i32
    %dma_wait3A_459 = tpu.memref_slice %arg6[%dma_wait3A_451, %dma_wait3A_452, %dma_wait3A_453, %dma_wait3A_457, %dma_wait3A_458] : memref<200x8x32x8x128xf32, #tpu.memory_space<hbm>> -> memref<1x1x1x8x128xf32, #tpu.memory_space<hbm>>
    %dma_wait3A_460 = tpu.memref_squeeze %dma_wait3A_459 : memref<1x1x1x8x128xf32, #tpu.memory_space<hbm>> -> memref<8x128xf32, #tpu.memory_space<hbm>>
    %dma_wait3A_461 = arith.constant 0 : i32
    %dma_wait3A_462 = arith.constant 0 : i32
    %dma_wait3A_463 = tpu.memref_slice %arg17[%dma_wait3A_461, %dma_wait3A_462] : memref<64x129xf32, #tpu.memory_space<vmem>> -> memref<8x128xf32, #tpu.memory_space<vmem>>
    %dma_wait3A_464 = arith.constant 0 : i32
    %dma_wait3A_465 = arith.constant 0 : i32
    %dma_wait3A_466 = tpu.memref_slice %arg6[%dma_wait3A_451, %dma_wait3A_452, %dma_wait3A_453, %dma_wait3A_464, %dma_wait3A_465] : memref<200x8x32x8x128xf32, #tpu.memory_space<hbm>> -> memref<1x1x1x8x128xf32, #tpu.memory_space<hbm>>
    %dma_wait3A_467 = tpu.memref_squeeze %dma_wait3A_466 : memref<1x1x1x8x128xf32, #tpu.memory_space<hbm>> -> memref<8x128xf32, #tpu.memory_space<hbm>>
    tpu.wait_dma2 semaphore(%arg25 : memref<!tpu.dma_semaphore, #tpu.memory_space<semaphore_mem>>) src(%dma_wait3A_467 : memref<8x128xf32, #tpu.memory_space<hbm>>) dst(%dma_wait3A_463 : memref<8x128xf32, #tpu.memory_space<vmem>>)
    %dma_wait3A_468 = arith.constant 0 : i32
    %dma_wait3A_469 = arith.constant 1 : i32
    %dma_wait3A_470 = arith.constant 0 : i32
    %dma_wait3A_471 = arith.constant 8 : i32
    %dma_wait3A_472 = arith.constant 0 : i32
    %dma_wait3A_473 = tpu.memref_slice %arg17[%dma_wait3A_471, %dma_wait3A_472] : memref<64x129xf32, #tpu.memory_space<vmem>> -> memref<8x128xf32, #tpu.memory_space<vmem>>
    %dma_wait3A_474 = arith.constant 0 : i32
    %dma_wait3A_475 = arith.constant 0 : i32
    %dma_wait3A_476 = tpu.memref_slice %arg6[%dma_wait3A_468, %dma_wait3A_469, %dma_wait3A_470, %dma_wait3A_474, %dma_wait3A_475] : memref<200x8x32x8x128xf32, #tpu.memory_space<hbm>> -> memref<1x1x1x8x128xf32, #tpu.memory_space<hbm>>
    %dma_wait3A_477 = tpu.memref_squeeze %dma_wait3A_476 : memref<1x1x1x8x128xf32, #tpu.memory_space<hbm>> -> memref<8x128xf32, #tpu.memory_space<hbm>>
    %dma_wait3A_478 = arith.constant 8 : i32
    %dma_wait3A_479 = arith.constant 0 : i32
    %dma_wait3A_480 = tpu.memref_slice %arg17[%dma_wait3A_478, %dma_wait3A_479] : memref<64x129xf32, #tpu.memory_space<vmem>> -> memref<8x128xf32, #tpu.memory_space<vmem>>
    %dma_wait3A_481 = arith.constant 0 : i32
    %dma_wait3A_482 = arith.constant 0 : i32
    %dma_wait3A_483 = tpu.memref_slice %arg6[%dma_wait3A_468, %dma_wait3A_469, %dma_wait3A_470, %dma_wait3A_481, %dma_wait3A_482] : memref<200x8x32x8x128xf32, #tpu.memory_space<hbm>> -> memref<1x1x1x8x128xf32, #tpu.memory_space<hbm>>
    %dma_wait3A_484 = tpu.memref_squeeze %dma_wait3A_483 : memref<1x1x1x8x128xf32, #tpu.memory_space<hbm>> -> memref<8x128xf32, #tpu.memory_space<hbm>>
    tpu.wait_dma2 semaphore(%arg25 : memref<!tpu.dma_semaphore, #tpu.memory_space<semaphore_mem>>) src(%dma_wait3A_484 : memref<8x128xf32, #tpu.memory_space<hbm>>) dst(%dma_wait3A_480 : memref<8x128xf32, #tpu.memory_space<vmem>>)
    %dma_wait3A_485 = arith.constant 0 : i32
    %dma_wait3A_486 = arith.constant 2 : i32
    %dma_wait3A_487 = arith.constant 0 : i32
    %dma_wait3A_488 = arith.constant 16 : i32
    %dma_wait3A_489 = arith.constant 0 : i32
    %dma_wait3A_490 = tpu.memref_slice %arg17[%dma_wait3A_488, %dma_wait3A_489] : memref<64x129xf32, #tpu.memory_space<vmem>> -> memref<8x128xf32, #tpu.memory_space<vmem>>
    %dma_wait3A_491 = arith.constant 0 : i32
    %dma_wait3A_492 = arith.constant 0 : i32
    %dma_wait3A_493 = tpu.memref_slice %arg6[%dma_wait3A_485, %dma_wait3A_486, %dma_wait3A_487, %dma_wait3A_491, %dma_wait3A_492] : memref<200x8x32x8x128xf32, #tpu.memory_space<hbm>> -> memref<1x1x1x8x128xf32, #tpu.memory_space<hbm>>
    %dma_wait3A_494 = tpu.memref_squeeze %dma_wait3A_493 : memref<1x1x1x8x128xf32, #tpu.memory_space<hbm>> -> memref<8x128xf32, #tpu.memory_space<hbm>>
    %dma_wait3A_495 = arith.constant 16 : i32
    %dma_wait3A_496 = arith.constant 0 : i32
    %dma_wait3A_497 = tpu.memref_slice %arg17[%dma_wait3A_495, %dma_wait3A_496] : memref<64x129xf32, #tpu.memory_space<vmem>> -> memref<8x128xf32, #tpu.memory_space<vmem>>
    %dma_wait3A_498 = arith.constant 0 : i32
    %dma_wait3A_499 = arith.constant 0 : i32
    %dma_wait3A_500 = tpu.memref_slice %arg6[%dma_wait3A_485, %dma_wait3A_486, %dma_wait3A_487, %dma_wait3A_498, %dma_wait3A_499] : memref<200x8x32x8x128xf32, #tpu.memory_space<hbm>> -> memref<1x1x1x8x128xf32, #tpu.memory_space<hbm>>
    %dma_wait3A_501 = tpu.memref_squeeze %dma_wait3A_500 : memref<1x1x1x8x128xf32, #tpu.memory_space<hbm>> -> memref<8x128xf32, #tpu.memory_space<hbm>>
    tpu.wait_dma2 semaphore(%arg25 : memref<!tpu.dma_semaphore, #tpu.memory_space<semaphore_mem>>) src(%dma_wait3A_501 : memref<8x128xf32, #tpu.memory_space<hbm>>) dst(%dma_wait3A_497 : memref<8x128xf32, #tpu.memory_space<vmem>>)
    %dma_wait3A_502 = arith.constant 0 : i32
    %dma_wait3A_503 = arith.constant 3 : i32
    %dma_wait3A_504 = arith.constant 0 : i32
    %dma_wait3A_505 = arith.constant 24 : i32
    %dma_wait3A_506 = arith.constant 0 : i32
    %dma_wait3A_507 = tpu.memref_slice %arg17[%dma_wait3A_505, %dma_wait3A_506] : memref<64x129xf32, #tpu.memory_space<vmem>> -> memref<8x128xf32, #tpu.memory_space<vmem>>
    %dma_wait3A_508 = arith.constant 0 : i32
    %dma_wait3A_509 = arith.constant 0 : i32
    %dma_wait3A_510 = tpu.memref_slice %arg6[%dma_wait3A_502, %dma_wait3A_503, %dma_wait3A_504, %dma_wait3A_508, %dma_wait3A_509] : memref<200x8x32x8x128xf32, #tpu.memory_space<hbm>> -> memref<1x1x1x8x128xf32, #tpu.memory_space<hbm>>
    %dma_wait3A_511 = tpu.memref_squeeze %dma_wait3A_510 : memref<1x1x1x8x128xf32, #tpu.memory_space<hbm>> -> memref<8x128xf32, #tpu.memory_space<hbm>>
    %dma_wait3A_512 = arith.constant 24 : i32
    %dma_wait3A_513 = arith.constant 0 : i32
    %dma_wait3A_514 = tpu.memref_slice %arg17[%dma_wait3A_512, %dma_wait3A_513] : memref<64x129xf32, #tpu.memory_space<vmem>> -> memref<8x128xf32, #tpu.memory_space<vmem>>
    %dma_wait3A_515 = arith.constant 0 : i32
    %dma_wait3A_516 = arith.constant 0 : i32
    %dma_wait3A_517 = tpu.memref_slice %arg6[%dma_wait3A_502, %dma_wait3A_503, %dma_wait3A_504, %dma_wait3A_515, %dma_wait3A_516] : memref<200x8x32x8x128xf32, #tpu.memory_space<hbm>> -> memref<1x1x1x8x128xf32, #tpu.memory_space<hbm>>
    %dma_wait3A_518 = tpu.memref_squeeze %dma_wait3A_517 : memref<1x1x1x8x128xf32, #tpu.memory_space<hbm>> -> memref<8x128xf32, #tpu.memory_space<hbm>>
    tpu.wait_dma2 semaphore(%arg25 : memref<!tpu.dma_semaphore, #tpu.memory_space<semaphore_mem>>) src(%dma_wait3A_518 : memref<8x128xf32, #tpu.memory_space<hbm>>) dst(%dma_wait3A_514 : memref<8x128xf32, #tpu.memory_space<vmem>>)
    %dma_wait3A_519 = arith.constant 0 : i32
    %dma_wait3A_520 = arith.constant 4 : i32
    %dma_wait3A_521 = arith.constant 0 : i32
    %dma_wait3A_522 = arith.constant 32 : i32
    %dma_wait3A_523 = arith.constant 0 : i32
    %dma_wait3A_524 = tpu.memref_slice %arg17[%dma_wait3A_522, %dma_wait3A_523] : memref<64x129xf32, #tpu.memory_space<vmem>> -> memref<8x128xf32, #tpu.memory_space<vmem>>
    %dma_wait3A_525 = arith.constant 0 : i32
    %dma_wait3A_526 = arith.constant 0 : i32
    %dma_wait3A_527 = tpu.memref_slice %arg6[%dma_wait3A_519, %dma_wait3A_520, %dma_wait3A_521, %dma_wait3A_525, %dma_wait3A_526] : memref<200x8x32x8x128xf32, #tpu.memory_space<hbm>> -> memref<1x1x1x8x128xf32, #tpu.memory_space<hbm>>
    %dma_wait3A_528 = tpu.memref_squeeze %dma_wait3A_527 : memref<1x1x1x8x128xf32, #tpu.memory_space<hbm>> -> memref<8x128xf32, #tpu.memory_space<hbm>>
    %dma_wait3A_529 = arith.constant 32 : i32
    %dma_wait3A_530 = arith.constant 0 : i32
    %dma_wait3A_531 = tpu.memref_slice %arg17[%dma_wait3A_529, %dma_wait3A_530] : memref<64x129xf32, #tpu.memory_space<vmem>> -> memref<8x128xf32, #tpu.memory_space<vmem>>
    %dma_wait3A_532 = arith.constant 0 : i32
    %dma_wait3A_533 = arith.constant 0 : i32
    %dma_wait3A_534 = tpu.memref_slice %arg6[%dma_wait3A_519, %dma_wait3A_520, %dma_wait3A_521, %dma_wait3A_532, %dma_wait3A_533] : memref<200x8x32x8x128xf32, #tpu.memory_space<hbm>> -> memref<1x1x1x8x128xf32, #tpu.memory_space<hbm>>
    %dma_wait3A_535 = tpu.memref_squeeze %dma_wait3A_534 : memref<1x1x1x8x128xf32, #tpu.memory_space<hbm>> -> memref<8x128xf32, #tpu.memory_space<hbm>>
    tpu.wait_dma2 semaphore(%arg25 : memref<!tpu.dma_semaphore, #tpu.memory_space<semaphore_mem>>) src(%dma_wait3A_535 : memref<8x128xf32, #tpu.memory_space<hbm>>) dst(%dma_wait3A_531 : memref<8x128xf32, #tpu.memory_space<vmem>>)
    %dma_wait3A_536 = arith.constant 0 : i32
    %dma_wait3A_537 = arith.constant 5 : i32
    %dma_wait3A_538 = arith.constant 0 : i32
    %dma_wait3A_539 = arith.constant 40 : i32
    %dma_wait3A_540 = arith.constant 0 : i32
    %dma_wait3A_541 = tpu.memref_slice %arg17[%dma_wait3A_539, %dma_wait3A_540] : memref<64x129xf32, #tpu.memory_space<vmem>> -> memref<8x128xf32, #tpu.memory_space<vmem>>
    %dma_wait3A_542 = arith.constant 0 : i32
    %dma_wait3A_543 = arith.constant 0 : i32
    %dma_wait3A_544 = tpu.memref_slice %arg6[%dma_wait3A_536, %dma_wait3A_537, %dma_wait3A_538, %dma_wait3A_542, %dma_wait3A_543] : memref<200x8x32x8x128xf32, #tpu.memory_space<hbm>> -> memref<1x1x1x8x128xf32, #tpu.memory_space<hbm>>
    %dma_wait3A_545 = tpu.memref_squeeze %dma_wait3A_544 : memref<1x1x1x8x128xf32, #tpu.memory_space<hbm>> -> memref<8x128xf32, #tpu.memory_space<hbm>>
    %dma_wait3A_546 = arith.constant 40 : i32
    %dma_wait3A_547 = arith.constant 0 : i32
    %dma_wait3A_548 = tpu.memref_slice %arg17[%dma_wait3A_546, %dma_wait3A_547] : memref<64x129xf32, #tpu.memory_space<vmem>> -> memref<8x128xf32, #tpu.memory_space<vmem>>
    %dma_wait3A_549 = arith.constant 0 : i32
    %dma_wait3A_550 = arith.constant 0 : i32
    %dma_wait3A_551 = tpu.memref_slice %arg6[%dma_wait3A_536, %dma_wait3A_537, %dma_wait3A_538, %dma_wait3A_549, %dma_wait3A_550] : memref<200x8x32x8x128xf32, #tpu.memory_space<hbm>> -> memref<1x1x1x8x128xf32, #tpu.memory_space<hbm>>
    %dma_wait3A_552 = tpu.memref_squeeze %dma_wait3A_551 : memref<1x1x1x8x128xf32, #tpu.memory_space<hbm>> -> memref<8x128xf32, #tpu.memory_space<hbm>>
    tpu.wait_dma2 semaphore(%arg25 : memref<!tpu.dma_semaphore, #tpu.memory_space<semaphore_mem>>) src(%dma_wait3A_552 : memref<8x128xf32, #tpu.memory_space<hbm>>) dst(%dma_wait3A_548 : memref<8x128xf32, #tpu.memory_space<vmem>>)
    %dma_wait3A_553 = arith.constant 0 : i32
    %dma_wait3A_554 = arith.constant 6 : i32
    %dma_wait3A_555 = arith.constant 0 : i32
    %dma_wait3A_556 = arith.constant 48 : i32
    %dma_wait3A_557 = arith.constant 0 : i32
    %dma_wait3A_558 = tpu.memref_slice %arg17[%dma_wait3A_556, %dma_wait3A_557] : memref<64x129xf32, #tpu.memory_space<vmem>> -> memref<8x128xf32, #tpu.memory_space<vmem>>
    %dma_wait3A_559 = arith.constant 0 : i32
    %dma_wait3A_560 = arith.constant 0 : i32
    %dma_wait3A_561 = tpu.memref_slice %arg6[%dma_wait3A_553, %dma_wait3A_554, %dma_wait3A_555, %dma_wait3A_559, %dma_wait3A_560] : memref<200x8x32x8x128xf32, #tpu.memory_space<hbm>> -> memref<1x1x1x8x128xf32, #tpu.memory_space<hbm>>
    %dma_wait3A_562 = tpu.memref_squeeze %dma_wait3A_561 : memref<1x1x1x8x128xf32, #tpu.memory_space<hbm>> -> memref<8x128xf32, #tpu.memory_space<hbm>>
    %dma_wait3A_563 = arith.constant 48 : i32
    %dma_wait3A_564 = arith.constant 0 : i32
    %dma_wait3A_565 = tpu.memref_slice %arg17[%dma_wait3A_563, %dma_wait3A_564] : memref<64x129xf32, #tpu.memory_space<vmem>> -> memref<8x128xf32, #tpu.memory_space<vmem>>
    %dma_wait3A_566 = arith.constant 0 : i32
    %dma_wait3A_567 = arith.constant 0 : i32
    %dma_wait3A_568 = tpu.memref_slice %arg6[%dma_wait3A_553, %dma_wait3A_554, %dma_wait3A_555, %dma_wait3A_566, %dma_wait3A_567] : memref<200x8x32x8x128xf32, #tpu.memory_space<hbm>> -> memref<1x1x1x8x128xf32, #tpu.memory_space<hbm>>
    %dma_wait3A_569 = tpu.memref_squeeze %dma_wait3A_568 : memref<1x1x1x8x128xf32, #tpu.memory_space<hbm>> -> memref<8x128xf32, #tpu.memory_space<hbm>>
    tpu.wait_dma2 semaphore(%arg25 : memref<!tpu.dma_semaphore, #tpu.memory_space<semaphore_mem>>) src(%dma_wait3A_569 : memref<8x128xf32, #tpu.memory_space<hbm>>) dst(%dma_wait3A_565 : memref<8x128xf32, #tpu.memory_space<vmem>>)
    %dma_wait3A_570 = arith.constant 0 : i32
    %dma_wait3A_571 = arith.constant 7 : i32
    %dma_wait3A_572 = arith.constant 0 : i32
    %dma_wait3A_573 = arith.constant 56 : i32
    %dma_wait3A_574 = arith.constant 0 : i32
    %dma_wait3A_575 = tpu.memref_slice %arg17[%dma_wait3A_573, %dma_wait3A_574] : memref<64x129xf32, #tpu.memory_space<vmem>> -> memref<8x128xf32, #tpu.memory_space<vmem>>
    %dma_wait3A_576 = arith.constant 0 : i32
    %dma_wait3A_577 = arith.constant 0 : i32
    %dma_wait3A_578 = tpu.memref_slice %arg6[%dma_wait3A_570, %dma_wait3A_571, %dma_wait3A_572, %dma_wait3A_576, %dma_wait3A_577] : memref<200x8x32x8x128xf32, #tpu.memory_space<hbm>> -> memref<1x1x1x8x128xf32, #tpu.memory_space<hbm>>
    %dma_wait3A_579 = tpu.memref_squeeze %dma_wait3A_578 : memref<1x1x1x8x128xf32, #tpu.memory_space<hbm>> -> memref<8x128xf32, #tpu.memory_space<hbm>>
    %dma_wait3A_580 = arith.constant 56 : i32
    %dma_wait3A_581 = arith.constant 0 : i32
    %dma_wait3A_582 = tpu.memref_slice %arg17[%dma_wait3A_580, %dma_wait3A_581] : memref<64x129xf32, #tpu.memory_space<vmem>> -> memref<8x128xf32, #tpu.memory_space<vmem>>
    %dma_wait3A_583 = arith.constant 0 : i32
    %dma_wait3A_584 = arith.constant 0 : i32
    %dma_wait3A_585 = tpu.memref_slice %arg6[%dma_wait3A_570, %dma_wait3A_571, %dma_wait3A_572, %dma_wait3A_583, %dma_wait3A_584] : memref<200x8x32x8x128xf32, #tpu.memory_space<hbm>> -> memref<1x1x1x8x128xf32, #tpu.memory_space<hbm>>
    %dma_wait3A_586 = tpu.memref_squeeze %dma_wait3A_585 : memref<1x1x1x8x128xf32, #tpu.memory_space<hbm>> -> memref<8x128xf32, #tpu.memory_space<hbm>>
    tpu.wait_dma2 semaphore(%arg25 : memref<!tpu.dma_semaphore, #tpu.memory_space<semaphore_mem>>) src(%dma_wait3A_586 : memref<8x128xf32, #tpu.memory_space<hbm>>) dst(%dma_wait3A_582 : memref<8x128xf32, #tpu.memory_space<vmem>>)
    return
  }
}

</mosaic_0001>

<sc_bundles>
// kernel: _run.3.cloned.1.call-start
scs
__scs_entry_jumppad:
0x0: {  	(pc) =	sbr.rel $0x88, $3  }
0x1: {  	(tag) =	ssettag $0x0;
	lr =	simm.s32 $0x1  }
0x2: {  	[smem:$0x3F9D] =	sst lr;
	_ =	strace $0xD0000000  }
0x3: {  	_ = 	snop  }
0x4: {  	_ = 	snop  }
0x5: {  	_ = 	snop  }
0x6: {  	_ = 	snop  }
0x7: {  	_ = 	snop  }
__scs_overlays_trampoline_lowered:
0x8: {  	[smem:$0x3FAC] =	sst s0  }
0x9: {  	[smem:$0x3FAD] =	sst s1  }
0xa: {  	[smem:$0x3FAE] =	sst s2  }
0xb: {  	[smem:$0x3FAF] =	sst s3  }
0xc: {  	[smem:$0x3FB0] =	sst s4  }
0xd: {  	[smem:$0x3FB1] =	sst s5  }
0xe: {  	[smem:$0x3FB2] =	sst s6  }
0xf: {  	[smem:$0x3FB3] =	sst s7  }
0x10: {  	[smem:$0x3FB4] =	sst s8  }
0x11: {  	[smem:$0x3FB5] =	sst s9;
	s0 =	simm.s32 @!p0 $0x0  }
0x12: {  	s1 =	sld [smem:$0x3F9B];
	s0 =	simm.s32 @p0 $0x1  }
0x13: {  	[smem:$0x3FB6] =	sst s0;
	s0 =	simm.s32 @!p1 $0x0  }
0x14: {  	s2 =	sld [smem:$0x3F9A];
	s0 =	simm.s32 @p1 $0x1  }
0x15: {  	[smem:$0x3FB7] =	sst s0;
	s0 =	simm.s32 @!p2 $0x0  }
0x16: {  	s3 =	sld [smem:$0x3FDB];
	s0 =	simm.s32 @p2 $0x1  }
0x17: {  	s4 =	simm.s32 $0x1BF5;
	[smem:$0x3FB9] =	sst s0  }
0x18: {  	s0 =	sld [smem:$0x3F9C];
	_ =	swait.ge [sflag:s4], $0x0  }
0x19: {  	s7 =	sld [smem:$0x3F9D]  }
0x1a: {  	s8 =	sadd.s32 $0xFFFFE003, lr  }
0x1b: {  	s9 =	sadd.s32 $0xFFFFFEF7, lr;
	s5 =	simm.s32 $0xFFFFFFFF;
	p2 =	slt.u32 s8, $0xFFFFF086  }
0x1c: {  	p1 =	slt.u32 s9, $0xF7A;
	s5 =	simm.s32 @!p2 $0x0  }
0x1d: {  	s5 =	simm.s32 @p1 $0x1;
	p0 =	seq.s32 s7, s2  }
0x1e: {  	s7 =	smul.u32 @!p0 $0xF7A, s2;
	p2 =	seq.s32 @!p0 s5, $0x0  }
0x1f: {  	s9 =	smul.u32 $0xF7A, s1;
	s8 =	simm.s32 @!p0 $0x1BF5;
	p2 =	por !p2, p0  }
0x20: {  	[sflag:s8] =	ssyncset.s32 @!p0 $0xFFFFF086;
	s6 =	sadd.s32 @!p0 s3, s7;
	s7 =	simm.s32 @!p0 $0x108  }
0x21: {  	s3 =	sadd.s32 s3, s9;
	s6 =	sadd.s32 @!p0 $0x88, s6;
	s7 =	simm.s32 @p2 $0x1082  }
0x22: {  	[simem:s7], [sflag:s8] =	dma.local @!p0 [hbm:s6], $0xF7A  }
0x23: {  	s9 =	sor.u32 $0xD0000000, s2;
	s6 =	simm.s32 $0x108;
	_ =	swait.ge @!p0 [sflag:s8], $0x0  }
0x24: {  	s3 =	sadd.s32 $0x88, s3;
	s6 =	simm.s32 @!p1 $0x1082;
	[sflag:s4] =	ssyncset.s32 $0xFFFFF086  }
0x25: {  	[simem:s6], [sflag:s4] =	dma.local [hbm:s3], $0xF7A  }
0x26: {  	[smem:$0x3F9D] =	sst s1;
	(tag) =	ssettag s2;
	_ =	strace s9  }
0x27: {  	s1 =	sld [smem:$0x3FAD]  }
0x28: {  	s2 =	sld [smem:$0x3FAE]  }
0x29: {  	s4 =	sld [smem:$0x3FB0]  }
0x2a: {  	p0 =	seq.s32 s5, $0x0;
	s5 =	sld [smem:$0x3FB1]  }
0x2b: {  	s6 =	sld [smem:$0x3FB2]  }
0x2c: {  	s7 =	sld [smem:$0x3FB3]  }
0x2d: {  	s3 =	simm.s32 $0x108;
	s8 =	sld [smem:$0x3FB4]  }
0x2e: {  	s3 =	simm.s32 @!p0 $0x1082;
	s9 =	sld [smem:$0x3FB5]  }
0x2f: {  	lr =	sadd.s32 s0, s3;
	s0 =	sld [smem:$0x3FAC]  }
0x30: {  	s3 =	sld [smem:$0x3FAF]  }
0x31: {  	[smem:$0x3FB8] =	sst s10  }
0x32: {  	s10 =	sld [smem:$0x3FB6];
	_ =	sdelay $0x3  }
0x33: {  	p0 =	seq.s32 s10, $0x1;
	s10 =	sld [smem:$0x3FB8];
	_ =	sdelay $0x3  }
0x34: {  	[smem:$0x3FB8] =	sst s10  }
0x35: {  	s10 =	sld [smem:$0x3FB7];
	_ =	sdelay $0x3  }
0x36: {  	p1 =	seq.s32 s10, $0x1;
	s10 =	sld [smem:$0x3FB8];
	_ =	sdelay $0x3  }
0x37: {  	[smem:$0x3FB8] =	sst s10  }
0x38: {  	s10 =	sld [smem:$0x3FB9]  }
0x39: {  	_ = 	snop;
	(pc) =	sbr.ind lr, $3  }
0x3a: {  	_ = 	snop  }
0x3b: {  	_ = 	snop  }
0x3c: {  	p2 =	seq.s32 s10, $0x1;
	s10 =	sld [smem:$0x3FB8]  }
0x3d: {  	_ =	shalt  }
0x3e: {  	_ =	shalt  }
0x3f: {  	_ =	shalt  }
0x40: {  	_ =	shalt  }
0x41: {  	_ =	shalt  }
0x42: {  	_ =	shalt  }
0x43: {  	_ =	shalt  }
0x44: {  	_ =	shalt  }
0x45: {  	_ =	shalt  }
0x46: {  	_ =	shalt  }
0x47: {  	_ =	shalt  }
0x48: {  	_ =	shalt  }
0x49: {  	_ =	shalt  }
0x4a: {  	_ =	shalt  }
0x4b: {  	_ =	shalt  }
0x4c: {  	_ =	shalt  }
0x4d: {  	_ =	shalt  }
0x4e: {  	_ =	shalt  }
0x4f: {  	_ =	shalt  }
0x50: {  	_ =	shalt  }
0x51: {  	_ =	shalt  }
0x52: {  	_ =	shalt  }
0x53: {  	_ =	shalt  }
0x54: {  	_ =	shalt  }
0x55: {  	_ =	shalt  }
0x56: {  	_ =	shalt  }
0x57: {  	_ =	shalt  }
0x58: {  	_ =	shalt  }
0x59: {  	_ =	shalt  }
0x5a: {  	_ =	shalt  }
0x5b: {  	_ =	shalt  }
0x5c: {  	_ =	shalt  }
0x5d: {  	_ =	shalt  }
0x5e: {  	_ =	shalt  }
0x5f: {  	_ =	shalt  }
0x60: {  	_ =	shalt  }
0x61: {  	_ =	shalt  }
0x62: {  	_ =	shalt  }
0x63: {  	_ =	shalt  }
0x64: {  	_ =	shalt  }
0x65: {  	_ =	shalt  }
0x66: {  	_ =	shalt  }
0x67: {  	_ =	shalt  }
0x68: {  	_ =	shalt  }
0x69: {  	_ =	shalt  }
0x6a: {  	_ =	shalt  }
0x6b: {  	_ =	shalt  }
0x6c: {  	_ =	shalt  }
0x6d: {  	_ =	shalt  }
0x6e: {  	_ =	shalt  }
0x6f: {  	_ =	shalt  }
0x70: {  	_ =	shalt  }
0x71: {  	_ =	shalt  }
0x72: {  	_ =	shalt  }
0x73: {  	_ =	shalt  }
0x74: {  	_ =	shalt  }
0x75: {  	_ =	shalt  }
0x76: {  	_ =	shalt  }
0x77: {  	_ =	shalt  }
0x78: {  	_ =	shalt  }
0x79: {  	_ =	shalt  }
0x7a: {  	_ =	shalt  }
0x7b: {  	_ =	shalt  }
0x7c: {  	_ =	shalt  }
0x7d: {  	_ =	shalt  }
0x7e: {  	_ =	shalt  }
0x7f: {  	_ =	shalt  }
0x80: {  	_ =	shalt  }
0x81: {  	_ =	shalt  }
0x82: {  	_ =	shalt  }
0x83: {  	_ =	shalt  }
0x84: {  	_ =	shalt  }
0x85: {  	_ =	shalt  }
0x86: {  	_ =	shalt  }
0x87: {  	_ =	shalt  }
.Lfunc_end0:
.L_simem_size_0:
called_computation_lowered:
.L_overlay_start_0:
0x88: {  	s2 =	sld [smem:$0x3FD9]  }
0x89: {  	s3 =	sld [smem:$0x3FFE];
	_ =	sdelay $0x1  }
0x8a: {  	s1 =	srdreg.scid  }
0x8b: {  	s0 =	sand.u32 $0x1, s1  }
0x8c: {  	s17 =	sshll.u32 s0, $0xA;
	s2 =	sadd.s32 s3, s2  }
0x8d: {  	s2 =	sadd.s32 s2, s17  }
0x8e: {  	[smem:$0x3FC4] =	sst s2  }
0x8f: {  	_ = 	snop  }
0x90: {  	s2 =	sld [smem:$0x3FC9]  }
0x91: {  	s18 =	sld [smem:$0x3FD0];
	(tm) =	ssettm $0x1  }
0x92: {  	s4 =	sld [smem:$0x3FFB];
	_ =	sdelay $0x3  }
0x93: {  	_ =	strace s4  }
0x94: {  	s4 =	sld [smem:$0x3FFC];
	_ =	sdelay $0x3  }
0x95: {  	_ =	strace s4  }
0x96: {  	s4 =	sld [smem:$0x3FFD];
	_ =	sdelay $0x3  }
0x97: {  	_ =	strace s4  }
0x98: {  	_ =	strace $0x8FFFFFFF  }
0x99: {  	s19 =	sld [smem:$0x3FDB];
	_ =	sdelay $0x1  }
0x9a: {  	s5 =	simm.s32 $_scs_section_size  }
0x9b: {  	s6 =	simm.s32 $_size__tile_overlayer_lowered;
	s7 =	simm.s32 $_tile_overlayer_lowered  }
0x9c: {  	s22 =	simm.s32 $0x1BFF;
	s21 =	sshll.u32 s7, $0x1;
	s4 =	sadd.s32 s5, s19  }
0x9d: {  	s8 =	simm.s32 $0x0;
	s20 =	sshll.u32 s6, $0x1;
	s6 =	sadd.s32 s21, s4  }
0x9e: {  	[timem:s8], [sflag:s22] =	dma.local [hbm:s6], s20  }
0x9f: {  	_ =	swait.ge [sflag:s22], s20  }
0xa0: {  	s5 =	ssub.s32 $0x0, s20;
	[sflag:s22] =	ssyncset.done $0x0  }
0xa1: {  	[sflag:s22] =	ssyncadd.s32 s5;
	_ =	sdelay $0x1  }
0xa2: {  	s23 =	simm.s32 $0x1B8B  }
0xa3: {  	_ =	swait.ge [sflag:s23], $0x1  }
0xa4: {  	[sflag:s23] =	ssyncset.done $0x0  }
0xa5: {  	s25 =	simm.s32 $0x1B8E;
	s24 =	sld [smem:$0x3FFE];
	[sflag:s23] =	ssyncadd.s32 $0xFFFFFFFF  }
0xa6: {  	s26 =	simm.s32 $execute0_lowered;
	[smem:$0x3FD2] =	sst s25  }
0xa7: {  	s6 =	sshll.u32 s26, $0x1;
	_ =	strace $0x80000046;
	[dreg:$0x1] =	wrdreg $0xFFFFFFFF  }
0xa8: {  	s28 =	simm.s32 $_size_execute0_lowered;
	s4 =	sadd.s32 s4, s6;
	[dreg:$0x0] =	wrdreg $0x0  }
0xa9: {  	s6 =	sshll.u32 s28, $0x1;
	[dreg:$0x2] =	wrdreg s4  }
0xaa: {  	[dreg:$0x3] =	wrdreg s6  }
0xab: {  	[dreg:$0x4] =	wrdreg $0xC0  }
0xac: {  	_ =	task [dreg:s8], $0x5FFFF  }
0xad: {  	[dreg:$0x1] =	wrdreg $0xFFFFFFFF  }
0xae: {  	[dreg:$0x0] =	wrdreg $0x60  }
0xaf: {  	[dreg:$0x2] =	wrdreg s2  }
0xb0: {  	[dreg:$0x3] =	wrdreg s24  }
0xb1: {  	[dreg:$0x4] =	wrdreg s18  }
0xb2: {  	[dreg:$0x5] =	wrdreg $0x9  }
0xb3: {  	_ =	task.clear_ibuf [dreg:s8], $0x6FFFF;
	_ =	strace $0x90000046  }
0xb4: {  	s29 =	simm.s32 $0x9;
	_ =	strace $0x80000048  }
0xb5: {  	_ =	swait.ge [sflag:s29], $0x1  }
0xb6: {  	[sflag:s29] =	ssyncadd.s32 $0xFFFFFFFF  }
0xb7: {  	_ =	strace $0x90000048  }
0xb8: {  	_ =	sfence  }
0xb9: {  	s30 =	sld [smem:$0x0];
	_ =	sdelay $0x2  }
0xba: {  	s31 =	sshll.u32 s1, $0xD;
	s1 =	sshrl.u32 s1, $0x2  }
0xbb: {  	s3 =	sand.u32 $0x4000, s31;
	s1 =	sadd.s32 s1, s30  }
0xbc: {  	s0 =	sor.u32 s3, s0;
	s1 =	sshll.u32 s1, $0x11  }
0xbd: {  	s0 =	sor.u32 s1, s0  }
0xbe: {  	s0 =	sadd.s32 $0x8F2B, s0  }
0xbf: {  	[sflag:s0] =	ssyncadd.remote.s32 $0x1  }
0xc0: {  	_ =	sfence.sel $0xFFFF  }
0xc1: {  	[dreg:$0x0] =	wrdreg $0xFFFFFFFF;
	(pc) =	sbr.abs _section_cstart, $3  }
0xc2: {  	[dreg:$0x1] =	wrdreg $0xFFFFFFFF  }
0xc3: {  	_ =	task.clear_ibuf [dreg:s8], $0x2FFFF;
	_ =	strace $0x9FFFFFFF  }
0xc4: {  	(tm) =	ssettm $0x7FFFFFFF  }
0xc5: {  	_ =	shalt  }
tec
execute0_lowered:
.L_overlay_start_1:
0x0: {  	(tag) =	ssettag $0x1  }
0x1: {  	s0 =	rddreg [dreg:$0x0]  }
0x2: {  	s2 =	rddreg [dreg:$0x1]  }
0x3: {  	s1 =	rddreg [dreg:$0x2]  }
0x4: {  	s3 =	simm.s32 $0x0;
	s4 =	srdreg.scid;
	s6 =	stileid.u32  }
0x5: {  	s30 =	simm.s32 $0x1;
	s31 =	simm.s32 $0x11650;
	s28 =	simm.s32 $0x13850  }
0x6: {  	s29 =	simm.s32 $0x15A50;
	s17 =	simm.s32 $0x17C50;
	s18 =	simm.s32 $0x19CB8  }
0x7: {  	s20 =	simm.s32 $0x19D40;
	s21 =	simm.s32 $0x19DC8;
	[smem:$0x7FF] =	sst s3  }
0x8: {  	s5 =	sand.u32 $0x1, s4;
	s6 =	sshll.u32 s6, $0xB;
	s4 =	sadd.s32 $0xE00, s2  }
0x9: {  	s23 =	sadd.s32 $0x600, s2;
	s2 =	sadd.s32 $0x400, s2;
	s9 =	sadd.s32 $0x1000, s1  }
0xa: {  	s10 =	sadd.s32 $0x2000, s1;
	s11 =	sadd.s32 $0x3000, s1;
	s12 =	sadd.s32 $0x4000, s1  }
0xb: {  	s13 =	sadd.s32 $0x5000, s1;
	s14 =	sadd.s32 $0x6000, s1;
	s15 =	sadd.s32 $0x7000, s1  }
0xc: {  	_ =	strace $0x80000047;
	s7 =	sshll.u32 s5, $0xA;
	[dreg:$0x4] =	wrdreg s23  }
0xd: {  	s8 =	ssub.s32 $0x2, s5;
	[dreg:$0x5] =	wrdreg s2;
	s5 =	sor.u32 s7, s6  }
0xe: {  	s2 =	simm.s32 $0x4;
	s24 =	sshrl.u32 s8, $0x1;
	s7 =	sshrl.u32 s5, $0x3  }
0xf: {  	s25 =	ssub.s32 s8, s24;
	s8 =	simm.s32 $0x0;
	s0 =	sadd.s32 s0, s7  }
0x10: {  	s26 =	smax.u32 s25, $0x1;
	s25 =	simm.s32 $0x3;
	[dreg:$0x6] =	wrdreg s0  }
0x11: {  	[dreg:$0x7] =	wrdreg s26;
	s26 =	simm.s32 $0x2;
	s0 =	simm.s32 $0x19C30  }
.LBB2_1:
0x12: {  	[dreg:$0x8] =	wrdreg s8  }
0x13: {  	s6 =	rddreg [dreg:$0x6]  }
0x14: {  	s7 =	simm.s32 $0x400;
	s24 =	simm.s32 $0x8000;
	s16 =	simm.s32 $0x9  }
0x15: {  	[tilespmem:s3], [sflag:$0x9] =	stream.strided.gather [hbm4b:s6+s7], $0x6400, s24, s7, $0x38;
	[tilespmem:$0x19E50] =	vst v63  }
0x16: {  	_ =	swait.ge [sflag:s16], $0x6400  }
0x17: {  	[sflag:s16] =	ssyncset.done $0x0  }
0x18: {  	s22 =	simm.s32 $0x6400;
	s19 =	rddreg [dreg:$0x4];
	[sflag:s16] =	ssyncadd.s32 $0xFFFF9C00  }
0x19: {  	[tilespmem:s22], [sflag:$0x9] =	stream.linear.gather [hbm4b:s19+s3], $0x3200, $0x38;
	[tilespmem:$0x19E50] =	vst v63  }
0x1a: {  	_ =	swait.ge [sflag:s16], $0x3200  }
0x1b: {  	[sflag:s16] =	ssyncset.done $0x0  }
0x1c: {  	s24 =	simm.s32 $0x9600;
	s23 =	rddreg [dreg:$0x5];
	[sflag:s16] =	ssyncadd.s32 $0xFFFFCE00  }
0x1d: {  	[tilespmem:s24], [sflag:$0x9] =	stream.linear.gather [hbm4b:s23+s3], $0x50, $0x38;
	[tilespmem:$0x19E50] =	vst v63  }
0x1e: {  	_ =	swait.ge [sflag:s16], $0x50  }
0x1f: {  	[sflag:s16] =	ssyncset.done $0x0  }
0x20: {  	s8 =	simm.s32 $0x9650;
	s6 =	simm.s32 $0x80;
	[sflag:s16] =	ssyncadd.s32 $0xFFFFFFB0  }
0x21: {  	[tilespmem:s8], [sflag:$0x1] =	stream.indirect.gather [hbm4b:s4+s6], $0x40, s3, s6, $0xb8;
	[tilespmem:$0x19E50] =	vst v63  }
0x22: {  	s16 =	simm.s32 $0xB650  }
0x23: {  	[tilespmem:s16], [sflag:$0x2] =	stream.indirect.gather [hbm4b:s4+s6], $0x40, s6, s6, $0xb8;
	[tilespmem:$0x19E50] =	vst v63  }
0x24: {  	s19 =	simm.s32 $0x100;
	s22 =	simm.s32 $0xD650  }
0x25: {  	[tilespmem:s22], [sflag:$0x3] =	stream.indirect.gather [hbm4b:s4+s6], $0x40, s19, s6, $0xb8;
	[tilespmem:$0x19E50] =	vst v63  }
0x26: {  	s23 =	simm.s32 $0x180;
	s24 =	simm.s32 $0xF650  }
0x27: {  	[tilespmem:s24], [sflag:$0x4] =	stream.indirect.gather [hbm4b:s4+s6], $0x40, s23, s6, $0xb8;
	[tilespmem:$0x19E50] =	vst v63  }
0x28: {  	s23 =	simm.s32 $0x0  }
.LBB2_2:
0x29: {  	_ =	swait.ge [sflag:s30], $0x2000  }
0x2a: {  	p0 =	seq.s32 s23, $0x0;
	[sflag:s30] =	ssyncset.done $0x0  }
0x2b: {  	s6 =	simm.s32 @!p0 $0x5;
	[sflag:s30] =	ssyncadd.s32 $0xFFFFE000  }
0x2c: {  	_ =	swait.ge @!p0 [sflag:s6], $0x400  }
0x2d: {  	[sflag:s6] =	ssyncset.done @!p0 $0x0  }
0x2e: {  	[sflag:s6] =	ssyncadd.s32 @!p0 $0xFFFFFC00  }
0x2f: {  	_ =	swait.ge @!p0 [sflag:s6], $0x400  }
0x30: {  	[sflag:s6] =	ssyncset.done @!p0 $0x0  }
0x31: {  	[sflag:s6] =	ssyncadd.s32 @!p0 $0xFFFFFC00  }
0x32: {  	_ =	swait.ge @!p0 [sflag:s6], $0x400  }
0x33: {  	[sflag:s6] =	ssyncset.done @!p0 $0x0  }
0x34: {  	[sflag:s6] =	ssyncadd.s32 @!p0 $0xFFFFFC00  }
0x35: {  	_ =	swait.ge @!p0 [sflag:s6], $0x400  }
0x36: {  	[sflag:s6] =	ssyncset.done @!p0 $0x0  }
0x37: {  	[sflag:s6] =	ssyncadd.s32 @!p0 $0xFFFFFC00  }
0x38: {  	_ =	swait.ge @!p0 [sflag:s6], $0x400  }
0x39: {  	[sflag:s6] =	ssyncset.done @!p0 $0x0  }
0x3a: {  	[sflag:s6] =	ssyncadd.s32 @!p0 $0xFFFFFC00  }
0x3b: {  	_ =	swait.ge @!p0 [sflag:s6], $0x400  }
0x3c: {  	[sflag:s6] =	ssyncset.done @!p0 $0x0  }
0x3d: {  	[sflag:s6] =	ssyncadd.s32 @!p0 $0xFFFFFC00  }
0x3e: {  	_ =	swait.ge @!p0 [sflag:s6], $0x400  }
0x3f: {  	[sflag:s6] =	ssyncset.done @!p0 $0x0  }
0x40: {  	[sflag:s6] =	ssyncadd.s32 @!p0 $0xFFFFFC00  }
0x41: {  	_ =	swait.ge @!p0 [sflag:s6], $0x400  }
0x42: {  	[sflag:s6] =	ssyncset.done @!p0 $0x0  }
0x43: {  	[sflag:s6] =	ssyncadd.s32 @!p0 $0xFFFFFC00  }
0x44: {  	s7 =	sshll.u32 s23, $0x8;
	v3 =	vld [tilespmem:$0x9600]  }
0x45: {  	s6 =	sand.u32 $0x3FFFFF00, s7;
	v13 =	vld [tilespmem:$0x9640]  }
0x46: {  	s7 =	simm.s32 $0x96D0;
	v10 =	vld [tilespmem:s6+$0x6400]  }
0x47: {  	v7 =	vld [tilespmem:s7+$0x40];
	_ =	sdelay $0x2  }
0x48: {  	s8 =	simm.s32 $0x0;
	s16 =	simm.s32 $0x3  }
0x49: {  	v2 =	vld [tilespmem:s6+$0x6410];
	v12 =	vmul.u32 $0x88, v3;
	v3 =	vadd.s32 s8, v13;
	v4 =	vadd.s32 s16, v13  }
0x4a: {  	v1 =	vld [tilespmem:s6+$0x6420];
	v7 =	vadd.f32 v7, v10;
	v16 =	vand.u32 $0x7, v3;
	v6 =	vand.u32 $0xFFFFFFF8, v4  }
0x4b: {  	v8 =	vld [tilespmem:s7+$0xFFFFFF80];
	s8 =	simm.s32 $0x1;
	v14 =	vand.u32 $0xFFFFFFF8, v3;
	v9 =	vand.u32 $0x7, v4;
	v4 =	vadd.s32 v12, v6  }
0x4c: {  	v11 =	vld [tilespmem:$0x9610];
	s16 =	simm.s32 $0x2;
	v3 =	vadd.s32 s8, v13;
	v5 =	vadd.s32 v12, v14;
	v4 =	vor.u32 v9, v4  }
0x4d: {  	v19 =	vld [tilespmem:s7+$0xFFFFFFC0];
	v15 =	vadd.s32 s16, v13;
	v18 =	vand.u32 $0xFFFFFFF8, v3;
	v17 =	vor.u32 v16, v5  }
0x4e: {  	v20 =	vld [tilespmem:s7+$0x0];
	v31 =	vand.u32 $0xFFFFFFF8, v15;
	v3 =	vand.u32 $0x7, v3;
	v5 =	vadd.s32 v12, v18  }
0x4f: {  	v0 =	vld [tilespmem:s6+$0x6430];
	v21 =	vadd.s32 v12, v31;
	v23 =	vor.u32 v3, v5;
	v5 =	vand.u32 $0x7, v15  }
0x50: {  	v22 =	vld [tilespmem:$0x9620];
	v8 =	vadd.f32 v8, v10;
	v21 =	vor.u32 v5, v21  }
0x51: {  	v24 =	vld [tilespmem:$0x9630];
	v15 =	vmul.u32 $0x88, v11;
	[tilespmem:v4+s31+$0x0] =	vst.idx.msk $0xffff, v7  }
0x52: {  	[tilespmem:v17+s31+$0x0] =	vst.idx.msk $0xffff, v8;
	v4 =	vadd.f32 v19, v10;
	v7 =	vld [tilespmem:s7+$0x50]  }
0x53: {  	v11 =	vadd.s32 v15, v6;
	v8 =	vadd.f32 v20, v10;
	v17 =	vld [tilespmem:s7+$0xFFFFFF90]  }
0x54: {  	v19 =	vadd.s32 v15, v14;
	v20 =	vor.u32 v9, v11;
	[tilespmem:v23+s31+$0x0] =	vst.idx.msk $0xffff, v4  }
0x55: {  	v11 =	vmul.u32 $0x88, v22;
	v19 =	vor.u32 v16, v19;
	[tilespmem:v21+s31+$0x0] =	vst.idx.msk $0xffff, v8;
	v22 =	vld [tilespmem:s7+$0xFFFFFFD0]  }
0x56: {  	s19 =	simm.s32 $0x4;
	v4 =	vmul.u32 $0x88, v24;
	v8 =	vadd.s32 v15, v18;
	v21 =	vadd.s32 v15, v31;
	v23 =	vld [tilespmem:s7+$0x10]  }
0x57: {  	v24 =	vadd.s32 s19, v13;
	v25 =	vor.u32 v3, v8;
	v26 =	vadd.f32 v7, v2  }
0x58: {  	s22 =	simm.s32 $0x5;
	v30 =	vadd.s32 v11, v14;
	v29 =	vor.u32 v5, v21;
	v27 =	vadd.f32 v17, v2  }
0x59: {  	v8 =	vand.u32 $0x7, v24;
	v21 =	vadd.s32 s22, v13;
	v14 =	vadd.s32 v4, v14;
	[tilespmem:v20+s31+$0x0] =	vst.idx.msk $0xffff, v26  }
0x5a: {  	v14 =	vor.u32 v16, v14;
	v7 =	vand.u32 $0xFFFFFFF8, v24;
	[tilespmem:v19+s31+$0x0] =	vst.idx.msk $0xffff, v27;
	v19 =	vadd.f32 v22, v2;
	v24 =	vld [tilespmem:s7+$0x60]  }
0x5b: {  	s24 =	simm.s32 $0x6;
	v17 =	vadd.s32 v15, v7;
	v26 =	vadd.f32 v23, v2;
	v20 =	vadd.s32 v11, v6;
	v23 =	vld [tilespmem:s7+$0xFFFFFFA0]  }
0x5c: {  	v28 =	vadd.s32 v12, v7;
	v22 =	vadd.s32 s24, v13;
	[tilespmem:v25+s31+$0x0] =	vst.idx.msk $0xffff, v19;
	v25 =	vor.u32 v9, v20  }
0x5d: {  	s6 =	sshll.u32 s23, $0x2;
	v19 =	vand.u32 $0xFFFFFFF8, v21;
	v20 =	vor.u32 v16, v30;
	v16 =	vadd.s32 v4, v18;
	[tilespmem:v29+s31+$0x0] =	vst.idx.msk $0xffff, v26;
	v27 =	vld [tilespmem:s7+$0xFFFFFFE0]  }
0x5e: {  	s16 =	simm.s32 $0x8;
	s8 =	simm.s32 $0x96D0;
	s22 =	simm.s32 $0x7;
	v30 =	vadd.s32 v11, v18;
	v29 =	vadd.s32 v11, v31;
	v18 =	vadd.s32 v4, v31;
	v26 =	vld [tilespmem:s7+$0x20]  }
.LBB2_3:
0x5f: {  	p1 =	slt.u32 s16, $0x7C;
	v31 =	vadd.s32 s22, v13;
	v30 =	vor.u32 v3, v30;
	v24 =	vadd.f32 v24, v1;
	s7 =	sadd.s32 $0x100, s7;
	v32 =	vmovc v19  }
0x60: {  	v29 =	vor.u32 v5, v29;
	v19 =	vld [tilespmem:s7+$0x40];
	v33 =	vand.u32 $0xFFFFFFF8, v31;
	v23 =	vadd.f32 v23, v1  }
0x61: {  	v28 =	vor.u32 v8, v28;
	v31 =	vand.u32 $0x7, v31;
	v34 =	vld [tilespmem:s7+$0xFFFFFF80];
	v35 =	vadd.s32 v12, v33;
	[tilespmem:v25+s31+$0x0] =	vst.idx.msk $0xffff, v24  }
0x62: {  	v36 =	vand.u32 $0xFFFFFFF8, v22;
	v24 =	vor.u32 v31, v35;
	[tilespmem:v20+s31+$0x0] =	vst.idx.msk $0xffff, v23;
	v20 =	vadd.f32 v27, v1;
	v23 =	vld [tilespmem:s8+$0x70]  }
0x63: {  	v27 =	vadd.s32 v12, v32;
	v35 =	vadd.s32 v4, v6;
	v6 =	vmovc v33;
	v25 =	vld [tilespmem:s7+$0xFFFFFFC0];
	v26 =	vadd.f32 v26, v1  }
0x64: {  	v21 =	vand.u32 $0x7, v21;
	v37 =	vadd.s32 v12, v36;
	v33 =	vld [tilespmem:s7+$0x0];
	[tilespmem:v30+s31+$0x0] =	vst.idx.msk $0xffff, v20;
	v20 =	vor.u32 v9, v35  }
0x65: {  	v22 =	vand.u32 $0x7, v22;
	v27 =	vor.u32 v21, v27;
	v19 =	vadd.f32 v19, v10;
	v30 =	vld [tilespmem:s8+$0xFFFFFFF0];
	[tilespmem:v29+s31+$0x0] =	vst.idx.msk $0xffff, v26  }
0x66: {  	v9 =	vmovc v31;
	v29 =	vor.u32 v8, v17;
	v17 =	vor.u32 v22, v37;
	v26 =	vadd.f32 v34, v10;
	v34 =	vld [tilespmem:s8+$0x30]  }
0x67: {  	v16 =	vor.u32 v3, v16;
	v3 =	vmov v21;
	[tilespmem:v24+s31+$0x0] =	vst.idx.msk $0xffff, v19;
	v19 =	vld [tilespmem:s8+$0xFFFFFFB0];
	v23 =	vadd.f32 v23, v0;
	s8 =	smov.u32 s7  }
0x68: {  	v18 =	vor.u32 v5, v18;
	v5 =	vmov v22;
	[tilespmem:v28+s31+$0x0] =	vst.idx.msk $0xffff, v26;
	v21 =	vadd.f32 v25, v10;
	v24 =	vld [tilespmem:s7+$0x50]  }
0x69: {  	v26 =	vadd.s32 v15, v6;
	v22 =	vld [tilespmem:s7+$0xFFFFFF90];
	v25 =	vadd.f32 v33, v10;
	[tilespmem:v20+s31+$0x0] =	vst.idx.msk $0xffff, v23  }
0x6a: {  	v20 =	vor.u32 v9, v26;
	[tilespmem:v27+s31+$0x0] =	vst.idx.msk $0xffff, v21;
	v21 =	vadd.f32 v30, v0  }
0x6b: {  	v26 =	vadd.s32 v15, v32;
	v23 =	vld [tilespmem:s7+$0xFFFFFFD0];
	[tilespmem:v17+s31+$0x0] =	vst.idx.msk $0xffff, v25;
	v17 =	vadd.f32 v34, v0  }
0x6c: {  	v27 =	vadd.s32 v15, v36;
	v25 =	vld [tilespmem:s7+$0x10];
	v19 =	vadd.f32 v19, v0;
	[tilespmem:v16+s31+$0x0] =	vst.idx.msk $0xffff, v21  }
0x6d: {  	v26 =	vor.u32 v3, v26;
	v16 =	vadd.s32 s16, v13;
	v21 =	vadd.f32 v24, v2;
	[tilespmem:v18+s31+$0x0] =	vst.idx.msk $0xffff, v17  }
0x6e: {  	v30 =	vor.u32 v5, v27;
	v31 =	vand.u32 $0x7, v16;
	v18 =	vadd.f32 v22, v2;
	[tilespmem:v14+s31+$0x0] =	vst.idx.msk $0xffff, v19  }
0x6f: {  	s19 =	sadd.s32 $0x1, s16;
	v27 =	vadd.s32 v11, v7;
	v14 =	vadd.s32 v4, v7;
	v7 =	vand.u32 $0xFFFFFFF8, v16;
	[tilespmem:v20+s31+$0x0] =	vst.idx.msk $0xffff, v21  }
.Ltmp0:
0x70: {  	v17 =	vadd.s32 v15, v7;
	v21 =	vadd.s32 s19, v13;
	[tilespmem:v29+s31+$0x0] =	vst.idx.msk $0xffff, v18;
	v16 =	vadd.f32 v23, v2;
	v24 =	vld [tilespmem:s7+$0x60];
	(pc) =	sbr.rel @p1 .LBB2_3-.Ltmp0, $4  }
0x71: {  	v19 =	vadd.s32 v11, v6;
	v28 =	vadd.s32 v12, v7;
	s19 =	sadd.s32 $0x2, s16;
	v23 =	vld [tilespmem:s7+$0xFFFFFFA0];
	v18 =	vadd.f32 v25, v2  }
0x72: {  	v14 =	vor.u32 v8, v14;
	v22 =	vadd.s32 s19, v13;
	v25 =	vor.u32 v9, v19;
	[tilespmem:v26+s31+$0x0] =	vst.idx.msk $0xffff, v16  }
0x73: {  	v20 =	vor.u32 v8, v27;
	v19 =	vand.u32 $0xFFFFFFF8, v21;
	v16 =	vadd.s32 v4, v32;
	v27 =	vld [tilespmem:s7+$0xFFFFFFE0];
	[tilespmem:v30+s31+$0x0] =	vst.idx.msk $0xffff, v18  }
0x74: {  	s22 =	sadd.s32 $0x3, s16;
	s16 =	sadd.s32 $0x4, s16;
	v8 =	vmovc v31;
	v29 =	vadd.s32 v11, v36;
	v30 =	vadd.s32 v11, v32;
	v18 =	vadd.s32 v4, v36;
	v26 =	vld [tilespmem:s7+$0x20]  }
0x75: {  	v13 =	vadd.s32 s22, v13;
	s7 =	sadd.s32 $0x100, s7  }
0x76: {  	v31 =	vld [tilespmem:s7+$0x40];
	v32 =	vand.u32 $0xFFFFFFF8, v13  }
0x77: {  	v34 =	vand.u32 $0xFFFFFFF8, v22;
	v13 =	vand.u32 $0x7, v13;
	v35 =	vld [tilespmem:s7+$0xFFFFFFC0];
	v33 =	vadd.s32 v12, v32  }
0x78: {  	v36 =	vadd.s32 v12, v19;
	v21 =	vand.u32 $0x7, v21;
	v37 =	vld [tilespmem:s7+$0x0];
	v33 =	vor.u32 v13, v33  }
0x79: {  	v22 =	vand.u32 $0x7, v22;
	v38 =	vld [tilespmem:s7+$0xFFFFFF80];
	v36 =	vor.u32 v21, v36;
	v12 =	vadd.s32 v12, v34  }
0x7a: {  	v12 =	vor.u32 v22, v12  }
0x7b: {  	v28 =	vor.u32 v8, v28;
	v31 =	vadd.f32 v31, v10  }
0x7c: {  	v35 =	vadd.f32 v35, v10  }
0x7d: {  	[tilespmem:v33+s31+$0x0] =	vst.idx.msk $0xffff, v31;
	v31 =	vadd.f32 v37, v10  }
0x7e: {  	v10 =	vadd.f32 v38, v10;
	[tilespmem:v36+s31+$0x0] =	vst.idx.msk $0xffff, v35;
	v33 =	vld [tilespmem:s7+$0x50]  }
0x7f: {  	v30 =	vor.u32 v3, v30;
	v62 =	vadd.s32 v15, v32;
	[tilespmem:v12+s31+$0x0] =	vst.idx.msk $0xffff, v31;
	v12 =	vld [tilespmem:s7+$0xFFFFFFD0]  }
0x80: {  	[tilespmem:v28+s31+$0x0] =	vst.idx.msk $0xffff, v10;
	v10 =	vor.u32 v13, v62;
	v28 =	vadd.s32 v15, v19;
	v31 =	vld [tilespmem:s7+$0x10]  }
0x81: {  	v24 =	vadd.f32 v24, v1;
	v15 =	vadd.s32 v15, v34;
	v63 =	vld [tilespmem:s7+$0xFFFFFF90];
	v28 =	vor.u32 v21, v28  }
0x82: {  	v17 =	vor.u32 v8, v17;
	v27 =	vadd.f32 v27, v1;
	v15 =	vor.u32 v22, v15  }
0x83: {  	v6 =	vadd.s32 v4, v6;
	[tilespmem:v25+s31+$0x0] =	vst.idx.msk $0xffff, v24;
	v24 =	vadd.f32 v33, v2  }
0x84: {  	v25 =	vor.u32 v5, v29;
	v29 =	vld [tilespmem:s8+$0x70];
	[tilespmem:v30+s31+$0x0] =	vst.idx.msk $0xffff, v27;
	v12 =	vadd.f32 v12, v2  }
0x85: {  	v23 =	vadd.f32 v23, v1;
	v27 =	vld [tilespmem:s8+$0xFFFFFFF0];
	[tilespmem:v10+s31+$0x0] =	vst.idx.msk $0xffff, v24;
	v10 =	vadd.f32 v31, v2  }
0x86: {  	v6 =	vor.u32 v9, v6;
	v2 =	vadd.f32 v63, v2;
	v24 =	vld [tilespmem:s7+$0x60];
	[tilespmem:v28+s31+$0x0] =	vst.idx.msk $0xffff, v12  }
0x87: {  	v9 =	vadd.s32 v11, v32;
	v26 =	vadd.f32 v26, v1;
	v12 =	vld [tilespmem:s7+$0xFFFFFFE0];
	[tilespmem:v15+s31+$0x0] =	vst.idx.msk $0xffff, v10  }
0x88: {  	[tilespmem:v17+s31+$0x0] =	vst.idx.msk $0xffff, v2;
	v2 =	vor.u32 v13, v9;
	v9 =	vadd.s32 v11, v19;
	v10 =	vld [tilespmem:s7+$0x20]  }
0x89: {  	[tilespmem:v25+s31+$0x0] =	vst.idx.msk $0xffff, v26;
	v17 =	vadd.s32 v11, v34;
	v15 =	vld [tilespmem:s7+$0xFFFFFFA0];
	v9 =	vor.u32 v21, v9  }
0x8a: {  	v25 =	vld [tilespmem:s8+$0x30];
	v26 =	vadd.f32 v29, v0;
	v11 =	vadd.s32 v11, v7;
	v17 =	vor.u32 v22, v17  }
0x8b: {  	[tilespmem:v20+s31+$0x0] =	vst.idx.msk $0xffff, v23;
	v11 =	vor.u32 v8, v11;
	v20 =	vadd.f32 v24, v1  }
0x8c: {  	v3 =	vor.u32 v3, v16;
	v23 =	vld [tilespmem:s8+$0xFFFFFFB0];
	[tilespmem:v6+s31+$0x0] =	vst.idx.msk $0xffff, v26;
	v6 =	vadd.f32 v12, v1  }
0x8d: {  	v5 =	vor.u32 v5, v18;
	[tilespmem:v2+s31+$0x0] =	vst.idx.msk $0xffff, v20;
	v2 =	vadd.f32 v10, v1  }
0x8e: {  	v10 =	vadd.f32 v27, v0;
	v1 =	vadd.f32 v15, v1;
	v12 =	vld [tilespmem:s7+$0x70];
	[tilespmem:v9+s31+$0x0] =	vst.idx.msk $0xffff, v6  }
0x8f: {  	v6 =	vadd.f32 v25, v0;
	v9 =	vadd.s32 v4, v32;
	v15 =	vld [tilespmem:s7+$0xFFFFFFF0];
	[tilespmem:v17+s31+$0x0] =	vst.idx.msk $0xffff, v2  }
0x90: {  	v2 =	vadd.s32 v4, v19;
	[tilespmem:v11+s31+$0x0] =	vst.idx.msk $0xffff, v1;
	v1 =	vor.u32 v13, v9;
	v9 =	vld [tilespmem:s7+$0x30]  }
0x91: {  	v11 =	vadd.f32 v23, v0;
	v13 =	vadd.s32 v4, v34;
	v16 =	vld [tilespmem:s7+$0xFFFFFFB0];
	v2 =	vor.u32 v21, v2  }
0x92: {  	[tilespmem:v3+s31+$0x0] =	vst.idx.msk $0xffff, v10;
	v3 =	vadd.s32 v4, v7;
	v4 =	vor.u32 v22, v13  }
0x93: {  	[tilespmem:v5+s31+$0x0] =	vst.idx.msk $0xffff, v6;
	v3 =	vor.u32 v8, v3;
	v5 =	vadd.f32 v12, v0  }
0x94: {  	p1 =	seq.s32 s23, $0x31;
	[tilespmem:v14+s31+$0x0] =	vst.idx.msk $0xffff, v11;
	v6 =	vadd.f32 v15, v0  }
0x95: {  	s24 =	sshll.u32 @!p1 s23, $0xB;
	[tilespmem:v1+s31+$0x0] =	vst.idx.msk $0xffff, v5;
	v1 =	vadd.f32 v9, v0  }
0x96: {  	s7 =	sadd.s32 @!p1 $0x800, s24;
	v0 =	vadd.f32 v16, v0;
	[tilespmem:v2+s31+$0x0] =	vst.idx.msk $0xffff, v6  }
0x97: {  	s19 =	sshll.u32 s23, $0x14;
	s7 =	sand.u32 @!p1 $0x3F800, s7;
	[tilespmem:v4+s31+$0x0] =	vst.idx.msk $0xffff, v1  }
0x98: {  	s16 =	simm.s32 @!p1 $0x9650;
	s8 =	simm.s32 @!p1 $0x80;
	s7 =	sshrl.u32 @!p1 s7, $0x2;
	[tilespmem:v3+s31+$0x0] =	vst.idx.msk $0xffff, v0  }
0x99: {  	[tilespmem:s16], [sflag:$0x1] =	stream.indirect.gather @!p1 [hbm4b:s4+s8], $0x40, s7, s8, $0xb8;
	[tilespmem:$0x19E50] =	vst v63  }
0x9a: {  	s7 =	sor.u32 s5, s19  }
0x9b: {  	s7 =	sshrl.u32 s7, $0x3  }
0x9c: {  	s8 =	sadd.s32 s1, s7  }
0x9d: {  	[hbm4b:s8+s3] =	stream.linear.scatter [tilespmem:s31], [sflag:$0x5], $0x80, $0x38;
	[tilespmem:$0x19E50] =	vst v63  }
0x9e: {  	s19 =	simm.s32 $0x116D8;
	s22 =	sadd.s32 $0x10, s8  }
0x9f: {  	[hbm4b:s22+s3] =	stream.linear.scatter [tilespmem:s19], [sflag:$0x5], $0x80, $0x38;
	[tilespmem:$0x19E50] =	vst v63  }
0xa0: {  	s19 =	sadd.s32 $0x20, s8;
	s22 =	simm.s32 $0x11760  }
0xa1: {  	[hbm4b:s19+s3] =	stream.linear.scatter [tilespmem:s22], [sflag:$0x5], $0x80, $0x38;
	[tilespmem:$0x19E50] =	vst v63  }
0xa2: {  	s19 =	sadd.s32 $0x30, s8;
	s22 =	simm.s32 $0x117E8  }
0xa3: {  	[hbm4b:s19+s3] =	stream.linear.scatter [tilespmem:s22], [sflag:$0x5], $0x80, $0x38;
	[tilespmem:$0x19E50] =	vst v63  }
0xa4: {  	s19 =	sadd.s32 $0x40, s8;
	s22 =	simm.s32 $0x11870  }
0xa5: {  	[hbm4b:s19+s3] =	stream.linear.scatter [tilespmem:s22], [sflag:$0x5], $0x80, $0x38;
	[tilespmem:$0x19E50] =	vst v63  }
0xa6: {  	s19 =	sadd.s32 $0x50, s8;
	s22 =	simm.s32 $0x118F8  }
0xa7: {  	[hbm4b:s19+s3] =	stream.linear.scatter [tilespmem:s22], [sflag:$0x5], $0x80, $0x38;
	[tilespmem:$0x19E50] =	vst v63  }
0xa8: {  	s19 =	sadd.s32 $0x60, s8;
	s22 =	simm.s32 $0x11980  }
0xa9: {  	[hbm4b:s19+s3] =	stream.linear.scatter [tilespmem:s22], [sflag:$0x5], $0x80, $0x38;
	[tilespmem:$0x19E50] =	vst v63  }
0xaa: {  	s8 =	sadd.s32 $0x70, s8;
	s19 =	simm.s32 $0x11A08  }
0xab: {  	[hbm4b:s8+s3] =	stream.linear.scatter [tilespmem:s19], [sflag:$0x5], $0x80, $0x38;
	[tilespmem:$0x19E50] =	vst v63  }
0xac: {  	s22 =	simm.s32 $0x11A90;
	s8 =	sadd.s32 s7, s9  }
0xad: {  	[hbm4b:s8+s3] =	stream.linear.scatter [tilespmem:s22], [sflag:$0x5], $0x80, $0x38;
	[tilespmem:$0x19E50] =	vst v63  }
0xae: {  	s19 =	sadd.s32 $0x10, s8;
	s22 =	simm.s32 $0x11B18  }
0xaf: {  	[hbm4b:s19+s3] =	stream.linear.scatter [tilespmem:s22], [sflag:$0x5], $0x80, $0x38;
	[tilespmem:$0x19E50] =	vst v63  }
0xb0: {  	s19 =	sadd.s32 $0x20, s8;
	s22 =	simm.s32 $0x11BA0  }
0xb1: {  	[hbm4b:s19+s3] =	stream.linear.scatter [tilespmem:s22], [sflag:$0x5], $0x80, $0x38;
	[tilespmem:$0x19E50] =	vst v63  }
0xb2: {  	s19 =	sadd.s32 $0x30, s8;
	s22 =	simm.s32 $0x11C28  }
0xb3: {  	[hbm4b:s19+s3] =	stream.linear.scatter [tilespmem:s22], [sflag:$0x5], $0x80, $0x38;
	[tilespmem:$0x19E50] =	vst v63  }
0xb4: {  	s19 =	sadd.s32 $0x40, s8;
	s22 =	simm.s32 $0x11CB0  }
0xb5: {  	[hbm4b:s19+s3] =	stream.linear.scatter [tilespmem:s22], [sflag:$0x5], $0x80, $0x38;
	[tilespmem:$0x19E50] =	vst v63  }
0xb6: {  	s19 =	sadd.s32 $0x50, s8;
	s22 =	simm.s32 $0x11D38  }
0xb7: {  	[hbm4b:s19+s3] =	stream.linear.scatter [tilespmem:s22], [sflag:$0x5], $0x80, $0x38;
	[tilespmem:$0x19E50] =	vst v63  }
0xb8: {  	s19 =	sadd.s32 $0x60, s8;
	s22 =	simm.s32 $0x11DC0  }
0xb9: {  	[hbm4b:s19+s3] =	stream.linear.scatter [tilespmem:s22], [sflag:$0x5], $0x80, $0x38;
	[tilespmem:$0x19E50] =	vst v63  }
0xba: {  	s8 =	sadd.s32 $0x70, s8;
	s19 =	simm.s32 $0x11E48  }
0xbb: {  	[hbm4b:s8+s3] =	stream.linear.scatter [tilespmem:s19], [sflag:$0x5], $0x80, $0x38;
	[tilespmem:$0x19E50] =	vst v63  }
0xbc: {  	s22 =	simm.s32 $0x11ED0;
	s8 =	sadd.s32 s7, s10  }
0xbd: {  	[hbm4b:s8+s3] =	stream.linear.scatter [tilespmem:s22], [sflag:$0x5], $0x80, $0x38;
	[tilespmem:$0x19E50] =	vst v63  }
0xbe: {  	s19 =	sadd.s32 $0x10, s8;
	s22 =	simm.s32 $0x11F58  }
0xbf: {  	[hbm4b:s19+s3] =	stream.linear.scatter [tilespmem:s22], [sflag:$0x5], $0x80, $0x38;
	[tilespmem:$0x19E50] =	vst v63  }
0xc0: {  	s19 =	sadd.s32 $0x20, s8;
	s22 =	simm.s32 $0x11FE0  }
0xc1: {  	[hbm4b:s19+s3] =	stream.linear.scatter [tilespmem:s22], [sflag:$0x5], $0x80, $0x38;
	[tilespmem:$0x19E50] =	vst v63  }
0xc2: {  	s19 =	sadd.s32 $0x30, s8;
	s22 =	simm.s32 $0x12068  }
0xc3: {  	[hbm4b:s19+s3] =	stream.linear.scatter [tilespmem:s22], [sflag:$0x5], $0x80, $0x38;
	[tilespmem:$0x19E50] =	vst v63  }
0xc4: {  	s19 =	sadd.s32 $0x40, s8;
	s22 =	simm.s32 $0x120F0  }
0xc5: {  	[hbm4b:s19+s3] =	stream.linear.scatter [tilespmem:s22], [sflag:$0x5], $0x80, $0x38;
	[tilespmem:$0x19E50] =	vst v63  }
0xc6: {  	s19 =	sadd.s32 $0x50, s8;
	s22 =	simm.s32 $0x12178  }
0xc7: {  	[hbm4b:s19+s3] =	stream.linear.scatter [tilespmem:s22], [sflag:$0x5], $0x80, $0x38;
	[tilespmem:$0x19E50] =	vst v63  }
0xc8: {  	s19 =	sadd.s32 $0x60, s8;
	s22 =	simm.s32 $0x12200  }
0xc9: {  	[hbm4b:s19+s3] =	stream.linear.scatter [tilespmem:s22], [sflag:$0x5], $0x80, $0x38;
	[tilespmem:$0x19E50] =	vst v63  }
0xca: {  	s8 =	sadd.s32 $0x70, s8;
	s19 =	simm.s32 $0x12288  }
0xcb: {  	[hbm4b:s8+s3] =	stream.linear.scatter [tilespmem:s19], [sflag:$0x5], $0x80, $0x38;
	[tilespmem:$0x19E50] =	vst v63  }
0xcc: {  	s22 =	simm.s32 $0x12310;
	s8 =	sadd.s32 s7, s11  }
0xcd: {  	[hbm4b:s8+s3] =	stream.linear.scatter [tilespmem:s22], [sflag:$0x5], $0x80, $0x38;
	[tilespmem:$0x19E50] =	vst v63  }
0xce: {  	s19 =	sadd.s32 $0x10, s8;
	s22 =	simm.s32 $0x12398  }
0xcf: {  	[hbm4b:s19+s3] =	stream.linear.scatter [tilespmem:s22], [sflag:$0x5], $0x80, $0x38;
	[tilespmem:$0x19E50] =	vst v63  }
0xd0: {  	s19 =	sadd.s32 $0x20, s8;
	s22 =	simm.s32 $0x12420  }
0xd1: {  	[hbm4b:s19+s3] =	stream.linear.scatter [tilespmem:s22], [sflag:$0x5], $0x80, $0x38;
	[tilespmem:$0x19E50] =	vst v63  }
0xd2: {  	s19 =	sadd.s32 $0x30, s8;
	s22 =	simm.s32 $0x124A8  }
0xd3: {  	[hbm4b:s19+s3] =	stream.linear.scatter [tilespmem:s22], [sflag:$0x5], $0x80, $0x38;
	[tilespmem:$0x19E50] =	vst v63  }
0xd4: {  	s19 =	sadd.s32 $0x40, s8;
	s22 =	simm.s32 $0x12530  }
0xd5: {  	[hbm4b:s19+s3] =	stream.linear.scatter [tilespmem:s22], [sflag:$0x5], $0x80, $0x38;
	[tilespmem:$0x19E50] =	vst v63  }
0xd6: {  	s19 =	sadd.s32 $0x50, s8;
	s22 =	simm.s32 $0x125B8  }
0xd7: {  	[hbm4b:s19+s3] =	stream.linear.scatter [tilespmem:s22], [sflag:$0x5], $0x80, $0x38;
	[tilespmem:$0x19E50] =	vst v63  }
0xd8: {  	s19 =	sadd.s32 $0x60, s8;
	s22 =	simm.s32 $0x12640  }
0xd9: {  	[hbm4b:s19+s3] =	stream.linear.scatter [tilespmem:s22], [sflag:$0x5], $0x80, $0x38;
	[tilespmem:$0x19E50] =	vst v63  }
0xda: {  	s8 =	sadd.s32 $0x70, s8;
	s19 =	simm.s32 $0x126C8  }
0xdb: {  	[hbm4b:s8+s3] =	stream.linear.scatter [tilespmem:s19], [sflag:$0x5], $0x80, $0x38;
	[tilespmem:$0x19E50] =	vst v63  }
0xdc: {  	s22 =	simm.s32 $0x12750;
	s8 =	sadd.s32 s7, s12  }
0xdd: {  	[hbm4b:s8+s3] =	stream.linear.scatter [tilespmem:s22], [sflag:$0x5], $0x80, $0x38;
	[tilespmem:$0x19E50] =	vst v63  }
0xde: {  	s19 =	sadd.s32 $0x10, s8;
	s22 =	simm.s32 $0x127D8  }
0xdf: {  	[hbm4b:s19+s3] =	stream.linear.scatter [tilespmem:s22], [sflag:$0x5], $0x80, $0x38;
	[tilespmem:$0x19E50] =	vst v63  }
0xe0: {  	s19 =	sadd.s32 $0x20, s8;
	s22 =	simm.s32 $0x12860  }
0xe1: {  	[hbm4b:s19+s3] =	stream.linear.scatter [tilespmem:s22], [sflag:$0x5], $0x80, $0x38;
	[tilespmem:$0x19E50] =	vst v63  }
0xe2: {  	s19 =	sadd.s32 $0x30, s8;
	s22 =	simm.s32 $0x128E8  }
0xe3: {  	[hbm4b:s19+s3] =	stream.linear.scatter [tilespmem:s22], [sflag:$0x5], $0x80, $0x38;
	[tilespmem:$0x19E50] =	vst v63  }
0xe4: {  	s19 =	sadd.s32 $0x40, s8;
	s22 =	simm.s32 $0x12970  }
0xe5: {  	[hbm4b:s19+s3] =	stream.linear.scatter [tilespmem:s22], [sflag:$0x5], $0x80, $0x38;
	[tilespmem:$0x19E50] =	vst v63  }
0xe6: {  	s19 =	sadd.s32 $0x50, s8;
	s22 =	simm.s32 $0x129F8  }
0xe7: {  	[hbm4b:s19+s3] =	stream.linear.scatter [tilespmem:s22], [sflag:$0x5], $0x80, $0x38;
	[tilespmem:$0x19E50] =	vst v63  }
0xe8: {  	s19 =	sadd.s32 $0x60, s8;
	s22 =	simm.s32 $0x12A80  }
0xe9: {  	[hbm4b:s19+s3] =	stream.linear.scatter [tilespmem:s22], [sflag:$0x5], $0x80, $0x38;
	[tilespmem:$0x19E50] =	vst v63  }
0xea: {  	s8 =	sadd.s32 $0x70, s8;
	s19 =	simm.s32 $0x12B08  }
0xeb: {  	[hbm4b:s8+s3] =	stream.linear.scatter [tilespmem:s19], [sflag:$0x5], $0x80, $0x38;
	[tilespmem:$0x19E50] =	vst v63  }
0xec: {  	s22 =	simm.s32 $0x12B90;
	s8 =	sadd.s32 s7, s13  }
0xed: {  	[hbm4b:s8+s3] =	stream.linear.scatter [tilespmem:s22], [sflag:$0x5], $0x80, $0x38;
	[tilespmem:$0x19E50] =	vst v63  }
0xee: {  	s19 =	sadd.s32 $0x10, s8;
	s22 =	simm.s32 $0x12C18  }
0xef: {  	[hbm4b:s19+s3] =	stream.linear.scatter [tilespmem:s22], [sflag:$0x5], $0x80, $0x38;
	[tilespmem:$0x19E50] =	vst v63  }
0xf0: {  	s19 =	sadd.s32 $0x20, s8;
	s22 =	simm.s32 $0x12CA0  }
0xf1: {  	[hbm4b:s19+s3] =	stream.linear.scatter [tilespmem:s22], [sflag:$0x5], $0x80, $0x38;
	[tilespmem:$0x19E50] =	vst v63  }
0xf2: {  	s19 =	sadd.s32 $0x30, s8;
	s22 =	simm.s32 $0x12D28  }
0xf3: {  	[hbm4b:s19+s3] =	stream.linear.scatter [tilespmem:s22], [sflag:$0x5], $0x80, $0x38;
	[tilespmem:$0x19E50] =	vst v63  }
0xf4: {  	s19 =	sadd.s32 $0x40, s8;
	s22 =	simm.s32 $0x12DB0  }
0xf5: {  	[hbm4b:s19+s3] =	stream.linear.scatter [tilespmem:s22], [sflag:$0x5], $0x80, $0x38;
	[tilespmem:$0x19E50] =	vst v63  }
0xf6: {  	s19 =	sadd.s32 $0x50, s8;
	s22 =	simm.s32 $0x12E38  }
0xf7: {  	[hbm4b:s19+s3] =	stream.linear.scatter [tilespmem:s22], [sflag:$0x5], $0x80, $0x38;
	[tilespmem:$0x19E50] =	vst v63  }
0xf8: {  	s19 =	sadd.s32 $0x60, s8;
	s22 =	simm.s32 $0x12EC0  }
0xf9: {  	[hbm4b:s19+s3] =	stream.linear.scatter [tilespmem:s22], [sflag:$0x5], $0x80, $0x38;
	[tilespmem:$0x19E50] =	vst v63  }
0xfa: {  	s8 =	sadd.s32 $0x70, s8;
	s19 =	simm.s32 $0x12F48  }
0xfb: {  	[hbm4b:s8+s3] =	stream.linear.scatter [tilespmem:s19], [sflag:$0x5], $0x80, $0x38;
	[tilespmem:$0x19E50] =	vst v63  }
0xfc: {  	s22 =	simm.s32 $0x12FD0;
	s8 =	sadd.s32 s7, s14  }
0xfd: {  	[hbm4b:s8+s3] =	stream.linear.scatter [tilespmem:s22], [sflag:$0x5], $0x80, $0x38;
	[tilespmem:$0x19E50] =	vst v63  }
0xfe: {  	s19 =	sadd.s32 $0x10, s8;
	s22 =	simm.s32 $0x13058  }
0xff: {  	[hbm4b:s19+s3] =	stream.linear.scatter [tilespmem:s22], [sflag:$0x5], $0x80, $0x38;
	[tilespmem:$0x19E50] =	vst v63  }
0x100: {  	s19 =	sadd.s32 $0x20, s8;
	s22 =	simm.s32 $0x130E0  }
0x101: {  	[hbm4b:s19+s3] =	stream.linear.scatter [tilespmem:s22], [sflag:$0x5], $0x80, $0x38;
	[tilespmem:$0x19E50] =	vst v63  }
0x102: {  	s19 =	sadd.s32 $0x30, s8;
	s22 =	simm.s32 $0x13168  }
0x103: {  	[hbm4b:s19+s3] =	stream.linear.scatter [tilespmem:s22], [sflag:$0x5], $0x80, $0x38;
	[tilespmem:$0x19E50] =	vst v63  }
0x104: {  	s19 =	sadd.s32 $0x40, s8;
	s22 =	simm.s32 $0x131F0  }
0x105: {  	[hbm4b:s19+s3] =	stream.linear.scatter [tilespmem:s22], [sflag:$0x5], $0x80, $0x38;
	[tilespmem:$0x19E50] =	vst v63  }
0x106: {  	s19 =	sadd.s32 $0x50, s8;
	s22 =	simm.s32 $0x13278  }
0x107: {  	[hbm4b:s19+s3] =	stream.linear.scatter [tilespmem:s22], [sflag:$0x5], $0x80, $0x38;
	[tilespmem:$0x19E50] =	vst v63  }
0x108: {  	s19 =	sadd.s32 $0x60, s8;
	s22 =	simm.s32 $0x13300  }
0x109: {  	[hbm4b:s19+s3] =	stream.linear.scatter [tilespmem:s22], [sflag:$0x5], $0x80, $0x38;
	[tilespmem:$0x19E50] =	vst v63  }
0x10a: {  	s8 =	sadd.s32 $0x70, s8;
	s22 =	simm.s32 $0x13388  }
0x10b: {  	[hbm4b:s8+s3] =	stream.linear.scatter [tilespmem:s22], [sflag:$0x5], $0x80, $0x38;
	[tilespmem:$0x19E50] =	vst v63  }
0x10c: {  	s16 =	simm.s32 $0x13410;
	s7 =	sadd.s32 s7, s15  }
0x10d: {  	[hbm4b:s7+s3] =	stream.linear.scatter [tilespmem:s16], [sflag:$0x5], $0x80, $0x38;
	[tilespmem:$0x19E50] =	vst v63  }
0x10e: {  	s19 =	sadd.s32 $0x10, s7;
	s22 =	simm.s32 $0x13498  }
0x10f: {  	[hbm4b:s19+s3] =	stream.linear.scatter [tilespmem:s22], [sflag:$0x5], $0x80, $0x38;
	[tilespmem:$0x19E50] =	vst v63  }
0x110: {  	s19 =	sadd.s32 $0x20, s7;
	s22 =	simm.s32 $0x13520  }
0x111: {  	[hbm4b:s19+s3] =	stream.linear.scatter [tilespmem:s22], [sflag:$0x5], $0x80, $0x38;
	[tilespmem:$0x19E50] =	vst v63  }
0x112: {  	s19 =	sadd.s32 $0x30, s7;
	s22 =	simm.s32 $0x135A8  }
0x113: {  	[hbm4b:s19+s3] =	stream.linear.scatter [tilespmem:s22], [sflag:$0x5], $0x80, $0x38;
	[tilespmem:$0x19E50] =	vst v63  }
0x114: {  	s19 =	sadd.s32 $0x40, s7;
	s22 =	simm.s32 $0x13630  }
0x115: {  	[hbm4b:s19+s3] =	stream.linear.scatter [tilespmem:s22], [sflag:$0x5], $0x80, $0x38;
	[tilespmem:$0x19E50] =	vst v63  }
0x116: {  	s19 =	sadd.s32 $0x50, s7;
	s22 =	simm.s32 $0x136B8  }
0x117: {  	[hbm4b:s19+s3] =	stream.linear.scatter [tilespmem:s22], [sflag:$0x5], $0x80, $0x38;
	[tilespmem:$0x19E50] =	vst v63  }
0x118: {  	s16 =	sadd.s32 $0x60, s7;
	s19 =	simm.s32 $0x13740  }
0x119: {  	[hbm4b:s16+s3] =	stream.linear.scatter [tilespmem:s19], [sflag:$0x5], $0x80, $0x38;
	[tilespmem:$0x19E50] =	vst v63  }
0x11a: {  	s7 =	sadd.s32 $0x70, s7;
	s22 =	simm.s32 $0x137C8  }
0x11b: {  	[hbm4b:s7+s3] =	stream.linear.scatter [tilespmem:s22], [sflag:$0x5], $0x80, $0x38;
	[tilespmem:$0x19E50] =	vst v63  }
0x11c: {  	_ =	swait.ge [sflag:s26], $0x2000  }
0x11d: {  	[sflag:s26] =	ssyncset.done $0x0  }
0x11e: {  	s7 =	simm.s32 @!p0 $0x6;
	[sflag:s26] =	ssyncadd.s32 $0xFFFFE000  }
0x11f: {  	_ =	swait.ge @!p0 [sflag:s7], $0x400  }
0x120: {  	[sflag:s7] =	ssyncset.done @!p0 $0x0  }
0x121: {  	[sflag:s7] =	ssyncadd.s32 @!p0 $0xFFFFFC00  }
0x122: {  	_ =	swait.ge @!p0 [sflag:s7], $0x400  }
0x123: {  	[sflag:s7] =	ssyncset.done @!p0 $0x0  }
0x124: {  	[sflag:s7] =	ssyncadd.s32 @!p0 $0xFFFFFC00  }
0x125: {  	_ =	swait.ge @!p0 [sflag:s7], $0x400  }
0x126: {  	[sflag:s7] =	ssyncset.done @!p0 $0x0  }
0x127: {  	[sflag:s7] =	ssyncadd.s32 @!p0 $0xFFFFFC00  }
0x128: {  	_ =	swait.ge @!p0 [sflag:s7], $0x400  }
0x129: {  	[sflag:s7] =	ssyncset.done @!p0 $0x0  }
0x12a: {  	[sflag:s7] =	ssyncadd.s32 @!p0 $0xFFFFFC00  }
0x12b: {  	_ =	swait.ge @!p0 [sflag:s7], $0x400  }
0x12c: {  	[sflag:s7] =	ssyncset.done @!p0 $0x0  }
0x12d: {  	[sflag:s7] =	ssyncadd.s32 @!p0 $0xFFFFFC00  }
0x12e: {  	_ =	swait.ge @!p0 [sflag:s7], $0x400  }
0x12f: {  	[sflag:s7] =	ssyncset.done @!p0 $0x0  }
0x130: {  	[sflag:s7] =	ssyncadd.s32 @!p0 $0xFFFFFC00  }
0x131: {  	_ =	swait.ge @!p0 [sflag:s7], $0x400  }
0x132: {  	[sflag:s7] =	ssyncset.done @!p0 $0x0  }
0x133: {  	[sflag:s7] =	ssyncadd.s32 @!p0 $0xFFFFFC00  }
0x134: {  	_ =	swait.ge @!p0 [sflag:s7], $0x400  }
0x135: {  	[sflag:s7] =	ssyncset.done @!p0 $0x0  }
0x136: {  	[sflag:s7] =	ssyncadd.s32 @!p0 $0xFFFFFC00  }
0x137: {  	s7 =	sor.u32 $0x1, s6;
	v3 =	vld [tilespmem:$0x9600]  }
0x138: {  	s16 =	sshll.u32 s7, $0x6;
	v13 =	vld [tilespmem:$0x9640]  }
0x139: {  	s8 =	sand.u32 $0x3FFFFFC0, s16  }
0x13a: {  	v10 =	vld [tilespmem:s8+$0x6400]  }
0x13b: {  	v2 =	vld [tilespmem:s8+$0x6410]  }
0x13c: {  	s19 =	simm.s32 $0x0;
	s22 =	simm.s32 $0x3;
	v1 =	vld [tilespmem:s8+$0x6420]  }
0x13d: {  	v0 =	vld [tilespmem:s8+$0x6430];
	s8 =	simm.s32 $0xB6D0;
	v12 =	vmul.u32 $0x88, v3;
	v3 =	vadd.s32 s19, v13;
	v4 =	vadd.s32 s22, v13  }
0x13e: {  	v7 =	vld [tilespmem:s8+$0x40];
	s22 =	simm.s32 $0x1;
	v16 =	vand.u32 $0x7, v3;
	v14 =	vand.u32 $0xFFFFFFF8, v3;
	v6 =	vand.u32 $0xFFFFFFF8, v4  }
0x13f: {  	v8 =	vld [tilespmem:s8+$0xFFFFFF80];
	s19 =	simm.s32 $0x2;
	v3 =	vadd.s32 s22, v13;
	v9 =	vand.u32 $0x7, v4;
	v4 =	vadd.s32 v12, v6  }
0x140: {  	v11 =	vld [tilespmem:$0x9610];
	v15 =	vadd.s32 s19, v13;
	v5 =	vadd.s32 v12, v14;
	v4 =	vor.u32 v9, v4  }
0x141: {  	v19 =	vld [tilespmem:s8+$0xFFFFFFC0];
	v18 =	vand.u32 $0xFFFFFFF8, v3;
	v31 =	vand.u32 $0xFFFFFFF8, v15;
	v17 =	vor.u32 v16, v5  }
0x142: {  	v20 =	vld [tilespmem:s8+$0x0];
	v3 =	vand.u32 $0x7, v3;
	v5 =	vadd.s32 v12, v18;
	v21 =	vadd.s32 v12, v31  }
0x143: {  	v7 =	vadd.f32 v7, v10;
	v23 =	vor.u32 v3, v5;
	v5 =	vand.u32 $0x7, v15  }
0x144: {  	v22 =	vld [tilespmem:$0x9620];
	v8 =	vadd.f32 v8, v10;
	v21 =	vor.u32 v5, v21  }
0x145: {  	v24 =	vld [tilespmem:$0x9630];
	v15 =	vmul.u32 $0x88, v11;
	[tilespmem:v4+s28+$0x0] =	vst.idx.msk $0xffff, v7  }
0x146: {  	[tilespmem:v17+s28+$0x0] =	vst.idx.msk $0xffff, v8;
	v4 =	vadd.f32 v19, v10;
	v7 =	vld [tilespmem:s8+$0x50]  }
0x147: {  	v11 =	vadd.s32 v15, v6;
	v8 =	vadd.f32 v20, v10;
	v17 =	vld [tilespmem:s8+$0xFFFFFF90]  }
0x148: {  	v19 =	vadd.s32 v15, v14;
	v20 =	vor.u32 v9, v11;
	[tilespmem:v23+s28+$0x0] =	vst.idx.msk $0xffff, v4  }
0x149: {  	v11 =	vmul.u32 $0x88, v22;
	v19 =	vor.u32 v16, v19;
	[tilespmem:v21+s28+$0x0] =	vst.idx.msk $0xffff, v8;
	v22 =	vld [tilespmem:s8+$0xFFFFFFD0]  }
0x14a: {  	s22 =	simm.s32 $0x4;
	v4 =	vmul.u32 $0x88, v24;
	v8 =	vadd.s32 v15, v18;
	v21 =	vadd.s32 v15, v31;
	v23 =	vld [tilespmem:s8+$0x10]  }
0x14b: {  	v24 =	vadd.s32 s22, v13;
	v25 =	vor.u32 v3, v8;
	v26 =	vadd.f32 v7, v2  }
0x14c: {  	s19 =	simm.s32 $0x5;
	v30 =	vadd.s32 v11, v14;
	v29 =	vor.u32 v5, v21;
	v27 =	vadd.f32 v17, v2  }
0x14d: {  	v8 =	vand.u32 $0x7, v24;
	v21 =	vadd.s32 s19, v13;
	v14 =	vadd.s32 v4, v14;
	[tilespmem:v20+s28+$0x0] =	vst.idx.msk $0xffff, v26  }
0x14e: {  	v14 =	vor.u32 v16, v14;
	v7 =	vand.u32 $0xFFFFFFF8, v24;
	[tilespmem:v19+s28+$0x0] =	vst.idx.msk $0xffff, v27;
	v19 =	vadd.f32 v22, v2;
	v24 =	vld [tilespmem:s8+$0x60]  }
0x14f: {  	s22 =	simm.s32 $0x6;
	v17 =	vadd.s32 v15, v7;
	v26 =	vadd.f32 v23, v2;
	v20 =	vadd.s32 v11, v6;
	v23 =	vld [tilespmem:s8+$0xFFFFFFA0]  }
0x150: {  	v28 =	vadd.s32 v12, v7;
	v22 =	vadd.s32 s22, v13;
	[tilespmem:v25+s28+$0x0] =	vst.idx.msk $0xffff, v19;
	v25 =	vor.u32 v9, v20  }
0x151: {  	v19 =	vand.u32 $0xFFFFFFF8, v21;
	v20 =	vor.u32 v16, v30;
	v16 =	vadd.s32 v4, v18;
	[tilespmem:v29+s28+$0x0] =	vst.idx.msk $0xffff, v26;
	v27 =	vld [tilespmem:s8+$0xFFFFFFE0]  }
0x152: {  	s16 =	simm.s32 $0xB6D0;
	s19 =	simm.s32 $0x7;
	s22 =	simm.s32 $0x8;
	v30 =	vadd.s32 v11, v18;
	v29 =	vadd.s32 v11, v31;
	v18 =	vadd.s32 v4, v31;
	v26 =	vld [tilespmem:s8+$0x20]  }
.LBB2_5:
0x153: {  	p2 =	slt.u32 s22, $0x7C;
	v31 =	vadd.s32 s19, v13;
	v30 =	vor.u32 v3, v30;
	v24 =	vadd.f32 v24, v1;
	s8 =	sadd.s32 $0x100, s8;
	v32 =	vmovc v19  }
0x154: {  	v29 =	vor.u32 v5, v29;
	v19 =	vld [tilespmem:s8+$0x40];
	v33 =	vand.u32 $0xFFFFFFF8, v31;
	v23 =	vadd.f32 v23, v1  }
0x155: {  	v28 =	vor.u32 v8, v28;
	v31 =	vand.u32 $0x7, v31;
	v34 =	vld [tilespmem:s8+$0xFFFFFF80];
	v35 =	vadd.s32 v12, v33;
	[tilespmem:v25+s28+$0x0] =	vst.idx.msk $0xffff, v24  }
0x156: {  	v36 =	vand.u32 $0xFFFFFFF8, v22;
	v24 =	vor.u32 v31, v35;
	[tilespmem:v20+s28+$0x0] =	vst.idx.msk $0xffff, v23;
	v20 =	vadd.f32 v27, v1;
	v23 =	vld [tilespmem:s16+$0x70]  }
0x157: {  	v27 =	vadd.s32 v12, v32;
	v35 =	vadd.s32 v4, v6;
	v6 =	vmovc v33;
	v25 =	vld [tilespmem:s8+$0xFFFFFFC0];
	v26 =	vadd.f32 v26, v1  }
0x158: {  	v21 =	vand.u32 $0x7, v21;
	v37 =	vadd.s32 v12, v36;
	v33 =	vld [tilespmem:s8+$0x0];
	[tilespmem:v30+s28+$0x0] =	vst.idx.msk $0xffff, v20;
	v20 =	vor.u32 v9, v35  }
0x159: {  	v22 =	vand.u32 $0x7, v22;
	v27 =	vor.u32 v21, v27;
	v19 =	vadd.f32 v19, v10;
	v30 =	vld [tilespmem:s16+$0xFFFFFFF0];
	[tilespmem:v29+s28+$0x0] =	vst.idx.msk $0xffff, v26  }
0x15a: {  	v9 =	vmovc v31;
	v29 =	vor.u32 v8, v17;
	v17 =	vor.u32 v22, v37;
	v26 =	vadd.f32 v34, v10;
	v34 =	vld [tilespmem:s16+$0x30]  }
0x15b: {  	v16 =	vor.u32 v3, v16;
	v3 =	vmov v21;
	[tilespmem:v24+s28+$0x0] =	vst.idx.msk $0xffff, v19;
	v19 =	vld [tilespmem:s16+$0xFFFFFFB0];
	v23 =	vadd.f32 v23, v0;
	s16 =	smov.u32 s8  }
0x15c: {  	v18 =	vor.u32 v5, v18;
	v5 =	vmov v22;
	[tilespmem:v28+s28+$0x0] =	vst.idx.msk $0xffff, v26;
	v21 =	vadd.f32 v25, v10;
	v24 =	vld [tilespmem:s8+$0x50]  }
0x15d: {  	v26 =	vadd.s32 v15, v6;
	v22 =	vld [tilespmem:s8+$0xFFFFFF90];
	v25 =	vadd.f32 v33, v10;
	[tilespmem:v20+s28+$0x0] =	vst.idx.msk $0xffff, v23  }
0x15e: {  	v20 =	vor.u32 v9, v26;
	[tilespmem:v27+s28+$0x0] =	vst.idx.msk $0xffff, v21;
	v21 =	vadd.f32 v30, v0  }
0x15f: {  	v26 =	vadd.s32 v15, v32;
	v23 =	vld [tilespmem:s8+$0xFFFFFFD0];
	[tilespmem:v17+s28+$0x0] =	vst.idx.msk $0xffff, v25;
	v17 =	vadd.f32 v34, v0  }
0x160: {  	v27 =	vadd.s32 v15, v36;
	v25 =	vld [tilespmem:s8+$0x10];
	v19 =	vadd.f32 v19, v0;
	[tilespmem:v16+s28+$0x0] =	vst.idx.msk $0xffff, v21  }
0x161: {  	v26 =	vor.u32 v3, v26;
	v16 =	vadd.s32 s22, v13;
	v21 =	vadd.f32 v24, v2;
	[tilespmem:v18+s28+$0x0] =	vst.idx.msk $0xffff, v17  }
0x162: {  	v30 =	vor.u32 v5, v27;
	v31 =	vand.u32 $0x7, v16;
	v18 =	vadd.f32 v22, v2;
	[tilespmem:v14+s28+$0x0] =	vst.idx.msk $0xffff, v19  }
0x163: {  	s19 =	sadd.s32 $0x1, s22;
	v27 =	vadd.s32 v11, v7;
	v14 =	vadd.s32 v4, v7;
	v7 =	vand.u32 $0xFFFFFFF8, v16;
	[tilespmem:v20+s28+$0x0] =	vst.idx.msk $0xffff, v21  }
.Ltmp1:
0x164: {  	v17 =	vadd.s32 v15, v7;
	v21 =	vadd.s32 s19, v13;
	[tilespmem:v29+s28+$0x0] =	vst.idx.msk $0xffff, v18;
	v16 =	vadd.f32 v23, v2;
	v24 =	vld [tilespmem:s8+$0x60];
	(pc) =	sbr.rel @p2 .LBB2_5-.Ltmp1, $4  }
0x165: {  	v19 =	vadd.s32 v11, v6;
	v28 =	vadd.s32 v12, v7;
	s19 =	sadd.s32 $0x2, s22;
	v23 =	vld [tilespmem:s8+$0xFFFFFFA0];
	v18 =	vadd.f32 v25, v2  }
0x166: {  	v14 =	vor.u32 v8, v14;
	v22 =	vadd.s32 s19, v13;
	v25 =	vor.u32 v9, v19;
	[tilespmem:v26+s28+$0x0] =	vst.idx.msk $0xffff, v16  }
0x167: {  	v20 =	vor.u32 v8, v27;
	v19 =	vand.u32 $0xFFFFFFF8, v21;
	v16 =	vadd.s32 v4, v32;
	v27 =	vld [tilespmem:s8+$0xFFFFFFE0];
	[tilespmem:v30+s28+$0x0] =	vst.idx.msk $0xffff, v18  }
0x168: {  	v8 =	vmovc v31;
	s19 =	sadd.s32 $0x3, s22;
	s22 =	sadd.s32 $0x4, s22;
	v29 =	vadd.s32 v11, v36;
	v30 =	vadd.s32 v11, v32;
	v18 =	vadd.s32 v4, v36;
	v26 =	vld [tilespmem:s8+$0x20]  }
0x169: {  	v13 =	vadd.s32 s19, v13;
	s8 =	sadd.s32 $0x100, s8  }
0x16a: {  	v31 =	vld [tilespmem:s8+$0x40];
	v32 =	vand.u32 $0xFFFFFFF8, v13  }
0x16b: {  	v34 =	vand.u32 $0xFFFFFFF8, v22;
	v13 =	vand.u32 $0x7, v13;
	v35 =	vld [tilespmem:s8+$0xFFFFFFC0];
	v33 =	vadd.s32 v12, v32  }
0x16c: {  	v36 =	vadd.s32 v12, v19;
	v21 =	vand.u32 $0x7, v21;
	v37 =	vld [tilespmem:s8+$0x0];
	v33 =	vor.u32 v13, v33  }
0x16d: {  	v22 =	vand.u32 $0x7, v22;
	v38 =	vld [tilespmem:s8+$0xFFFFFF80];
	v36 =	vor.u32 v21, v36;
	v12 =	vadd.s32 v12, v34  }
0x16e: {  	v12 =	vor.u32 v22, v12  }
0x16f: {  	v28 =	vor.u32 v8, v28;
	v31 =	vadd.f32 v31, v10  }
0x170: {  	v35 =	vadd.f32 v35, v10  }
0x171: {  	[tilespmem:v33+s28+$0x0] =	vst.idx.msk $0xffff, v31;
	v31 =	vadd.f32 v37, v10  }
0x172: {  	v10 =	vadd.f32 v38, v10;
	[tilespmem:v36+s28+$0x0] =	vst.idx.msk $0xffff, v35;
	v33 =	vld [tilespmem:s8+$0x50]  }
0x173: {  	v30 =	vor.u32 v3, v30;
	v62 =	vadd.s32 v15, v32;
	[tilespmem:v12+s28+$0x0] =	vst.idx.msk $0xffff, v31;
	v12 =	vld [tilespmem:s8+$0xFFFFFFD0]  }
0x174: {  	[tilespmem:v28+s28+$0x0] =	vst.idx.msk $0xffff, v10;
	v10 =	vor.u32 v13, v62;
	v28 =	vadd.s32 v15, v19;
	v31 =	vld [tilespmem:s8+$0x10]  }
0x175: {  	v24 =	vadd.f32 v24, v1;
	v15 =	vadd.s32 v15, v34;
	v63 =	vld [tilespmem:s8+$0xFFFFFF90];
	v28 =	vor.u32 v21, v28  }
0x176: {  	v17 =	vor.u32 v8, v17;
	v27 =	vadd.f32 v27, v1;
	v15 =	vor.u32 v22, v15  }
0x177: {  	v6 =	vadd.s32 v4, v6;
	[tilespmem:v25+s28+$0x0] =	vst.idx.msk $0xffff, v24;
	v24 =	vadd.f32 v33, v2  }
0x178: {  	v25 =	vor.u32 v5, v29;
	v29 =	vld [tilespmem:s16+$0x70];
	[tilespmem:v30+s28+$0x0] =	vst.idx.msk $0xffff, v27;
	v12 =	vadd.f32 v12, v2  }
0x179: {  	v23 =	vadd.f32 v23, v1;
	v27 =	vld [tilespmem:s16+$0xFFFFFFF0];
	[tilespmem:v10+s28+$0x0] =	vst.idx.msk $0xffff, v24;
	v10 =	vadd.f32 v31, v2  }
0x17a: {  	v6 =	vor.u32 v9, v6;
	v2 =	vadd.f32 v63, v2;
	v24 =	vld [tilespmem:s8+$0x60];
	[tilespmem:v28+s28+$0x0] =	vst.idx.msk $0xffff, v12  }
0x17b: {  	v9 =	vadd.s32 v11, v32;
	v26 =	vadd.f32 v26, v1;
	v12 =	vld [tilespmem:s8+$0xFFFFFFE0];
	[tilespmem:v15+s28+$0x0] =	vst.idx.msk $0xffff, v10  }
0x17c: {  	[tilespmem:v17+s28+$0x0] =	vst.idx.msk $0xffff, v2;
	v2 =	vor.u32 v13, v9;
	v9 =	vadd.s32 v11, v19;
	v10 =	vld [tilespmem:s8+$0x20]  }
0x17d: {  	[tilespmem:v25+s28+$0x0] =	vst.idx.msk $0xffff, v26;
	v17 =	vadd.s32 v11, v34;
	v15 =	vld [tilespmem:s8+$0xFFFFFFA0];
	v9 =	vor.u32 v21, v9  }
0x17e: {  	v25 =	vld [tilespmem:s16+$0x30];
	v26 =	vadd.f32 v29, v0;
	v11 =	vadd.s32 v11, v7;
	v17 =	vor.u32 v22, v17  }
0x17f: {  	[tilespmem:v20+s28+$0x0] =	vst.idx.msk $0xffff, v23;
	v11 =	vor.u32 v8, v11;
	v20 =	vadd.f32 v24, v1  }
0x180: {  	v3 =	vor.u32 v3, v16;
	v23 =	vld [tilespmem:s16+$0xFFFFFFB0];
	[tilespmem:v6+s28+$0x0] =	vst.idx.msk $0xffff, v26;
	v6 =	vadd.f32 v12, v1  }
0x181: {  	v5 =	vor.u32 v5, v18;
	[tilespmem:v2+s28+$0x0] =	vst.idx.msk $0xffff, v20;
	v2 =	vadd.f32 v10, v1  }
0x182: {  	v10 =	vadd.f32 v27, v0;
	v1 =	vadd.f32 v15, v1;
	v12 =	vld [tilespmem:s8+$0x70];
	[tilespmem:v9+s28+$0x0] =	vst.idx.msk $0xffff, v6  }
0x183: {  	v6 =	vadd.f32 v25, v0;
	v9 =	vadd.s32 v4, v32;
	v15 =	vld [tilespmem:s8+$0xFFFFFFF0];
	[tilespmem:v17+s28+$0x0] =	vst.idx.msk $0xffff, v2  }
0x184: {  	v2 =	vadd.s32 v4, v19;
	[tilespmem:v11+s28+$0x0] =	vst.idx.msk $0xffff, v1;
	v1 =	vor.u32 v13, v9;
	v9 =	vld [tilespmem:s8+$0x30]  }
0x185: {  	v11 =	vadd.f32 v23, v0;
	v13 =	vadd.s32 v4, v34;
	v16 =	vld [tilespmem:s8+$0xFFFFFFB0];
	v2 =	vor.u32 v21, v2  }
0x186: {  	[tilespmem:v3+s28+$0x0] =	vst.idx.msk $0xffff, v10;
	v3 =	vadd.s32 v4, v7;
	v4 =	vor.u32 v22, v13  }
0x187: {  	[tilespmem:v5+s28+$0x0] =	vst.idx.msk $0xffff, v6;
	v3 =	vor.u32 v8, v3;
	v5 =	vadd.f32 v12, v0  }
0x188: {  	[tilespmem:v14+s28+$0x0] =	vst.idx.msk $0xffff, v11;
	v6 =	vadd.f32 v15, v0  }
0x189: {  	[tilespmem:v1+s28+$0x0] =	vst.idx.msk $0xffff, v5;
	v1 =	vadd.f32 v9, v0  }
0x18a: {  	s7 =	sshll.u32 s7, $0x12;
	s8 =	sadd.s32 @!p1 $0xA00, s24;
	v0 =	vadd.f32 v16, v0;
	[tilespmem:v2+s28+$0x0] =	vst.idx.msk $0xffff, v6  }
0x18b: {  	s19 =	simm.s32 @!p1 $0xB650;
	s7 =	sor.u32 s5, s7;
	s8 =	sand.u32 @!p1 $0x3FA00, s8;
	[tilespmem:v4+s28+$0x0] =	vst.idx.msk $0xffff, v1  }
0x18c: {  	s7 =	sshrl.u32 s7, $0x3;
	s16 =	simm.s32 @!p1 $0x80;
	s8 =	sshrl.u32 @!p1 s8, $0x2;
	[tilespmem:v3+s28+$0x0] =	vst.idx.msk $0xffff, v0  }
0x18d: {  	[tilespmem:s19], [sflag:$0x2] =	stream.indirect.gather @!p1 [hbm4b:s4+s16], $0x40, s8, s16, $0xb8;
	[tilespmem:$0x19E50] =	vst v63  }
0x18e: {  	s8 =	sadd.s32 s1, s7  }
0x18f: {  	[hbm4b:s8+s3] =	stream.linear.scatter [tilespmem:s28], [sflag:$0x6], $0x80, $0x38;
	[tilespmem:$0x19E50] =	vst v63  }
0x190: {  	s22 =	simm.s32 $0x138D8;
	s19 =	sadd.s32 $0x10, s8  }
0x191: {  	[hbm4b:s19+s3] =	stream.linear.scatter [tilespmem:s22], [sflag:$0x6], $0x80, $0x38;
	[tilespmem:$0x19E50] =	vst v63  }
0x192: {  	s19 =	sadd.s32 $0x20, s8;
	s22 =	simm.s32 $0x13960  }
0x193: {  	[hbm4b:s19+s3] =	stream.linear.scatter [tilespmem:s22], [sflag:$0x6], $0x80, $0x38;
	[tilespmem:$0x19E50] =	vst v63  }
0x194: {  	s19 =	sadd.s32 $0x30, s8;
	s22 =	simm.s32 $0x139E8  }
0x195: {  	[hbm4b:s19+s3] =	stream.linear.scatter [tilespmem:s22], [sflag:$0x6], $0x80, $0x38;
	[tilespmem:$0x19E50] =	vst v63  }
0x196: {  	s19 =	sadd.s32 $0x40, s8;
	s22 =	simm.s32 $0x13A70  }
0x197: {  	[hbm4b:s19+s3] =	stream.linear.scatter [tilespmem:s22], [sflag:$0x6], $0x80, $0x38;
	[tilespmem:$0x19E50] =	vst v63  }
0x198: {  	s19 =	sadd.s32 $0x50, s8;
	s22 =	simm.s32 $0x13AF8  }
0x199: {  	[hbm4b:s19+s3] =	stream.linear.scatter [tilespmem:s22], [sflag:$0x6], $0x80, $0x38;
	[tilespmem:$0x19E50] =	vst v63  }
0x19a: {  	s19 =	sadd.s32 $0x60, s8;
	s22 =	simm.s32 $0x13B80  }
0x19b: {  	[hbm4b:s19+s3] =	stream.linear.scatter [tilespmem:s22], [sflag:$0x6], $0x80, $0x38;
	[tilespmem:$0x19E50] =	vst v63  }
0x19c: {  	s8 =	sadd.s32 $0x70, s8;
	s19 =	simm.s32 $0x13C08  }
0x19d: {  	[hbm4b:s8+s3] =	stream.linear.scatter [tilespmem:s19], [sflag:$0x6], $0x80, $0x38;
	[tilespmem:$0x19E50] =	vst v63  }
0x19e: {  	s22 =	simm.s32 $0x13C90;
	s8 =	sadd.s32 s7, s9  }
0x19f: {  	[hbm4b:s8+s3] =	stream.linear.scatter [tilespmem:s22], [sflag:$0x6], $0x80, $0x38;
	[tilespmem:$0x19E50] =	vst v63  }
0x1a0: {  	s19 =	sadd.s32 $0x10, s8;
	s22 =	simm.s32 $0x13D18  }
0x1a1: {  	[hbm4b:s19+s3] =	stream.linear.scatter [tilespmem:s22], [sflag:$0x6], $0x80, $0x38;
	[tilespmem:$0x19E50] =	vst v63  }
0x1a2: {  	s19 =	sadd.s32 $0x20, s8;
	s22 =	simm.s32 $0x13DA0  }
0x1a3: {  	[hbm4b:s19+s3] =	stream.linear.scatter [tilespmem:s22], [sflag:$0x6], $0x80, $0x38;
	[tilespmem:$0x19E50] =	vst v63  }
0x1a4: {  	s19 =	sadd.s32 $0x30, s8;
	s22 =	simm.s32 $0x13E28  }
0x1a5: {  	[hbm4b:s19+s3] =	stream.linear.scatter [tilespmem:s22], [sflag:$0x6], $0x80, $0x38;
	[tilespmem:$0x19E50] =	vst v63  }
0x1a6: {  	s19 =	sadd.s32 $0x40, s8;
	s22 =	simm.s32 $0x13EB0  }
0x1a7: {  	[hbm4b:s19+s3] =	stream.linear.scatter [tilespmem:s22], [sflag:$0x6], $0x80, $0x38;
	[tilespmem:$0x19E50] =	vst v63  }
0x1a8: {  	s19 =	sadd.s32 $0x50, s8;
	s22 =	simm.s32 $0x13F38  }
0x1a9: {  	[hbm4b:s19+s3] =	stream.linear.scatter [tilespmem:s22], [sflag:$0x6], $0x80, $0x38;
	[tilespmem:$0x19E50] =	vst v63  }
0x1aa: {  	s19 =	sadd.s32 $0x60, s8;
	s22 =	simm.s32 $0x13FC0  }
0x1ab: {  	[hbm4b:s19+s3] =	stream.linear.scatter [tilespmem:s22], [sflag:$0x6], $0x80, $0x38;
	[tilespmem:$0x19E50] =	vst v63  }
0x1ac: {  	s8 =	sadd.s32 $0x70, s8;
	s19 =	simm.s32 $0x14048  }
0x1ad: {  	[hbm4b:s8+s3] =	stream.linear.scatter [tilespmem:s19], [sflag:$0x6], $0x80, $0x38;
	[tilespmem:$0x19E50] =	vst v63  }
0x1ae: {  	s22 =	simm.s32 $0x140D0;
	s8 =	sadd.s32 s7, s10  }
0x1af: {  	[hbm4b:s8+s3] =	stream.linear.scatter [tilespmem:s22], [sflag:$0x6], $0x80, $0x38;
	[tilespmem:$0x19E50] =	vst v63  }
0x1b0: {  	s19 =	sadd.s32 $0x10, s8;
	s22 =	simm.s32 $0x14158  }
0x1b1: {  	[hbm4b:s19+s3] =	stream.linear.scatter [tilespmem:s22], [sflag:$0x6], $0x80, $0x38;
	[tilespmem:$0x19E50] =	vst v63  }
0x1b2: {  	s19 =	sadd.s32 $0x20, s8;
	s22 =	simm.s32 $0x141E0  }
0x1b3: {  	[hbm4b:s19+s3] =	stream.linear.scatter [tilespmem:s22], [sflag:$0x6], $0x80, $0x38;
	[tilespmem:$0x19E50] =	vst v63  }
0x1b4: {  	s19 =	sadd.s32 $0x30, s8;
	s22 =	simm.s32 $0x14268  }
0x1b5: {  	[hbm4b:s19+s3] =	stream.linear.scatter [tilespmem:s22], [sflag:$0x6], $0x80, $0x38;
	[tilespmem:$0x19E50] =	vst v63  }
0x1b6: {  	s19 =	sadd.s32 $0x40, s8;
	s22 =	simm.s32 $0x142F0  }
0x1b7: {  	[hbm4b:s19+s3] =	stream.linear.scatter [tilespmem:s22], [sflag:$0x6], $0x80, $0x38;
	[tilespmem:$0x19E50] =	vst v63  }
0x1b8: {  	s19 =	sadd.s32 $0x50, s8;
	s22 =	simm.s32 $0x14378  }
0x1b9: {  	[hbm4b:s19+s3] =	stream.linear.scatter [tilespmem:s22], [sflag:$0x6], $0x80, $0x38;
	[tilespmem:$0x19E50] =	vst v63  }
0x1ba: {  	s19 =	sadd.s32 $0x60, s8;
	s22 =	simm.s32 $0x14400  }
0x1bb: {  	[hbm4b:s19+s3] =	stream.linear.scatter [tilespmem:s22], [sflag:$0x6], $0x80, $0x38;
	[tilespmem:$0x19E50] =	vst v63  }
0x1bc: {  	s8 =	sadd.s32 $0x70, s8;
	s19 =	simm.s32 $0x14488  }
0x1bd: {  	[hbm4b:s8+s3] =	stream.linear.scatter [tilespmem:s19], [sflag:$0x6], $0x80, $0x38;
	[tilespmem:$0x19E50] =	vst v63  }
0x1be: {  	s22 =	simm.s32 $0x14510;
	s8 =	sadd.s32 s7, s11  }
0x1bf: {  	[hbm4b:s8+s3] =	stream.linear.scatter [tilespmem:s22], [sflag:$0x6], $0x80, $0x38;
	[tilespmem:$0x19E50] =	vst v63  }
0x1c0: {  	s19 =	sadd.s32 $0x10, s8;
	s22 =	simm.s32 $0x14598  }
0x1c1: {  	[hbm4b:s19+s3] =	stream.linear.scatter [tilespmem:s22], [sflag:$0x6], $0x80, $0x38;
	[tilespmem:$0x19E50] =	vst v63  }
0x1c2: {  	s19 =	sadd.s32 $0x20, s8;
	s22 =	simm.s32 $0x14620  }
0x1c3: {  	[hbm4b:s19+s3] =	stream.linear.scatter [tilespmem:s22], [sflag:$0x6], $0x80, $0x38;
	[tilespmem:$0x19E50] =	vst v63  }
0x1c4: {  	s19 =	sadd.s32 $0x30, s8;
	s22 =	simm.s32 $0x146A8  }
0x1c5: {  	[hbm4b:s19+s3] =	stream.linear.scatter [tilespmem:s22], [sflag:$0x6], $0x80, $0x38;
	[tilespmem:$0x19E50] =	vst v63  }
0x1c6: {  	s19 =	sadd.s32 $0x40, s8;
	s22 =	simm.s32 $0x14730  }
0x1c7: {  	[hbm4b:s19+s3] =	stream.linear.scatter [tilespmem:s22], [sflag:$0x6], $0x80, $0x38;
	[tilespmem:$0x19E50] =	vst v63  }
0x1c8: {  	s19 =	sadd.s32 $0x50, s8;
	s22 =	simm.s32 $0x147B8  }
0x1c9: {  	[hbm4b:s19+s3] =	stream.linear.scatter [tilespmem:s22], [sflag:$0x6], $0x80, $0x38;
	[tilespmem:$0x19E50] =	vst v63  }
0x1ca: {  	s19 =	sadd.s32 $0x60, s8;
	s22 =	simm.s32 $0x14840  }
0x1cb: {  	[hbm4b:s19+s3] =	stream.linear.scatter [tilespmem:s22], [sflag:$0x6], $0x80, $0x38;
	[tilespmem:$0x19E50] =	vst v63  }
0x1cc: {  	s8 =	sadd.s32 $0x70, s8;
	s19 =	simm.s32 $0x148C8  }
0x1cd: {  	[hbm4b:s8+s3] =	stream.linear.scatter [tilespmem:s19], [sflag:$0x6], $0x80, $0x38;
	[tilespmem:$0x19E50] =	vst v63  }
0x1ce: {  	s22 =	simm.s32 $0x14950;
	s8 =	sadd.s32 s7, s12  }
0x1cf: {  	[hbm4b:s8+s3] =	stream.linear.scatter [tilespmem:s22], [sflag:$0x6], $0x80, $0x38;
	[tilespmem:$0x19E50] =	vst v63  }
0x1d0: {  	s19 =	sadd.s32 $0x10, s8;
	s22 =	simm.s32 $0x149D8  }
0x1d1: {  	[hbm4b:s19+s3] =	stream.linear.scatter [tilespmem:s22], [sflag:$0x6], $0x80, $0x38;
	[tilespmem:$0x19E50] =	vst v63  }
0x1d2: {  	s19 =	sadd.s32 $0x20, s8;
	s22 =	simm.s32 $0x14A60  }
0x1d3: {  	[hbm4b:s19+s3] =	stream.linear.scatter [tilespmem:s22], [sflag:$0x6], $0x80, $0x38;
	[tilespmem:$0x19E50] =	vst v63  }
0x1d4: {  	s19 =	sadd.s32 $0x30, s8;
	s22 =	simm.s32 $0x14AE8  }
0x1d5: {  	[hbm4b:s19+s3] =	stream.linear.scatter [tilespmem:s22], [sflag:$0x6], $0x80, $0x38;
	[tilespmem:$0x19E50] =	vst v63  }
0x1d6: {  	s19 =	sadd.s32 $0x40, s8;
	s22 =	simm.s32 $0x14B70  }
0x1d7: {  	[hbm4b:s19+s3] =	stream.linear.scatter [tilespmem:s22], [sflag:$0x6], $0x80, $0x38;
	[tilespmem:$0x19E50] =	vst v63  }
0x1d8: {  	s19 =	sadd.s32 $0x50, s8;
	s22 =	simm.s32 $0x14BF8  }
0x1d9: {  	[hbm4b:s19+s3] =	stream.linear.scatter [tilespmem:s22], [sflag:$0x6], $0x80, $0x38;
	[tilespmem:$0x19E50] =	vst v63  }
0x1da: {  	s19 =	sadd.s32 $0x60, s8;
	s22 =	simm.s32 $0x14C80  }
0x1db: {  	[hbm4b:s19+s3] =	stream.linear.scatter [tilespmem:s22], [sflag:$0x6], $0x80, $0x38;
	[tilespmem:$0x19E50] =	vst v63  }
0x1dc: {  	s8 =	sadd.s32 $0x70, s8;
	s19 =	simm.s32 $0x14D08  }
0x1dd: {  	[hbm4b:s8+s3] =	stream.linear.scatter [tilespmem:s19], [sflag:$0x6], $0x80, $0x38;
	[tilespmem:$0x19E50] =	vst v63  }
0x1de: {  	s22 =	simm.s32 $0x14D90;
	s8 =	sadd.s32 s7, s13  }
0x1df: {  	[hbm4b:s8+s3] =	stream.linear.scatter [tilespmem:s22], [sflag:$0x6], $0x80, $0x38;
	[tilespmem:$0x19E50] =	vst v63  }
0x1e0: {  	s19 =	sadd.s32 $0x10, s8;
	s22 =	simm.s32 $0x14E18  }
0x1e1: {  	[hbm4b:s19+s3] =	stream.linear.scatter [tilespmem:s22], [sflag:$0x6], $0x80, $0x38;
	[tilespmem:$0x19E50] =	vst v63  }
0x1e2: {  	s19 =	sadd.s32 $0x20, s8;
	s22 =	simm.s32 $0x14EA0  }
0x1e3: {  	[hbm4b:s19+s3] =	stream.linear.scatter [tilespmem:s22], [sflag:$0x6], $0x80, $0x38;
	[tilespmem:$0x19E50] =	vst v63  }
0x1e4: {  	s19 =	sadd.s32 $0x30, s8;
	s22 =	simm.s32 $0x14F28  }
0x1e5: {  	[hbm4b:s19+s3] =	stream.linear.scatter [tilespmem:s22], [sflag:$0x6], $0x80, $0x38;
	[tilespmem:$0x19E50] =	vst v63  }
0x1e6: {  	s19 =	sadd.s32 $0x40, s8;
	s22 =	simm.s32 $0x14FB0  }
0x1e7: {  	[hbm4b:s19+s3] =	stream.linear.scatter [tilespmem:s22], [sflag:$0x6], $0x80, $0x38;
	[tilespmem:$0x19E50] =	vst v63  }
0x1e8: {  	s19 =	sadd.s32 $0x50, s8;
	s22 =	simm.s32 $0x15038  }
0x1e9: {  	[hbm4b:s19+s3] =	stream.linear.scatter [tilespmem:s22], [sflag:$0x6], $0x80, $0x38;
	[tilespmem:$0x19E50] =	vst v63  }
0x1ea: {  	s19 =	sadd.s32 $0x60, s8;
	s22 =	simm.s32 $0x150C0  }
0x1eb: {  	[hbm4b:s19+s3] =	stream.linear.scatter [tilespmem:s22], [sflag:$0x6], $0x80, $0x38;
	[tilespmem:$0x19E50] =	vst v63  }
0x1ec: {  	s8 =	sadd.s32 $0x70, s8;
	s19 =	simm.s32 $0x15148  }
0x1ed: {  	[hbm4b:s8+s3] =	stream.linear.scatter [tilespmem:s19], [sflag:$0x6], $0x80, $0x38;
	[tilespmem:$0x19E50] =	vst v63  }
0x1ee: {  	s22 =	simm.s32 $0x151D0;
	s8 =	sadd.s32 s7, s14  }
0x1ef: {  	[hbm4b:s8+s3] =	stream.linear.scatter [tilespmem:s22], [sflag:$0x6], $0x80, $0x38;
	[tilespmem:$0x19E50] =	vst v63  }
0x1f0: {  	s19 =	sadd.s32 $0x10, s8;
	s22 =	simm.s32 $0x15258  }
0x1f1: {  	[hbm4b:s19+s3] =	stream.linear.scatter [tilespmem:s22], [sflag:$0x6], $0x80, $0x38;
	[tilespmem:$0x19E50] =	vst v63  }
0x1f2: {  	s19 =	sadd.s32 $0x20, s8;
	s22 =	simm.s32 $0x152E0  }
0x1f3: {  	[hbm4b:s19+s3] =	stream.linear.scatter [tilespmem:s22], [sflag:$0x6], $0x80, $0x38;
	[tilespmem:$0x19E50] =	vst v63  }
0x1f4: {  	s19 =	sadd.s32 $0x30, s8;
	s22 =	simm.s32 $0x15368  }
0x1f5: {  	[hbm4b:s19+s3] =	stream.linear.scatter [tilespmem:s22], [sflag:$0x6], $0x80, $0x38;
	[tilespmem:$0x19E50] =	vst v63  }
0x1f6: {  	s19 =	sadd.s32 $0x40, s8;
	s22 =	simm.s32 $0x153F0  }
0x1f7: {  	[hbm4b:s19+s3] =	stream.linear.scatter [tilespmem:s22], [sflag:$0x6], $0x80, $0x38;
	[tilespmem:$0x19E50] =	vst v63  }
0x1f8: {  	s19 =	sadd.s32 $0x50, s8;
	s22 =	simm.s32 $0x15478  }
0x1f9: {  	[hbm4b:s19+s3] =	stream.linear.scatter [tilespmem:s22], [sflag:$0x6], $0x80, $0x38;
	[tilespmem:$0x19E50] =	vst v63  }
0x1fa: {  	s19 =	sadd.s32 $0x60, s8;
	s22 =	simm.s32 $0x15500  }
0x1fb: {  	[hbm4b:s19+s3] =	stream.linear.scatter [tilespmem:s22], [sflag:$0x6], $0x80, $0x38;
	[tilespmem:$0x19E50] =	vst v63  }
0x1fc: {  	s8 =	sadd.s32 $0x70, s8;
	s22 =	simm.s32 $0x15588  }
0x1fd: {  	[hbm4b:s8+s3] =	stream.linear.scatter [tilespmem:s22], [sflag:$0x6], $0x80, $0x38;
	[tilespmem:$0x19E50] =	vst v63  }
0x1fe: {  	s16 =	simm.s32 $0x15610;
	s7 =	sadd.s32 s7, s15  }
0x1ff: {  	[hbm4b:s7+s3] =	stream.linear.scatter [tilespmem:s16], [sflag:$0x6], $0x80, $0x38;
	[tilespmem:$0x19E50] =	vst v63  }
0x200: {  	s19 =	sadd.s32 $0x10, s7;
	s22 =	simm.s32 $0x15698  }
0x201: {  	[hbm4b:s19+s3] =	stream.linear.scatter [tilespmem:s22], [sflag:$0x6], $0x80, $0x38;
	[tilespmem:$0x19E50] =	vst v63  }
0x202: {  	s19 =	sadd.s32 $0x20, s7;
	s22 =	simm.s32 $0x15720  }
0x203: {  	[hbm4b:s19+s3] =	stream.linear.scatter [tilespmem:s22], [sflag:$0x6], $0x80, $0x38;
	[tilespmem:$0x19E50] =	vst v63  }
0x204: {  	s19 =	sadd.s32 $0x30, s7;
	s22 =	simm.s32 $0x157A8  }
0x205: {  	[hbm4b:s19+s3] =	stream.linear.scatter [tilespmem:s22], [sflag:$0x6], $0x80, $0x38;
	[tilespmem:$0x19E50] =	vst v63  }
0x206: {  	s19 =	sadd.s32 $0x40, s7;
	s22 =	simm.s32 $0x15830  }
0x207: {  	[hbm4b:s19+s3] =	stream.linear.scatter [tilespmem:s22], [sflag:$0x6], $0x80, $0x38;
	[tilespmem:$0x19E50] =	vst v63  }
0x208: {  	s19 =	sadd.s32 $0x50, s7;
	s22 =	simm.s32 $0x158B8  }
0x209: {  	[hbm4b:s19+s3] =	stream.linear.scatter [tilespmem:s22], [sflag:$0x6], $0x80, $0x38;
	[tilespmem:$0x19E50] =	vst v63  }
0x20a: {  	s16 =	sadd.s32 $0x60, s7;
	s19 =	simm.s32 $0x15940  }
0x20b: {  	[hbm4b:s16+s3] =	stream.linear.scatter [tilespmem:s19], [sflag:$0x6], $0x80, $0x38;
	[tilespmem:$0x19E50] =	vst v63  }
0x20c: {  	s7 =	sadd.s32 $0x70, s7;
	s22 =	simm.s32 $0x159C8  }
0x20d: {  	[hbm4b:s7+s3] =	stream.linear.scatter [tilespmem:s22], [sflag:$0x6], $0x80, $0x38;
	[tilespmem:$0x19E50] =	vst v63  }
0x20e: {  	_ =	swait.ge [sflag:s25], $0x2000  }
0x20f: {  	[sflag:s25] =	ssyncset.done $0x0  }
0x210: {  	s7 =	simm.s32 @!p0 $0x7;
	[sflag:s25] =	ssyncadd.s32 $0xFFFFE000  }
0x211: {  	_ =	swait.ge @!p0 [sflag:s7], $0x400  }
0x212: {  	[sflag:s7] =	ssyncset.done @!p0 $0x0  }
0x213: {  	[sflag:s7] =	ssyncadd.s32 @!p0 $0xFFFFFC00  }
0x214: {  	_ =	swait.ge @!p0 [sflag:s7], $0x400  }
0x215: {  	[sflag:s7] =	ssyncset.done @!p0 $0x0  }
0x216: {  	[sflag:s7] =	ssyncadd.s32 @!p0 $0xFFFFFC00  }
0x217: {  	_ =	swait.ge @!p0 [sflag:s7], $0x400  }
0x218: {  	[sflag:s7] =	ssyncset.done @!p0 $0x0  }
0x219: {  	[sflag:s7] =	ssyncadd.s32 @!p0 $0xFFFFFC00  }
0x21a: {  	_ =	swait.ge @!p0 [sflag:s7], $0x400  }
0x21b: {  	[sflag:s7] =	ssyncset.done @!p0 $0x0  }
0x21c: {  	[sflag:s7] =	ssyncadd.s32 @!p0 $0xFFFFFC00  }
0x21d: {  	_ =	swait.ge @!p0 [sflag:s7], $0x400  }
0x21e: {  	[sflag:s7] =	ssyncset.done @!p0 $0x0  }
0x21f: {  	[sflag:s7] =	ssyncadd.s32 @!p0 $0xFFFFFC00  }
0x220: {  	_ =	swait.ge @!p0 [sflag:s7], $0x400  }
0x221: {  	[sflag:s7] =	ssyncset.done @!p0 $0x0  }
0x222: {  	[sflag:s7] =	ssyncadd.s32 @!p0 $0xFFFFFC00  }
0x223: {  	_ =	swait.ge @!p0 [sflag:s7], $0x400  }
0x224: {  	[sflag:s7] =	ssyncset.done @!p0 $0x0  }
0x225: {  	[sflag:s7] =	ssyncadd.s32 @!p0 $0xFFFFFC00  }
0x226: {  	_ =	swait.ge @!p0 [sflag:s7], $0x400  }
0x227: {  	[sflag:s7] =	ssyncset.done @!p0 $0x0  }
0x228: {  	[sflag:s7] =	ssyncadd.s32 @!p0 $0xFFFFFC00  }
0x229: {  	s7 =	sor.u32 $0x2, s6;
	v3 =	vld [tilespmem:$0x9600]  }
0x22a: {  	s16 =	sshll.u32 s7, $0x6;
	v13 =	vld [tilespmem:$0x9640]  }
0x22b: {  	s8 =	sand.u32 $0x3FFFFFC0, s16  }
0x22c: {  	v10 =	vld [tilespmem:s8+$0x6400]  }
0x22d: {  	v2 =	vld [tilespmem:s8+$0x6410]  }
0x22e: {  	s19 =	simm.s32 $0x0;
	s22 =	simm.s32 $0x3;
	v1 =	vld [tilespmem:s8+$0x6420]  }
0x22f: {  	v0 =	vld [tilespmem:s8+$0x6430];
	s8 =	simm.s32 $0xD6D0;
	v12 =	vmul.u32 $0x88, v3;
	v3 =	vadd.s32 s19, v13;
	v4 =	vadd.s32 s22, v13  }
0x230: {  	v7 =	vld [tilespmem:s8+$0x40];
	s22 =	simm.s32 $0x1;
	v16 =	vand.u32 $0x7, v3;
	v14 =	vand.u32 $0xFFFFFFF8, v3;
	v6 =	vand.u32 $0xFFFFFFF8, v4  }
0x231: {  	v8 =	vld [tilespmem:s8+$0xFFFFFF80];
	s19 =	simm.s32 $0x2;
	v3 =	vadd.s32 s22, v13;
	v9 =	vand.u32 $0x7, v4;
	v4 =	vadd.s32 v12, v6  }
0x232: {  	v11 =	vld [tilespmem:$0x9610];
	v15 =	vadd.s32 s19, v13;
	v5 =	vadd.s32 v12, v14;
	v4 =	vor.u32 v9, v4  }
0x233: {  	v19 =	vld [tilespmem:s8+$0xFFFFFFC0];
	v18 =	vand.u32 $0xFFFFFFF8, v3;
	v31 =	vand.u32 $0xFFFFFFF8, v15;
	v17 =	vor.u32 v16, v5  }
0x234: {  	v20 =	vld [tilespmem:s8+$0x0];
	v3 =	vand.u32 $0x7, v3;
	v5 =	vadd.s32 v12, v18;
	v21 =	vadd.s32 v12, v31  }
0x235: {  	v7 =	vadd.f32 v7, v10;
	v23 =	vor.u32 v3, v5;
	v5 =	vand.u32 $0x7, v15  }
0x236: {  	v22 =	vld [tilespmem:$0x9620];
	v8 =	vadd.f32 v8, v10;
	v21 =	vor.u32 v5, v21  }
0x237: {  	v24 =	vld [tilespmem:$0x9630];
	v15 =	vmul.u32 $0x88, v11;
	[tilespmem:v4+s29+$0x0] =	vst.idx.msk $0xffff, v7  }
0x238: {  	[tilespmem:v17+s29+$0x0] =	vst.idx.msk $0xffff, v8;
	v4 =	vadd.f32 v19, v10;
	v7 =	vld [tilespmem:s8+$0x50]  }
0x239: {  	v11 =	vadd.s32 v15, v6;
	v8 =	vadd.f32 v20, v10;
	v17 =	vld [tilespmem:s8+$0xFFFFFF90]  }
0x23a: {  	v19 =	vadd.s32 v15, v14;
	v20 =	vor.u32 v9, v11;
	[tilespmem:v23+s29+$0x0] =	vst.idx.msk $0xffff, v4  }
0x23b: {  	v11 =	vmul.u32 $0x88, v22;
	v19 =	vor.u32 v16, v19;
	[tilespmem:v21+s29+$0x0] =	vst.idx.msk $0xffff, v8;
	v22 =	vld [tilespmem:s8+$0xFFFFFFD0]  }
0x23c: {  	s22 =	simm.s32 $0x4;
	v4 =	vmul.u32 $0x88, v24;
	v8 =	vadd.s32 v15, v18;
	v21 =	vadd.s32 v15, v31;
	v23 =	vld [tilespmem:s8+$0x10]  }
0x23d: {  	v24 =	vadd.s32 s22, v13;
	v25 =	vor.u32 v3, v8;
	v26 =	vadd.f32 v7, v2  }
0x23e: {  	s19 =	simm.s32 $0x5;
	v30 =	vadd.s32 v11, v14;
	v29 =	vor.u32 v5, v21;
	v27 =	vadd.f32 v17, v2  }
0x23f: {  	v8 =	vand.u32 $0x7, v24;
	v21 =	vadd.s32 s19, v13;
	v14 =	vadd.s32 v4, v14;
	[tilespmem:v20+s29+$0x0] =	vst.idx.msk $0xffff, v26  }
0x240: {  	v14 =	vor.u32 v16, v14;
	v7 =	vand.u32 $0xFFFFFFF8, v24;
	[tilespmem:v19+s29+$0x0] =	vst.idx.msk $0xffff, v27;
	v19 =	vadd.f32 v22, v2;
	v24 =	vld [tilespmem:s8+$0x60]  }
0x241: {  	s22 =	simm.s32 $0x6;
	v17 =	vadd.s32 v15, v7;
	v26 =	vadd.f32 v23, v2;
	v20 =	vadd.s32 v11, v6;
	v23 =	vld [tilespmem:s8+$0xFFFFFFA0]  }
0x242: {  	v28 =	vadd.s32 v12, v7;
	v22 =	vadd.s32 s22, v13;
	[tilespmem:v25+s29+$0x0] =	vst.idx.msk $0xffff, v19;
	v25 =	vor.u32 v9, v20  }
0x243: {  	v19 =	vand.u32 $0xFFFFFFF8, v21;
	v20 =	vor.u32 v16, v30;
	v16 =	vadd.s32 v4, v18;
	[tilespmem:v29+s29+$0x0] =	vst.idx.msk $0xffff, v26;
	v27 =	vld [tilespmem:s8+$0xFFFFFFE0]  }
0x244: {  	s16 =	simm.s32 $0xD6D0;
	s19 =	simm.s32 $0x7;
	s22 =	simm.s32 $0x8;
	v30 =	vadd.s32 v11, v18;
	v29 =	vadd.s32 v11, v31;
	v18 =	vadd.s32 v4, v31;
	v26 =	vld [tilespmem:s8+$0x20]  }
.LBB2_7:
0x245: {  	p2 =	slt.u32 s22, $0x7C;
	v31 =	vadd.s32 s19, v13;
	v30 =	vor.u32 v3, v30;
	v24 =	vadd.f32 v24, v1;
	s8 =	sadd.s32 $0x100, s8;
	v32 =	vmovc v19  }
0x246: {  	v29 =	vor.u32 v5, v29;
	v19 =	vld [tilespmem:s8+$0x40];
	v33 =	vand.u32 $0xFFFFFFF8, v31;
	v23 =	vadd.f32 v23, v1  }
0x247: {  	v28 =	vor.u32 v8, v28;
	v31 =	vand.u32 $0x7, v31;
	v34 =	vld [tilespmem:s8+$0xFFFFFF80];
	v35 =	vadd.s32 v12, v33;
	[tilespmem:v25+s29+$0x0] =	vst.idx.msk $0xffff, v24  }
0x248: {  	v36 =	vand.u32 $0xFFFFFFF8, v22;
	v24 =	vor.u32 v31, v35;
	[tilespmem:v20+s29+$0x0] =	vst.idx.msk $0xffff, v23;
	v20 =	vadd.f32 v27, v1;
	v23 =	vld [tilespmem:s16+$0x70]  }
0x249: {  	v27 =	vadd.s32 v12, v32;
	v35 =	vadd.s32 v4, v6;
	v6 =	vmovc v33;
	v25 =	vld [tilespmem:s8+$0xFFFFFFC0];
	v26 =	vadd.f32 v26, v1  }
0x24a: {  	v21 =	vand.u32 $0x7, v21;
	v37 =	vadd.s32 v12, v36;
	v33 =	vld [tilespmem:s8+$0x0];
	[tilespmem:v30+s29+$0x0] =	vst.idx.msk $0xffff, v20;
	v20 =	vor.u32 v9, v35  }
0x24b: {  	v22 =	vand.u32 $0x7, v22;
	v27 =	vor.u32 v21, v27;
	v19 =	vadd.f32 v19, v10;
	v30 =	vld [tilespmem:s16+$0xFFFFFFF0];
	[tilespmem:v29+s29+$0x0] =	vst.idx.msk $0xffff, v26  }
0x24c: {  	v9 =	vmovc v31;
	v29 =	vor.u32 v8, v17;
	v17 =	vor.u32 v22, v37;
	v26 =	vadd.f32 v34, v10;
	v34 =	vld [tilespmem:s16+$0x30]  }
0x24d: {  	v16 =	vor.u32 v3, v16;
	v3 =	vmov v21;
	[tilespmem:v24+s29+$0x0] =	vst.idx.msk $0xffff, v19;
	v19 =	vld [tilespmem:s16+$0xFFFFFFB0];
	v23 =	vadd.f32 v23, v0;
	s16 =	smov.u32 s8  }
0x24e: {  	v18 =	vor.u32 v5, v18;
	v5 =	vmov v22;
	[tilespmem:v28+s29+$0x0] =	vst.idx.msk $0xffff, v26;
	v21 =	vadd.f32 v25, v10;
	v24 =	vld [tilespmem:s8+$0x50]  }
0x24f: {  	v26 =	vadd.s32 v15, v6;
	v22 =	vld [tilespmem:s8+$0xFFFFFF90];
	v25 =	vadd.f32 v33, v10;
	[tilespmem:v20+s29+$0x0] =	vst.idx.msk $0xffff, v23  }
0x250: {  	v20 =	vor.u32 v9, v26;
	[tilespmem:v27+s29+$0x0] =	vst.idx.msk $0xffff, v21;
	v21 =	vadd.f32 v30, v0  }
0x251: {  	v26 =	vadd.s32 v15, v32;
	v23 =	vld [tilespmem:s8+$0xFFFFFFD0];
	[tilespmem:v17+s29+$0x0] =	vst.idx.msk $0xffff, v25;
	v17 =	vadd.f32 v34, v0  }
0x252: {  	v27 =	vadd.s32 v15, v36;
	v25 =	vld [tilespmem:s8+$0x10];
	v19 =	vadd.f32 v19, v0;
	[tilespmem:v16+s29+$0x0] =	vst.idx.msk $0xffff, v21  }
0x253: {  	v26 =	vor.u32 v3, v26;
	v16 =	vadd.s32 s22, v13;
	v21 =	vadd.f32 v24, v2;
	[tilespmem:v18+s29+$0x0] =	vst.idx.msk $0xffff, v17  }
0x254: {  	v30 =	vor.u32 v5, v27;
	v31 =	vand.u32 $0x7, v16;
	v18 =	vadd.f32 v22, v2;
	[tilespmem:v14+s29+$0x0] =	vst.idx.msk $0xffff, v19  }
0x255: {  	s19 =	sadd.s32 $0x1, s22;
	v27 =	vadd.s32 v11, v7;
	v14 =	vadd.s32 v4, v7;
	v7 =	vand.u32 $0xFFFFFFF8, v16;
	[tilespmem:v20+s29+$0x0] =	vst.idx.msk $0xffff, v21  }
.Ltmp2:
0x256: {  	v17 =	vadd.s32 v15, v7;
	v21 =	vadd.s32 s19, v13;
	[tilespmem:v29+s29+$0x0] =	vst.idx.msk $0xffff, v18;
	v16 =	vadd.f32 v23, v2;
	v24 =	vld [tilespmem:s8+$0x60];
	(pc) =	sbr.rel @p2 .LBB2_7-.Ltmp2, $4  }
0x257: {  	v19 =	vadd.s32 v11, v6;
	v28 =	vadd.s32 v12, v7;
	s19 =	sadd.s32 $0x2, s22;
	v23 =	vld [tilespmem:s8+$0xFFFFFFA0];
	v18 =	vadd.f32 v25, v2  }
0x258: {  	v14 =	vor.u32 v8, v14;
	v22 =	vadd.s32 s19, v13;
	v25 =	vor.u32 v9, v19;
	[tilespmem:v26+s29+$0x0] =	vst.idx.msk $0xffff, v16  }
0x259: {  	v20 =	vor.u32 v8, v27;
	v19 =	vand.u32 $0xFFFFFFF8, v21;
	v16 =	vadd.s32 v4, v32;
	v27 =	vld [tilespmem:s8+$0xFFFFFFE0];
	[tilespmem:v30+s29+$0x0] =	vst.idx.msk $0xffff, v18  }
0x25a: {  	v8 =	vmovc v31;
	s19 =	sadd.s32 $0x3, s22;
	s22 =	sadd.s32 $0x4, s22;
	v29 =	vadd.s32 v11, v36;
	v30 =	vadd.s32 v11, v32;
	v18 =	vadd.s32 v4, v36;
	v26 =	vld [tilespmem:s8+$0x20]  }
0x25b: {  	v13 =	vadd.s32 s19, v13;
	s8 =	sadd.s32 $0x100, s8  }
0x25c: {  	v31 =	vld [tilespmem:s8+$0x40];
	v32 =	vand.u32 $0xFFFFFFF8, v13  }
0x25d: {  	v34 =	vand.u32 $0xFFFFFFF8, v22;
	v13 =	vand.u32 $0x7, v13;
	v35 =	vld [tilespmem:s8+$0xFFFFFFC0];
	v33 =	vadd.s32 v12, v32  }
0x25e: {  	v36 =	vadd.s32 v12, v19;
	v21 =	vand.u32 $0x7, v21;
	v37 =	vld [tilespmem:s8+$0x0];
	v33 =	vor.u32 v13, v33  }
0x25f: {  	v22 =	vand.u32 $0x7, v22;
	v38 =	vld [tilespmem:s8+$0xFFFFFF80];
	v36 =	vor.u32 v21, v36;
	v12 =	vadd.s32 v12, v34  }
0x260: {  	v12 =	vor.u32 v22, v12  }
0x261: {  	v28 =	vor.u32 v8, v28;
	v31 =	vadd.f32 v31, v10  }
0x262: {  	v35 =	vadd.f32 v35, v10  }
0x263: {  	[tilespmem:v33+s29+$0x0] =	vst.idx.msk $0xffff, v31;
	v31 =	vadd.f32 v37, v10  }
0x264: {  	v10 =	vadd.f32 v38, v10;
	[tilespmem:v36+s29+$0x0] =	vst.idx.msk $0xffff, v35;
	v33 =	vld [tilespmem:s8+$0x50]  }
0x265: {  	v30 =	vor.u32 v3, v30;
	v62 =	vadd.s32 v15, v32;
	[tilespmem:v12+s29+$0x0] =	vst.idx.msk $0xffff, v31;
	v12 =	vld [tilespmem:s8+$0xFFFFFFD0]  }
0x266: {  	[tilespmem:v28+s29+$0x0] =	vst.idx.msk $0xffff, v10;
	v10 =	vor.u32 v13, v62;
	v28 =	vadd.s32 v15, v19;
	v31 =	vld [tilespmem:s8+$0x10]  }
0x267: {  	v24 =	vadd.f32 v24, v1;
	v15 =	vadd.s32 v15, v34;
	v63 =	vld [tilespmem:s8+$0xFFFFFF90];
	v28 =	vor.u32 v21, v28  }
0x268: {  	v17 =	vor.u32 v8, v17;
	v27 =	vadd.f32 v27, v1;
	v15 =	vor.u32 v22, v15  }
0x269: {  	v6 =	vadd.s32 v4, v6;
	[tilespmem:v25+s29+$0x0] =	vst.idx.msk $0xffff, v24;
	v24 =	vadd.f32 v33, v2  }
0x26a: {  	v25 =	vor.u32 v5, v29;
	v29 =	vld [tilespmem:s16+$0x70];
	[tilespmem:v30+s29+$0x0] =	vst.idx.msk $0xffff, v27;
	v12 =	vadd.f32 v12, v2  }
0x26b: {  	v23 =	vadd.f32 v23, v1;
	v27 =	vld [tilespmem:s16+$0xFFFFFFF0];
	[tilespmem:v10+s29+$0x0] =	vst.idx.msk $0xffff, v24;
	v10 =	vadd.f32 v31, v2  }
0x26c: {  	v6 =	vor.u32 v9, v6;
	v2 =	vadd.f32 v63, v2;
	v24 =	vld [tilespmem:s8+$0x60];
	[tilespmem:v28+s29+$0x0] =	vst.idx.msk $0xffff, v12  }
0x26d: {  	v9 =	vadd.s32 v11, v32;
	v26 =	vadd.f32 v26, v1;
	v12 =	vld [tilespmem:s8+$0xFFFFFFE0];
	[tilespmem:v15+s29+$0x0] =	vst.idx.msk $0xffff, v10  }
0x26e: {  	[tilespmem:v17+s29+$0x0] =	vst.idx.msk $0xffff, v2;
	v2 =	vor.u32 v13, v9;
	v9 =	vadd.s32 v11, v19;
	v10 =	vld [tilespmem:s8+$0x20]  }
0x26f: {  	[tilespmem:v25+s29+$0x0] =	vst.idx.msk $0xffff, v26;
	v17 =	vadd.s32 v11, v34;
	v15 =	vld [tilespmem:s8+$0xFFFFFFA0];
	v9 =	vor.u32 v21, v9  }
0x270: {  	v25 =	vld [tilespmem:s16+$0x30];
	v26 =	vadd.f32 v29, v0;
	v11 =	vadd.s32 v11, v7;
	v17 =	vor.u32 v22, v17  }
0x271: {  	[tilespmem:v20+s29+$0x0] =	vst.idx.msk $0xffff, v23;
	v11 =	vor.u32 v8, v11;
	v20 =	vadd.f32 v24, v1  }
0x272: {  	v3 =	vor.u32 v3, v16;
	v23 =	vld [tilespmem:s16+$0xFFFFFFB0];
	[tilespmem:v6+s29+$0x0] =	vst.idx.msk $0xffff, v26;
	v6 =	vadd.f32 v12, v1  }
0x273: {  	v5 =	vor.u32 v5, v18;
	[tilespmem:v2+s29+$0x0] =	vst.idx.msk $0xffff, v20;
	v2 =	vadd.f32 v10, v1  }
0x274: {  	v10 =	vadd.f32 v27, v0;
	v1 =	vadd.f32 v15, v1;
	v12 =	vld [tilespmem:s8+$0x70];
	[tilespmem:v9+s29+$0x0] =	vst.idx.msk $0xffff, v6  }
0x275: {  	v6 =	vadd.f32 v25, v0;
	v9 =	vadd.s32 v4, v32;
	v15 =	vld [tilespmem:s8+$0xFFFFFFF0];
	[tilespmem:v17+s29+$0x0] =	vst.idx.msk $0xffff, v2  }
0x276: {  	v2 =	vadd.s32 v4, v19;
	[tilespmem:v11+s29+$0x0] =	vst.idx.msk $0xffff, v1;
	v1 =	vor.u32 v13, v9;
	v9 =	vld [tilespmem:s8+$0x30]  }
0x277: {  	v11 =	vadd.f32 v23, v0;
	v13 =	vadd.s32 v4, v34;
	v16 =	vld [tilespmem:s8+$0xFFFFFFB0];
	v2 =	vor.u32 v21, v2  }
0x278: {  	[tilespmem:v3+s29+$0x0] =	vst.idx.msk $0xffff, v10;
	v3 =	vadd.s32 v4, v7;
	v4 =	vor.u32 v22, v13  }
0x279: {  	[tilespmem:v5+s29+$0x0] =	vst.idx.msk $0xffff, v6;
	v3 =	vor.u32 v8, v3;
	v5 =	vadd.f32 v12, v0  }
0x27a: {  	[tilespmem:v14+s29+$0x0] =	vst.idx.msk $0xffff, v11;
	v6 =	vadd.f32 v15, v0  }
0x27b: {  	[tilespmem:v1+s29+$0x0] =	vst.idx.msk $0xffff, v5;
	v1 =	vadd.f32 v9, v0  }
0x27c: {  	s7 =	sshll.u32 s7, $0x12;
	s8 =	sadd.s32 @!p1 $0xC00, s24;
	v0 =	vadd.f32 v16, v0;
	[tilespmem:v2+s29+$0x0] =	vst.idx.msk $0xffff, v6  }
0x27d: {  	s19 =	simm.s32 @!p1 $0xD650;
	s7 =	sor.u32 s5, s7;
	s8 =	sand.u32 @!p1 $0x3FC00, s8;
	[tilespmem:v4+s29+$0x0] =	vst.idx.msk $0xffff, v1  }
0x27e: {  	s7 =	sshrl.u32 s7, $0x3;
	s16 =	simm.s32 @!p1 $0x80;
	s8 =	sshrl.u32 @!p1 s8, $0x2;
	[tilespmem:v3+s29+$0x0] =	vst.idx.msk $0xffff, v0  }
0x27f: {  	[tilespmem:s19], [sflag:$0x3] =	stream.indirect.gather @!p1 [hbm4b:s4+s16], $0x40, s8, s16, $0xb8;
	[tilespmem:$0x19E50] =	vst v63  }
0x280: {  	s8 =	sadd.s32 s1, s7  }
0x281: {  	[hbm4b:s8+s3] =	stream.linear.scatter [tilespmem:s29], [sflag:$0x7], $0x80, $0x38;
	[tilespmem:$0x19E50] =	vst v63  }
0x282: {  	s22 =	simm.s32 $0x15AD8;
	s19 =	sadd.s32 $0x10, s8  }
0x283: {  	[hbm4b:s19+s3] =	stream.linear.scatter [tilespmem:s22], [sflag:$0x7], $0x80, $0x38;
	[tilespmem:$0x19E50] =	vst v63  }
0x284: {  	s19 =	sadd.s32 $0x20, s8;
	s22 =	simm.s32 $0x15B60  }
0x285: {  	[hbm4b:s19+s3] =	stream.linear.scatter [tilespmem:s22], [sflag:$0x7], $0x80, $0x38;
	[tilespmem:$0x19E50] =	vst v63  }
0x286: {  	s19 =	sadd.s32 $0x30, s8;
	s22 =	simm.s32 $0x15BE8  }
0x287: {  	[hbm4b:s19+s3] =	stream.linear.scatter [tilespmem:s22], [sflag:$0x7], $0x80, $0x38;
	[tilespmem:$0x19E50] =	vst v63  }
0x288: {  	s19 =	sadd.s32 $0x40, s8;
	s22 =	simm.s32 $0x15C70  }
0x289: {  	[hbm4b:s19+s3] =	stream.linear.scatter [tilespmem:s22], [sflag:$0x7], $0x80, $0x38;
	[tilespmem:$0x19E50] =	vst v63  }
0x28a: {  	s19 =	sadd.s32 $0x50, s8;
	s22 =	simm.s32 $0x15CF8  }
0x28b: {  	[hbm4b:s19+s3] =	stream.linear.scatter [tilespmem:s22], [sflag:$0x7], $0x80, $0x38;
	[tilespmem:$0x19E50] =	vst v63  }
0x28c: {  	s19 =	sadd.s32 $0x60, s8;
	s22 =	simm.s32 $0x15D80  }
0x28d: {  	[hbm4b:s19+s3] =	stream.linear.scatter [tilespmem:s22], [sflag:$0x7], $0x80, $0x38;
	[tilespmem:$0x19E50] =	vst v63  }
0x28e: {  	s8 =	sadd.s32 $0x70, s8;
	s19 =	simm.s32 $0x15E08  }
0x28f: {  	[hbm4b:s8+s3] =	stream.linear.scatter [tilespmem:s19], [sflag:$0x7], $0x80, $0x38;
	[tilespmem:$0x19E50] =	vst v63  }
0x290: {  	s22 =	simm.s32 $0x15E90;
	s8 =	sadd.s32 s7, s9  }
0x291: {  	[hbm4b:s8+s3] =	stream.linear.scatter [tilespmem:s22], [sflag:$0x7], $0x80, $0x38;
	[tilespmem:$0x19E50] =	vst v63  }
0x292: {  	s19 =	sadd.s32 $0x10, s8;
	s22 =	simm.s32 $0x15F18  }
0x293: {  	[hbm4b:s19+s3] =	stream.linear.scatter [tilespmem:s22], [sflag:$0x7], $0x80, $0x38;
	[tilespmem:$0x19E50] =	vst v63  }
0x294: {  	s19 =	sadd.s32 $0x20, s8;
	s22 =	simm.s32 $0x15FA0  }
0x295: {  	[hbm4b:s19+s3] =	stream.linear.scatter [tilespmem:s22], [sflag:$0x7], $0x80, $0x38;
	[tilespmem:$0x19E50] =	vst v63  }
0x296: {  	s19 =	sadd.s32 $0x30, s8;
	s22 =	simm.s32 $0x16028  }
0x297: {  	[hbm4b:s19+s3] =	stream.linear.scatter [tilespmem:s22], [sflag:$0x7], $0x80, $0x38;
	[tilespmem:$0x19E50] =	vst v63  }
0x298: {  	s19 =	sadd.s32 $0x40, s8;
	s22 =	simm.s32 $0x160B0  }
0x299: {  	[hbm4b:s19+s3] =	stream.linear.scatter [tilespmem:s22], [sflag:$0x7], $0x80, $0x38;
	[tilespmem:$0x19E50] =	vst v63  }
0x29a: {  	s19 =	sadd.s32 $0x50, s8;
	s22 =	simm.s32 $0x16138  }
0x29b: {  	[hbm4b:s19+s3] =	stream.linear.scatter [tilespmem:s22], [sflag:$0x7], $0x80, $0x38;
	[tilespmem:$0x19E50] =	vst v63  }
0x29c: {  	s19 =	sadd.s32 $0x60, s8;
	s22 =	simm.s32 $0x161C0  }
0x29d: {  	[hbm4b:s19+s3] =	stream.linear.scatter [tilespmem:s22], [sflag:$0x7], $0x80, $0x38;
	[tilespmem:$0x19E50] =	vst v63  }
0x29e: {  	s8 =	sadd.s32 $0x70, s8;
	s19 =	simm.s32 $0x16248  }
0x29f: {  	[hbm4b:s8+s3] =	stream.linear.scatter [tilespmem:s19], [sflag:$0x7], $0x80, $0x38;
	[tilespmem:$0x19E50] =	vst v63  }
0x2a0: {  	s22 =	simm.s32 $0x162D0;
	s8 =	sadd.s32 s7, s10  }
0x2a1: {  	[hbm4b:s8+s3] =	stream.linear.scatter [tilespmem:s22], [sflag:$0x7], $0x80, $0x38;
	[tilespmem:$0x19E50] =	vst v63  }
0x2a2: {  	s19 =	sadd.s32 $0x10, s8;
	s22 =	simm.s32 $0x16358  }
0x2a3: {  	[hbm4b:s19+s3] =	stream.linear.scatter [tilespmem:s22], [sflag:$0x7], $0x80, $0x38;
	[tilespmem:$0x19E50] =	vst v63  }
0x2a4: {  	s19 =	sadd.s32 $0x20, s8;
	s22 =	simm.s32 $0x163E0  }
0x2a5: {  	[hbm4b:s19+s3] =	stream.linear.scatter [tilespmem:s22], [sflag:$0x7], $0x80, $0x38;
	[tilespmem:$0x19E50] =	vst v63  }
0x2a6: {  	s19 =	sadd.s32 $0x30, s8;
	s22 =	simm.s32 $0x16468  }
0x2a7: {  	[hbm4b:s19+s3] =	stream.linear.scatter [tilespmem:s22], [sflag:$0x7], $0x80, $0x38;
	[tilespmem:$0x19E50] =	vst v63  }
0x2a8: {  	s19 =	sadd.s32 $0x40, s8;
	s22 =	simm.s32 $0x164F0  }
0x2a9: {  	[hbm4b:s19+s3] =	stream.linear.scatter [tilespmem:s22], [sflag:$0x7], $0x80, $0x38;
	[tilespmem:$0x19E50] =	vst v63  }
0x2aa: {  	s19 =	sadd.s32 $0x50, s8;
	s22 =	simm.s32 $0x16578  }
0x2ab: {  	[hbm4b:s19+s3] =	stream.linear.scatter [tilespmem:s22], [sflag:$0x7], $0x80, $0x38;
	[tilespmem:$0x19E50] =	vst v63  }
0x2ac: {  	s19 =	sadd.s32 $0x60, s8;
	s22 =	simm.s32 $0x16600  }
0x2ad: {  	[hbm4b:s19+s3] =	stream.linear.scatter [tilespmem:s22], [sflag:$0x7], $0x80, $0x38;
	[tilespmem:$0x19E50] =	vst v63  }
0x2ae: {  	s8 =	sadd.s32 $0x70, s8;
	s19 =	simm.s32 $0x16688  }
0x2af: {  	[hbm4b:s8+s3] =	stream.linear.scatter [tilespmem:s19], [sflag:$0x7], $0x80, $0x38;
	[tilespmem:$0x19E50] =	vst v63  }
0x2b0: {  	s22 =	simm.s32 $0x16710;
	s8 =	sadd.s32 s7, s11  }
0x2b1: {  	[hbm4b:s8+s3] =	stream.linear.scatter [tilespmem:s22], [sflag:$0x7], $0x80, $0x38;
	[tilespmem:$0x19E50] =	vst v63  }
0x2b2: {  	s19 =	sadd.s32 $0x10, s8;
	s22 =	simm.s32 $0x16798  }
0x2b3: {  	[hbm4b:s19+s3] =	stream.linear.scatter [tilespmem:s22], [sflag:$0x7], $0x80, $0x38;
	[tilespmem:$0x19E50] =	vst v63  }
0x2b4: {  	s19 =	sadd.s32 $0x20, s8;
	s22 =	simm.s32 $0x16820  }
0x2b5: {  	[hbm4b:s19+s3] =	stream.linear.scatter [tilespmem:s22], [sflag:$0x7], $0x80, $0x38;
	[tilespmem:$0x19E50] =	vst v63  }
0x2b6: {  	s19 =	sadd.s32 $0x30, s8;
	s22 =	simm.s32 $0x168A8  }
0x2b7: {  	[hbm4b:s19+s3] =	stream.linear.scatter [tilespmem:s22], [sflag:$0x7], $0x80, $0x38;
	[tilespmem:$0x19E50] =	vst v63  }
0x2b8: {  	s19 =	sadd.s32 $0x40, s8;
	s22 =	simm.s32 $0x16930  }
0x2b9: {  	[hbm4b:s19+s3] =	stream.linear.scatter [tilespmem:s22], [sflag:$0x7], $0x80, $0x38;
	[tilespmem:$0x19E50] =	vst v63  }
0x2ba: {  	s19 =	sadd.s32 $0x50, s8;
	s22 =	simm.s32 $0x169B8  }
0x2bb: {  	[hbm4b:s19+s3] =	stream.linear.scatter [tilespmem:s22], [sflag:$0x7], $0x80, $0x38;
	[tilespmem:$0x19E50] =	vst v63  }
0x2bc: {  	s19 =	sadd.s32 $0x60, s8;
	s22 =	simm.s32 $0x16A40  }
0x2bd: {  	[hbm4b:s19+s3] =	stream.linear.scatter [tilespmem:s22], [sflag:$0x7], $0x80, $0x38;
	[tilespmem:$0x19E50] =	vst v63  }
0x2be: {  	s8 =	sadd.s32 $0x70, s8;
	s19 =	simm.s32 $0x16AC8  }
0x2bf: {  	[hbm4b:s8+s3] =	stream.linear.scatter [tilespmem:s19], [sflag:$0x7], $0x80, $0x38;
	[tilespmem:$0x19E50] =	vst v63  }
0x2c0: {  	s22 =	simm.s32 $0x16B50;
	s8 =	sadd.s32 s7, s12  }
0x2c1: {  	[hbm4b:s8+s3] =	stream.linear.scatter [tilespmem:s22], [sflag:$0x7], $0x80, $0x38;
	[tilespmem:$0x19E50] =	vst v63  }
0x2c2: {  	s19 =	sadd.s32 $0x10, s8;
	s22 =	simm.s32 $0x16BD8  }
0x2c3: {  	[hbm4b:s19+s3] =	stream.linear.scatter [tilespmem:s22], [sflag:$0x7], $0x80, $0x38;
	[tilespmem:$0x19E50] =	vst v63  }
0x2c4: {  	s19 =	sadd.s32 $0x20, s8;
	s22 =	simm.s32 $0x16C60  }
0x2c5: {  	[hbm4b:s19+s3] =	stream.linear.scatter [tilespmem:s22], [sflag:$0x7], $0x80, $0x38;
	[tilespmem:$0x19E50] =	vst v63  }
0x2c6: {  	s19 =	sadd.s32 $0x30, s8;
	s22 =	simm.s32 $0x16CE8  }
0x2c7: {  	[hbm4b:s19+s3] =	stream.linear.scatter [tilespmem:s22], [sflag:$0x7], $0x80, $0x38;
	[tilespmem:$0x19E50] =	vst v63  }
0x2c8: {  	s19 =	sadd.s32 $0x40, s8;
	s22 =	simm.s32 $0x16D70  }
0x2c9: {  	[hbm4b:s19+s3] =	stream.linear.scatter [tilespmem:s22], [sflag:$0x7], $0x80, $0x38;
	[tilespmem:$0x19E50] =	vst v63  }
0x2ca: {  	s19 =	sadd.s32 $0x50, s8;
	s22 =	simm.s32 $0x16DF8  }
0x2cb: {  	[hbm4b:s19+s3] =	stream.linear.scatter [tilespmem:s22], [sflag:$0x7], $0x80, $0x38;
	[tilespmem:$0x19E50] =	vst v63  }
0x2cc: {  	s19 =	sadd.s32 $0x60, s8;
	s22 =	simm.s32 $0x16E80  }
0x2cd: {  	[hbm4b:s19+s3] =	stream.linear.scatter [tilespmem:s22], [sflag:$0x7], $0x80, $0x38;
	[tilespmem:$0x19E50] =	vst v63  }
0x2ce: {  	s8 =	sadd.s32 $0x70, s8;
	s19 =	simm.s32 $0x16F08  }
0x2cf: {  	[hbm4b:s8+s3] =	stream.linear.scatter [tilespmem:s19], [sflag:$0x7], $0x80, $0x38;
	[tilespmem:$0x19E50] =	vst v63  }
0x2d0: {  	s22 =	simm.s32 $0x16F90;
	s8 =	sadd.s32 s7, s13  }
0x2d1: {  	[hbm4b:s8+s3] =	stream.linear.scatter [tilespmem:s22], [sflag:$0x7], $0x80, $0x38;
	[tilespmem:$0x19E50] =	vst v63  }
0x2d2: {  	s19 =	sadd.s32 $0x10, s8;
	s22 =	simm.s32 $0x17018  }
0x2d3: {  	[hbm4b:s19+s3] =	stream.linear.scatter [tilespmem:s22], [sflag:$0x7], $0x80, $0x38;
	[tilespmem:$0x19E50] =	vst v63  }
0x2d4: {  	s19 =	sadd.s32 $0x20, s8;
	s22 =	simm.s32 $0x170A0  }
0x2d5: {  	[hbm4b:s19+s3] =	stream.linear.scatter [tilespmem:s22], [sflag:$0x7], $0x80, $0x38;
	[tilespmem:$0x19E50] =	vst v63  }
0x2d6: {  	s19 =	sadd.s32 $0x30, s8;
	s22 =	simm.s32 $0x17128  }
0x2d7: {  	[hbm4b:s19+s3] =	stream.linear.scatter [tilespmem:s22], [sflag:$0x7], $0x80, $0x38;
	[tilespmem:$0x19E50] =	vst v63  }
0x2d8: {  	s19 =	sadd.s32 $0x40, s8;
	s22 =	simm.s32 $0x171B0  }
0x2d9: {  	[hbm4b:s19+s3] =	stream.linear.scatter [tilespmem:s22], [sflag:$0x7], $0x80, $0x38;
	[tilespmem:$0x19E50] =	vst v63  }
0x2da: {  	s19 =	sadd.s32 $0x50, s8;
	s22 =	simm.s32 $0x17238  }
0x2db: {  	[hbm4b:s19+s3] =	stream.linear.scatter [tilespmem:s22], [sflag:$0x7], $0x80, $0x38;
	[tilespmem:$0x19E50] =	vst v63  }
0x2dc: {  	s19 =	sadd.s32 $0x60, s8;
	s22 =	simm.s32 $0x172C0  }
0x2dd: {  	[hbm4b:s19+s3] =	stream.linear.scatter [tilespmem:s22], [sflag:$0x7], $0x80, $0x38;
	[tilespmem:$0x19E50] =	vst v63  }
0x2de: {  	s8 =	sadd.s32 $0x70, s8;
	s19 =	simm.s32 $0x17348  }
0x2df: {  	[hbm4b:s8+s3] =	stream.linear.scatter [tilespmem:s19], [sflag:$0x7], $0x80, $0x38;
	[tilespmem:$0x19E50] =	vst v63  }
0x2e0: {  	s22 =	simm.s32 $0x173D0;
	s8 =	sadd.s32 s7, s14  }
0x2e1: {  	[hbm4b:s8+s3] =	stream.linear.scatter [tilespmem:s22], [sflag:$0x7], $0x80, $0x38;
	[tilespmem:$0x19E50] =	vst v63  }
0x2e2: {  	s19 =	sadd.s32 $0x10, s8;
	s22 =	simm.s32 $0x17458  }
0x2e3: {  	[hbm4b:s19+s3] =	stream.linear.scatter [tilespmem:s22], [sflag:$0x7], $0x80, $0x38;
	[tilespmem:$0x19E50] =	vst v63  }
0x2e4: {  	s19 =	sadd.s32 $0x20, s8;
	s22 =	simm.s32 $0x174E0  }
0x2e5: {  	[hbm4b:s19+s3] =	stream.linear.scatter [tilespmem:s22], [sflag:$0x7], $0x80, $0x38;
	[tilespmem:$0x19E50] =	vst v63  }
0x2e6: {  	s19 =	sadd.s32 $0x30, s8;
	s22 =	simm.s32 $0x17568  }
0x2e7: {  	[hbm4b:s19+s3] =	stream.linear.scatter [tilespmem:s22], [sflag:$0x7], $0x80, $0x38;
	[tilespmem:$0x19E50] =	vst v63  }
0x2e8: {  	s19 =	sadd.s32 $0x40, s8;
	s22 =	simm.s32 $0x175F0  }
0x2e9: {  	[hbm4b:s19+s3] =	stream.linear.scatter [tilespmem:s22], [sflag:$0x7], $0x80, $0x38;
	[tilespmem:$0x19E50] =	vst v63  }
0x2ea: {  	s19 =	sadd.s32 $0x50, s8;
	s22 =	simm.s32 $0x17678  }
0x2eb: {  	[hbm4b:s19+s3] =	stream.linear.scatter [tilespmem:s22], [sflag:$0x7], $0x80, $0x38;
	[tilespmem:$0x19E50] =	vst v63  }
0x2ec: {  	s19 =	sadd.s32 $0x60, s8;
	s22 =	simm.s32 $0x17700  }
0x2ed: {  	[hbm4b:s19+s3] =	stream.linear.scatter [tilespmem:s22], [sflag:$0x7], $0x80, $0x38;
	[tilespmem:$0x19E50] =	vst v63  }
0x2ee: {  	s8 =	sadd.s32 $0x70, s8;
	s22 =	simm.s32 $0x17788  }
0x2ef: {  	[hbm4b:s8+s3] =	stream.linear.scatter [tilespmem:s22], [sflag:$0x7], $0x80, $0x38;
	[tilespmem:$0x19E50] =	vst v63  }
0x2f0: {  	s16 =	simm.s32 $0x17810;
	s7 =	sadd.s32 s7, s15  }
0x2f1: {  	[hbm4b:s7+s3] =	stream.linear.scatter [tilespmem:s16], [sflag:$0x7], $0x80, $0x38;
	[tilespmem:$0x19E50] =	vst v63  }
0x2f2: {  	s19 =	sadd.s32 $0x10, s7;
	s22 =	simm.s32 $0x17898  }
0x2f3: {  	[hbm4b:s19+s3] =	stream.linear.scatter [tilespmem:s22], [sflag:$0x7], $0x80, $0x38;
	[tilespmem:$0x19E50] =	vst v63  }
0x2f4: {  	s19 =	sadd.s32 $0x20, s7;
	s22 =	simm.s32 $0x17920  }
0x2f5: {  	[hbm4b:s19+s3] =	stream.linear.scatter [tilespmem:s22], [sflag:$0x7], $0x80, $0x38;
	[tilespmem:$0x19E50] =	vst v63  }
0x2f6: {  	s19 =	sadd.s32 $0x30, s7;
	s22 =	simm.s32 $0x179A8  }
0x2f7: {  	[hbm4b:s19+s3] =	stream.linear.scatter [tilespmem:s22], [sflag:$0x7], $0x80, $0x38;
	[tilespmem:$0x19E50] =	vst v63  }
0x2f8: {  	s19 =	sadd.s32 $0x40, s7;
	s22 =	simm.s32 $0x17A30  }
0x2f9: {  	[hbm4b:s19+s3] =	stream.linear.scatter [tilespmem:s22], [sflag:$0x7], $0x80, $0x38;
	[tilespmem:$0x19E50] =	vst v63  }
0x2fa: {  	s19 =	sadd.s32 $0x50, s7;
	s22 =	simm.s32 $0x17AB8  }
0x2fb: {  	[hbm4b:s19+s3] =	stream.linear.scatter [tilespmem:s22], [sflag:$0x7], $0x80, $0x38;
	[tilespmem:$0x19E50] =	vst v63  }
0x2fc: {  	s16 =	sadd.s32 $0x60, s7;
	s19 =	simm.s32 $0x17B40  }
0x2fd: {  	[hbm4b:s16+s3] =	stream.linear.scatter [tilespmem:s19], [sflag:$0x7], $0x80, $0x38;
	[tilespmem:$0x19E50] =	vst v63  }
0x2fe: {  	s7 =	sadd.s32 $0x70, s7;
	s22 =	simm.s32 $0x17BC8  }
0x2ff: {  	[hbm4b:s7+s3] =	stream.linear.scatter [tilespmem:s22], [sflag:$0x7], $0x80, $0x38;
	[tilespmem:$0x19E50] =	vst v63  }
0x300: {  	_ =	swait.ge [sflag:s2], $0x2000  }
0x301: {  	[sflag:s2] =	ssyncset.done $0x0  }
0x302: {  	s7 =	simm.s32 @!p0 $0x8;
	[sflag:s2] =	ssyncadd.s32 $0xFFFFE000  }
0x303: {  	_ =	swait.ge @!p0 [sflag:s7], $0x400  }
0x304: {  	[sflag:s7] =	ssyncset.done @!p0 $0x0  }
0x305: {  	[sflag:s7] =	ssyncadd.s32 @!p0 $0xFFFFFC00  }
0x306: {  	_ =	swait.ge @!p0 [sflag:s7], $0x400  }
0x307: {  	[sflag:s7] =	ssyncset.done @!p0 $0x0  }
0x308: {  	[sflag:s7] =	ssyncadd.s32 @!p0 $0xFFFFFC00  }
0x309: {  	_ =	swait.ge @!p0 [sflag:s7], $0x400  }
0x30a: {  	[sflag:s7] =	ssyncset.done @!p0 $0x0  }
0x30b: {  	[sflag:s7] =	ssyncadd.s32 @!p0 $0xFFFFFC00  }
0x30c: {  	_ =	swait.ge @!p0 [sflag:s7], $0x400  }
0x30d: {  	[sflag:s7] =	ssyncset.done @!p0 $0x0  }
0x30e: {  	[sflag:s7] =	ssyncadd.s32 @!p0 $0xFFFFFC00  }
0x30f: {  	_ =	swait.ge @!p0 [sflag:s7], $0x400  }
0x310: {  	[sflag:s7] =	ssyncset.done @!p0 $0x0  }
0x311: {  	[sflag:s7] =	ssyncadd.s32 @!p0 $0xFFFFFC00  }
0x312: {  	_ =	swait.ge @!p0 [sflag:s7], $0x400  }
0x313: {  	[sflag:s7] =	ssyncset.done @!p0 $0x0  }
0x314: {  	[sflag:s7] =	ssyncadd.s32 @!p0 $0xFFFFFC00  }
0x315: {  	_ =	swait.ge @!p0 [sflag:s7], $0x400  }
0x316: {  	[sflag:s7] =	ssyncset.done @!p0 $0x0  }
0x317: {  	[sflag:s7] =	ssyncadd.s32 @!p0 $0xFFFFFC00  }
0x318: {  	_ =	swait.ge @!p0 [sflag:s7], $0x400  }
0x319: {  	[sflag:s7] =	ssyncset.done @!p0 $0x0  }
0x31a: {  	s6 =	sor.u32 $0x3, s6;
	[sflag:s7] =	ssyncadd.s32 @!p0 $0xFFFFFC00  }
0x31b: {  	s16 =	sshll.u32 s6, $0x6;
	v3 =	vld [tilespmem:$0x9600]  }
0x31c: {  	s7 =	sand.u32 $0x3FFFFFC0, s16;
	v13 =	vld [tilespmem:$0x9640]  }
0x31d: {  	v10 =	vld [tilespmem:s7+$0x6400]  }
0x31e: {  	v2 =	vld [tilespmem:s7+$0x6410]  }
0x31f: {  	v1 =	vld [tilespmem:s7+$0x6420]  }
0x320: {  	v0 =	vld [tilespmem:s7+$0x6430];
	s7 =	simm.s32 $0xF6D0  }
0x321: {  	s19 =	simm.s32 $0x0;
	s22 =	simm.s32 $0x3;
	v7 =	vld [tilespmem:s7+$0x40]  }
0x322: {  	v12 =	vmul.u32 $0x88, v3;
	v3 =	vadd.s32 s19, v13;
	v4 =	vadd.s32 s22, v13  }
0x323: {  	s19 =	simm.s32 $0x1;
	v16 =	vand.u32 $0x7, v3;
	v14 =	vand.u32 $0xFFFFFFF8, v3;
	v6 =	vand.u32 $0xFFFFFFF8, v4  }
0x324: {  	v8 =	vld [tilespmem:s7+$0xFFFFFF80];
	s22 =	simm.s32 $0x2;
	v3 =	vadd.s32 s19, v13;
	v9 =	vand.u32 $0x7, v4;
	v4 =	vadd.s32 v12, v6  }
0x325: {  	v11 =	vld [tilespmem:$0x9610];
	v15 =	vadd.s32 s22, v13;
	v5 =	vadd.s32 v12, v14;
	v4 =	vor.u32 v9, v4  }
0x326: {  	v19 =	vld [tilespmem:s7+$0xFFFFFFC0];
	v7 =	vadd.f32 v7, v10;
	v18 =	vand.u32 $0xFFFFFFF8, v3;
	v17 =	vor.u32 v16, v5  }
0x327: {  	v20 =	vld [tilespmem:s7+$0x0];
	v31 =	vand.u32 $0xFFFFFFF8, v15;
	v3 =	vand.u32 $0x7, v3;
	v5 =	vadd.s32 v12, v18  }
0x328: {  	v21 =	vadd.s32 v12, v31;
	v23 =	vor.u32 v3, v5;
	v5 =	vand.u32 $0x7, v15  }
0x329: {  	v22 =	vld [tilespmem:$0x9620];
	v8 =	vadd.f32 v8, v10;
	v21 =	vor.u32 v5, v21  }
0x32a: {  	v24 =	vld [tilespmem:$0x9630];
	v15 =	vmul.u32 $0x88, v11;
	[tilespmem:v4+s17+$0x0] =	vst.idx.msk $0xffff, v7  }
0x32b: {  	[tilespmem:v17+s17+$0x0] =	vst.idx.msk $0xffff, v8;
	v4 =	vadd.f32 v19, v10;
	v7 =	vld [tilespmem:s7+$0x50]  }
0x32c: {  	v11 =	vadd.s32 v15, v6;
	v8 =	vadd.f32 v20, v10;
	v17 =	vld [tilespmem:s7+$0xFFFFFF90]  }
0x32d: {  	v19 =	vadd.s32 v15, v14;
	v20 =	vor.u32 v9, v11;
	[tilespmem:v23+s17+$0x0] =	vst.idx.msk $0xffff, v4  }
0x32e: {  	v11 =	vmul.u32 $0x88, v22;
	v19 =	vor.u32 v16, v19;
	[tilespmem:v21+s17+$0x0] =	vst.idx.msk $0xffff, v8;
	v22 =	vld [tilespmem:s7+$0xFFFFFFD0]  }
0x32f: {  	s16 =	simm.s32 $0x4;
	v4 =	vmul.u32 $0x88, v24;
	v8 =	vadd.s32 v15, v18;
	v21 =	vadd.s32 v15, v31;
	v23 =	vld [tilespmem:s7+$0x10]  }
0x330: {  	v24 =	vadd.s32 s16, v13;
	v25 =	vor.u32 v3, v8;
	v26 =	vadd.f32 v7, v2  }
0x331: {  	s19 =	simm.s32 $0x5;
	v30 =	vadd.s32 v11, v14;
	v29 =	vor.u32 v5, v21;
	v27 =	vadd.f32 v17, v2  }
0x332: {  	v8 =	vand.u32 $0x7, v24;
	v21 =	vadd.s32 s19, v13;
	v14 =	vadd.s32 v4, v14;
	[tilespmem:v20+s17+$0x0] =	vst.idx.msk $0xffff, v26  }
0x333: {  	v14 =	vor.u32 v16, v14;
	v7 =	vand.u32 $0xFFFFFFF8, v24;
	[tilespmem:v19+s17+$0x0] =	vst.idx.msk $0xffff, v27;
	v19 =	vadd.f32 v22, v2;
	v24 =	vld [tilespmem:s7+$0x60]  }
0x334: {  	s22 =	simm.s32 $0x6;
	v17 =	vadd.s32 v15, v7;
	v26 =	vadd.f32 v23, v2;
	v20 =	vadd.s32 v11, v6;
	v23 =	vld [tilespmem:s7+$0xFFFFFFA0]  }
0x335: {  	v28 =	vadd.s32 v12, v7;
	v22 =	vadd.s32 s22, v13;
	[tilespmem:v25+s17+$0x0] =	vst.idx.msk $0xffff, v19;
	v25 =	vor.u32 v9, v20  }
0x336: {  	v19 =	vand.u32 $0xFFFFFFF8, v21;
	v20 =	vor.u32 v16, v30;
	v16 =	vadd.s32 v4, v18;
	[tilespmem:v29+s17+$0x0] =	vst.idx.msk $0xffff, v26;
	v27 =	vld [tilespmem:s7+$0xFFFFFFE0]  }
0x337: {  	s8 =	simm.s32 $0xF6D0;
	s16 =	simm.s32 $0x8;
	s19 =	simm.s32 $0x7;
	v30 =	vadd.s32 v11, v18;
	v29 =	vadd.s32 v11, v31;
	v18 =	vadd.s32 v4, v31;
	v26 =	vld [tilespmem:s7+$0x20]  }
.LBB2_9:
0x338: {  	p0 =	slt.u32 s16, $0x7C;
	v31 =	vadd.s32 s19, v13;
	v30 =	vor.u32 v3, v30;
	v24 =	vadd.f32 v24, v1;
	s7 =	sadd.s32 $0x100, s7;
	v32 =	vmovc v19  }
0x339: {  	v29 =	vor.u32 v5, v29;
	v19 =	vld [tilespmem:s7+$0x40];
	v33 =	vand.u32 $0xFFFFFFF8, v31;
	v23 =	vadd.f32 v23, v1  }
0x33a: {  	v28 =	vor.u32 v8, v28;
	v31 =	vand.u32 $0x7, v31;
	v34 =	vld [tilespmem:s7+$0xFFFFFF80];
	v35 =	vadd.s32 v12, v33;
	[tilespmem:v25+s17+$0x0] =	vst.idx.msk $0xffff, v24  }
0x33b: {  	v36 =	vand.u32 $0xFFFFFFF8, v22;
	v24 =	vor.u32 v31, v35;
	[tilespmem:v20+s17+$0x0] =	vst.idx.msk $0xffff, v23;
	v20 =	vadd.f32 v27, v1;
	v23 =	vld [tilespmem:s8+$0x70]  }
0x33c: {  	v27 =	vadd.s32 v12, v32;
	v35 =	vadd.s32 v4, v6;
	v6 =	vmovc v33;
	v25 =	vld [tilespmem:s7+$0xFFFFFFC0];
	v26 =	vadd.f32 v26, v1  }
0x33d: {  	v21 =	vand.u32 $0x7, v21;
	v37 =	vadd.s32 v12, v36;
	v33 =	vld [tilespmem:s7+$0x0];
	[tilespmem:v30+s17+$0x0] =	vst.idx.msk $0xffff, v20;
	v20 =	vor.u32 v9, v35  }
0x33e: {  	v22 =	vand.u32 $0x7, v22;
	v27 =	vor.u32 v21, v27;
	v19 =	vadd.f32 v19, v10;
	v30 =	vld [tilespmem:s8+$0xFFFFFFF0];
	[tilespmem:v29+s17+$0x0] =	vst.idx.msk $0xffff, v26  }
0x33f: {  	v9 =	vmovc v31;
	v29 =	vor.u32 v8, v17;
	v17 =	vor.u32 v22, v37;
	v26 =	vadd.f32 v34, v10;
	v34 =	vld [tilespmem:s8+$0x30]  }
0x340: {  	v16 =	vor.u32 v3, v16;
	v3 =	vmov v21;
	[tilespmem:v24+s17+$0x0] =	vst.idx.msk $0xffff, v19;
	v19 =	vld [tilespmem:s8+$0xFFFFFFB0];
	v23 =	vadd.f32 v23, v0;
	s8 =	smov.u32 s7  }
0x341: {  	v18 =	vor.u32 v5, v18;
	v5 =	vmov v22;
	[tilespmem:v28+s17+$0x0] =	vst.idx.msk $0xffff, v26;
	v21 =	vadd.f32 v25, v10;
	v24 =	vld [tilespmem:s7+$0x50]  }
0x342: {  	v26 =	vadd.s32 v15, v6;
	v22 =	vld [tilespmem:s7+$0xFFFFFF90];
	v25 =	vadd.f32 v33, v10;
	[tilespmem:v20+s17+$0x0] =	vst.idx.msk $0xffff, v23  }
0x343: {  	v20 =	vor.u32 v9, v26;
	[tilespmem:v27+s17+$0x0] =	vst.idx.msk $0xffff, v21;
	v21 =	vadd.f32 v30, v0  }
0x344: {  	v26 =	vadd.s32 v15, v32;
	v23 =	vld [tilespmem:s7+$0xFFFFFFD0];
	[tilespmem:v17+s17+$0x0] =	vst.idx.msk $0xffff, v25;
	v17 =	vadd.f32 v34, v0  }
0x345: {  	v27 =	vadd.s32 v15, v36;
	v25 =	vld [tilespmem:s7+$0x10];
	v19 =	vadd.f32 v19, v0;
	[tilespmem:v16+s17+$0x0] =	vst.idx.msk $0xffff, v21  }
0x346: {  	v26 =	vor.u32 v3, v26;
	v16 =	vadd.s32 s16, v13;
	v21 =	vadd.f32 v24, v2;
	[tilespmem:v18+s17+$0x0] =	vst.idx.msk $0xffff, v17  }
0x347: {  	v30 =	vor.u32 v5, v27;
	v31 =	vand.u32 $0x7, v16;
	v18 =	vadd.f32 v22, v2;
	[tilespmem:v14+s17+$0x0] =	vst.idx.msk $0xffff, v19  }
0x348: {  	s19 =	sadd.s32 $0x1, s16;
	v27 =	vadd.s32 v11, v7;
	v14 =	vadd.s32 v4, v7;
	v7 =	vand.u32 $0xFFFFFFF8, v16;
	[tilespmem:v20+s17+$0x0] =	vst.idx.msk $0xffff, v21  }
.Ltmp3:
0x349: {  	v17 =	vadd.s32 v15, v7;
	v21 =	vadd.s32 s19, v13;
	[tilespmem:v29+s17+$0x0] =	vst.idx.msk $0xffff, v18;
	v16 =	vadd.f32 v23, v2;
	v24 =	vld [tilespmem:s7+$0x60];
	(pc) =	sbr.rel @p0 .LBB2_9-.Ltmp3, $4  }
0x34a: {  	v19 =	vadd.s32 v11, v6;
	v28 =	vadd.s32 v12, v7;
	s19 =	sadd.s32 $0x2, s16;
	v23 =	vld [tilespmem:s7+$0xFFFFFFA0];
	v18 =	vadd.f32 v25, v2  }
0x34b: {  	v14 =	vor.u32 v8, v14;
	v22 =	vadd.s32 s19, v13;
	v25 =	vor.u32 v9, v19;
	[tilespmem:v26+s17+$0x0] =	vst.idx.msk $0xffff, v16  }
0x34c: {  	v20 =	vor.u32 v8, v27;
	v19 =	vand.u32 $0xFFFFFFF8, v21;
	v16 =	vadd.s32 v4, v32;
	v27 =	vld [tilespmem:s7+$0xFFFFFFE0];
	[tilespmem:v30+s17+$0x0] =	vst.idx.msk $0xffff, v18  }
0x34d: {  	v8 =	vmovc v31;
	s19 =	sadd.s32 $0x3, s16;
	s16 =	sadd.s32 $0x4, s16;
	v29 =	vadd.s32 v11, v36;
	v30 =	vadd.s32 v11, v32;
	v18 =	vadd.s32 v4, v36;
	v26 =	vld [tilespmem:s7+$0x20]  }
0x34e: {  	v13 =	vadd.s32 s19, v13;
	s7 =	sadd.s32 $0x100, s7  }
0x34f: {  	v31 =	vld [tilespmem:s7+$0x40];
	v32 =	vand.u32 $0xFFFFFFF8, v13  }
0x350: {  	v34 =	vand.u32 $0xFFFFFFF8, v22;
	v13 =	vand.u32 $0x7, v13;
	v35 =	vld [tilespmem:s7+$0xFFFFFFC0];
	v33 =	vadd.s32 v12, v32  }
0x351: {  	v36 =	vadd.s32 v12, v19;
	v21 =	vand.u32 $0x7, v21;
	v37 =	vld [tilespmem:s7+$0x0];
	v33 =	vor.u32 v13, v33  }
0x352: {  	v22 =	vand.u32 $0x7, v22;
	v38 =	vld [tilespmem:s7+$0xFFFFFF80];
	v52 =	vadd.s32 v12, v34;
	v36 =	vor.u32 v21, v36  }
0x353: {  	v12 =	vor.u32 v22, v52  }
0x354: {  	v28 =	vor.u32 v8, v28;
	v31 =	vadd.f32 v31, v10  }
0x355: {  	v35 =	vadd.f32 v35, v10  }
0x356: {  	v53 =	vadd.f32 v37, v10;
	[tilespmem:v33+s17+$0x0] =	vst.idx.msk $0xffff, v31  }
0x357: {  	v54 =	vadd.f32 v38, v10;
	[tilespmem:v36+s17+$0x0] =	vst.idx.msk $0xffff, v35;
	v33 =	vld [tilespmem:s7+$0x50]  }
0x358: {  	v30 =	vor.u32 v3, v30;
	v55 =	vadd.s32 v15, v32;
	[tilespmem:v12+s17+$0x0] =	vst.idx.msk $0xffff, v53;
	v56 =	vld [tilespmem:s7+$0xFFFFFFD0]  }
0x359: {  	v58 =	vadd.s32 v15, v19;
	v57 =	vor.u32 v13, v55;
	[tilespmem:v28+s17+$0x0] =	vst.idx.msk $0xffff, v54;
	v31 =	vld [tilespmem:s7+$0x10]  }
0x35a: {  	v24 =	vadd.f32 v24, v1;
	v60 =	vadd.s32 v15, v34;
	v28 =	vor.u32 v21, v58;
	v59 =	vld [tilespmem:s7+$0xFFFFFF90]  }
0x35b: {  	v17 =	vor.u32 v8, v17;
	v15 =	vor.u32 v22, v60;
	v27 =	vadd.f32 v27, v1  }
0x35c: {  	v62 =	vor.u32 v5, v29;
	[tilespmem:v25+s17+$0x0] =	vst.idx.msk $0xffff, v24;
	v61 =	vadd.f32 v33, v2  }
0x35d: {  	v6 =	vadd.s32 v4, v6;
	[tilespmem:v30+s17+$0x0] =	vst.idx.msk $0xffff, v27;
	v12 =	vadd.f32 v56, v2  }
0x35e: {  	v40 =	vadd.s32 v11, v7;
	v63 =	vld [tilespmem:s8+$0x70];
	v30 =	vadd.f32 v31, v2;
	[tilespmem:v57+s17+$0x0] =	vst.idx.msk $0xffff, v61  }
0x35f: {  	v23 =	vadd.f32 v23, v1;
	v31 =	vadd.f32 v59, v2;
	[tilespmem:v28+s17+$0x0] =	vst.idx.msk $0xffff, v12;
	v24 =	vld [tilespmem:s7+$0x60]  }
0x360: {  	v6 =	vor.u32 v9, v6;
	v33 =	vadd.s32 v11, v32;
	[tilespmem:v15+s17+$0x0] =	vst.idx.msk $0xffff, v30;
	v12 =	vld [tilespmem:s7+$0xFFFFFFE0]  }
0x361: {  	v36 =	vadd.s32 v11, v19;
	v35 =	vor.u32 v13, v33;
	[tilespmem:v17+s17+$0x0] =	vst.idx.msk $0xffff, v31;
	v10 =	vld [tilespmem:s7+$0x20]  }
0x362: {  	v26 =	vadd.f32 v26, v1;
	v38 =	vadd.s32 v11, v34;
	v9 =	vor.u32 v21, v36;
	v37 =	vld [tilespmem:s7+$0xFFFFFFA0]  }
0x363: {  	[tilespmem:v20+s17+$0x0] =	vst.idx.msk $0xffff, v23;
	v39 =	vadd.f32 v63, v0;
	v17 =	vor.u32 v22, v38  }
0x364: {  	v23 =	vld [tilespmem:s8+$0xFFFFFFB0];
	[tilespmem:v62+s17+$0x0] =	vst.idx.msk $0xffff, v26;
	v11 =	vor.u32 v8, v40;
	v41 =	vadd.f32 v24, v1  }
0x365: {  	v42 =	vor.u32 v3, v16;
	v27 =	vld [tilespmem:s8+$0xFFFFFFF0];
	[tilespmem:v6+s17+$0x0] =	vst.idx.msk $0xffff, v39;
	v43 =	vadd.f32 v12, v1  }
0x366: {  	v44 =	vor.u32 v5, v18;
	v25 =	vld [tilespmem:s8+$0x30];
	v45 =	vadd.f32 v10, v1;
	[tilespmem:v35+s17+$0x0] =	vst.idx.msk $0xffff, v41  }
0x367: {  	v50 =	vadd.s32 v4, v32;
	v47 =	vadd.f32 v37, v1;
	[tilespmem:v9+s17+$0x0] =	vst.idx.msk $0xffff, v43;
	v48 =	vld [tilespmem:s7+$0x70]  }
0x368: {  	v52 =	vadd.s32 v4, v19;
	v53 =	vor.u32 v13, v50;
	[tilespmem:v17+s17+$0x0] =	vst.idx.msk $0xffff, v45;
	v51 =	vld [tilespmem:s7+$0xFFFFFFF0]  }
0x369: {  	v58 =	vadd.s32 v4, v7;
	v55 =	vadd.f32 v23, v0;
	[tilespmem:v11+s17+$0x0] =	vst.idx.msk $0xffff, v47;
	v54 =	vld [tilespmem:s7+$0x30]  }
0x36a: {  	v46 =	vadd.f32 v27, v0;
	v56 =	vadd.s32 v4, v34;
	v2 =	vor.u32 v21, v52;
	v57 =	vld [tilespmem:s7+$0xFFFFFFB0]  }
0x36b: {  	[tilespmem:v14+s17+$0x0] =	vst.idx.msk $0xffff, v55;
	v49 =	vadd.f32 v25, v0;
	v59 =	vor.u32 v22, v56  }
0x36c: {  	v3 =	vor.u32 v8, v58;
	[tilespmem:v42+s17+$0x0] =	vst.idx.msk $0xffff, v46;
	v60 =	vadd.f32 v48, v0  }
0x36d: {  	[tilespmem:v44+s17+$0x0] =	vst.idx.msk $0xffff, v49;
	v61 =	vadd.f32 v51, v0  }
0x36e: {  	v62 =	vadd.f32 v54, v0;
	[tilespmem:v53+s17+$0x0] =	vst.idx.msk $0xffff, v60  }
0x36f: {  	s6 =	sshll.u32 s6, $0x12;
	s7 =	sadd.s32 @!p1 $0xE00, s24;
	v63 =	vadd.f32 v57, v0;
	[tilespmem:v2+s17+$0x0] =	vst.idx.msk $0xffff, v61  }
0x370: {  	s16 =	simm.s32 @!p1 $0xF650;
	s6 =	sor.u32 s5, s6;
	s7 =	sand.u32 @!p1 $0x3FE00, s7;
	[tilespmem:v59+s17+$0x0] =	vst.idx.msk $0xffff, v62  }
0x371: {  	s6 =	sshrl.u32 s6, $0x3;
	s8 =	simm.s32 @!p1 $0x80;
	s7 =	sshrl.u32 @!p1 s7, $0x2;
	[tilespmem:v3+s17+$0x0] =	vst.idx.msk $0xffff, v63  }
0x372: {  	[tilespmem:s16], [sflag:$0x4] =	stream.indirect.gather @!p1 [hbm4b:s4+s8], $0x40, s7, s8, $0xb8;
	[tilespmem:$0x19E50] =	vst v63  }
0x373: {  	s7 =	sadd.s32 s1, s6  }
0x374: {  	[hbm4b:s7+s3] =	stream.linear.scatter [tilespmem:s17], [sflag:$0x8], $0x80, $0x38;
	[tilespmem:$0x19E50] =	vst v63  }
0x375: {  	s24 =	simm.s32 $0x17CD8;
	s22 =	sadd.s32 $0x10, s7  }
0x376: {  	[hbm4b:s22+s3] =	stream.linear.scatter [tilespmem:s24], [sflag:$0x8], $0x80, $0x38;
	[tilespmem:$0x19E50] =	vst v63  }
0x377: {  	s19 =	simm.s32 $0x17D60;
	s16 =	sadd.s32 $0x20, s7  }
0x378: {  	[hbm4b:s16+s3] =	stream.linear.scatter [tilespmem:s19], [sflag:$0x8], $0x80, $0x38;
	[tilespmem:$0x19E50] =	vst v63  }
0x379: {  	s22 =	sadd.s32 $0x30, s7;
	s24 =	simm.s32 $0x17DE8  }
0x37a: {  	[hbm4b:s22+s3] =	stream.linear.scatter [tilespmem:s24], [sflag:$0x8], $0x80, $0x38;
	[tilespmem:$0x19E50] =	vst v63  }
0x37b: {  	s16 =	sadd.s32 $0x40, s7;
	s19 =	simm.s32 $0x17E70  }
0x37c: {  	[hbm4b:s16+s3] =	stream.linear.scatter [tilespmem:s19], [sflag:$0x8], $0x80, $0x38;
	[tilespmem:$0x19E50] =	vst v63  }
0x37d: {  	s22 =	sadd.s32 $0x50, s7;
	s24 =	simm.s32 $0x17EF8  }
0x37e: {  	[hbm4b:s22+s3] =	stream.linear.scatter [tilespmem:s24], [sflag:$0x8], $0x80, $0x38;
	[tilespmem:$0x19E50] =	vst v63  }
0x37f: {  	s16 =	sadd.s32 $0x60, s7;
	s19 =	simm.s32 $0x17F80  }
0x380: {  	[hbm4b:s16+s3] =	stream.linear.scatter [tilespmem:s19], [sflag:$0x8], $0x80, $0x38;
	[tilespmem:$0x19E50] =	vst v63  }
0x381: {  	s7 =	sadd.s32 $0x70, s7;
	s22 =	simm.s32 $0x18008  }
0x382: {  	[hbm4b:s7+s3] =	stream.linear.scatter [tilespmem:s22], [sflag:$0x8], $0x80, $0x38;
	[tilespmem:$0x19E50] =	vst v63  }
0x383: {  	s24 =	simm.s32 $0x18090;
	s7 =	sadd.s32 s6, s9  }
0x384: {  	[hbm4b:s7+s3] =	stream.linear.scatter [tilespmem:s24], [sflag:$0x8], $0x80, $0x38;
	[tilespmem:$0x19E50] =	vst v63  }
0x385: {  	s19 =	simm.s32 $0x18118;
	s16 =	sadd.s32 $0x10, s7  }
0x386: {  	[hbm4b:s16+s3] =	stream.linear.scatter [tilespmem:s19], [sflag:$0x8], $0x80, $0x38;
	[tilespmem:$0x19E50] =	vst v63  }
0x387: {  	s22 =	sadd.s32 $0x20, s7;
	s24 =	simm.s32 $0x181A0  }
0x388: {  	[hbm4b:s22+s3] =	stream.linear.scatter [tilespmem:s24], [sflag:$0x8], $0x80, $0x38;
	[tilespmem:$0x19E50] =	vst v63  }
0x389: {  	s16 =	sadd.s32 $0x30, s7;
	s19 =	simm.s32 $0x18228  }
0x38a: {  	[hbm4b:s16+s3] =	stream.linear.scatter [tilespmem:s19], [sflag:$0x8], $0x80, $0x38;
	[tilespmem:$0x19E50] =	vst v63  }
0x38b: {  	s22 =	sadd.s32 $0x40, s7;
	s24 =	simm.s32 $0x182B0  }
0x38c: {  	[hbm4b:s22+s3] =	stream.linear.scatter [tilespmem:s24], [sflag:$0x8], $0x80, $0x38;
	[tilespmem:$0x19E50] =	vst v63  }
0x38d: {  	s16 =	sadd.s32 $0x50, s7;
	s19 =	simm.s32 $0x18338  }
0x38e: {  	[hbm4b:s16+s3] =	stream.linear.scatter [tilespmem:s19], [sflag:$0x8], $0x80, $0x38;
	[tilespmem:$0x19E50] =	vst v63  }
0x38f: {  	s22 =	sadd.s32 $0x60, s7;
	s24 =	simm.s32 $0x183C0  }
0x390: {  	[hbm4b:s22+s3] =	stream.linear.scatter [tilespmem:s24], [sflag:$0x8], $0x80, $0x38;
	[tilespmem:$0x19E50] =	vst v63  }
0x391: {  	s7 =	sadd.s32 $0x70, s7;
	s16 =	simm.s32 $0x18448  }
0x392: {  	[hbm4b:s7+s3] =	stream.linear.scatter [tilespmem:s16], [sflag:$0x8], $0x80, $0x38;
	[tilespmem:$0x19E50] =	vst v63  }
0x393: {  	s19 =	simm.s32 $0x184D0;
	s7 =	sadd.s32 s6, s10  }
0x394: {  	[hbm4b:s7+s3] =	stream.linear.scatter [tilespmem:s19], [sflag:$0x8], $0x80, $0x38;
	[tilespmem:$0x19E50] =	vst v63  }
0x395: {  	s24 =	simm.s32 $0x18558;
	s22 =	sadd.s32 $0x10, s7  }
0x396: {  	[hbm4b:s22+s3] =	stream.linear.scatter [tilespmem:s24], [sflag:$0x8], $0x80, $0x38;
	[tilespmem:$0x19E50] =	vst v63  }
0x397: {  	s16 =	sadd.s32 $0x20, s7;
	s19 =	simm.s32 $0x185E0  }
0x398: {  	[hbm4b:s16+s3] =	stream.linear.scatter [tilespmem:s19], [sflag:$0x8], $0x80, $0x38;
	[tilespmem:$0x19E50] =	vst v63  }
0x399: {  	s22 =	sadd.s32 $0x30, s7;
	s24 =	simm.s32 $0x18668  }
0x39a: {  	[hbm4b:s22+s3] =	stream.linear.scatter [tilespmem:s24], [sflag:$0x8], $0x80, $0x38;
	[tilespmem:$0x19E50] =	vst v63  }
0x39b: {  	s16 =	sadd.s32 $0x40, s7;
	s19 =	simm.s32 $0x186F0  }
0x39c: {  	[hbm4b:s16+s3] =	stream.linear.scatter [tilespmem:s19], [sflag:$0x8], $0x80, $0x38;
	[tilespmem:$0x19E50] =	vst v63  }
0x39d: {  	s22 =	sadd.s32 $0x50, s7;
	s24 =	simm.s32 $0x18778  }
0x39e: {  	[hbm4b:s22+s3] =	stream.linear.scatter [tilespmem:s24], [sflag:$0x8], $0x80, $0x38;
	[tilespmem:$0x19E50] =	vst v63  }
0x39f: {  	s16 =	sadd.s32 $0x60, s7;
	s19 =	simm.s32 $0x18800  }
0x3a0: {  	[hbm4b:s16+s3] =	stream.linear.scatter [tilespmem:s19], [sflag:$0x8], $0x80, $0x38;
	[tilespmem:$0x19E50] =	vst v63  }
0x3a1: {  	s7 =	sadd.s32 $0x70, s7;
	s22 =	simm.s32 $0x18888  }
0x3a2: {  	[hbm4b:s7+s3] =	stream.linear.scatter [tilespmem:s22], [sflag:$0x8], $0x80, $0x38;
	[tilespmem:$0x19E50] =	vst v63  }
0x3a3: {  	s24 =	simm.s32 $0x18910;
	s7 =	sadd.s32 s6, s11  }
0x3a4: {  	[hbm4b:s7+s3] =	stream.linear.scatter [tilespmem:s24], [sflag:$0x8], $0x80, $0x38;
	[tilespmem:$0x19E50] =	vst v63  }
0x3a5: {  	s19 =	simm.s32 $0x18998;
	s16 =	sadd.s32 $0x10, s7  }
0x3a6: {  	[hbm4b:s16+s3] =	stream.linear.scatter [tilespmem:s19], [sflag:$0x8], $0x80, $0x38;
	[tilespmem:$0x19E50] =	vst v63  }
0x3a7: {  	s22 =	sadd.s32 $0x20, s7;
	s24 =	simm.s32 $0x18A20  }
0x3a8: {  	[hbm4b:s22+s3] =	stream.linear.scatter [tilespmem:s24], [sflag:$0x8], $0x80, $0x38;
	[tilespmem:$0x19E50] =	vst v63  }
0x3a9: {  	s16 =	sadd.s32 $0x30, s7;
	s19 =	simm.s32 $0x18AA8  }
0x3aa: {  	[hbm4b:s16+s3] =	stream.linear.scatter [tilespmem:s19], [sflag:$0x8], $0x80, $0x38;
	[tilespmem:$0x19E50] =	vst v63  }
0x3ab: {  	s22 =	sadd.s32 $0x40, s7;
	s24 =	simm.s32 $0x18B30  }
0x3ac: {  	[hbm4b:s22+s3] =	stream.linear.scatter [tilespmem:s24], [sflag:$0x8], $0x80, $0x38;
	[tilespmem:$0x19E50] =	vst v63  }
0x3ad: {  	s16 =	sadd.s32 $0x50, s7;
	s19 =	simm.s32 $0x18BB8  }
0x3ae: {  	[hbm4b:s16+s3] =	stream.linear.scatter [tilespmem:s19], [sflag:$0x8], $0x80, $0x38;
	[tilespmem:$0x19E50] =	vst v63  }
0x3af: {  	s22 =	sadd.s32 $0x60, s7;
	s24 =	simm.s32 $0x18C40  }
0x3b0: {  	[hbm4b:s22+s3] =	stream.linear.scatter [tilespmem:s24], [sflag:$0x8], $0x80, $0x38;
	[tilespmem:$0x19E50] =	vst v63  }
0x3b1: {  	s7 =	sadd.s32 $0x70, s7;
	s16 =	simm.s32 $0x18CC8  }
0x3b2: {  	[hbm4b:s7+s3] =	stream.linear.scatter [tilespmem:s16], [sflag:$0x8], $0x80, $0x38;
	[tilespmem:$0x19E50] =	vst v63  }
0x3b3: {  	s19 =	simm.s32 $0x18D50;
	s7 =	sadd.s32 s6, s12  }
0x3b4: {  	[hbm4b:s7+s3] =	stream.linear.scatter [tilespmem:s19], [sflag:$0x8], $0x80, $0x38;
	[tilespmem:$0x19E50] =	vst v63  }
0x3b5: {  	s24 =	simm.s32 $0x18DD8;
	s22 =	sadd.s32 $0x10, s7  }
0x3b6: {  	[hbm4b:s22+s3] =	stream.linear.scatter [tilespmem:s24], [sflag:$0x8], $0x80, $0x38;
	[tilespmem:$0x19E50] =	vst v63  }
0x3b7: {  	s16 =	sadd.s32 $0x20, s7;
	s19 =	simm.s32 $0x18E60  }
0x3b8: {  	[hbm4b:s16+s3] =	stream.linear.scatter [tilespmem:s19], [sflag:$0x8], $0x80, $0x38;
	[tilespmem:$0x19E50] =	vst v63  }
0x3b9: {  	s22 =	sadd.s32 $0x30, s7;
	s24 =	simm.s32 $0x18EE8  }
0x3ba: {  	[hbm4b:s22+s3] =	stream.linear.scatter [tilespmem:s24], [sflag:$0x8], $0x80, $0x38;
	[tilespmem:$0x19E50] =	vst v63  }
0x3bb: {  	s16 =	sadd.s32 $0x40, s7;
	s19 =	simm.s32 $0x18F70  }
0x3bc: {  	[hbm4b:s16+s3] =	stream.linear.scatter [tilespmem:s19], [sflag:$0x8], $0x80, $0x38;
	[tilespmem:$0x19E50] =	vst v63  }
0x3bd: {  	s22 =	sadd.s32 $0x50, s7;
	s24 =	simm.s32 $0x18FF8  }
0x3be: {  	[hbm4b:s22+s3] =	stream.linear.scatter [tilespmem:s24], [sflag:$0x8], $0x80, $0x38;
	[tilespmem:$0x19E50] =	vst v63  }
0x3bf: {  	s16 =	sadd.s32 $0x60, s7;
	s19 =	simm.s32 $0x19080  }
0x3c0: {  	[hbm4b:s16+s3] =	stream.linear.scatter [tilespmem:s19], [sflag:$0x8], $0x80, $0x38;
	[tilespmem:$0x19E50] =	vst v63  }
0x3c1: {  	s7 =	sadd.s32 $0x70, s7;
	s22 =	simm.s32 $0x19108  }
0x3c2: {  	[hbm4b:s7+s3] =	stream.linear.scatter [tilespmem:s22], [sflag:$0x8], $0x80, $0x38;
	[tilespmem:$0x19E50] =	vst v63  }
0x3c3: {  	s24 =	simm.s32 $0x19190;
	s7 =	sadd.s32 s6, s13  }
0x3c4: {  	[hbm4b:s7+s3] =	stream.linear.scatter [tilespmem:s24], [sflag:$0x8], $0x80, $0x38;
	[tilespmem:$0x19E50] =	vst v63  }
0x3c5: {  	s19 =	simm.s32 $0x19218;
	s16 =	sadd.s32 $0x10, s7  }
0x3c6: {  	[hbm4b:s16+s3] =	stream.linear.scatter [tilespmem:s19], [sflag:$0x8], $0x80, $0x38;
	[tilespmem:$0x19E50] =	vst v63  }
0x3c7: {  	s22 =	sadd.s32 $0x20, s7;
	s24 =	simm.s32 $0x192A0  }
0x3c8: {  	[hbm4b:s22+s3] =	stream.linear.scatter [tilespmem:s24], [sflag:$0x8], $0x80, $0x38;
	[tilespmem:$0x19E50] =	vst v63  }
0x3c9: {  	s16 =	sadd.s32 $0x30, s7;
	s19 =	simm.s32 $0x19328  }
0x3ca: {  	[hbm4b:s16+s3] =	stream.linear.scatter [tilespmem:s19], [sflag:$0x8], $0x80, $0x38;
	[tilespmem:$0x19E50] =	vst v63  }
0x3cb: {  	s22 =	sadd.s32 $0x40, s7;
	s24 =	simm.s32 $0x193B0  }
0x3cc: {  	[hbm4b:s22+s3] =	stream.linear.scatter [tilespmem:s24], [sflag:$0x8], $0x80, $0x38;
	[tilespmem:$0x19E50] =	vst v63  }
0x3cd: {  	s16 =	sadd.s32 $0x50, s7;
	s19 =	simm.s32 $0x19438  }
0x3ce: {  	[hbm4b:s16+s3] =	stream.linear.scatter [tilespmem:s19], [sflag:$0x8], $0x80, $0x38;
	[tilespmem:$0x19E50] =	vst v63  }
0x3cf: {  	s22 =	sadd.s32 $0x60, s7;
	s24 =	simm.s32 $0x194C0  }
0x3d0: {  	[hbm4b:s22+s3] =	stream.linear.scatter [tilespmem:s24], [sflag:$0x8], $0x80, $0x38;
	[tilespmem:$0x19E50] =	vst v63  }
0x3d1: {  	s7 =	sadd.s32 $0x70, s7;
	s16 =	simm.s32 $0x19548  }
0x3d2: {  	[hbm4b:s7+s3] =	stream.linear.scatter [tilespmem:s16], [sflag:$0x8], $0x80, $0x38;
	[tilespmem:$0x19E50] =	vst v63  }
0x3d3: {  	s19 =	simm.s32 $0x195D0;
	s7 =	sadd.s32 s6, s14  }
0x3d4: {  	[hbm4b:s7+s3] =	stream.linear.scatter [tilespmem:s19], [sflag:$0x8], $0x80, $0x38;
	[tilespmem:$0x19E50] =	vst v63  }
0x3d5: {  	s24 =	simm.s32 $0x19658;
	s22 =	sadd.s32 $0x10, s7  }
0x3d6: {  	[hbm4b:s22+s3] =	stream.linear.scatter [tilespmem:s24], [sflag:$0x8], $0x80, $0x38;
	[tilespmem:$0x19E50] =	vst v63  }
0x3d7: {  	s16 =	sadd.s32 $0x20, s7;
	s19 =	simm.s32 $0x196E0  }
0x3d8: {  	[hbm4b:s16+s3] =	stream.linear.scatter [tilespmem:s19], [sflag:$0x8], $0x80, $0x38;
	[tilespmem:$0x19E50] =	vst v63  }
0x3d9: {  	s22 =	sadd.s32 $0x30, s7;
	s24 =	simm.s32 $0x19768  }
0x3da: {  	[hbm4b:s22+s3] =	stream.linear.scatter [tilespmem:s24], [sflag:$0x8], $0x80, $0x38;
	[tilespmem:$0x19E50] =	vst v63  }
0x3db: {  	s16 =	sadd.s32 $0x40, s7;
	s19 =	simm.s32 $0x197F0  }
0x3dc: {  	[hbm4b:s16+s3] =	stream.linear.scatter [tilespmem:s19], [sflag:$0x8], $0x80, $0x38;
	[tilespmem:$0x19E50] =	vst v63  }
0x3dd: {  	s22 =	sadd.s32 $0x50, s7;
	s24 =	simm.s32 $0x19878  }
0x3de: {  	[hbm4b:s22+s3] =	stream.linear.scatter [tilespmem:s24], [sflag:$0x8], $0x80, $0x38;
	[tilespmem:$0x19E50] =	vst v63  }
0x3df: {  	s19 =	sadd.s32 $0x60, s7;
	s22 =	simm.s32 $0x19900  }
0x3e0: {  	[hbm4b:s19+s3] =	stream.linear.scatter [tilespmem:s22], [sflag:$0x8], $0x80, $0x38;
	[tilespmem:$0x19E50] =	vst v63  }
0x3e1: {  	s7 =	sadd.s32 $0x70, s7;
	s24 =	simm.s32 $0x19988  }
0x3e2: {  	[hbm4b:s7+s3] =	stream.linear.scatter [tilespmem:s24], [sflag:$0x8], $0x80, $0x38;
	[tilespmem:$0x19E50] =	vst v63  }
0x3e3: {  	s8 =	simm.s32 $0x19A10;
	s6 =	sadd.s32 s6, s15  }
0x3e4: {  	[hbm4b:s6+s3] =	stream.linear.scatter [tilespmem:s8], [sflag:$0x8], $0x80, $0x38;
	[tilespmem:$0x19E50] =	vst v63  }
0x3e5: {  	s16 =	sadd.s32 $0x10, s6;
	s19 =	simm.s32 $0x19A98  }
0x3e6: {  	[hbm4b:s16+s3] =	stream.linear.scatter [tilespmem:s19], [sflag:$0x8], $0x80, $0x38;
	[tilespmem:$0x19E50] =	vst v63  }
0x3e7: {  	s22 =	sadd.s32 $0x20, s6;
	s24 =	simm.s32 $0x19B20  }
0x3e8: {  	[hbm4b:s22+s3] =	stream.linear.scatter [tilespmem:s24], [sflag:$0x8], $0x80, $0x38;
	[tilespmem:$0x19E50] =	vst v63  }
0x3e9: {  	s8 =	sadd.s32 $0x30, s6;
	s16 =	simm.s32 $0x19BA8  }
0x3ea: {  	[hbm4b:s8+s3] =	stream.linear.scatter [tilespmem:s16], [sflag:$0x8], $0x80, $0x38;
	[tilespmem:$0x19E50] =	vst v63  }
0x3eb: {  	s23 =	sadd.s32 $0x1, s23;
	s19 =	sadd.s32 $0x40, s6  }
0x3ec: {  	[hbm4b:s19+s3] =	stream.linear.scatter [tilespmem:s0], [sflag:$0x8], $0x80, $0x38;
	[tilespmem:$0x19E50] =	vst v63  }
0x3ed: {  	p0 =	sne.s32 s23, $0x32;
	s22 =	sadd.s32 $0x50, s6  }
0x3ee: {  	[hbm4b:s22+s3] =	stream.linear.scatter [tilespmem:s18], [sflag:$0x8], $0x80, $0x38;
	[tilespmem:$0x19E50] =	vst v63  }
.Ltmp4:
0x3ef: {  	_ = 	snop;
	(pc) =	sbr.rel @p0 .LBB2_2-.Ltmp4, $4  }
0x3f0: {  	s24 =	sadd.s32 $0x60, s6  }
0x3f1: {  	[hbm4b:s24+s3] =	stream.linear.scatter [tilespmem:s20], [sflag:$0x8], $0x80, $0x38;
	[tilespmem:$0x19E50] =	vst v63  }
0x3f2: {  	s6 =	sadd.s32 $0x70, s6  }
0x3f3: {  	[hbm4b:s6+s3] =	stream.linear.scatter [tilespmem:s21], [sflag:$0x8], $0x80, $0x38;
	[tilespmem:$0x19E50] =	vst v63  }
0x3f4: {  	s6 =	simm.s32 $0x5  }
0x3f5: {  	_ =	swait.ge [sflag:s6], $0x400  }
0x3f6: {  	[sflag:s6] =	ssyncset.done $0x0  }
0x3f7: {  	[sflag:s6] =	ssyncadd.s32 $0xFFFFFC00  }
0x3f8: {  	_ =	swait.ge [sflag:s6], $0x400  }
0x3f9: {  	[sflag:s6] =	ssyncset.done $0x0  }
0x3fa: {  	[sflag:s6] =	ssyncadd.s32 $0xFFFFFC00  }
0x3fb: {  	_ =	swait.ge [sflag:s6], $0x400  }
0x3fc: {  	[sflag:s6] =	ssyncset.done $0x0  }
0x3fd: {  	[sflag:s6] =	ssyncadd.s32 $0xFFFFFC00  }
0x3fe: {  	_ =	swait.ge [sflag:s6], $0x400  }
0x3ff: {  	[sflag:s6] =	ssyncset.done $0x0  }
0x400: {  	[sflag:s6] =	ssyncadd.s32 $0xFFFFFC00  }
0x401: {  	_ =	swait.ge [sflag:s6], $0x400  }
0x402: {  	[sflag:s6] =	ssyncset.done $0x0  }
0x403: {  	[sflag:s6] =	ssyncadd.s32 $0xFFFFFC00  }
0x404: {  	_ =	swait.ge [sflag:s6], $0x400  }
0x405: {  	[sflag:s6] =	ssyncset.done $0x0  }
0x406: {  	[sflag:s6] =	ssyncadd.s32 $0xFFFFFC00  }
0x407: {  	_ =	swait.ge [sflag:s6], $0x400  }
0x408: {  	[sflag:s6] =	ssyncset.done $0x0  }
0x409: {  	[sflag:s6] =	ssyncadd.s32 $0xFFFFFC00  }
0x40a: {  	_ =	swait.ge [sflag:s6], $0x400  }
0x40b: {  	[sflag:s6] =	ssyncset.done $0x0  }
0x40c: {  	s22 =	simm.s32 $0x6;
	[sflag:s6] =	ssyncadd.s32 $0xFFFFFC00  }
0x40d: {  	_ =	swait.ge [sflag:s22], $0x400  }
0x40e: {  	[sflag:s22] =	ssyncset.done $0x0  }
0x40f: {  	[sflag:s22] =	ssyncadd.s32 $0xFFFFFC00  }
0x410: {  	_ =	swait.ge [sflag:s22], $0x400  }
0x411: {  	[sflag:s22] =	ssyncset.done $0x0  }
0x412: {  	[sflag:s22] =	ssyncadd.s32 $0xFFFFFC00  }
0x413: {  	_ =	swait.ge [sflag:s22], $0x400  }
0x414: {  	[sflag:s22] =	ssyncset.done $0x0  }
0x415: {  	[sflag:s22] =	ssyncadd.s32 $0xFFFFFC00  }
0x416: {  	_ =	swait.ge [sflag:s22], $0x400  }
0x417: {  	[sflag:s22] =	ssyncset.done $0x0  }
0x418: {  	[sflag:s22] =	ssyncadd.s32 $0xFFFFFC00  }
0x419: {  	_ =	swait.ge [sflag:s22], $0x400  }
0x41a: {  	[sflag:s22] =	ssyncset.done $0x0  }
0x41b: {  	[sflag:s22] =	ssyncadd.s32 $0xFFFFFC00  }
0x41c: {  	_ =	swait.ge [sflag:s22], $0x400  }
0x41d: {  	[sflag:s22] =	ssyncset.done $0x0  }
0x41e: {  	[sflag:s22] =	ssyncadd.s32 $0xFFFFFC00  }
0x41f: {  	_ =	swait.ge [sflag:s22], $0x400  }
0x420: {  	[sflag:s22] =	ssyncset.done $0x0  }
0x421: {  	[sflag:s22] =	ssyncadd.s32 $0xFFFFFC00  }
0x422: {  	_ =	swait.ge [sflag:s22], $0x400  }
0x423: {  	[sflag:s22] =	ssyncset.done $0x0  }
0x424: {  	s23 =	simm.s32 $0x7;
	[sflag:s22] =	ssyncadd.s32 $0xFFFFFC00  }
0x425: {  	_ =	swait.ge [sflag:s23], $0x400  }
0x426: {  	[sflag:s23] =	ssyncset.done $0x0  }
0x427: {  	[sflag:s23] =	ssyncadd.s32 $0xFFFFFC00  }
0x428: {  	_ =	swait.ge [sflag:s23], $0x400  }
0x429: {  	[sflag:s23] =	ssyncset.done $0x0  }
0x42a: {  	[sflag:s23] =	ssyncadd.s32 $0xFFFFFC00  }
0x42b: {  	_ =	swait.ge [sflag:s23], $0x400  }
0x42c: {  	[sflag:s23] =	ssyncset.done $0x0  }
0x42d: {  	[sflag:s23] =	ssyncadd.s32 $0xFFFFFC00  }
0x42e: {  	_ =	swait.ge [sflag:s23], $0x400  }
0x42f: {  	[sflag:s23] =	ssyncset.done $0x0  }
0x430: {  	[sflag:s23] =	ssyncadd.s32 $0xFFFFFC00  }
0x431: {  	_ =	swait.ge [sflag:s23], $0x400  }
0x432: {  	[sflag:s23] =	ssyncset.done $0x0  }
0x433: {  	[sflag:s23] =	ssyncadd.s32 $0xFFFFFC00  }
0x434: {  	_ =	swait.ge [sflag:s23], $0x400  }
0x435: {  	[sflag:s23] =	ssyncset.done $0x0  }
0x436: {  	[sflag:s23] =	ssyncadd.s32 $0xFFFFFC00  }
0x437: {  	_ =	swait.ge [sflag:s23], $0x400  }
0x438: {  	[sflag:s23] =	ssyncset.done $0x0  }
0x439: {  	[sflag:s23] =	ssyncadd.s32 $0xFFFFFC00  }
0x43a: {  	_ =	swait.ge [sflag:s23], $0x400  }
0x43b: {  	[sflag:s23] =	ssyncset.done $0x0  }
0x43c: {  	s7 =	simm.s32 $0x8;
	[sflag:s23] =	ssyncadd.s32 $0xFFFFFC00  }
0x43d: {  	_ =	swait.ge [sflag:s7], $0x400  }
0x43e: {  	[sflag:s7] =	ssyncset.done $0x0  }
0x43f: {  	[sflag:s7] =	ssyncadd.s32 $0xFFFFFC00  }
0x440: {  	_ =	swait.ge [sflag:s7], $0x400  }
0x441: {  	[sflag:s7] =	ssyncset.done $0x0  }
0x442: {  	[sflag:s7] =	ssyncadd.s32 $0xFFFFFC00  }
0x443: {  	_ =	swait.ge [sflag:s7], $0x400  }
0x444: {  	[sflag:s7] =	ssyncset.done $0x0  }
0x445: {  	[sflag:s7] =	ssyncadd.s32 $0xFFFFFC00  }
0x446: {  	_ =	swait.ge [sflag:s7], $0x400  }
0x447: {  	[sflag:s7] =	ssyncset.done $0x0  }
0x448: {  	[sflag:s7] =	ssyncadd.s32 $0xFFFFFC00  }
0x449: {  	_ =	swait.ge [sflag:s7], $0x400  }
0x44a: {  	[sflag:s7] =	ssyncset.done $0x0  }
0x44b: {  	[sflag:s7] =	ssyncadd.s32 $0xFFFFFC00  }
0x44c: {  	_ =	swait.ge [sflag:s7], $0x400  }
0x44d: {  	[sflag:s7] =	ssyncset.done $0x0  }
0x44e: {  	[sflag:s7] =	ssyncadd.s32 $0xFFFFFC00  }
0x44f: {  	_ =	swait.ge [sflag:s7], $0x400  }
0x450: {  	[sflag:s7] =	ssyncset.done $0x0  }
0x451: {  	[sflag:s7] =	ssyncadd.s32 $0xFFFFFC00  }
0x452: {  	_ =	swait.ge [sflag:s7], $0x400  }
0x453: {  	s8 =	rddreg [dreg:$0x8]  }
0x454: {  	s24 =	rddreg [dreg:$0x7];
	s8 =	sadd.s32 $0x1, s8  }
0x455: {  	p0 =	sne.s32 s8, s24  }
.Ltmp5:
0x456: {  	_ = 	snop;
	(pc) =	sbr.rel @p0 .LBB2_1-.Ltmp5, $3  }
0x457: {  	_ =	sdelay $0x1  }
0x458: {  	[sflag:s7] =	ssyncset.done $0x0  }
0x459: {  	[sflag:s7] =	ssyncadd.s32 $0xFFFFFC00  }
0x45a: {  	_ =	sfence.sel $0x180000  }
0x45b: {  	[bflag:$0x0] =	sbarrier.arrive $0xFFFF  }
0x45c: {  	_ =	strace $0x90000047  }
0x45d: {  	s0 =	stileid.u32;
	[bflag:$0x2] =	sbarrier.arrive $0xFFFF  }
0x45e: {  	p0 =	sne.s32 s0, $0x0;
	s0 =	rddreg [dreg:$0x3]  }
0x45f: {  	s0 =	sadd.s32 @!p0 $0x100000, s0  }
0x460: {  	[sflag:s0] =	ssyncadd.tile.s32 @!p0 $0x1;
	_ =	shalt  }
.Lfunc_end2:
_tile_overlayer_lowered:
.L_overlay_start_2:
0x461: {  	(tag) =	ssettag $0x2  }
0x462: {  	s0 =	rddreg [dreg:$0x0];
	s2 =	stileid.u32  }
0x463: {  	s1 =	rddreg [dreg:$0x1];
	p0 =	sne.s32 s2, $0x0  }
0x464: {  	s3 =	rddreg [dreg:$0x2];
	[bflag:$0x3] =	sbarrier.arrive $0xFFFF;
	s2 =	simm.s32 @!p0 $0x1C09  }
0x465: {  	[timem:s3], [sflag:s2] =	dma.local @!p0 [hbm:s0], s1  }
0x466: {  	s0 =	simm.s32 @!p0 $0x9  }
0x467: {  	_ =	swait.ge @!p0 [sflag:s0], s1  }
0x468: {  	s1 =	ssub.s32 @!p0 $0x0, s1;
	[sflag:s0] =	ssyncset.done @!p0 $0x0  }
0x469: {  	[sflag:s0] =	ssyncadd.s32 @!p0 s1  }
0x46a: {  	[bflag:$0x3] =	sbarrier.arrive $0xFFFF  }
0x46b: {  	_ =	shalt  }

</sc_bundles>
